<compile_context>
chip_gen: v7x
topology: tpu7x:2x2x1
jax: 0.10.2.dev20260603
libtpu: 0.0.44.dev20260713+nightly
codegen_flags: <defaults>
</compile_context>

<pallas_src>
import functools

import jax
import jax.numpy as jnp
from jax import lax
from jax.experimental import pallas as pl
from jax.experimental.pallas import tpu as pltpu
from jax.experimental.pallas import tpu_sc as plsc

NI, NJ = 16384, 50
EMB = 32
NC, NS, L = 2, 16, 16
NW = NC * NS
ROWS_W = NI // NW
G = 32
NCHUNK = ROWS_W // G
GROUPS = G * NJ // L

_mesh = plsc.VectorSubcoreMesh(core_axis_name="c", subcore_axis_name="s")


@functools.partial(
    pl.kernel,
    out_type=jax.ShapeDtypeStruct((NI, NJ, EMB), jnp.float32),
    mesh=_mesh,
    scratch_types=[
        pltpu.VMEM((G, NJ), jnp.int32),
        pltpu.VMEM((G, NJ), jnp.int32),
        pltpu.VMEM((G, NJ, EMB), jnp.float32),
        pltpu.VMEM((G, NJ, EMB), jnp.float32),
        pltpu.SemaphoreType.DMA,
        pltpu.SemaphoreType.DMA,
        pltpu.SemaphoreType.DMA,
        pltpu.SemaphoreType.DMA,
    ],
    compiler_params=pltpu.CompilerParams(
        needs_layout_passes=False, use_tc_tiling_on_sc=False),
)
def _gather_maxnorm(idx_hbm, table_hbm, out_hbm,
                    idx_a, idx_b, rows_a, rows_b,
                    sem_a, sem_b, sem_wa, sem_wb):
    wid = lax.axis_index("s") * NC + lax.axis_index("c")
    row0 = wid * ROWS_W
    iota16 = lax.broadcasted_iota(jnp.int32, (L,), 0)

    def issue(t, idx_v, rows_v, sem):
        pltpu.sync_copy(idx_hbm.at[pl.ds(row0 + t * G, G)], idx_v)
        for g in range(G):
            pltpu.async_copy(table_hbm.at[idx_v.at[g]], rows_v.at[g], sem)

    def drain(idx_v, rows_v, sem):
        for g in range(G):
            pltpu.make_async_copy(
                table_hbm.at[idx_v.at[g]], rows_v.at[g], sem).wait()

    def compute_and_store(t, rows_v):
        def group_body(g, carry):
            rid = iota16 + g * L
            rdiv = rid // NJ
            rmod = rid - rdiv * NJ
            acc = jnp.zeros((L,), jnp.float32)
            cols = []
            for d in range(EMB):
                sd = (iota16 + d) & (EMB - 1)
                c = plsc.load_gather(rows_v, [rdiv, rmod, sd])
                cols.append(c)
                acc = acc + c * c
            ibits = plsc.bitcast(acc, jnp.int32)
            ibits = jnp.int32(0x5F3759DF) - lax.shift_right_logical(ibits, 1)
            y = plsc.bitcast(ibits, jnp.float32)
            for _ in range(3):
                y = y * (jnp.float32(1.5) - jnp.float32(0.5) * acc * y * y)
            norm = acc * y
            scale = jnp.where(
                acc > 1.0, jnp.float32(1.0) / (norm + jnp.float32(1e-7)),
                jnp.float32(1.0))
            for d in range(EMB):
                sd = (iota16 + d) & (EMB - 1)
                plsc.store_scatter(rows_v, [rdiv, rmod, sd], cols[d] * scale)
            return carry

        lax.fori_loop(0, GROUPS, group_body, 0)

    def wb_start(t, rows_v, sem_w):
        pltpu.async_copy(rows_v, out_hbm.at[pl.ds(row0 + t * G, G)], sem_w)

    def wb_wait(t, rows_v, sem_w):
        pltpu.make_async_copy(
            rows_v, out_hbm.at[pl.ds(row0 + t * G, G)], sem_w).wait()

    issue(0, idx_a, rows_a, sem_a)

    def pair_body(p, carry):
        t0 = 2 * p

        @pl.when(p > 0)
        def _():
            wb_wait(t0 - 1, rows_b, sem_wb)

        issue(t0 + 1, idx_b, rows_b, sem_b)
        drain(idx_a, rows_a, sem_a)
        compute_and_store(t0, rows_a)
        wb_start(t0, rows_a, sem_wa)
        drain(idx_b, rows_b, sem_b)
        compute_and_store(t0 + 1, rows_b)
        wb_start(t0 + 1, rows_b, sem_wb)
        wb_wait(t0, rows_a, sem_wa)

        @pl.when(p < NCHUNK // 2 - 1)
        def _():
            issue(t0 + 2, idx_a, rows_a, sem_a)

        return carry

    lax.fori_loop(0, NCHUNK // 2, pair_body, 0)
    wb_wait(NCHUNK - 1, rows_b, sem_wb)


def kernel(indices, emb_table):
    return _gather_maxnorm(indices.astype(jnp.int32), emb_table)

# --- scband reference (transcript-rebuilt; emitter-appended) ---
"""Pipeline reference for scband-net-1262720385075 (READ-ONLY COPY).

The authoritative reference and input builder live on the scoring server;
editing this copy changes nothing except your own understanding.
"""

import jax, jax.numpy as jnp
import numpy as np

NUM_NODES = 1000000
EMB_DIM = 32

def setup_inputs(seed: int = 0) -> dict:
    key = jax.random.key(seed)
    k_idx, k_tbl = jax.random.split(key)
    indices = jax.random.randint(k_idx, (16384, 50), 0, NUM_NODES, dtype=jnp.int64)
    emb_table = jax.random.normal(k_tbl, (NUM_NODES, EMB_DIM), dtype=jnp.float32)
    return {"indices": indices, "emb_table": emb_table}

def reference(indices, emb_table):
    # torch.nn.Embedding with max_norm=1, norm_type=2.0: rows that are looked up
    # are renormalized so their L2 norm is at most max_norm.
    out = jnp.take(emb_table, indices, axis=0)
    norms = jnp.linalg.norm(out, ord=2, axis=-1, keepdims=True)
    scale = jnp.where(norms > 1.0, 1.0 / (norms + 1e-7), 1.0)
    return out * scale

if __name__ == "__main__":
    import jax
    _d = setup_inputs()
    print(jax.jit(kernel)(*tuple(_d.values())))

</pallas_src>

<mosaic_0001>
#map = affine_map<(d0, d1) -> (0, 0)>
#map1 = affine_map<(d0, d1) -> (0, 0, 0)>
module attributes {stable_mosaic.version = 14 : i64} {
  func.func @_gather_maxnorm(%arg0: i32, %arg1: i32, %arg2: memref<16384x50xi32, #tpu.memory_space<hbm>>, %arg3: memref<1000000x32xf32, #tpu.memory_space<hbm>>, %arg4: memref<16384x50x32xf32, #tpu.memory_space<hbm>>, %arg5: memref<32x50xi32, #tpu.memory_space<vmem>>, %arg6: memref<32x50xi32, #tpu.memory_space<vmem>>, %arg7: memref<32x50x32xf32, #tpu.memory_space<vmem>>, %arg8: memref<32x50x32xf32, #tpu.memory_space<vmem>>, %arg9: memref<!tpu.dma_semaphore, #tpu.memory_space<semaphore_mem>>, %arg10: memref<!tpu.dma_semaphore, #tpu.memory_space<semaphore_mem>>, %arg11: memref<!tpu.dma_semaphore, #tpu.memory_space<semaphore_mem>>, %arg12: memref<!tpu.dma_semaphore, #tpu.memory_space<semaphore_mem>>) attributes {dimension_semantics = [#tpu.dimension_semantics<core_parallel>, #tpu.dimension_semantics<subcore_parallel>], iteration_bounds = array<i64: 2, 16>, scalar_prefetch = 0 : i64, scratch_operands = 8 : i64, tpu.core_type = #tpu.core_type<sc_vector_subcore>, window_params = [{transform_indices = #map}, {transform_indices = #map}, {transform_indices = #map1}]} {
    %mul3A = arith.constant 2 : i32
    %mul3A_0 = arith.muli %arg1, %mul3A : i32
    %add3A = arith.addi %mul3A_0, %arg0 : i32
    %mul3A_1 = arith.constant 512 : i32
    %mul3A_2 = arith.muli %add3A, %mul3A_1 : i32
    %iota3A = tpu.iota {dimensions = array<i32: 0>} : vector<16xi32>
    %add3A_3 = arith.constant 0 : i32
    %add3A_4 = arith.addi %mul3A_2, %add3A_3 : i32
    "tpu.region"() ({
      %run_scoped3A = tpu.sem_alloc : memref<!tpu.dma_semaphore, #tpu.memory_space<semaphore_mem>>
      %dma_start3A_400 = arith.constant 0 : i32
      %dma_start3A_401 = tpu.memref_slice %arg2[%add3A_4, %dma_start3A_400] : memref<16384x50xi32, #tpu.memory_space<hbm>> -> memref<32x50xi32, #tpu.memory_space<hbm>>
      %dma_start3A_402 = arith.constant 0 : i32
      %dma_start3A_403 = tpu.memref_slice %arg2[%add3A_4, %dma_start3A_402] : memref<16384x50xi32, #tpu.memory_space<hbm>> -> memref<32x50xi32, #tpu.memory_space<hbm>>
      tpu.enqueue_dma source(%dma_start3A_403 : memref<32x50xi32, #tpu.memory_space<hbm>>) target(%arg5 : memref<32x50xi32, #tpu.memory_space<vmem>>) target_semaphore(%run_scoped3A : memref<!tpu.dma_semaphore, #tpu.memory_space<semaphore_mem>>)
      %dma_wait3A_404 = arith.constant 0 : i32
      %dma_wait3A_405 = tpu.memref_slice %arg2[%add3A_4, %dma_wait3A_404] : memref<16384x50xi32, #tpu.memory_space<hbm>> -> memref<32x50xi32, #tpu.memory_space<hbm>>
      %dma_wait3A_406 = arith.constant 0 : i32
      %dma_wait3A_407 = tpu.memref_slice %arg2[%add3A_4, %dma_wait3A_406] : memref<16384x50xi32, #tpu.memory_space<hbm>> -> memref<32x50xi32, #tpu.memory_space<hbm>>
      tpu.wait_dma2 semaphore(%run_scoped3A : memref<!tpu.dma_semaphore, #tpu.memory_space<semaphore_mem>>) src(%dma_wait3A_407 : memref<32x50xi32, #tpu.memory_space<hbm>>) dst(%arg5 : memref<32x50xi32, #tpu.memory_space<vmem>>)
      tpu.yield
    }) : () -> ()
    %dma_start3A = arith.constant 0 : i32
    %dma_start3A_5 = arith.constant 0 : i32
    %dma_start3A_6 = arith.constant 0 : i32
    %dma_start3A_7 = arith.constant 0 : i32
    %dma_start3A_8 = tpu.memref_slice %arg7[%dma_start3A_5, %dma_start3A_6, %dma_start3A_7] : memref<32x50x32xf32, #tpu.memory_space<vmem>> -> memref<1x50x32xf32, #tpu.memory_space<vmem>>
    %dma_start3A_9 = tpu.memref_squeeze %dma_start3A_8 : memref<1x50x32xf32, #tpu.memory_space<vmem>> -> memref<50x32xf32, #tpu.memory_space<vmem>>
    %dma_start3A_10 = arith.constant 0 : i32
    %dma_start3A_11 = tpu.memref_slice %arg5[%dma_start3A, %dma_start3A_10] : memref<32x50xi32, #tpu.memory_space<vmem>> -> memref<1x50xi32, #tpu.memory_space<vmem>>
    %dma_start3A_12 = tpu.memref_squeeze %dma_start3A_11 : memref<1x50xi32, #tpu.memory_space<vmem>> -> memref<50xi32, #tpu.memory_space<vmem>>
    %dma_start3A_13 = arith.constant 0 : i32
    %dma_start3A_14 = arith.constant 0 : i32
    %dma_start3A_15 = tpu.memref_slice %arg3[%dma_start3A_13, %dma_start3A_14] : memref<1000000x32xf32, #tpu.memory_space<hbm>> -> memref<1000000x32xf32, #tpu.memory_space<hbm>>
    tpu.enqueue_indirect_dma source(%dma_start3A_15 : memref<1000000x32xf32, #tpu.memory_space<hbm>>) target(%dma_start3A_9 : memref<50x32xf32, #tpu.memory_space<vmem>>) offsets(%dma_start3A_12 : memref<50xi32, #tpu.memory_space<vmem>>) semaphore(%arg9 : memref<!tpu.dma_semaphore, #tpu.memory_space<semaphore_mem>>)
    %dma_start3A_16 = arith.constant 1 : i32
    %dma_start3A_17 = arith.constant 1 : i32
    %dma_start3A_18 = arith.constant 0 : i32
    %dma_start3A_19 = arith.constant 0 : i32
    %dma_start3A_20 = tpu.memref_slice %arg7[%dma_start3A_17, %dma_start3A_18, %dma_start3A_19] : memref<32x50x32xf32, #tpu.memory_space<vmem>> -> memref<1x50x32xf32, #tpu.memory_space<vmem>>
    %dma_start3A_21 = tpu.memref_squeeze %dma_start3A_20 : memref<1x50x32xf32, #tpu.memory_space<vmem>> -> memref<50x32xf32, #tpu.memory_space<vmem>>
    %dma_start3A_22 = arith.constant 0 : i32
    %dma_start3A_23 = tpu.memref_slice %arg5[%dma_start3A_16, %dma_start3A_22] : memref<32x50xi32, #tpu.memory_space<vmem>> -> memref<1x50xi32, #tpu.memory_space<vmem>>
    %dma_start3A_24 = tpu.memref_squeeze %dma_start3A_23 : memref<1x50xi32, #tpu.memory_space<vmem>> -> memref<50xi32, #tpu.memory_space<vmem>>
    %dma_start3A_25 = arith.constant 0 : i32
    %dma_start3A_26 = arith.constant 0 : i32
    %dma_start3A_27 = tpu.memref_slice %arg3[%dma_start3A_25, %dma_start3A_26] : memref<1000000x32xf32, #tpu.memory_space<hbm>> -> memref<1000000x32xf32, #tpu.memory_space<hbm>>
    tpu.enqueue_indirect_dma source(%dma_start3A_27 : memref<1000000x32xf32, #tpu.memory_space<hbm>>) target(%dma_start3A_21 : memref<50x32xf32, #tpu.memory_space<vmem>>) offsets(%dma_start3A_24 : memref<50xi32, #tpu.memory_space<vmem>>) semaphore(%arg9 : memref<!tpu.dma_semaphore, #tpu.memory_space<semaphore_mem>>)
    %dma_start3A_28 = arith.constant 2 : i32
    %dma_start3A_29 = arith.constant 2 : i32
    %dma_start3A_30 = arith.constant 0 : i32
    %dma_start3A_31 = arith.constant 0 : i32
    %dma_start3A_32 = tpu.memref_slice %arg7[%dma_start3A_29, %dma_start3A_30, %dma_start3A_31] : memref<32x50x32xf32, #tpu.memory_space<vmem>> -> memref<1x50x32xf32, #tpu.memory_space<vmem>>
    %dma_start3A_33 = tpu.memref_squeeze %dma_start3A_32 : memref<1x50x32xf32, #tpu.memory_space<vmem>> -> memref<50x32xf32, #tpu.memory_space<vmem>>
    %dma_start3A_34 = arith.constant 0 : i32
    %dma_start3A_35 = tpu.memref_slice %arg5[%dma_start3A_28, %dma_start3A_34] : memref<32x50xi32, #tpu.memory_space<vmem>> -> memref<1x50xi32, #tpu.memory_space<vmem>>
    %dma_start3A_36 = tpu.memref_squeeze %dma_start3A_35 : memref<1x50xi32, #tpu.memory_space<vmem>> -> memref<50xi32, #tpu.memory_space<vmem>>
    %dma_start3A_37 = arith.constant 0 : i32
    %dma_start3A_38 = arith.constant 0 : i32
    %dma_start3A_39 = tpu.memref_slice %arg3[%dma_start3A_37, %dma_start3A_38] : memref<1000000x32xf32, #tpu.memory_space<hbm>> -> memref<1000000x32xf32, #tpu.memory_space<hbm>>
    tpu.enqueue_indirect_dma source(%dma_start3A_39 : memref<1000000x32xf32, #tpu.memory_space<hbm>>) target(%dma_start3A_33 : memref<50x32xf32, #tpu.memory_space<vmem>>) offsets(%dma_start3A_36 : memref<50xi32, #tpu.memory_space<vmem>>) semaphore(%arg9 : memref<!tpu.dma_semaphore, #tpu.memory_space<semaphore_mem>>)
    %dma_start3A_40 = arith.constant 3 : i32
    %dma_start3A_41 = arith.constant 3 : i32
    %dma_start3A_42 = arith.constant 0 : i32
    %dma_start3A_43 = arith.constant 0 : i32
    %dma_start3A_44 = tpu.memref_slice %arg7[%dma_start3A_41, %dma_start3A_42, %dma_start3A_43] : memref<32x50x32xf32, #tpu.memory_space<vmem>> -> memref<1x50x32xf32, #tpu.memory_space<vmem>>
    %dma_start3A_45 = tpu.memref_squeeze %dma_start3A_44 : memref<1x50x32xf32, #tpu.memory_space<vmem>> -> memref<50x32xf32, #tpu.memory_space<vmem>>
    %dma_start3A_46 = arith.constant 0 : i32
    %dma_start3A_47 = tpu.memref_slice %arg5[%dma_start3A_40, %dma_start3A_46] : memref<32x50xi32, #tpu.memory_space<vmem>> -> memref<1x50xi32, #tpu.memory_space<vmem>>
    %dma_start3A_48 = tpu.memref_squeeze %dma_start3A_47 : memref<1x50xi32, #tpu.memory_space<vmem>> -> memref<50xi32, #tpu.memory_space<vmem>>
    %dma_start3A_49 = arith.constant 0 : i32
    %dma_start3A_50 = arith.constant 0 : i32
    %dma_start3A_51 = tpu.memref_slice %arg3[%dma_start3A_49, %dma_start3A_50] : memref<1000000x32xf32, #tpu.memory_space<hbm>> -> memref<1000000x32xf32, #tpu.memory_space<hbm>>
    tpu.enqueue_indirect_dma source(%dma_start3A_51 : memref<1000000x32xf32, #tpu.memory_space<hbm>>) target(%dma_start3A_45 : memref<50x32xf32, #tpu.memory_space<vmem>>) offsets(%dma_start3A_48 : memref<50xi32, #tpu.memory_space<vmem>>) semaphore(%arg9 : memref<!tpu.dma_semaphore, #tpu.memory_space<semaphore_mem>>)
    %dma_start3A_52 = arith.constant 4 : i32
    %dma_start3A_53 = arith.constant 4 : i32
    %dma_start3A_54 = arith.constant 0 : i32
    %dma_start3A_55 = arith.constant 0 : i32
    %dma_start3A_56 = tpu.memref_slice %arg7[%dma_start3A_53, %dma_start3A_54, %dma_start3A_55] : memref<32x50x32xf32, #tpu.memory_space<vmem>> -> memref<1x50x32xf32, #tpu.memory_space<vmem>>
    %dma_start3A_57 = tpu.memref_squeeze %dma_start3A_56 : memref<1x50x32xf32, #tpu.memory_space<vmem>> -> memref<50x32xf32, #tpu.memory_space<vmem>>
    %dma_start3A_58 = arith.constant 0 : i32
    %dma_start3A_59 = tpu.memref_slice %arg5[%dma_start3A_52, %dma_start3A_58] : memref<32x50xi32, #tpu.memory_space<vmem>> -> memref<1x50xi32, #tpu.memory_space<vmem>>
    %dma_start3A_60 = tpu.memref_squeeze %dma_start3A_59 : memref<1x50xi32, #tpu.memory_space<vmem>> -> memref<50xi32, #tpu.memory_space<vmem>>
    %dma_start3A_61 = arith.constant 0 : i32
    %dma_start3A_62 = arith.constant 0 : i32
    %dma_start3A_63 = tpu.memref_slice %arg3[%dma_start3A_61, %dma_start3A_62] : memref<1000000x32xf32, #tpu.memory_space<hbm>> -> memref<1000000x32xf32, #tpu.memory_space<hbm>>
    tpu.enqueue_indirect_dma source(%dma_start3A_63 : memref<1000000x32xf32, #tpu.memory_space<hbm>>) target(%dma_start3A_57 : memref<50x32xf32, #tpu.memory_space<vmem>>) offsets(%dma_start3A_60 : memref<50xi32, #tpu.memory_space<vmem>>) semaphore(%arg9 : memref<!tpu.dma_semaphore, #tpu.memory_space<semaphore_mem>>)
    %dma_start3A_64 = arith.constant 5 : i32
    %dma_start3A_65 = arith.constant 5 : i32
    %dma_start3A_66 = arith.constant 0 : i32
    %dma_start3A_67 = arith.constant 0 : i32
    %dma_start3A_68 = tpu.memref_slice %arg7[%dma_start3A_65, %dma_start3A_66, %dma_start3A_67] : memref<32x50x32xf32, #tpu.memory_space<vmem>> -> memref<1x50x32xf32, #tpu.memory_space<vmem>>
    %dma_start3A_69 = tpu.memref_squeeze %dma_start3A_68 : memref<1x50x32xf32, #tpu.memory_space<vmem>> -> memref<50x32xf32, #tpu.memory_space<vmem>>
    %dma_start3A_70 = arith.constant 0 : i32
    %dma_start3A_71 = tpu.memref_slice %arg5[%dma_start3A_64, %dma_start3A_70] : memref<32x50xi32, #tpu.memory_space<vmem>> -> memref<1x50xi32, #tpu.memory_space<vmem>>
    %dma_start3A_72 = tpu.memref_squeeze %dma_start3A_71 : memref<1x50xi32, #tpu.memory_space<vmem>> -> memref<50xi32, #tpu.memory_space<vmem>>
    %dma_start3A_73 = arith.constant 0 : i32
    %dma_start3A_74 = arith.constant 0 : i32
    %dma_start3A_75 = tpu.memref_slice %arg3[%dma_start3A_73, %dma_start3A_74] : memref<1000000x32xf32, #tpu.memory_space<hbm>> -> memref<1000000x32xf32, #tpu.memory_space<hbm>>
    tpu.enqueue_indirect_dma source(%dma_start3A_75 : memref<1000000x32xf32, #tpu.memory_space<hbm>>) target(%dma_start3A_69 : memref<50x32xf32, #tpu.memory_space<vmem>>) offsets(%dma_start3A_72 : memref<50xi32, #tpu.memory_space<vmem>>) semaphore(%arg9 : memref<!tpu.dma_semaphore, #tpu.memory_space<semaphore_mem>>)
    %dma_start3A_76 = arith.constant 6 : i32
    %dma_start3A_77 = arith.constant 6 : i32
    %dma_start3A_78 = arith.constant 0 : i32
    %dma_start3A_79 = arith.constant 0 : i32
    %dma_start3A_80 = tpu.memref_slice %arg7[%dma_start3A_77, %dma_start3A_78, %dma_start3A_79] : memref<32x50x32xf32, #tpu.memory_space<vmem>> -> memref<1x50x32xf32, #tpu.memory_space<vmem>>
    %dma_start3A_81 = tpu.memref_squeeze %dma_start3A_80 : memref<1x50x32xf32, #tpu.memory_space<vmem>> -> memref<50x32xf32, #tpu.memory_space<vmem>>
    %dma_start3A_82 = arith.constant 0 : i32
    %dma_start3A_83 = tpu.memref_slice %arg5[%dma_start3A_76, %dma_start3A_82] : memref<32x50xi32, #tpu.memory_space<vmem>> -> memref<1x50xi32, #tpu.memory_space<vmem>>
    %dma_start3A_84 = tpu.memref_squeeze %dma_start3A_83 : memref<1x50xi32, #tpu.memory_space<vmem>> -> memref<50xi32, #tpu.memory_space<vmem>>
    %dma_start3A_85 = arith.constant 0 : i32
    %dma_start3A_86 = arith.constant 0 : i32
    %dma_start3A_87 = tpu.memref_slice %arg3[%dma_start3A_85, %dma_start3A_86] : memref<1000000x32xf32, #tpu.memory_space<hbm>> -> memref<1000000x32xf32, #tpu.memory_space<hbm>>
    tpu.enqueue_indirect_dma source(%dma_start3A_87 : memref<1000000x32xf32, #tpu.memory_space<hbm>>) target(%dma_start3A_81 : memref<50x32xf32, #tpu.memory_space<vmem>>) offsets(%dma_start3A_84 : memref<50xi32, #tpu.memory_space<vmem>>) semaphore(%arg9 : memref<!tpu.dma_semaphore, #tpu.memory_space<semaphore_mem>>)
    %dma_start3A_88 = arith.constant 7 : i32
    %dma_start3A_89 = arith.constant 7 : i32
    %dma_start3A_90 = arith.constant 0 : i32
    %dma_start3A_91 = arith.constant 0 : i32
    %dma_start3A_92 = tpu.memref_slice %arg7[%dma_start3A_89, %dma_start3A_90, %dma_start3A_91] : memref<32x50x32xf32, #tpu.memory_space<vmem>> -> memref<1x50x32xf32, #tpu.memory_space<vmem>>
    %dma_start3A_93 = tpu.memref_squeeze %dma_start3A_92 : memref<1x50x32xf32, #tpu.memory_space<vmem>> -> memref<50x32xf32, #tpu.memory_space<vmem>>
    %dma_start3A_94 = arith.constant 0 : i32
    %dma_start3A_95 = tpu.memref_slice %arg5[%dma_start3A_88, %dma_start3A_94] : memref<32x50xi32, #tpu.memory_space<vmem>> -> memref<1x50xi32, #tpu.memory_space<vmem>>
    %dma_start3A_96 = tpu.memref_squeeze %dma_start3A_95 : memref<1x50xi32, #tpu.memory_space<vmem>> -> memref<50xi32, #tpu.memory_space<vmem>>
    %dma_start3A_97 = arith.constant 0 : i32
    %dma_start3A_98 = arith.constant 0 : i32
    %dma_start3A_99 = tpu.memref_slice %arg3[%dma_start3A_97, %dma_start3A_98] : memref<1000000x32xf32, #tpu.memory_space<hbm>> -> memref<1000000x32xf32, #tpu.memory_space<hbm>>
    tpu.enqueue_indirect_dma source(%dma_start3A_99 : memref<1000000x32xf32, #tpu.memory_space<hbm>>) target(%dma_start3A_93 : memref<50x32xf32, #tpu.memory_space<vmem>>) offsets(%dma_start3A_96 : memref<50xi32, #tpu.memory_space<vmem>>) semaphore(%arg9 : memref<!tpu.dma_semaphore, #tpu.memory_space<semaphore_mem>>)
    %dma_start3A_100 = arith.constant 8 : i32
    %dma_start3A_101 = arith.constant 8 : i32
    %dma_start3A_102 = arith.constant 0 : i32
    %dma_start3A_103 = arith.constant 0 : i32
    %dma_start3A_104 = tpu.memref_slice %arg7[%dma_start3A_101, %dma_start3A_102, %dma_start3A_103] : memref<32x50x32xf32, #tpu.memory_space<vmem>> -> memref<1x50x32xf32, #tpu.memory_space<vmem>>
    %dma_start3A_105 = tpu.memref_squeeze %dma_start3A_104 : memref<1x50x32xf32, #tpu.memory_space<vmem>> -> memref<50x32xf32, #tpu.memory_space<vmem>>
    %dma_start3A_106 = arith.constant 0 : i32
    %dma_start3A_107 = tpu.memref_slice %arg5[%dma_start3A_100, %dma_start3A_106] : memref<32x50xi32, #tpu.memory_space<vmem>> -> memref<1x50xi32, #tpu.memory_space<vmem>>
    %dma_start3A_108 = tpu.memref_squeeze %dma_start3A_107 : memref<1x50xi32, #tpu.memory_space<vmem>> -> memref<50xi32, #tpu.memory_space<vmem>>
    %dma_start3A_109 = arith.constant 0 : i32
    %dma_start3A_110 = arith.constant 0 : i32
    %dma_start3A_111 = tpu.memref_slice %arg3[%dma_start3A_109, %dma_start3A_110] : memref<1000000x32xf32, #tpu.memory_space<hbm>> -> memref<1000000x32xf32, #tpu.memory_space<hbm>>
    tpu.enqueue_indirect_dma source(%dma_start3A_111 : memref<1000000x32xf32, #tpu.memory_space<hbm>>) target(%dma_start3A_105 : memref<50x32xf32, #tpu.memory_space<vmem>>) offsets(%dma_start3A_108 : memref<50xi32, #tpu.memory_space<vmem>>) semaphore(%arg9 : memref<!tpu.dma_semaphore, #tpu.memory_space<semaphore_mem>>)
    %dma_start3A_112 = arith.constant 9 : i32
    %dma_start3A_113 = arith.constant 9 : i32
    %dma_start3A_114 = arith.constant 0 : i32
    %dma_start3A_115 = arith.constant 0 : i32
    %dma_start3A_116 = tpu.memref_slice %arg7[%dma_start3A_113, %dma_start3A_114, %dma_start3A_115] : memref<32x50x32xf32, #tpu.memory_space<vmem>> -> memref<1x50x32xf32, #tpu.memory_space<vmem>>
    %dma_start3A_117 = tpu.memref_squeeze %dma_start3A_116 : memref<1x50x32xf32, #tpu.memory_space<vmem>> -> memref<50x32xf32, #tpu.memory_space<vmem>>
    %dma_start3A_118 = arith.constant 0 : i32
    %dma_start3A_119 = tpu.memref_slice %arg5[%dma_start3A_112, %dma_start3A_118] : memref<32x50xi32, #tpu.memory_space<vmem>> -> memref<1x50xi32, #tpu.memory_space<vmem>>
    %dma_start3A_120 = tpu.memref_squeeze %dma_start3A_119 : memref<1x50xi32, #tpu.memory_space<vmem>> -> memref<50xi32, #tpu.memory_space<vmem>>
    %dma_start3A_121 = arith.constant 0 : i32
    %dma_start3A_122 = arith.constant 0 : i32
    %dma_start3A_123 = tpu.memref_slice %arg3[%dma_start3A_121, %dma_start3A_122] : memref<1000000x32xf32, #tpu.memory_space<hbm>> -> memref<1000000x32xf32, #tpu.memory_space<hbm>>
    tpu.enqueue_indirect_dma source(%dma_start3A_123 : memref<1000000x32xf32, #tpu.memory_space<hbm>>) target(%dma_start3A_117 : memref<50x32xf32, #tpu.memory_space<vmem>>) offsets(%dma_start3A_120 : memref<50xi32, #tpu.memory_space<vmem>>) semaphore(%arg9 : memref<!tpu.dma_semaphore, #tpu.memory_space<semaphore_mem>>)
    %dma_start3A_124 = arith.constant 10 : i32
    %dma_start3A_125 = arith.constant 10 : i32
    %dma_start3A_126 = arith.constant 0 : i32
    %dma_start3A_127 = arith.constant 0 : i32
    %dma_start3A_128 = tpu.memref_slice %arg7[%dma_start3A_125, %dma_start3A_126, %dma_start3A_127] : memref<32x50x32xf32, #tpu.memory_space<vmem>> -> memref<1x50x32xf32, #tpu.memory_space<vmem>>
    %dma_start3A_129 = tpu.memref_squeeze %dma_start3A_128 : memref<1x50x32xf32, #tpu.memory_space<vmem>> -> memref<50x32xf32, #tpu.memory_space<vmem>>
    %dma_start3A_130 = arith.constant 0 : i32
    %dma_start3A_131 = tpu.memref_slice %arg5[%dma_start3A_124, %dma_start3A_130] : memref<32x50xi32, #tpu.memory_space<vmem>> -> memref<1x50xi32, #tpu.memory_space<vmem>>
    %dma_start3A_132 = tpu.memref_squeeze %dma_start3A_131 : memref<1x50xi32, #tpu.memory_space<vmem>> -> memref<50xi32, #tpu.memory_space<vmem>>
    %dma_start3A_133 = arith.constant 0 : i32
    %dma_start3A_134 = arith.constant 0 : i32
    %dma_start3A_135 = tpu.memref_slice %arg3[%dma_start3A_133, %dma_start3A_134] : memref<1000000x32xf32, #tpu.memory_space<hbm>> -> memref<1000000x32xf32, #tpu.memory_space<hbm>>
    tpu.enqueue_indirect_dma source(%dma_start3A_135 : memref<1000000x32xf32, #tpu.memory_space<hbm>>) target(%dma_start3A_129 : memref<50x32xf32, #tpu.memory_space<vmem>>) offsets(%dma_start3A_132 : memref<50xi32, #tpu.memory_space<vmem>>) semaphore(%arg9 : memref<!tpu.dma_semaphore, #tpu.memory_space<semaphore_mem>>)
    %dma_start3A_136 = arith.constant 11 : i32
    %dma_start3A_137 = arith.constant 11 : i32
    %dma_start3A_138 = arith.constant 0 : i32
    %dma_start3A_139 = arith.constant 0 : i32
    %dma_start3A_140 = tpu.memref_slice %arg7[%dma_start3A_137, %dma_start3A_138, %dma_start3A_139] : memref<32x50x32xf32, #tpu.memory_space<vmem>> -> memref<1x50x32xf32, #tpu.memory_space<vmem>>
    %dma_start3A_141 = tpu.memref_squeeze %dma_start3A_140 : memref<1x50x32xf32, #tpu.memory_space<vmem>> -> memref<50x32xf32, #tpu.memory_space<vmem>>
    %dma_start3A_142 = arith.constant 0 : i32
    %dma_start3A_143 = tpu.memref_slice %arg5[%dma_start3A_136, %dma_start3A_142] : memref<32x50xi32, #tpu.memory_space<vmem>> -> memref<1x50xi32, #tpu.memory_space<vmem>>
    %dma_start3A_144 = tpu.memref_squeeze %dma_start3A_143 : memref<1x50xi32, #tpu.memory_space<vmem>> -> memref<50xi32, #tpu.memory_space<vmem>>
    %dma_start3A_145 = arith.constant 0 : i32
    %dma_start3A_146 = arith.constant 0 : i32
    %dma_start3A_147 = tpu.memref_slice %arg3[%dma_start3A_145, %dma_start3A_146] : memref<1000000x32xf32, #tpu.memory_space<hbm>> -> memref<1000000x32xf32, #tpu.memory_space<hbm>>
    tpu.enqueue_indirect_dma source(%dma_start3A_147 : memref<1000000x32xf32, #tpu.memory_space<hbm>>) target(%dma_start3A_141 : memref<50x32xf32, #tpu.memory_space<vmem>>) offsets(%dma_start3A_144 : memref<50xi32, #tpu.memory_space<vmem>>) semaphore(%arg9 : memref<!tpu.dma_semaphore, #tpu.memory_space<semaphore_mem>>)
    %dma_start3A_148 = arith.constant 12 : i32
    %dma_start3A_149 = arith.constant 12 : i32
    %dma_start3A_150 = arith.constant 0 : i32
    %dma_start3A_151 = arith.constant 0 : i32
    %dma_start3A_152 = tpu.memref_slice %arg7[%dma_start3A_149, %dma_start3A_150, %dma_start3A_151] : memref<32x50x32xf32, #tpu.memory_space<vmem>> -> memref<1x50x32xf32, #tpu.memory_space<vmem>>
    %dma_start3A_153 = tpu.memref_squeeze %dma_start3A_152 : memref<1x50x32xf32, #tpu.memory_space<vmem>> -> memref<50x32xf32, #tpu.memory_space<vmem>>
    %dma_start3A_154 = arith.constant 0 : i32
    %dma_start3A_155 = tpu.memref_slice %arg5[%dma_start3A_148, %dma_start3A_154] : memref<32x50xi32, #tpu.memory_space<vmem>> -> memref<1x50xi32, #tpu.memory_space<vmem>>
    %dma_start3A_156 = tpu.memref_squeeze %dma_start3A_155 : memref<1x50xi32, #tpu.memory_space<vmem>> -> memref<50xi32, #tpu.memory_space<vmem>>
    %dma_start3A_157 = arith.constant 0 : i32
    %dma_start3A_158 = arith.constant 0 : i32
    %dma_start3A_159 = tpu.memref_slice %arg3[%dma_start3A_157, %dma_start3A_158] : memref<1000000x32xf32, #tpu.memory_space<hbm>> -> memref<1000000x32xf32, #tpu.memory_space<hbm>>
    tpu.enqueue_indirect_dma source(%dma_start3A_159 : memref<1000000x32xf32, #tpu.memory_space<hbm>>) target(%dma_start3A_153 : memref<50x32xf32, #tpu.memory_space<vmem>>) offsets(%dma_start3A_156 : memref<50xi32, #tpu.memory_space<vmem>>) semaphore(%arg9 : memref<!tpu.dma_semaphore, #tpu.memory_space<semaphore_mem>>)
    %dma_start3A_160 = arith.constant 13 : i32
    %dma_start3A_161 = arith.constant 13 : i32
    %dma_start3A_162 = arith.constant 0 : i32
    %dma_start3A_163 = arith.constant 0 : i32
    %dma_start3A_164 = tpu.memref_slice %arg7[%dma_start3A_161, %dma_start3A_162, %dma_start3A_163] : memref<32x50x32xf32, #tpu.memory_space<vmem>> -> memref<1x50x32xf32, #tpu.memory_space<vmem>>
    %dma_start3A_165 = tpu.memref_squeeze %dma_start3A_164 : memref<1x50x32xf32, #tpu.memory_space<vmem>> -> memref<50x32xf32, #tpu.memory_space<vmem>>
    %dma_start3A_166 = arith.constant 0 : i32
    %dma_start3A_167 = tpu.memref_slice %arg5[%dma_start3A_160, %dma_start3A_166] : memref<32x50xi32, #tpu.memory_space<vmem>> -> memref<1x50xi32, #tpu.memory_space<vmem>>
    %dma_start3A_168 = tpu.memref_squeeze %dma_start3A_167 : memref<1x50xi32, #tpu.memory_space<vmem>> -> memref<50xi32, #tpu.memory_space<vmem>>
    %dma_start3A_169 = arith.constant 0 : i32
    %dma_start3A_170 = arith.constant 0 : i32
    %dma_start3A_171 = tpu.memref_slice %arg3[%dma_start3A_169, %dma_start3A_170] : memref<1000000x32xf32, #tpu.memory_space<hbm>> -> memref<1000000x32xf32, #tpu.memory_space<hbm>>
    tpu.enqueue_indirect_dma source(%dma_start3A_171 : memref<1000000x32xf32, #tpu.memory_space<hbm>>) target(%dma_start3A_165 : memref<50x32xf32, #tpu.memory_space<vmem>>) offsets(%dma_start3A_168 : memref<50xi32, #tpu.memory_space<vmem>>) semaphore(%arg9 : memref<!tpu.dma_semaphore, #tpu.memory_space<semaphore_mem>>)
    %dma_start3A_172 = arith.constant 14 : i32
    %dma_start3A_173 = arith.constant 14 : i32
    %dma_start3A_174 = arith.constant 0 : i32
    %dma_start3A_175 = arith.constant 0 : i32
    %dma_start3A_176 = tpu.memref_slice %arg7[%dma_start3A_173, %dma_start3A_174, %dma_start3A_175] : memref<32x50x32xf32, #tpu.memory_space<vmem>> -> memref<1x50x32xf32, #tpu.memory_space<vmem>>
    %dma_start3A_177 = tpu.memref_squeeze %dma_start3A_176 : memref<1x50x32xf32, #tpu.memory_space<vmem>> -> memref<50x32xf32, #tpu.memory_space<vmem>>
    %dma_start3A_178 = arith.constant 0 : i32
    %dma_start3A_179 = tpu.memref_slice %arg5[%dma_start3A_172, %dma_start3A_178] : memref<32x50xi32, #tpu.memory_space<vmem>> -> memref<1x50xi32, #tpu.memory_space<vmem>>
    %dma_start3A_180 = tpu.memref_squeeze %dma_start3A_179 : memref<1x50xi32, #tpu.memory_space<vmem>> -> memref<50xi32, #tpu.memory_space<vmem>>
    %dma_start3A_181 = arith.constant 0 : i32
    %dma_start3A_182 = arith.constant 0 : i32
    %dma_start3A_183 = tpu.memref_slice %arg3[%dma_start3A_181, %dma_start3A_182] : memref<1000000x32xf32, #tpu.memory_space<hbm>> -> memref<1000000x32xf32, #tpu.memory_space<hbm>>
    tpu.enqueue_indirect_dma source(%dma_start3A_183 : memref<1000000x32xf32, #tpu.memory_space<hbm>>) target(%dma_start3A_177 : memref<50x32xf32, #tpu.memory_space<vmem>>) offsets(%dma_start3A_180 : memref<50xi32, #tpu.memory_space<vmem>>) semaphore(%arg9 : memref<!tpu.dma_semaphore, #tpu.memory_space<semaphore_mem>>)
    %dma_start3A_184 = arith.constant 15 : i32
    %dma_start3A_185 = arith.constant 15 : i32
    %dma_start3A_186 = arith.constant 0 : i32
    %dma_start3A_187 = arith.constant 0 : i32
    %dma_start3A_188 = tpu.memref_slice %arg7[%dma_start3A_185, %dma_start3A_186, %dma_start3A_187] : memref<32x50x32xf32, #tpu.memory_space<vmem>> -> memref<1x50x32xf32, #tpu.memory_space<vmem>>
    %dma_start3A_189 = tpu.memref_squeeze %dma_start3A_188 : memref<1x50x32xf32, #tpu.memory_space<vmem>> -> memref<50x32xf32, #tpu.memory_space<vmem>>
    %dma_start3A_190 = arith.constant 0 : i32
    %dma_start3A_191 = tpu.memref_slice %arg5[%dma_start3A_184, %dma_start3A_190] : memref<32x50xi32, #tpu.memory_space<vmem>> -> memref<1x50xi32, #tpu.memory_space<vmem>>
    %dma_start3A_192 = tpu.memref_squeeze %dma_start3A_191 : memref<1x50xi32, #tpu.memory_space<vmem>> -> memref<50xi32, #tpu.memory_space<vmem>>
    %dma_start3A_193 = arith.constant 0 : i32
    %dma_start3A_194 = arith.constant 0 : i32
    %dma_start3A_195 = tpu.memref_slice %arg3[%dma_start3A_193, %dma_start3A_194] : memref<1000000x32xf32, #tpu.memory_space<hbm>> -> memref<1000000x32xf32, #tpu.memory_space<hbm>>
    tpu.enqueue_indirect_dma source(%dma_start3A_195 : memref<1000000x32xf32, #tpu.memory_space<hbm>>) target(%dma_start3A_189 : memref<50x32xf32, #tpu.memory_space<vmem>>) offsets(%dma_start3A_192 : memref<50xi32, #tpu.memory_space<vmem>>) semaphore(%arg9 : memref<!tpu.dma_semaphore, #tpu.memory_space<semaphore_mem>>)
    %dma_start3A_196 = arith.constant 16 : i32
    %dma_start3A_197 = arith.constant 16 : i32
    %dma_start3A_198 = arith.constant 0 : i32
    %dma_start3A_199 = arith.constant 0 : i32
    %dma_start3A_200 = tpu.memref_slice %arg7[%dma_start3A_197, %dma_start3A_198, %dma_start3A_199] : memref<32x50x32xf32, #tpu.memory_space<vmem>> -> memref<1x50x32xf32, #tpu.memory_space<vmem>>
    %dma_start3A_201 = tpu.memref_squeeze %dma_start3A_200 : memref<1x50x32xf32, #tpu.memory_space<vmem>> -> memref<50x32xf32, #tpu.memory_space<vmem>>
    %dma_start3A_202 = arith.constant 0 : i32
    %dma_start3A_203 = tpu.memref_slice %arg5[%dma_start3A_196, %dma_start3A_202] : memref<32x50xi32, #tpu.memory_space<vmem>> -> memref<1x50xi32, #tpu.memory_space<vmem>>
    %dma_start3A_204 = tpu.memref_squeeze %dma_start3A_203 : memref<1x50xi32, #tpu.memory_space<vmem>> -> memref<50xi32, #tpu.memory_space<vmem>>
    %dma_start3A_205 = arith.constant 0 : i32
    %dma_start3A_206 = arith.constant 0 : i32
    %dma_start3A_207 = tpu.memref_slice %arg3[%dma_start3A_205, %dma_start3A_206] : memref<1000000x32xf32, #tpu.memory_space<hbm>> -> memref<1000000x32xf32, #tpu.memory_space<hbm>>
    tpu.enqueue_indirect_dma source(%dma_start3A_207 : memref<1000000x32xf32, #tpu.memory_space<hbm>>) target(%dma_start3A_201 : memref<50x32xf32, #tpu.memory_space<vmem>>) offsets(%dma_start3A_204 : memref<50xi32, #tpu.memory_space<vmem>>) semaphore(%arg9 : memref<!tpu.dma_semaphore, #tpu.memory_space<semaphore_mem>>)
    %dma_start3A_208 = arith.constant 17 : i32
    %dma_start3A_209 = arith.constant 17 : i32
    %dma_start3A_210 = arith.constant 0 : i32
    %dma_start3A_211 = arith.constant 0 : i32
    %dma_start3A_212 = tpu.memref_slice %arg7[%dma_start3A_209, %dma_start3A_210, %dma_start3A_211] : memref<32x50x32xf32, #tpu.memory_space<vmem>> -> memref<1x50x32xf32, #tpu.memory_space<vmem>>
    %dma_start3A_213 = tpu.memref_squeeze %dma_start3A_212 : memref<1x50x32xf32, #tpu.memory_space<vmem>> -> memref<50x32xf32, #tpu.memory_space<vmem>>
    %dma_start3A_214 = arith.constant 0 : i32
    %dma_start3A_215 = tpu.memref_slice %arg5[%dma_start3A_208, %dma_start3A_214] : memref<32x50xi32, #tpu.memory_space<vmem>> -> memref<1x50xi32, #tpu.memory_space<vmem>>
    %dma_start3A_216 = tpu.memref_squeeze %dma_start3A_215 : memref<1x50xi32, #tpu.memory_space<vmem>> -> memref<50xi32, #tpu.memory_space<vmem>>
    %dma_start3A_217 = arith.constant 0 : i32
    %dma_start3A_218 = arith.constant 0 : i32
    %dma_start3A_219 = tpu.memref_slice %arg3[%dma_start3A_217, %dma_start3A_218] : memref<1000000x32xf32, #tpu.memory_space<hbm>> -> memref<1000000x32xf32, #tpu.memory_space<hbm>>
    tpu.enqueue_indirect_dma source(%dma_start3A_219 : memref<1000000x32xf32, #tpu.memory_space<hbm>>) target(%dma_start3A_213 : memref<50x32xf32, #tpu.memory_space<vmem>>) offsets(%dma_start3A_216 : memref<50xi32, #tpu.memory_space<vmem>>) semaphore(%arg9 : memref<!tpu.dma_semaphore, #tpu.memory_space<semaphore_mem>>)
    %dma_start3A_220 = arith.constant 18 : i32
    %dma_start3A_221 = arith.constant 18 : i32
    %dma_start3A_222 = arith.constant 0 : i32
    %dma_start3A_223 = arith.constant 0 : i32
    %dma_start3A_224 = tpu.memref_slice %arg7[%dma_start3A_221, %dma_start3A_222, %dma_start3A_223] : memref<32x50x32xf32, #tpu.memory_space<vmem>> -> memref<1x50x32xf32, #tpu.memory_space<vmem>>
    %dma_start3A_225 = tpu.memref_squeeze %dma_start3A_224 : memref<1x50x32xf32, #tpu.memory_space<vmem>> -> memref<50x32xf32, #tpu.memory_space<vmem>>
    %dma_start3A_226 = arith.constant 0 : i32
    %dma_start3A_227 = tpu.memref_slice %arg5[%dma_start3A_220, %dma_start3A_226] : memref<32x50xi32, #tpu.memory_space<vmem>> -> memref<1x50xi32, #tpu.memory_space<vmem>>
    %dma_start3A_228 = tpu.memref_squeeze %dma_start3A_227 : memref<1x50xi32, #tpu.memory_space<vmem>> -> memref<50xi32, #tpu.memory_space<vmem>>
    %dma_start3A_229 = arith.constant 0 : i32
    %dma_start3A_230 = arith.constant 0 : i32
    %dma_start3A_231 = tpu.memref_slice %arg3[%dma_start3A_229, %dma_start3A_230] : memref<1000000x32xf32, #tpu.memory_space<hbm>> -> memref<1000000x32xf32, #tpu.memory_space<hbm>>
    tpu.enqueue_indirect_dma source(%dma_start3A_231 : memref<1000000x32xf32, #tpu.memory_space<hbm>>) target(%dma_start3A_225 : memref<50x32xf32, #tpu.memory_space<vmem>>) offsets(%dma_start3A_228 : memref<50xi32, #tpu.memory_space<vmem>>) semaphore(%arg9 : memref<!tpu.dma_semaphore, #tpu.memory_space<semaphore_mem>>)
    %dma_start3A_232 = arith.constant 19 : i32
    %dma_start3A_233 = arith.constant 19 : i32
    %dma_start3A_234 = arith.constant 0 : i32
    %dma_start3A_235 = arith.constant 0 : i32
    %dma_start3A_236 = tpu.memref_slice %arg7[%dma_start3A_233, %dma_start3A_234, %dma_start3A_235] : memref<32x50x32xf32, #tpu.memory_space<vmem>> -> memref<1x50x32xf32, #tpu.memory_space<vmem>>
    %dma_start3A_237 = tpu.memref_squeeze %dma_start3A_236 : memref<1x50x32xf32, #tpu.memory_space<vmem>> -> memref<50x32xf32, #tpu.memory_space<vmem>>
    %dma_start3A_238 = arith.constant 0 : i32
    %dma_start3A_239 = tpu.memref_slice %arg5[%dma_start3A_232, %dma_start3A_238] : memref<32x50xi32, #tpu.memory_space<vmem>> -> memref<1x50xi32, #tpu.memory_space<vmem>>
    %dma_start3A_240 = tpu.memref_squeeze %dma_start3A_239 : memref<1x50xi32, #tpu.memory_space<vmem>> -> memref<50xi32, #tpu.memory_space<vmem>>
    %dma_start3A_241 = arith.constant 0 : i32
    %dma_start3A_242 = arith.constant 0 : i32
    %dma_start3A_243 = tpu.memref_slice %arg3[%dma_start3A_241, %dma_start3A_242] : memref<1000000x32xf32, #tpu.memory_space<hbm>> -> memref<1000000x32xf32, #tpu.memory_space<hbm>>
    tpu.enqueue_indirect_dma source(%dma_start3A_243 : memref<1000000x32xf32, #tpu.memory_space<hbm>>) target(%dma_start3A_237 : memref<50x32xf32, #tpu.memory_space<vmem>>) offsets(%dma_start3A_240 : memref<50xi32, #tpu.memory_space<vmem>>) semaphore(%arg9 : memref<!tpu.dma_semaphore, #tpu.memory_space<semaphore_mem>>)
    %dma_start3A_244 = arith.constant 20 : i32
    %dma_start3A_245 = arith.constant 20 : i32
    %dma_start3A_246 = arith.constant 0 : i32
    %dma_start3A_247 = arith.constant 0 : i32
    %dma_start3A_248 = tpu.memref_slice %arg7[%dma_start3A_245, %dma_start3A_246, %dma_start3A_247] : memref<32x50x32xf32, #tpu.memory_space<vmem>> -> memref<1x50x32xf32, #tpu.memory_space<vmem>>
    %dma_start3A_249 = tpu.memref_squeeze %dma_start3A_248 : memref<1x50x32xf32, #tpu.memory_space<vmem>> -> memref<50x32xf32, #tpu.memory_space<vmem>>
    %dma_start3A_250 = arith.constant 0 : i32
    %dma_start3A_251 = tpu.memref_slice %arg5[%dma_start3A_244, %dma_start3A_250] : memref<32x50xi32, #tpu.memory_space<vmem>> -> memref<1x50xi32, #tpu.memory_space<vmem>>
    %dma_start3A_252 = tpu.memref_squeeze %dma_start3A_251 : memref<1x50xi32, #tpu.memory_space<vmem>> -> memref<50xi32, #tpu.memory_space<vmem>>
    %dma_start3A_253 = arith.constant 0 : i32
    %dma_start3A_254 = arith.constant 0 : i32
    %dma_start3A_255 = tpu.memref_slice %arg3[%dma_start3A_253, %dma_start3A_254] : memref<1000000x32xf32, #tpu.memory_space<hbm>> -> memref<1000000x32xf32, #tpu.memory_space<hbm>>
    tpu.enqueue_indirect_dma source(%dma_start3A_255 : memref<1000000x32xf32, #tpu.memory_space<hbm>>) target(%dma_start3A_249 : memref<50x32xf32, #tpu.memory_space<vmem>>) offsets(%dma_start3A_252 : memref<50xi32, #tpu.memory_space<vmem>>) semaphore(%arg9 : memref<!tpu.dma_semaphore, #tpu.memory_space<semaphore_mem>>)
    %dma_start3A_256 = arith.constant 21 : i32
    %dma_start3A_257 = arith.constant 21 : i32
    %dma_start3A_258 = arith.constant 0 : i32
    %dma_start3A_259 = arith.constant 0 : i32
    %dma_start3A_260 = tpu.memref_slice %arg7[%dma_start3A_257, %dma_start3A_258, %dma_start3A_259] : memref<32x50x32xf32, #tpu.memory_space<vmem>> -> memref<1x50x32xf32, #tpu.memory_space<vmem>>
    %dma_start3A_261 = tpu.memref_squeeze %dma_start3A_260 : memref<1x50x32xf32, #tpu.memory_space<vmem>> -> memref<50x32xf32, #tpu.memory_space<vmem>>
    %dma_start3A_262 = arith.constant 0 : i32
    %dma_start3A_263 = tpu.memref_slice %arg5[%dma_start3A_256, %dma_start3A_262] : memref<32x50xi32, #tpu.memory_space<vmem>> -> memref<1x50xi32, #tpu.memory_space<vmem>>
    %dma_start3A_264 = tpu.memref_squeeze %dma_start3A_263 : memref<1x50xi32, #tpu.memory_space<vmem>> -> memref<50xi32, #tpu.memory_space<vmem>>
    %dma_start3A_265 = arith.constant 0 : i32
    %dma_start3A_266 = arith.constant 0 : i32
    %dma_start3A_267 = tpu.memref_slice %arg3[%dma_start3A_265, %dma_start3A_266] : memref<1000000x32xf32, #tpu.memory_space<hbm>> -> memref<1000000x32xf32, #tpu.memory_space<hbm>>
    tpu.enqueue_indirect_dma source(%dma_start3A_267 : memref<1000000x32xf32, #tpu.memory_space<hbm>>) target(%dma_start3A_261 : memref<50x32xf32, #tpu.memory_space<vmem>>) offsets(%dma_start3A_264 : memref<50xi32, #tpu.memory_space<vmem>>) semaphore(%arg9 : memref<!tpu.dma_semaphore, #tpu.memory_space<semaphore_mem>>)
    %dma_start3A_268 = arith.constant 22 : i32
    %dma_start3A_269 = arith.constant 22 : i32
    %dma_start3A_270 = arith.constant 0 : i32
    %dma_start3A_271 = arith.constant 0 : i32
    %dma_start3A_272 = tpu.memref_slice %arg7[%dma_start3A_269, %dma_start3A_270, %dma_start3A_271] : memref<32x50x32xf32, #tpu.memory_space<vmem>> -> memref<1x50x32xf32, #tpu.memory_space<vmem>>
    %dma_start3A_273 = tpu.memref_squeeze %dma_start3A_272 : memref<1x50x32xf32, #tpu.memory_space<vmem>> -> memref<50x32xf32, #tpu.memory_space<vmem>>
    %dma_start3A_274 = arith.constant 0 : i32
    %dma_start3A_275 = tpu.memref_slice %arg5[%dma_start3A_268, %dma_start3A_274] : memref<32x50xi32, #tpu.memory_space<vmem>> -> memref<1x50xi32, #tpu.memory_space<vmem>>
    %dma_start3A_276 = tpu.memref_squeeze %dma_start3A_275 : memref<1x50xi32, #tpu.memory_space<vmem>> -> memref<50xi32, #tpu.memory_space<vmem>>
    %dma_start3A_277 = arith.constant 0 : i32
    %dma_start3A_278 = arith.constant 0 : i32
    %dma_start3A_279 = tpu.memref_slice %arg3[%dma_start3A_277, %dma_start3A_278] : memref<1000000x32xf32, #tpu.memory_space<hbm>> -> memref<1000000x32xf32, #tpu.memory_space<hbm>>
    tpu.enqueue_indirect_dma source(%dma_start3A_279 : memref<1000000x32xf32, #tpu.memory_space<hbm>>) target(%dma_start3A_273 : memref<50x32xf32, #tpu.memory_space<vmem>>) offsets(%dma_start3A_276 : memref<50xi32, #tpu.memory_space<vmem>>) semaphore(%arg9 : memref<!tpu.dma_semaphore, #tpu.memory_space<semaphore_mem>>)
    %dma_start3A_280 = arith.constant 23 : i32
    %dma_start3A_281 = arith.constant 23 : i32
    %dma_start3A_282 = arith.constant 0 : i32
    %dma_start3A_283 = arith.constant 0 : i32
    %dma_start3A_284 = tpu.memref_slice %arg7[%dma_start3A_281, %dma_start3A_282, %dma_start3A_283] : memref<32x50x32xf32, #tpu.memory_space<vmem>> -> memref<1x50x32xf32, #tpu.memory_space<vmem>>
    %dma_start3A_285 = tpu.memref_squeeze %dma_start3A_284 : memref<1x50x32xf32, #tpu.memory_space<vmem>> -> memref<50x32xf32, #tpu.memory_space<vmem>>
    %dma_start3A_286 = arith.constant 0 : i32
    %dma_start3A_287 = tpu.memref_slice %arg5[%dma_start3A_280, %dma_start3A_286] : memref<32x50xi32, #tpu.memory_space<vmem>> -> memref<1x50xi32, #tpu.memory_space<vmem>>
    %dma_start3A_288 = tpu.memref_squeeze %dma_start3A_287 : memref<1x50xi32, #tpu.memory_space<vmem>> -> memref<50xi32, #tpu.memory_space<vmem>>
    %dma_start3A_289 = arith.constant 0 : i32
    %dma_start3A_290 = arith.constant 0 : i32
    %dma_start3A_291 = tpu.memref_slice %arg3[%dma_start3A_289, %dma_start3A_290] : memref<1000000x32xf32, #tpu.memory_space<hbm>> -> memref<1000000x32xf32, #tpu.memory_space<hbm>>
    tpu.enqueue_indirect_dma source(%dma_start3A_291 : memref<1000000x32xf32, #tpu.memory_space<hbm>>) target(%dma_start3A_285 : memref<50x32xf32, #tpu.memory_space<vmem>>) offsets(%dma_start3A_288 : memref<50xi32, #tpu.memory_space<vmem>>) semaphore(%arg9 : memref<!tpu.dma_semaphore, #tpu.memory_space<semaphore_mem>>)
    %dma_start3A_292 = arith.constant 24 : i32
    %dma_start3A_293 = arith.constant 24 : i32
    %dma_start3A_294 = arith.constant 0 : i32
    %dma_start3A_295 = arith.constant 0 : i32
    %dma_start3A_296 = tpu.memref_slice %arg7[%dma_start3A_293, %dma_start3A_294, %dma_start3A_295] : memref<32x50x32xf32, #tpu.memory_space<vmem>> -> memref<1x50x32xf32, #tpu.memory_space<vmem>>
    %dma_start3A_297 = tpu.memref_squeeze %dma_start3A_296 : memref<1x50x32xf32, #tpu.memory_space<vmem>> -> memref<50x32xf32, #tpu.memory_space<vmem>>
    %dma_start3A_298 = arith.constant 0 : i32
    %dma_start3A_299 = tpu.memref_slice %arg5[%dma_start3A_292, %dma_start3A_298] : memref<32x50xi32, #tpu.memory_space<vmem>> -> memref<1x50xi32, #tpu.memory_space<vmem>>
    %dma_start3A_300 = tpu.memref_squeeze %dma_start3A_299 : memref<1x50xi32, #tpu.memory_space<vmem>> -> memref<50xi32, #tpu.memory_space<vmem>>
    %dma_start3A_301 = arith.constant 0 : i32
    %dma_start3A_302 = arith.constant 0 : i32
    %dma_start3A_303 = tpu.memref_slice %arg3[%dma_start3A_301, %dma_start3A_302] : memref<1000000x32xf32, #tpu.memory_space<hbm>> -> memref<1000000x32xf32, #tpu.memory_space<hbm>>
    tpu.enqueue_indirect_dma source(%dma_start3A_303 : memref<1000000x32xf32, #tpu.memory_space<hbm>>) target(%dma_start3A_297 : memref<50x32xf32, #tpu.memory_space<vmem>>) offsets(%dma_start3A_300 : memref<50xi32, #tpu.memory_space<vmem>>) semaphore(%arg9 : memref<!tpu.dma_semaphore, #tpu.memory_space<semaphore_mem>>)
    %dma_start3A_304 = arith.constant 25 : i32
    %dma_start3A_305 = arith.constant 25 : i32
    %dma_start3A_306 = arith.constant 0 : i32
    %dma_start3A_307 = arith.constant 0 : i32
    %dma_start3A_308 = tpu.memref_slice %arg7[%dma_start3A_305, %dma_start3A_306, %dma_start3A_307] : memref<32x50x32xf32, #tpu.memory_space<vmem>> -> memref<1x50x32xf32, #tpu.memory_space<vmem>>
    %dma_start3A_309 = tpu.memref_squeeze %dma_start3A_308 : memref<1x50x32xf32, #tpu.memory_space<vmem>> -> memref<50x32xf32, #tpu.memory_space<vmem>>
    %dma_start3A_310 = arith.constant 0 : i32
    %dma_start3A_311 = tpu.memref_slice %arg5[%dma_start3A_304, %dma_start3A_310] : memref<32x50xi32, #tpu.memory_space<vmem>> -> memref<1x50xi32, #tpu.memory_space<vmem>>
    %dma_start3A_312 = tpu.memref_squeeze %dma_start3A_311 : memref<1x50xi32, #tpu.memory_space<vmem>> -> memref<50xi32, #tpu.memory_space<vmem>>
    %dma_start3A_313 = arith.constant 0 : i32
    %dma_start3A_314 = arith.constant 0 : i32
    %dma_start3A_315 = tpu.memref_slice %arg3[%dma_start3A_313, %dma_start3A_314] : memref<1000000x32xf32, #tpu.memory_space<hbm>> -> memref<1000000x32xf32, #tpu.memory_space<hbm>>
    tpu.enqueue_indirect_dma source(%dma_start3A_315 : memref<1000000x32xf32, #tpu.memory_space<hbm>>) target(%dma_start3A_309 : memref<50x32xf32, #tpu.memory_space<vmem>>) offsets(%dma_start3A_312 : memref<50xi32, #tpu.memory_space<vmem>>) semaphore(%arg9 : memref<!tpu.dma_semaphore, #tpu.memory_space<semaphore_mem>>)
    %dma_start3A_316 = arith.constant 26 : i32
    %dma_start3A_317 = arith.constant 26 : i32
    %dma_start3A_318 = arith.constant 0 : i32
    %dma_start3A_319 = arith.constant 0 : i32
    %dma_start3A_320 = tpu.memref_slice %arg7[%dma_start3A_317, %dma_start3A_318, %dma_start3A_319] : memref<32x50x32xf32, #tpu.memory_space<vmem>> -> memref<1x50x32xf32, #tpu.memory_space<vmem>>
    %dma_start3A_321 = tpu.memref_squeeze %dma_start3A_320 : memref<1x50x32xf32, #tpu.memory_space<vmem>> -> memref<50x32xf32, #tpu.memory_space<vmem>>
    %dma_start3A_322 = arith.constant 0 : i32
    %dma_start3A_323 = tpu.memref_slice %arg5[%dma_start3A_316, %dma_start3A_322] : memref<32x50xi32, #tpu.memory_space<vmem>> -> memref<1x50xi32, #tpu.memory_space<vmem>>
    %dma_start3A_324 = tpu.memref_squeeze %dma_start3A_323 : memref<1x50xi32, #tpu.memory_space<vmem>> -> memref<50xi32, #tpu.memory_space<vmem>>
    %dma_start3A_325 = arith.constant 0 : i32
    %dma_start3A_326 = arith.constant 0 : i32
    %dma_start3A_327 = tpu.memref_slice %arg3[%dma_start3A_325, %dma_start3A_326] : memref<1000000x32xf32, #tpu.memory_space<hbm>> -> memref<1000000x32xf32, #tpu.memory_space<hbm>>
    tpu.enqueue_indirect_dma source(%dma_start3A_327 : memref<1000000x32xf32, #tpu.memory_space<hbm>>) target(%dma_start3A_321 : memref<50x32xf32, #tpu.memory_space<vmem>>) offsets(%dma_start3A_324 : memref<50xi32, #tpu.memory_space<vmem>>) semaphore(%arg9 : memref<!tpu.dma_semaphore, #tpu.memory_space<semaphore_mem>>)
    %dma_start3A_328 = arith.constant 27 : i32
    %dma_start3A_329 = arith.constant 27 : i32
    %dma_start3A_330 = arith.constant 0 : i32
    %dma_start3A_331 = arith.constant 0 : i32
    %dma_start3A_332 = tpu.memref_slice %arg7[%dma_start3A_329, %dma_start3A_330, %dma_start3A_331] : memref<32x50x32xf32, #tpu.memory_space<vmem>> -> memref<1x50x32xf32, #tpu.memory_space<vmem>>
    %dma_start3A_333 = tpu.memref_squeeze %dma_start3A_332 : memref<1x50x32xf32, #tpu.memory_space<vmem>> -> memref<50x32xf32, #tpu.memory_space<vmem>>
    %dma_start3A_334 = arith.constant 0 : i32
    %dma_start3A_335 = tpu.memref_slice %arg5[%dma_start3A_328, %dma_start3A_334] : memref<32x50xi32, #tpu.memory_space<vmem>> -> memref<1x50xi32, #tpu.memory_space<vmem>>
    %dma_start3A_336 = tpu.memref_squeeze %dma_start3A_335 : memref<1x50xi32, #tpu.memory_space<vmem>> -> memref<50xi32, #tpu.memory_space<vmem>>
    %dma_start3A_337 = arith.constant 0 : i32
    %dma_start3A_338 = arith.constant 0 : i32
    %dma_start3A_339 = tpu.memref_slice %arg3[%dma_start3A_337, %dma_start3A_338] : memref<1000000x32xf32, #tpu.memory_space<hbm>> -> memref<1000000x32xf32, #tpu.memory_space<hbm>>
    tpu.enqueue_indirect_dma source(%dma_start3A_339 : memref<1000000x32xf32, #tpu.memory_space<hbm>>) target(%dma_start3A_333 : memref<50x32xf32, #tpu.memory_space<vmem>>) offsets(%dma_start3A_336 : memref<50xi32, #tpu.memory_space<vmem>>) semaphore(%arg9 : memref<!tpu.dma_semaphore, #tpu.memory_space<semaphore_mem>>)
    %dma_start3A_340 = arith.constant 28 : i32
    %dma_start3A_341 = arith.constant 28 : i32
    %dma_start3A_342 = arith.constant 0 : i32
    %dma_start3A_343 = arith.constant 0 : i32
    %dma_start3A_344 = tpu.memref_slice %arg7[%dma_start3A_341, %dma_start3A_342, %dma_start3A_343] : memref<32x50x32xf32, #tpu.memory_space<vmem>> -> memref<1x50x32xf32, #tpu.memory_space<vmem>>
    %dma_start3A_345 = tpu.memref_squeeze %dma_start3A_344 : memref<1x50x32xf32, #tpu.memory_space<vmem>> -> memref<50x32xf32, #tpu.memory_space<vmem>>
    %dma_start3A_346 = arith.constant 0 : i32
    %dma_start3A_347 = tpu.memref_slice %arg5[%dma_start3A_340, %dma_start3A_346] : memref<32x50xi32, #tpu.memory_space<vmem>> -> memref<1x50xi32, #tpu.memory_space<vmem>>
    %dma_start3A_348 = tpu.memref_squeeze %dma_start3A_347 : memref<1x50xi32, #tpu.memory_space<vmem>> -> memref<50xi32, #tpu.memory_space<vmem>>
    %dma_start3A_349 = arith.constant 0 : i32
    %dma_start3A_350 = arith.constant 0 : i32
    %dma_start3A_351 = tpu.memref_slice %arg3[%dma_start3A_349, %dma_start3A_350] : memref<1000000x32xf32, #tpu.memory_space<hbm>> -> memref<1000000x32xf32, #tpu.memory_space<hbm>>
    tpu.enqueue_indirect_dma source(%dma_start3A_351 : memref<1000000x32xf32, #tpu.memory_space<hbm>>) target(%dma_start3A_345 : memref<50x32xf32, #tpu.memory_space<vmem>>) offsets(%dma_start3A_348 : memref<50xi32, #tpu.memory_space<vmem>>) semaphore(%arg9 : memref<!tpu.dma_semaphore, #tpu.memory_space<semaphore_mem>>)
    %dma_start3A_352 = arith.constant 29 : i32
    %dma_start3A_353 = arith.constant 29 : i32
    %dma_start3A_354 = arith.constant 0 : i32
    %dma_start3A_355 = arith.constant 0 : i32
    %dma_start3A_356 = tpu.memref_slice %arg7[%dma_start3A_353, %dma_start3A_354, %dma_start3A_355] : memref<32x50x32xf32, #tpu.memory_space<vmem>> -> memref<1x50x32xf32, #tpu.memory_space<vmem>>
    %dma_start3A_357 = tpu.memref_squeeze %dma_start3A_356 : memref<1x50x32xf32, #tpu.memory_space<vmem>> -> memref<50x32xf32, #tpu.memory_space<vmem>>
    %dma_start3A_358 = arith.constant 0 : i32
    %dma_start3A_359 = tpu.memref_slice %arg5[%dma_start3A_352, %dma_start3A_358] : memref<32x50xi32, #tpu.memory_space<vmem>> -> memref<1x50xi32, #tpu.memory_space<vmem>>
    %dma_start3A_360 = tpu.memref_squeeze %dma_start3A_359 : memref<1x50xi32, #tpu.memory_space<vmem>> -> memref<50xi32, #tpu.memory_space<vmem>>
    %dma_start3A_361 = arith.constant 0 : i32
    %dma_start3A_362 = arith.constant 0 : i32
    %dma_start3A_363 = tpu.memref_slice %arg3[%dma_start3A_361, %dma_start3A_362] : memref<1000000x32xf32, #tpu.memory_space<hbm>> -> memref<1000000x32xf32, #tpu.memory_space<hbm>>
    tpu.enqueue_indirect_dma source(%dma_start3A_363 : memref<1000000x32xf32, #tpu.memory_space<hbm>>) target(%dma_start3A_357 : memref<50x32xf32, #tpu.memory_space<vmem>>) offsets(%dma_start3A_360 : memref<50xi32, #tpu.memory_space<vmem>>) semaphore(%arg9 : memref<!tpu.dma_semaphore, #tpu.memory_space<semaphore_mem>>)
    %dma_start3A_364 = arith.constant 30 : i32
    %dma_start3A_365 = arith.constant 30 : i32
    %dma_start3A_366 = arith.constant 0 : i32
    %dma_start3A_367 = arith.constant 0 : i32
    %dma_start3A_368 = tpu.memref_slice %arg7[%dma_start3A_365, %dma_start3A_366, %dma_start3A_367] : memref<32x50x32xf32, #tpu.memory_space<vmem>> -> memref<1x50x32xf32, #tpu.memory_space<vmem>>
    %dma_start3A_369 = tpu.memref_squeeze %dma_start3A_368 : memref<1x50x32xf32, #tpu.memory_space<vmem>> -> memref<50x32xf32, #tpu.memory_space<vmem>>
    %dma_start3A_370 = arith.constant 0 : i32
    %dma_start3A_371 = tpu.memref_slice %arg5[%dma_start3A_364, %dma_start3A_370] : memref<32x50xi32, #tpu.memory_space<vmem>> -> memref<1x50xi32, #tpu.memory_space<vmem>>
    %dma_start3A_372 = tpu.memref_squeeze %dma_start3A_371 : memref<1x50xi32, #tpu.memory_space<vmem>> -> memref<50xi32, #tpu.memory_space<vmem>>
    %dma_start3A_373 = arith.constant 0 : i32
    %dma_start3A_374 = arith.constant 0 : i32
    %dma_start3A_375 = tpu.memref_slice %arg3[%dma_start3A_373, %dma_start3A_374] : memref<1000000x32xf32, #tpu.memory_space<hbm>> -> memref<1000000x32xf32, #tpu.memory_space<hbm>>
    tpu.enqueue_indirect_dma source(%dma_start3A_375 : memref<1000000x32xf32, #tpu.memory_space<hbm>>) target(%dma_start3A_369 : memref<50x32xf32, #tpu.memory_space<vmem>>) offsets(%dma_start3A_372 : memref<50xi32, #tpu.memory_space<vmem>>) semaphore(%arg9 : memref<!tpu.dma_semaphore, #tpu.memory_space<semaphore_mem>>)
    %dma_start3A_376 = arith.constant 31 : i32
    %dma_start3A_377 = arith.constant 31 : i32
    %dma_start3A_378 = arith.constant 0 : i32
    %dma_start3A_379 = arith.constant 0 : i32
    %dma_start3A_380 = tpu.memref_slice %arg7[%dma_start3A_377, %dma_start3A_378, %dma_start3A_379] : memref<32x50x32xf32, #tpu.memory_space<vmem>> -> memref<1x50x32xf32, #tpu.memory_space<vmem>>
    %dma_start3A_381 = tpu.memref_squeeze %dma_start3A_380 : memref<1x50x32xf32, #tpu.memory_space<vmem>> -> memref<50x32xf32, #tpu.memory_space<vmem>>
    %dma_start3A_382 = arith.constant 0 : i32
    %dma_start3A_383 = tpu.memref_slice %arg5[%dma_start3A_376, %dma_start3A_382] : memref<32x50xi32, #tpu.memory_space<vmem>> -> memref<1x50xi32, #tpu.memory_space<vmem>>
    %dma_start3A_384 = tpu.memref_squeeze %dma_start3A_383 : memref<1x50xi32, #tpu.memory_space<vmem>> -> memref<50xi32, #tpu.memory_space<vmem>>
    %dma_start3A_385 = arith.constant 0 : i32
    %dma_start3A_386 = arith.constant 0 : i32
    %dma_start3A_387 = tpu.memref_slice %arg3[%dma_start3A_385, %dma_start3A_386] : memref<1000000x32xf32, #tpu.memory_space<hbm>> -> memref<1000000x32xf32, #tpu.memory_space<hbm>>
    tpu.enqueue_indirect_dma source(%dma_start3A_387 : memref<1000000x32xf32, #tpu.memory_space<hbm>>) target(%dma_start3A_381 : memref<50x32xf32, #tpu.memory_space<vmem>>) offsets(%dma_start3A_384 : memref<50xi32, #tpu.memory_space<vmem>>) semaphore(%arg9 : memref<!tpu.dma_semaphore, #tpu.memory_space<semaphore_mem>>)
    %scan3A = arith.constant 0 : i32
    %scan3A_388 = arith.constant 0 : i32
    %scan3A_389 = arith.constant 8 : i32
    %scan3A_390 = arith.addi %scan3A_388, %scan3A_389 : i32
    %scan3A_391 = arith.constant 1 : i32
    scf.for %scan3A_400 = %scan3A_388 to %scan3A_390 step %scan3A_391  : i32 {
      %mul3A_401 = arith.constant 2 : i32
      %mul3A_402 = arith.muli %mul3A_401, %scan3A_400 : i32
      %gt3A = arith.constant 0 : i32
      %gt3A_403 = arith.cmpi sgt, %scan3A_400, %gt3A : i32
      %convert_element_type3A = arith.extui %gt3A_403 : i1 to i32
      %cond3A = arith.constant 0 : i32
      %cond3A_404 = arith.cmpi ne, %convert_element_type3A, %cond3A : i32
      scf.if %cond3A_404 {
        %sub3A = arith.constant 1 : i32
        %sub3A_1609 = arith.subi %mul3A_402, %sub3A : i32
        %mul3A_1610 = arith.constant 32 : i32
        %mul3A_1611 = arith.muli %sub3A_1609, %mul3A_1610 : i32
        %add3A_1612 = arith.addi %mul3A_2, %mul3A_1611 : i32
        %dma_wait3A_1613 = arith.constant 0 : i32
        %dma_wait3A_1614 = arith.constant 0 : i32
        %dma_wait3A_1615 = tpu.memref_slice %arg4[%add3A_1612, %dma_wait3A_1613, %dma_wait3A_1614] : memref<16384x50x32xf32, #tpu.memory_space<hbm>> -> memref<32x50x32xf32, #tpu.memory_space<hbm>>
        %dma_wait3A_1616 = arith.constant 0 : i32
        %dma_wait3A_1617 = arith.constant 0 : i32
        %dma_wait3A_1618 = tpu.memref_slice %arg4[%add3A_1612, %dma_wait3A_1616, %dma_wait3A_1617] : memref<16384x50x32xf32, #tpu.memory_space<hbm>> -> memref<32x50x32xf32, #tpu.memory_space<hbm>>
        tpu.wait_dma2 semaphore(%arg12 : memref<!tpu.dma_semaphore, #tpu.memory_space<semaphore_mem>>) src(%arg8 : memref<32x50x32xf32, #tpu.memory_space<vmem>>) dst(%dma_wait3A_1618 : memref<32x50x32xf32, #tpu.memory_space<hbm>>)
      } else {
      }
      %add3A_405 = arith.constant 1 : i32
      %add3A_406 = arith.addi %mul3A_402, %add3A_405 : i32
      %mul3A_407 = arith.constant 32 : i32
      %mul3A_408 = arith.muli %add3A_406, %mul3A_407 : i32
      %add3A_409 = arith.addi %mul3A_2, %mul3A_408 : i32
      "tpu.region"() ({
        %run_scoped3A = tpu.sem_alloc : memref<!tpu.dma_semaphore, #tpu.memory_space<semaphore_mem>>
        %dma_start3A_1609 = arith.constant 0 : i32
        %dma_start3A_1610 = tpu.memref_slice %arg2[%add3A_409, %dma_start3A_1609] : memref<16384x50xi32, #tpu.memory_space<hbm>> -> memref<32x50xi32, #tpu.memory_space<hbm>>
        %dma_start3A_1611 = arith.constant 0 : i32
        %dma_start3A_1612 = tpu.memref_slice %arg2[%add3A_409, %dma_start3A_1611] : memref<16384x50xi32, #tpu.memory_space<hbm>> -> memref<32x50xi32, #tpu.memory_space<hbm>>
        tpu.enqueue_dma source(%dma_start3A_1612 : memref<32x50xi32, #tpu.memory_space<hbm>>) target(%arg6 : memref<32x50xi32, #tpu.memory_space<vmem>>) target_semaphore(%run_scoped3A : memref<!tpu.dma_semaphore, #tpu.memory_space<semaphore_mem>>)
        %dma_wait3A_1613 = arith.constant 0 : i32
        %dma_wait3A_1614 = tpu.memref_slice %arg2[%add3A_409, %dma_wait3A_1613] : memref<16384x50xi32, #tpu.memory_space<hbm>> -> memref<32x50xi32, #tpu.memory_space<hbm>>
        %dma_wait3A_1615 = arith.constant 0 : i32
        %dma_wait3A_1616 = tpu.memref_slice %arg2[%add3A_409, %dma_wait3A_1615] : memref<16384x50xi32, #tpu.memory_space<hbm>> -> memref<32x50xi32, #tpu.memory_space<hbm>>
        tpu.wait_dma2 semaphore(%run_scoped3A : memref<!tpu.dma_semaphore, #tpu.memory_space<semaphore_mem>>) src(%dma_wait3A_1616 : memref<32x50xi32, #tpu.memory_space<hbm>>) dst(%arg6 : memref<32x50xi32, #tpu.memory_space<vmem>>)
        tpu.yield
      }) : () -> ()
      %dma_start3A_410 = arith.constant 0 : i32
      %dma_start3A_411 = arith.constant 0 : i32
      %dma_start3A_412 = arith.constant 0 : i32
      %dma_start3A_413 = arith.constant 0 : i32
      %dma_start3A_414 = tpu.memref_slice %arg8[%dma_start3A_411, %dma_start3A_412, %dma_start3A_413] : memref<32x50x32xf32, #tpu.memory_space<vmem>> -> memref<1x50x32xf32, #tpu.memory_space<vmem>>
      %dma_start3A_415 = tpu.memref_squeeze %dma_start3A_414 : memref<1x50x32xf32, #tpu.memory_space<vmem>> -> memref<50x32xf32, #tpu.memory_space<vmem>>
      %dma_start3A_416 = arith.constant 0 : i32
      %dma_start3A_417 = tpu.memref_slice %arg6[%dma_start3A_410, %dma_start3A_416] : memref<32x50xi32, #tpu.memory_space<vmem>> -> memref<1x50xi32, #tpu.memory_space<vmem>>
      %dma_start3A_418 = tpu.memref_squeeze %dma_start3A_417 : memref<1x50xi32, #tpu.memory_space<vmem>> -> memref<50xi32, #tpu.memory_space<vmem>>
      %dma_start3A_419 = arith.constant 0 : i32
      %dma_start3A_420 = arith.constant 0 : i32
      %dma_start3A_421 = tpu.memref_slice %arg3[%dma_start3A_419, %dma_start3A_420] : memref<1000000x32xf32, #tpu.memory_space<hbm>> -> memref<1000000x32xf32, #tpu.memory_space<hbm>>
      tpu.enqueue_indirect_dma source(%dma_start3A_421 : memref<1000000x32xf32, #tpu.memory_space<hbm>>) target(%dma_start3A_415 : memref<50x32xf32, #tpu.memory_space<vmem>>) offsets(%dma_start3A_418 : memref<50xi32, #tpu.memory_space<vmem>>) semaphore(%arg10 : memref<!tpu.dma_semaphore, #tpu.memory_space<semaphore_mem>>)
      %dma_start3A_422 = arith.constant 1 : i32
      %dma_start3A_423 = arith.constant 1 : i32
      %dma_start3A_424 = arith.constant 0 : i32
      %dma_start3A_425 = arith.constant 0 : i32
      %dma_start3A_426 = tpu.memref_slice %arg8[%dma_start3A_423, %dma_start3A_424, %dma_start3A_425] : memref<32x50x32xf32, #tpu.memory_space<vmem>> -> memref<1x50x32xf32, #tpu.memory_space<vmem>>
      %dma_start3A_427 = tpu.memref_squeeze %dma_start3A_426 : memref<1x50x32xf32, #tpu.memory_space<vmem>> -> memref<50x32xf32, #tpu.memory_space<vmem>>
      %dma_start3A_428 = arith.constant 0 : i32
      %dma_start3A_429 = tpu.memref_slice %arg6[%dma_start3A_422, %dma_start3A_428] : memref<32x50xi32, #tpu.memory_space<vmem>> -> memref<1x50xi32, #tpu.memory_space<vmem>>
      %dma_start3A_430 = tpu.memref_squeeze %dma_start3A_429 : memref<1x50xi32, #tpu.memory_space<vmem>> -> memref<50xi32, #tpu.memory_space<vmem>>
      %dma_start3A_431 = arith.constant 0 : i32
      %dma_start3A_432 = arith.constant 0 : i32
      %dma_start3A_433 = tpu.memref_slice %arg3[%dma_start3A_431, %dma_start3A_432] : memref<1000000x32xf32, #tpu.memory_space<hbm>> -> memref<1000000x32xf32, #tpu.memory_space<hbm>>
      tpu.enqueue_indirect_dma source(%dma_start3A_433 : memref<1000000x32xf32, #tpu.memory_space<hbm>>) target(%dma_start3A_427 : memref<50x32xf32, #tpu.memory_space<vmem>>) offsets(%dma_start3A_430 : memref<50xi32, #tpu.memory_space<vmem>>) semaphore(%arg10 : memref<!tpu.dma_semaphore, #tpu.memory_space<semaphore_mem>>)
      %dma_start3A_434 = arith.constant 2 : i32
      %dma_start3A_435 = arith.constant 2 : i32
      %dma_start3A_436 = arith.constant 0 : i32
      %dma_start3A_437 = arith.constant 0 : i32
      %dma_start3A_438 = tpu.memref_slice %arg8[%dma_start3A_435, %dma_start3A_436, %dma_start3A_437] : memref<32x50x32xf32, #tpu.memory_space<vmem>> -> memref<1x50x32xf32, #tpu.memory_space<vmem>>
      %dma_start3A_439 = tpu.memref_squeeze %dma_start3A_438 : memref<1x50x32xf32, #tpu.memory_space<vmem>> -> memref<50x32xf32, #tpu.memory_space<vmem>>
      %dma_start3A_440 = arith.constant 0 : i32
      %dma_start3A_441 = tpu.memref_slice %arg6[%dma_start3A_434, %dma_start3A_440] : memref<32x50xi32, #tpu.memory_space<vmem>> -> memref<1x50xi32, #tpu.memory_space<vmem>>
      %dma_start3A_442 = tpu.memref_squeeze %dma_start3A_441 : memref<1x50xi32, #tpu.memory_space<vmem>> -> memref<50xi32, #tpu.memory_space<vmem>>
      %dma_start3A_443 = arith.constant 0 : i32
      %dma_start3A_444 = arith.constant 0 : i32
      %dma_start3A_445 = tpu.memref_slice %arg3[%dma_start3A_443, %dma_start3A_444] : memref<1000000x32xf32, #tpu.memory_space<hbm>> -> memref<1000000x32xf32, #tpu.memory_space<hbm>>
      tpu.enqueue_indirect_dma source(%dma_start3A_445 : memref<1000000x32xf32, #tpu.memory_space<hbm>>) target(%dma_start3A_439 : memref<50x32xf32, #tpu.memory_space<vmem>>) offsets(%dma_start3A_442 : memref<50xi32, #tpu.memory_space<vmem>>) semaphore(%arg10 : memref<!tpu.dma_semaphore, #tpu.memory_space<semaphore_mem>>)
      %dma_start3A_446 = arith.constant 3 : i32
      %dma_start3A_447 = arith.constant 3 : i32
      %dma_start3A_448 = arith.constant 0 : i32
      %dma_start3A_449 = arith.constant 0 : i32
      %dma_start3A_450 = tpu.memref_slice %arg8[%dma_start3A_447, %dma_start3A_448, %dma_start3A_449] : memref<32x50x32xf32, #tpu.memory_space<vmem>> -> memref<1x50x32xf32, #tpu.memory_space<vmem>>
      %dma_start3A_451 = tpu.memref_squeeze %dma_start3A_450 : memref<1x50x32xf32, #tpu.memory_space<vmem>> -> memref<50x32xf32, #tpu.memory_space<vmem>>
      %dma_start3A_452 = arith.constant 0 : i32
      %dma_start3A_453 = tpu.memref_slice %arg6[%dma_start3A_446, %dma_start3A_452] : memref<32x50xi32, #tpu.memory_space<vmem>> -> memref<1x50xi32, #tpu.memory_space<vmem>>
      %dma_start3A_454 = tpu.memref_squeeze %dma_start3A_453 : memref<1x50xi32, #tpu.memory_space<vmem>> -> memref<50xi32, #tpu.memory_space<vmem>>
      %dma_start3A_455 = arith.constant 0 : i32
      %dma_start3A_456 = arith.constant 0 : i32
      %dma_start3A_457 = tpu.memref_slice %arg3[%dma_start3A_455, %dma_start3A_456] : memref<1000000x32xf32, #tpu.memory_space<hbm>> -> memref<1000000x32xf32, #tpu.memory_space<hbm>>
      tpu.enqueue_indirect_dma source(%dma_start3A_457 : memref<1000000x32xf32, #tpu.memory_space<hbm>>) target(%dma_start3A_451 : memref<50x32xf32, #tpu.memory_space<vmem>>) offsets(%dma_start3A_454 : memref<50xi32, #tpu.memory_space<vmem>>) semaphore(%arg10 : memref<!tpu.dma_semaphore, #tpu.memory_space<semaphore_mem>>)
      %dma_start3A_458 = arith.constant 4 : i32
      %dma_start3A_459 = arith.constant 4 : i32
      %dma_start3A_460 = arith.constant 0 : i32
      %dma_start3A_461 = arith.constant 0 : i32
      %dma_start3A_462 = tpu.memref_slice %arg8[%dma_start3A_459, %dma_start3A_460, %dma_start3A_461] : memref<32x50x32xf32, #tpu.memory_space<vmem>> -> memref<1x50x32xf32, #tpu.memory_space<vmem>>
      %dma_start3A_463 = tpu.memref_squeeze %dma_start3A_462 : memref<1x50x32xf32, #tpu.memory_space<vmem>> -> memref<50x32xf32, #tpu.memory_space<vmem>>
      %dma_start3A_464 = arith.constant 0 : i32
      %dma_start3A_465 = tpu.memref_slice %arg6[%dma_start3A_458, %dma_start3A_464] : memref<32x50xi32, #tpu.memory_space<vmem>> -> memref<1x50xi32, #tpu.memory_space<vmem>>
      %dma_start3A_466 = tpu.memref_squeeze %dma_start3A_465 : memref<1x50xi32, #tpu.memory_space<vmem>> -> memref<50xi32, #tpu.memory_space<vmem>>
      %dma_start3A_467 = arith.constant 0 : i32
      %dma_start3A_468 = arith.constant 0 : i32
      %dma_start3A_469 = tpu.memref_slice %arg3[%dma_start3A_467, %dma_start3A_468] : memref<1000000x32xf32, #tpu.memory_space<hbm>> -> memref<1000000x32xf32, #tpu.memory_space<hbm>>
      tpu.enqueue_indirect_dma source(%dma_start3A_469 : memref<1000000x32xf32, #tpu.memory_space<hbm>>) target(%dma_start3A_463 : memref<50x32xf32, #tpu.memory_space<vmem>>) offsets(%dma_start3A_466 : memref<50xi32, #tpu.memory_space<vmem>>) semaphore(%arg10 : memref<!tpu.dma_semaphore, #tpu.memory_space<semaphore_mem>>)
      %dma_start3A_470 = arith.constant 5 : i32
      %dma_start3A_471 = arith.constant 5 : i32
      %dma_start3A_472 = arith.constant 0 : i32
      %dma_start3A_473 = arith.constant 0 : i32
      %dma_start3A_474 = tpu.memref_slice %arg8[%dma_start3A_471, %dma_start3A_472, %dma_start3A_473] : memref<32x50x32xf32, #tpu.memory_space<vmem>> -> memref<1x50x32xf32, #tpu.memory_space<vmem>>
      %dma_start3A_475 = tpu.memref_squeeze %dma_start3A_474 : memref<1x50x32xf32, #tpu.memory_space<vmem>> -> memref<50x32xf32, #tpu.memory_space<vmem>>
      %dma_start3A_476 = arith.constant 0 : i32
      %dma_start3A_477 = tpu.memref_slice %arg6[%dma_start3A_470, %dma_start3A_476] : memref<32x50xi32, #tpu.memory_space<vmem>> -> memref<1x50xi32, #tpu.memory_space<vmem>>
      %dma_start3A_478 = tpu.memref_squeeze %dma_start3A_477 : memref<1x50xi32, #tpu.memory_space<vmem>> -> memref<50xi32, #tpu.memory_space<vmem>>
      %dma_start3A_479 = arith.constant 0 : i32
      %dma_start3A_480 = arith.constant 0 : i32
      %dma_start3A_481 = tpu.memref_slice %arg3[%dma_start3A_479, %dma_start3A_480] : memref<1000000x32xf32, #tpu.memory_space<hbm>> -> memref<1000000x32xf32, #tpu.memory_space<hbm>>
      tpu.enqueue_indirect_dma source(%dma_start3A_481 : memref<1000000x32xf32, #tpu.memory_space<hbm>>) target(%dma_start3A_475 : memref<50x32xf32, #tpu.memory_space<vmem>>) offsets(%dma_start3A_478 : memref<50xi32, #tpu.memory_space<vmem>>) semaphore(%arg10 : memref<!tpu.dma_semaphore, #tpu.memory_space<semaphore_mem>>)
      %dma_start3A_482 = arith.constant 6 : i32
      %dma_start3A_483 = arith.constant 6 : i32
      %dma_start3A_484 = arith.constant 0 : i32
      %dma_start3A_485 = arith.constant 0 : i32
      %dma_start3A_486 = tpu.memref_slice %arg8[%dma_start3A_483, %dma_start3A_484, %dma_start3A_485] : memref<32x50x32xf32, #tpu.memory_space<vmem>> -> memref<1x50x32xf32, #tpu.memory_space<vmem>>
      %dma_start3A_487 = tpu.memref_squeeze %dma_start3A_486 : memref<1x50x32xf32, #tpu.memory_space<vmem>> -> memref<50x32xf32, #tpu.memory_space<vmem>>
      %dma_start3A_488 = arith.constant 0 : i32
      %dma_start3A_489 = tpu.memref_slice %arg6[%dma_start3A_482, %dma_start3A_488] : memref<32x50xi32, #tpu.memory_space<vmem>> -> memref<1x50xi32, #tpu.memory_space<vmem>>
      %dma_start3A_490 = tpu.memref_squeeze %dma_start3A_489 : memref<1x50xi32, #tpu.memory_space<vmem>> -> memref<50xi32, #tpu.memory_space<vmem>>
      %dma_start3A_491 = arith.constant 0 : i32
      %dma_start3A_492 = arith.constant 0 : i32
      %dma_start3A_493 = tpu.memref_slice %arg3[%dma_start3A_491, %dma_start3A_492] : memref<1000000x32xf32, #tpu.memory_space<hbm>> -> memref<1000000x32xf32, #tpu.memory_space<hbm>>
      tpu.enqueue_indirect_dma source(%dma_start3A_493 : memref<1000000x32xf32, #tpu.memory_space<hbm>>) target(%dma_start3A_487 : memref<50x32xf32, #tpu.memory_space<vmem>>) offsets(%dma_start3A_490 : memref<50xi32, #tpu.memory_space<vmem>>) semaphore(%arg10 : memref<!tpu.dma_semaphore, #tpu.memory_space<semaphore_mem>>)
      %dma_start3A_494 = arith.constant 7 : i32
      %dma_start3A_495 = arith.constant 7 : i32
      %dma_start3A_496 = arith.constant 0 : i32
      %dma_start3A_497 = arith.constant 0 : i32
      %dma_start3A_498 = tpu.memref_slice %arg8[%dma_start3A_495, %dma_start3A_496, %dma_start3A_497] : memref<32x50x32xf32, #tpu.memory_space<vmem>> -> memref<1x50x32xf32, #tpu.memory_space<vmem>>
      %dma_start3A_499 = tpu.memref_squeeze %dma_start3A_498 : memref<1x50x32xf32, #tpu.memory_space<vmem>> -> memref<50x32xf32, #tpu.memory_space<vmem>>
      %dma_start3A_500 = arith.constant 0 : i32
      %dma_start3A_501 = tpu.memref_slice %arg6[%dma_start3A_494, %dma_start3A_500] : memref<32x50xi32, #tpu.memory_space<vmem>> -> memref<1x50xi32, #tpu.memory_space<vmem>>
      %dma_start3A_502 = tpu.memref_squeeze %dma_start3A_501 : memref<1x50xi32, #tpu.memory_space<vmem>> -> memref<50xi32, #tpu.memory_space<vmem>>
      %dma_start3A_503 = arith.constant 0 : i32
      %dma_start3A_504 = arith.constant 0 : i32
      %dma_start3A_505 = tpu.memref_slice %arg3[%dma_start3A_503, %dma_start3A_504] : memref<1000000x32xf32, #tpu.memory_space<hbm>> -> memref<1000000x32xf32, #tpu.memory_space<hbm>>
      tpu.enqueue_indirect_dma source(%dma_start3A_505 : memref<1000000x32xf32, #tpu.memory_space<hbm>>) target(%dma_start3A_499 : memref<50x32xf32, #tpu.memory_space<vmem>>) offsets(%dma_start3A_502 : memref<50xi32, #tpu.memory_space<vmem>>) semaphore(%arg10 : memref<!tpu.dma_semaphore, #tpu.memory_space<semaphore_mem>>)
      %dma_start3A_506 = arith.constant 8 : i32
      %dma_start3A_507 = arith.constant 8 : i32
      %dma_start3A_508 = arith.constant 0 : i32
      %dma_start3A_509 = arith.constant 0 : i32
      %dma_start3A_510 = tpu.memref_slice %arg8[%dma_start3A_507, %dma_start3A_508, %dma_start3A_509] : memref<32x50x32xf32, #tpu.memory_space<vmem>> -> memref<1x50x32xf32, #tpu.memory_space<vmem>>
      %dma_start3A_511 = tpu.memref_squeeze %dma_start3A_510 : memref<1x50x32xf32, #tpu.memory_space<vmem>> -> memref<50x32xf32, #tpu.memory_space<vmem>>
      %dma_start3A_512 = arith.constant 0 : i32
      %dma_start3A_513 = tpu.memref_slice %arg6[%dma_start3A_506, %dma_start3A_512] : memref<32x50xi32, #tpu.memory_space<vmem>> -> memref<1x50xi32, #tpu.memory_space<vmem>>
      %dma_start3A_514 = tpu.memref_squeeze %dma_start3A_513 : memref<1x50xi32, #tpu.memory_space<vmem>> -> memref<50xi32, #tpu.memory_space<vmem>>
      %dma_start3A_515 = arith.constant 0 : i32
      %dma_start3A_516 = arith.constant 0 : i32
      %dma_start3A_517 = tpu.memref_slice %arg3[%dma_start3A_515, %dma_start3A_516] : memref<1000000x32xf32, #tpu.memory_space<hbm>> -> memref<1000000x32xf32, #tpu.memory_space<hbm>>
      tpu.enqueue_indirect_dma source(%dma_start3A_517 : memref<1000000x32xf32, #tpu.memory_space<hbm>>) target(%dma_start3A_511 : memref<50x32xf32, #tpu.memory_space<vmem>>) offsets(%dma_start3A_514 : memref<50xi32, #tpu.memory_space<vmem>>) semaphore(%arg10 : memref<!tpu.dma_semaphore, #tpu.memory_space<semaphore_mem>>)
      %dma_start3A_518 = arith.constant 9 : i32
      %dma_start3A_519 = arith.constant 9 : i32
      %dma_start3A_520 = arith.constant 0 : i32
      %dma_start3A_521 = arith.constant 0 : i32
      %dma_start3A_522 = tpu.memref_slice %arg8[%dma_start3A_519, %dma_start3A_520, %dma_start3A_521] : memref<32x50x32xf32, #tpu.memory_space<vmem>> -> memref<1x50x32xf32, #tpu.memory_space<vmem>>
      %dma_start3A_523 = tpu.memref_squeeze %dma_start3A_522 : memref<1x50x32xf32, #tpu.memory_space<vmem>> -> memref<50x32xf32, #tpu.memory_space<vmem>>
      %dma_start3A_524 = arith.constant 0 : i32
      %dma_start3A_525 = tpu.memref_slice %arg6[%dma_start3A_518, %dma_start3A_524] : memref<32x50xi32, #tpu.memory_space<vmem>> -> memref<1x50xi32, #tpu.memory_space<vmem>>
      %dma_start3A_526 = tpu.memref_squeeze %dma_start3A_525 : memref<1x50xi32, #tpu.memory_space<vmem>> -> memref<50xi32, #tpu.memory_space<vmem>>
      %dma_start3A_527 = arith.constant 0 : i32
      %dma_start3A_528 = arith.constant 0 : i32
      %dma_start3A_529 = tpu.memref_slice %arg3[%dma_start3A_527, %dma_start3A_528] : memref<1000000x32xf32, #tpu.memory_space<hbm>> -> memref<1000000x32xf32, #tpu.memory_space<hbm>>
      tpu.enqueue_indirect_dma source(%dma_start3A_529 : memref<1000000x32xf32, #tpu.memory_space<hbm>>) target(%dma_start3A_523 : memref<50x32xf32, #tpu.memory_space<vmem>>) offsets(%dma_start3A_526 : memref<50xi32, #tpu.memory_space<vmem>>) semaphore(%arg10 : memref<!tpu.dma_semaphore, #tpu.memory_space<semaphore_mem>>)
      %dma_start3A_530 = arith.constant 10 : i32
      %dma_start3A_531 = arith.constant 10 : i32
      %dma_start3A_532 = arith.constant 0 : i32
      %dma_start3A_533 = arith.constant 0 : i32
      %dma_start3A_534 = tpu.memref_slice %arg8[%dma_start3A_531, %dma_start3A_532, %dma_start3A_533] : memref<32x50x32xf32, #tpu.memory_space<vmem>> -> memref<1x50x32xf32, #tpu.memory_space<vmem>>
      %dma_start3A_535 = tpu.memref_squeeze %dma_start3A_534 : memref<1x50x32xf32, #tpu.memory_space<vmem>> -> memref<50x32xf32, #tpu.memory_space<vmem>>
      %dma_start3A_536 = arith.constant 0 : i32
      %dma_start3A_537 = tpu.memref_slice %arg6[%dma_start3A_530, %dma_start3A_536] : memref<32x50xi32, #tpu.memory_space<vmem>> -> memref<1x50xi32, #tpu.memory_space<vmem>>
      %dma_start3A_538 = tpu.memref_squeeze %dma_start3A_537 : memref<1x50xi32, #tpu.memory_space<vmem>> -> memref<50xi32, #tpu.memory_space<vmem>>
      %dma_start3A_539 = arith.constant 0 : i32
      %dma_start3A_540 = arith.constant 0 : i32
      %dma_start3A_541 = tpu.memref_slice %arg3[%dma_start3A_539, %dma_start3A_540] : memref<1000000x32xf32, #tpu.memory_space<hbm>> -> memref<1000000x32xf32, #tpu.memory_space<hbm>>
      tpu.enqueue_indirect_dma source(%dma_start3A_541 : memref<1000000x32xf32, #tpu.memory_space<hbm>>) target(%dma_start3A_535 : memref<50x32xf32, #tpu.memory_space<vmem>>) offsets(%dma_start3A_538 : memref<50xi32, #tpu.memory_space<vmem>>) semaphore(%arg10 : memref<!tpu.dma_semaphore, #tpu.memory_space<semaphore_mem>>)
      %dma_start3A_542 = arith.constant 11 : i32
      %dma_start3A_543 = arith.constant 11 : i32
      %dma_start3A_544 = arith.constant 0 : i32
      %dma_start3A_545 = arith.constant 0 : i32
      %dma_start3A_546 = tpu.memref_slice %arg8[%dma_start3A_543, %dma_start3A_544, %dma_start3A_545] : memref<32x50x32xf32, #tpu.memory_space<vmem>> -> memref<1x50x32xf32, #tpu.memory_space<vmem>>
      %dma_start3A_547 = tpu.memref_squeeze %dma_start3A_546 : memref<1x50x32xf32, #tpu.memory_space<vmem>> -> memref<50x32xf32, #tpu.memory_space<vmem>>
      %dma_start3A_548 = arith.constant 0 : i32
      %dma_start3A_549 = tpu.memref_slice %arg6[%dma_start3A_542, %dma_start3A_548] : memref<32x50xi32, #tpu.memory_space<vmem>> -> memref<1x50xi32, #tpu.memory_space<vmem>>
      %dma_start3A_550 = tpu.memref_squeeze %dma_start3A_549 : memref<1x50xi32, #tpu.memory_space<vmem>> -> memref<50xi32, #tpu.memory_space<vmem>>
      %dma_start3A_551 = arith.constant 0 : i32
      %dma_start3A_552 = arith.constant 0 : i32
      %dma_start3A_553 = tpu.memref_slice %arg3[%dma_start3A_551, %dma_start3A_552] : memref<1000000x32xf32, #tpu.memory_space<hbm>> -> memref<1000000x32xf32, #tpu.memory_space<hbm>>
      tpu.enqueue_indirect_dma source(%dma_start3A_553 : memref<1000000x32xf32, #tpu.memory_space<hbm>>) target(%dma_start3A_547 : memref<50x32xf32, #tpu.memory_space<vmem>>) offsets(%dma_start3A_550 : memref<50xi32, #tpu.memory_space<vmem>>) semaphore(%arg10 : memref<!tpu.dma_semaphore, #tpu.memory_space<semaphore_mem>>)
      %dma_start3A_554 = arith.constant 12 : i32
      %dma_start3A_555 = arith.constant 12 : i32
      %dma_start3A_556 = arith.constant 0 : i32
      %dma_start3A_557 = arith.constant 0 : i32
      %dma_start3A_558 = tpu.memref_slice %arg8[%dma_start3A_555, %dma_start3A_556, %dma_start3A_557] : memref<32x50x32xf32, #tpu.memory_space<vmem>> -> memref<1x50x32xf32, #tpu.memory_space<vmem>>
      %dma_start3A_559 = tpu.memref_squeeze %dma_start3A_558 : memref<1x50x32xf32, #tpu.memory_space<vmem>> -> memref<50x32xf32, #tpu.memory_space<vmem>>
      %dma_start3A_560 = arith.constant 0 : i32
      %dma_start3A_561 = tpu.memref_slice %arg6[%dma_start3A_554, %dma_start3A_560] : memref<32x50xi32, #tpu.memory_space<vmem>> -> memref<1x50xi32, #tpu.memory_space<vmem>>
      %dma_start3A_562 = tpu.memref_squeeze %dma_start3A_561 : memref<1x50xi32, #tpu.memory_space<vmem>> -> memref<50xi32, #tpu.memory_space<vmem>>
      %dma_start3A_563 = arith.constant 0 : i32
      %dma_start3A_564 = arith.constant 0 : i32
      %dma_start3A_565 = tpu.memref_slice %arg3[%dma_start3A_563, %dma_start3A_564] : memref<1000000x32xf32, #tpu.memory_space<hbm>> -> memref<1000000x32xf32, #tpu.memory_space<hbm>>
      tpu.enqueue_indirect_dma source(%dma_start3A_565 : memref<1000000x32xf32, #tpu.memory_space<hbm>>) target(%dma_start3A_559 : memref<50x32xf32, #tpu.memory_space<vmem>>) offsets(%dma_start3A_562 : memref<50xi32, #tpu.memory_space<vmem>>) semaphore(%arg10 : memref<!tpu.dma_semaphore, #tpu.memory_space<semaphore_mem>>)
      %dma_start3A_566 = arith.constant 13 : i32
      %dma_start3A_567 = arith.constant 13 : i32
      %dma_start3A_568 = arith.constant 0 : i32
      %dma_start3A_569 = arith.constant 0 : i32
      %dma_start3A_570 = tpu.memref_slice %arg8[%dma_start3A_567, %dma_start3A_568, %dma_start3A_569] : memref<32x50x32xf32, #tpu.memory_space<vmem>> -> memref<1x50x32xf32, #tpu.memory_space<vmem>>
      %dma_start3A_571 = tpu.memref_squeeze %dma_start3A_570 : memref<1x50x32xf32, #tpu.memory_space<vmem>> -> memref<50x32xf32, #tpu.memory_space<vmem>>
      %dma_start3A_572 = arith.constant 0 : i32
      %dma_start3A_573 = tpu.memref_slice %arg6[%dma_start3A_566, %dma_start3A_572] : memref<32x50xi32, #tpu.memory_space<vmem>> -> memref<1x50xi32, #tpu.memory_space<vmem>>
      %dma_start3A_574 = tpu.memref_squeeze %dma_start3A_573 : memref<1x50xi32, #tpu.memory_space<vmem>> -> memref<50xi32, #tpu.memory_space<vmem>>
      %dma_start3A_575 = arith.constant 0 : i32
      %dma_start3A_576 = arith.constant 0 : i32
      %dma_start3A_577 = tpu.memref_slice %arg3[%dma_start3A_575, %dma_start3A_576] : memref<1000000x32xf32, #tpu.memory_space<hbm>> -> memref<1000000x32xf32, #tpu.memory_space<hbm>>
      tpu.enqueue_indirect_dma source(%dma_start3A_577 : memref<1000000x32xf32, #tpu.memory_space<hbm>>) target(%dma_start3A_571 : memref<50x32xf32, #tpu.memory_space<vmem>>) offsets(%dma_start3A_574 : memref<50xi32, #tpu.memory_space<vmem>>) semaphore(%arg10 : memref<!tpu.dma_semaphore, #tpu.memory_space<semaphore_mem>>)
      %dma_start3A_578 = arith.constant 14 : i32
      %dma_start3A_579 = arith.constant 14 : i32
      %dma_start3A_580 = arith.constant 0 : i32
      %dma_start3A_581 = arith.constant 0 : i32
      %dma_start3A_582 = tpu.memref_slice %arg8[%dma_start3A_579, %dma_start3A_580, %dma_start3A_581] : memref<32x50x32xf32, #tpu.memory_space<vmem>> -> memref<1x50x32xf32, #tpu.memory_space<vmem>>
      %dma_start3A_583 = tpu.memref_squeeze %dma_start3A_582 : memref<1x50x32xf32, #tpu.memory_space<vmem>> -> memref<50x32xf32, #tpu.memory_space<vmem>>
      %dma_start3A_584 = arith.constant 0 : i32
      %dma_start3A_585 = tpu.memref_slice %arg6[%dma_start3A_578, %dma_start3A_584] : memref<32x50xi32, #tpu.memory_space<vmem>> -> memref<1x50xi32, #tpu.memory_space<vmem>>
      %dma_start3A_586 = tpu.memref_squeeze %dma_start3A_585 : memref<1x50xi32, #tpu.memory_space<vmem>> -> memref<50xi32, #tpu.memory_space<vmem>>
      %dma_start3A_587 = arith.constant 0 : i32
      %dma_start3A_588 = arith.constant 0 : i32
      %dma_start3A_589 = tpu.memref_slice %arg3[%dma_start3A_587, %dma_start3A_588] : memref<1000000x32xf32, #tpu.memory_space<hbm>> -> memref<1000000x32xf32, #tpu.memory_space<hbm>>
      tpu.enqueue_indirect_dma source(%dma_start3A_589 : memref<1000000x32xf32, #tpu.memory_space<hbm>>) target(%dma_start3A_583 : memref<50x32xf32, #tpu.memory_space<vmem>>) offsets(%dma_start3A_586 : memref<50xi32, #tpu.memory_space<vmem>>) semaphore(%arg10 : memref<!tpu.dma_semaphore, #tpu.memory_space<semaphore_mem>>)
      %dma_start3A_590 = arith.constant 15 : i32
      %dma_start3A_591 = arith.constant 15 : i32
      %dma_start3A_592 = arith.constant 0 : i32
      %dma_start3A_593 = arith.constant 0 : i32
      %dma_start3A_594 = tpu.memref_slice %arg8[%dma_start3A_591, %dma_start3A_592, %dma_start3A_593] : memref<32x50x32xf32, #tpu.memory_space<vmem>> -> memref<1x50x32xf32, #tpu.memory_space<vmem>>
      %dma_start3A_595 = tpu.memref_squeeze %dma_start3A_594 : memref<1x50x32xf32, #tpu.memory_space<vmem>> -> memref<50x32xf32, #tpu.memory_space<vmem>>
      %dma_start3A_596 = arith.constant 0 : i32
      %dma_start3A_597 = tpu.memref_slice %arg6[%dma_start3A_590, %dma_start3A_596] : memref<32x50xi32, #tpu.memory_space<vmem>> -> memref<1x50xi32, #tpu.memory_space<vmem>>
      %dma_start3A_598 = tpu.memref_squeeze %dma_start3A_597 : memref<1x50xi32, #tpu.memory_space<vmem>> -> memref<50xi32, #tpu.memory_space<vmem>>
      %dma_start3A_599 = arith.constant 0 : i32
      %dma_start3A_600 = arith.constant 0 : i32
      %dma_start3A_601 = tpu.memref_slice %arg3[%dma_start3A_599, %dma_start3A_600] : memref<1000000x32xf32, #tpu.memory_space<hbm>> -> memref<1000000x32xf32, #tpu.memory_space<hbm>>
      tpu.enqueue_indirect_dma source(%dma_start3A_601 : memref<1000000x32xf32, #tpu.memory_space<hbm>>) target(%dma_start3A_595 : memref<50x32xf32, #tpu.memory_space<vmem>>) offsets(%dma_start3A_598 : memref<50xi32, #tpu.memory_space<vmem>>) semaphore(%arg10 : memref<!tpu.dma_semaphore, #tpu.memory_space<semaphore_mem>>)
      %dma_start3A_602 = arith.constant 16 : i32
      %dma_start3A_603 = arith.constant 16 : i32
      %dma_start3A_604 = arith.constant 0 : i32
      %dma_start3A_605 = arith.constant 0 : i32
      %dma_start3A_606 = tpu.memref_slice %arg8[%dma_start3A_603, %dma_start3A_604, %dma_start3A_605] : memref<32x50x32xf32, #tpu.memory_space<vmem>> -> memref<1x50x32xf32, #tpu.memory_space<vmem>>
      %dma_start3A_607 = tpu.memref_squeeze %dma_start3A_606 : memref<1x50x32xf32, #tpu.memory_space<vmem>> -> memref<50x32xf32, #tpu.memory_space<vmem>>
      %dma_start3A_608 = arith.constant 0 : i32
      %dma_start3A_609 = tpu.memref_slice %arg6[%dma_start3A_602, %dma_start3A_608] : memref<32x50xi32, #tpu.memory_space<vmem>> -> memref<1x50xi32, #tpu.memory_space<vmem>>
      %dma_start3A_610 = tpu.memref_squeeze %dma_start3A_609 : memref<1x50xi32, #tpu.memory_space<vmem>> -> memref<50xi32, #tpu.memory_space<vmem>>
      %dma_start3A_611 = arith.constant 0 : i32
      %dma_start3A_612 = arith.constant 0 : i32
      %dma_start3A_613 = tpu.memref_slice %arg3[%dma_start3A_611, %dma_start3A_612] : memref<1000000x32xf32, #tpu.memory_space<hbm>> -> memref<1000000x32xf32, #tpu.memory_space<hbm>>
      tpu.enqueue_indirect_dma source(%dma_start3A_613 : memref<1000000x32xf32, #tpu.memory_space<hbm>>) target(%dma_start3A_607 : memref<50x32xf32, #tpu.memory_space<vmem>>) offsets(%dma_start3A_610 : memref<50xi32, #tpu.memory_space<vmem>>) semaphore(%arg10 : memref<!tpu.dma_semaphore, #tpu.memory_space<semaphore_mem>>)
      %dma_start3A_614 = arith.constant 17 : i32
      %dma_start3A_615 = arith.constant 17 : i32
      %dma_start3A_616 = arith.constant 0 : i32
      %dma_start3A_617 = arith.constant 0 : i32
      %dma_start3A_618 = tpu.memref_slice %arg8[%dma_start3A_615, %dma_start3A_616, %dma_start3A_617] : memref<32x50x32xf32, #tpu.memory_space<vmem>> -> memref<1x50x32xf32, #tpu.memory_space<vmem>>
      %dma_start3A_619 = tpu.memref_squeeze %dma_start3A_618 : memref<1x50x32xf32, #tpu.memory_space<vmem>> -> memref<50x32xf32, #tpu.memory_space<vmem>>
      %dma_start3A_620 = arith.constant 0 : i32
      %dma_start3A_621 = tpu.memref_slice %arg6[%dma_start3A_614, %dma_start3A_620] : memref<32x50xi32, #tpu.memory_space<vmem>> -> memref<1x50xi32, #tpu.memory_space<vmem>>
      %dma_start3A_622 = tpu.memref_squeeze %dma_start3A_621 : memref<1x50xi32, #tpu.memory_space<vmem>> -> memref<50xi32, #tpu.memory_space<vmem>>
      %dma_start3A_623 = arith.constant 0 : i32
      %dma_start3A_624 = arith.constant 0 : i32
      %dma_start3A_625 = tpu.memref_slice %arg3[%dma_start3A_623, %dma_start3A_624] : memref<1000000x32xf32, #tpu.memory_space<hbm>> -> memref<1000000x32xf32, #tpu.memory_space<hbm>>
      tpu.enqueue_indirect_dma source(%dma_start3A_625 : memref<1000000x32xf32, #tpu.memory_space<hbm>>) target(%dma_start3A_619 : memref<50x32xf32, #tpu.memory_space<vmem>>) offsets(%dma_start3A_622 : memref<50xi32, #tpu.memory_space<vmem>>) semaphore(%arg10 : memref<!tpu.dma_semaphore, #tpu.memory_space<semaphore_mem>>)
      %dma_start3A_626 = arith.constant 18 : i32
      %dma_start3A_627 = arith.constant 18 : i32
      %dma_start3A_628 = arith.constant 0 : i32
      %dma_start3A_629 = arith.constant 0 : i32
      %dma_start3A_630 = tpu.memref_slice %arg8[%dma_start3A_627, %dma_start3A_628, %dma_start3A_629] : memref<32x50x32xf32, #tpu.memory_space<vmem>> -> memref<1x50x32xf32, #tpu.memory_space<vmem>>
      %dma_start3A_631 = tpu.memref_squeeze %dma_start3A_630 : memref<1x50x32xf32, #tpu.memory_space<vmem>> -> memref<50x32xf32, #tpu.memory_space<vmem>>
      %dma_start3A_632 = arith.constant 0 : i32
      %dma_start3A_633 = tpu.memref_slice %arg6[%dma_start3A_626, %dma_start3A_632] : memref<32x50xi32, #tpu.memory_space<vmem>> -> memref<1x50xi32, #tpu.memory_space<vmem>>
      %dma_start3A_634 = tpu.memref_squeeze %dma_start3A_633 : memref<1x50xi32, #tpu.memory_space<vmem>> -> memref<50xi32, #tpu.memory_space<vmem>>
      %dma_start3A_635 = arith.constant 0 : i32
      %dma_start3A_636 = arith.constant 0 : i32
      %dma_start3A_637 = tpu.memref_slice %arg3[%dma_start3A_635, %dma_start3A_636] : memref<1000000x32xf32, #tpu.memory_space<hbm>> -> memref<1000000x32xf32, #tpu.memory_space<hbm>>
      tpu.enqueue_indirect_dma source(%dma_start3A_637 : memref<1000000x32xf32, #tpu.memory_space<hbm>>) target(%dma_start3A_631 : memref<50x32xf32, #tpu.memory_space<vmem>>) offsets(%dma_start3A_634 : memref<50xi32, #tpu.memory_space<vmem>>) semaphore(%arg10 : memref<!tpu.dma_semaphore, #tpu.memory_space<semaphore_mem>>)
      %dma_start3A_638 = arith.constant 19 : i32
      %dma_start3A_639 = arith.constant 19 : i32
      %dma_start3A_640 = arith.constant 0 : i32
      %dma_start3A_641 = arith.constant 0 : i32
      %dma_start3A_642 = tpu.memref_slice %arg8[%dma_start3A_639, %dma_start3A_640, %dma_start3A_641] : memref<32x50x32xf32, #tpu.memory_space<vmem>> -> memref<1x50x32xf32, #tpu.memory_space<vmem>>
      %dma_start3A_643 = tpu.memref_squeeze %dma_start3A_642 : memref<1x50x32xf32, #tpu.memory_space<vmem>> -> memref<50x32xf32, #tpu.memory_space<vmem>>
      %dma_start3A_644 = arith.constant 0 : i32
      %dma_start3A_645 = tpu.memref_slice %arg6[%dma_start3A_638, %dma_start3A_644] : memref<32x50xi32, #tpu.memory_space<vmem>> -> memref<1x50xi32, #tpu.memory_space<vmem>>
      %dma_start3A_646 = tpu.memref_squeeze %dma_start3A_645 : memref<1x50xi32, #tpu.memory_space<vmem>> -> memref<50xi32, #tpu.memory_space<vmem>>
      %dma_start3A_647 = arith.constant 0 : i32
      %dma_start3A_648 = arith.constant 0 : i32
      %dma_start3A_649 = tpu.memref_slice %arg3[%dma_start3A_647, %dma_start3A_648] : memref<1000000x32xf32, #tpu.memory_space<hbm>> -> memref<1000000x32xf32, #tpu.memory_space<hbm>>
      tpu.enqueue_indirect_dma source(%dma_start3A_649 : memref<1000000x32xf32, #tpu.memory_space<hbm>>) target(%dma_start3A_643 : memref<50x32xf32, #tpu.memory_space<vmem>>) offsets(%dma_start3A_646 : memref<50xi32, #tpu.memory_space<vmem>>) semaphore(%arg10 : memref<!tpu.dma_semaphore, #tpu.memory_space<semaphore_mem>>)
      %dma_start3A_650 = arith.constant 20 : i32
      %dma_start3A_651 = arith.constant 20 : i32
      %dma_start3A_652 = arith.constant 0 : i32
      %dma_start3A_653 = arith.constant 0 : i32
      %dma_start3A_654 = tpu.memref_slice %arg8[%dma_start3A_651, %dma_start3A_652, %dma_start3A_653] : memref<32x50x32xf32, #tpu.memory_space<vmem>> -> memref<1x50x32xf32, #tpu.memory_space<vmem>>
      %dma_start3A_655 = tpu.memref_squeeze %dma_start3A_654 : memref<1x50x32xf32, #tpu.memory_space<vmem>> -> memref<50x32xf32, #tpu.memory_space<vmem>>
      %dma_start3A_656 = arith.constant 0 : i32
      %dma_start3A_657 = tpu.memref_slice %arg6[%dma_start3A_650, %dma_start3A_656] : memref<32x50xi32, #tpu.memory_space<vmem>> -> memref<1x50xi32, #tpu.memory_space<vmem>>
      %dma_start3A_658 = tpu.memref_squeeze %dma_start3A_657 : memref<1x50xi32, #tpu.memory_space<vmem>> -> memref<50xi32, #tpu.memory_space<vmem>>
      %dma_start3A_659 = arith.constant 0 : i32
      %dma_start3A_660 = arith.constant 0 : i32
      %dma_start3A_661 = tpu.memref_slice %arg3[%dma_start3A_659, %dma_start3A_660] : memref<1000000x32xf32, #tpu.memory_space<hbm>> -> memref<1000000x32xf32, #tpu.memory_space<hbm>>
      tpu.enqueue_indirect_dma source(%dma_start3A_661 : memref<1000000x32xf32, #tpu.memory_space<hbm>>) target(%dma_start3A_655 : memref<50x32xf32, #tpu.memory_space<vmem>>) offsets(%dma_start3A_658 : memref<50xi32, #tpu.memory_space<vmem>>) semaphore(%arg10 : memref<!tpu.dma_semaphore, #tpu.memory_space<semaphore_mem>>)
      %dma_start3A_662 = arith.constant 21 : i32
      %dma_start3A_663 = arith.constant 21 : i32
      %dma_start3A_664 = arith.constant 0 : i32
      %dma_start3A_665 = arith.constant 0 : i32
      %dma_start3A_666 = tpu.memref_slice %arg8[%dma_start3A_663, %dma_start3A_664, %dma_start3A_665] : memref<32x50x32xf32, #tpu.memory_space<vmem>> -> memref<1x50x32xf32, #tpu.memory_space<vmem>>
      %dma_start3A_667 = tpu.memref_squeeze %dma_start3A_666 : memref<1x50x32xf32, #tpu.memory_space<vmem>> -> memref<50x32xf32, #tpu.memory_space<vmem>>
      %dma_start3A_668 = arith.constant 0 : i32
      %dma_start3A_669 = tpu.memref_slice %arg6[%dma_start3A_662, %dma_start3A_668] : memref<32x50xi32, #tpu.memory_space<vmem>> -> memref<1x50xi32, #tpu.memory_space<vmem>>
      %dma_start3A_670 = tpu.memref_squeeze %dma_start3A_669 : memref<1x50xi32, #tpu.memory_space<vmem>> -> memref<50xi32, #tpu.memory_space<vmem>>
      %dma_start3A_671 = arith.constant 0 : i32
      %dma_start3A_672 = arith.constant 0 : i32
      %dma_start3A_673 = tpu.memref_slice %arg3[%dma_start3A_671, %dma_start3A_672] : memref<1000000x32xf32, #tpu.memory_space<hbm>> -> memref<1000000x32xf32, #tpu.memory_space<hbm>>
      tpu.enqueue_indirect_dma source(%dma_start3A_673 : memref<1000000x32xf32, #tpu.memory_space<hbm>>) target(%dma_start3A_667 : memref<50x32xf32, #tpu.memory_space<vmem>>) offsets(%dma_start3A_670 : memref<50xi32, #tpu.memory_space<vmem>>) semaphore(%arg10 : memref<!tpu.dma_semaphore, #tpu.memory_space<semaphore_mem>>)
      %dma_start3A_674 = arith.constant 22 : i32
      %dma_start3A_675 = arith.constant 22 : i32
      %dma_start3A_676 = arith.constant 0 : i32
      %dma_start3A_677 = arith.constant 0 : i32
      %dma_start3A_678 = tpu.memref_slice %arg8[%dma_start3A_675, %dma_start3A_676, %dma_start3A_677] : memref<32x50x32xf32, #tpu.memory_space<vmem>> -> memref<1x50x32xf32, #tpu.memory_space<vmem>>
      %dma_start3A_679 = tpu.memref_squeeze %dma_start3A_678 : memref<1x50x32xf32, #tpu.memory_space<vmem>> -> memref<50x32xf32, #tpu.memory_space<vmem>>
      %dma_start3A_680 = arith.constant 0 : i32
      %dma_start3A_681 = tpu.memref_slice %arg6[%dma_start3A_674, %dma_start3A_680] : memref<32x50xi32, #tpu.memory_space<vmem>> -> memref<1x50xi32, #tpu.memory_space<vmem>>
      %dma_start3A_682 = tpu.memref_squeeze %dma_start3A_681 : memref<1x50xi32, #tpu.memory_space<vmem>> -> memref<50xi32, #tpu.memory_space<vmem>>
      %dma_start3A_683 = arith.constant 0 : i32
      %dma_start3A_684 = arith.constant 0 : i32
      %dma_start3A_685 = tpu.memref_slice %arg3[%dma_start3A_683, %dma_start3A_684] : memref<1000000x32xf32, #tpu.memory_space<hbm>> -> memref<1000000x32xf32, #tpu.memory_space<hbm>>
      tpu.enqueue_indirect_dma source(%dma_start3A_685 : memref<1000000x32xf32, #tpu.memory_space<hbm>>) target(%dma_start3A_679 : memref<50x32xf32, #tpu.memory_space<vmem>>) offsets(%dma_start3A_682 : memref<50xi32, #tpu.memory_space<vmem>>) semaphore(%arg10 : memref<!tpu.dma_semaphore, #tpu.memory_space<semaphore_mem>>)
      %dma_start3A_686 = arith.constant 23 : i32
      %dma_start3A_687 = arith.constant 23 : i32
      %dma_start3A_688 = arith.constant 0 : i32
      %dma_start3A_689 = arith.constant 0 : i32
      %dma_start3A_690 = tpu.memref_slice %arg8[%dma_start3A_687, %dma_start3A_688, %dma_start3A_689] : memref<32x50x32xf32, #tpu.memory_space<vmem>> -> memref<1x50x32xf32, #tpu.memory_space<vmem>>
      %dma_start3A_691 = tpu.memref_squeeze %dma_start3A_690 : memref<1x50x32xf32, #tpu.memory_space<vmem>> -> memref<50x32xf32, #tpu.memory_space<vmem>>
      %dma_start3A_692 = arith.constant 0 : i32
      %dma_start3A_693 = tpu.memref_slice %arg6[%dma_start3A_686, %dma_start3A_692] : memref<32x50xi32, #tpu.memory_space<vmem>> -> memref<1x50xi32, #tpu.memory_space<vmem>>
      %dma_start3A_694 = tpu.memref_squeeze %dma_start3A_693 : memref<1x50xi32, #tpu.memory_space<vmem>> -> memref<50xi32, #tpu.memory_space<vmem>>
      %dma_start3A_695 = arith.constant 0 : i32
      %dma_start3A_696 = arith.constant 0 : i32
      %dma_start3A_697 = tpu.memref_slice %arg3[%dma_start3A_695, %dma_start3A_696] : memref<1000000x32xf32, #tpu.memory_space<hbm>> -> memref<1000000x32xf32, #tpu.memory_space<hbm>>
      tpu.enqueue_indirect_dma source(%dma_start3A_697 : memref<1000000x32xf32, #tpu.memory_space<hbm>>) target(%dma_start3A_691 : memref<50x32xf32, #tpu.memory_space<vmem>>) offsets(%dma_start3A_694 : memref<50xi32, #tpu.memory_space<vmem>>) semaphore(%arg10 : memref<!tpu.dma_semaphore, #tpu.memory_space<semaphore_mem>>)
      %dma_start3A_698 = arith.constant 24 : i32
      %dma_start3A_699 = arith.constant 24 : i32
      %dma_start3A_700 = arith.constant 0 : i32
      %dma_start3A_701 = arith.constant 0 : i32
      %dma_start3A_702 = tpu.memref_slice %arg8[%dma_start3A_699, %dma_start3A_700, %dma_start3A_701] : memref<32x50x32xf32, #tpu.memory_space<vmem>> -> memref<1x50x32xf32, #tpu.memory_space<vmem>>
      %dma_start3A_703 = tpu.memref_squeeze %dma_start3A_702 : memref<1x50x32xf32, #tpu.memory_space<vmem>> -> memref<50x32xf32, #tpu.memory_space<vmem>>
      %dma_start3A_704 = arith.constant 0 : i32
      %dma_start3A_705 = tpu.memref_slice %arg6[%dma_start3A_698, %dma_start3A_704] : memref<32x50xi32, #tpu.memory_space<vmem>> -> memref<1x50xi32, #tpu.memory_space<vmem>>
      %dma_start3A_706 = tpu.memref_squeeze %dma_start3A_705 : memref<1x50xi32, #tpu.memory_space<vmem>> -> memref<50xi32, #tpu.memory_space<vmem>>
      %dma_start3A_707 = arith.constant 0 : i32
      %dma_start3A_708 = arith.constant 0 : i32
      %dma_start3A_709 = tpu.memref_slice %arg3[%dma_start3A_707, %dma_start3A_708] : memref<1000000x32xf32, #tpu.memory_space<hbm>> -> memref<1000000x32xf32, #tpu.memory_space<hbm>>
      tpu.enqueue_indirect_dma source(%dma_start3A_709 : memref<1000000x32xf32, #tpu.memory_space<hbm>>) target(%dma_start3A_703 : memref<50x32xf32, #tpu.memory_space<vmem>>) offsets(%dma_start3A_706 : memref<50xi32, #tpu.memory_space<vmem>>) semaphore(%arg10 : memref<!tpu.dma_semaphore, #tpu.memory_space<semaphore_mem>>)
      %dma_start3A_710 = arith.constant 25 : i32
      %dma_start3A_711 = arith.constant 25 : i32
      %dma_start3A_712 = arith.constant 0 : i32
      %dma_start3A_713 = arith.constant 0 : i32
      %dma_start3A_714 = tpu.memref_slice %arg8[%dma_start3A_711, %dma_start3A_712, %dma_start3A_713] : memref<32x50x32xf32, #tpu.memory_space<vmem>> -> memref<1x50x32xf32, #tpu.memory_space<vmem>>
      %dma_start3A_715 = tpu.memref_squeeze %dma_start3A_714 : memref<1x50x32xf32, #tpu.memory_space<vmem>> -> memref<50x32xf32, #tpu.memory_space<vmem>>
      %dma_start3A_716 = arith.constant 0 : i32
      %dma_start3A_717 = tpu.memref_slice %arg6[%dma_start3A_710, %dma_start3A_716] : memref<32x50xi32, #tpu.memory_space<vmem>> -> memref<1x50xi32, #tpu.memory_space<vmem>>
      %dma_start3A_718 = tpu.memref_squeeze %dma_start3A_717 : memref<1x50xi32, #tpu.memory_space<vmem>> -> memref<50xi32, #tpu.memory_space<vmem>>
      %dma_start3A_719 = arith.constant 0 : i32
      %dma_start3A_720 = arith.constant 0 : i32
      %dma_start3A_721 = tpu.memref_slice %arg3[%dma_start3A_719, %dma_start3A_720] : memref<1000000x32xf32, #tpu.memory_space<hbm>> -> memref<1000000x32xf32, #tpu.memory_space<hbm>>
      tpu.enqueue_indirect_dma source(%dma_start3A_721 : memref<1000000x32xf32, #tpu.memory_space<hbm>>) target(%dma_start3A_715 : memref<50x32xf32, #tpu.memory_space<vmem>>) offsets(%dma_start3A_718 : memref<50xi32, #tpu.memory_space<vmem>>) semaphore(%arg10 : memref<!tpu.dma_semaphore, #tpu.memory_space<semaphore_mem>>)
      %dma_start3A_722 = arith.constant 26 : i32
      %dma_start3A_723 = arith.constant 26 : i32
      %dma_start3A_724 = arith.constant 0 : i32
      %dma_start3A_725 = arith.constant 0 : i32
      %dma_start3A_726 = tpu.memref_slice %arg8[%dma_start3A_723, %dma_start3A_724, %dma_start3A_725] : memref<32x50x32xf32, #tpu.memory_space<vmem>> -> memref<1x50x32xf32, #tpu.memory_space<vmem>>
      %dma_start3A_727 = tpu.memref_squeeze %dma_start3A_726 : memref<1x50x32xf32, #tpu.memory_space<vmem>> -> memref<50x32xf32, #tpu.memory_space<vmem>>
      %dma_start3A_728 = arith.constant 0 : i32
      %dma_start3A_729 = tpu.memref_slice %arg6[%dma_start3A_722, %dma_start3A_728] : memref<32x50xi32, #tpu.memory_space<vmem>> -> memref<1x50xi32, #tpu.memory_space<vmem>>
      %dma_start3A_730 = tpu.memref_squeeze %dma_start3A_729 : memref<1x50xi32, #tpu.memory_space<vmem>> -> memref<50xi32, #tpu.memory_space<vmem>>
      %dma_start3A_731 = arith.constant 0 : i32
      %dma_start3A_732 = arith.constant 0 : i32
      %dma_start3A_733 = tpu.memref_slice %arg3[%dma_start3A_731, %dma_start3A_732] : memref<1000000x32xf32, #tpu.memory_space<hbm>> -> memref<1000000x32xf32, #tpu.memory_space<hbm>>
      tpu.enqueue_indirect_dma source(%dma_start3A_733 : memref<1000000x32xf32, #tpu.memory_space<hbm>>) target(%dma_start3A_727 : memref<50x32xf32, #tpu.memory_space<vmem>>) offsets(%dma_start3A_730 : memref<50xi32, #tpu.memory_space<vmem>>) semaphore(%arg10 : memref<!tpu.dma_semaphore, #tpu.memory_space<semaphore_mem>>)
      %dma_start3A_734 = arith.constant 27 : i32
      %dma_start3A_735 = arith.constant 27 : i32
      %dma_start3A_736 = arith.constant 0 : i32
      %dma_start3A_737 = arith.constant 0 : i32
      %dma_start3A_738 = tpu.memref_slice %arg8[%dma_start3A_735, %dma_start3A_736, %dma_start3A_737] : memref<32x50x32xf32, #tpu.memory_space<vmem>> -> memref<1x50x32xf32, #tpu.memory_space<vmem>>
      %dma_start3A_739 = tpu.memref_squeeze %dma_start3A_738 : memref<1x50x32xf32, #tpu.memory_space<vmem>> -> memref<50x32xf32, #tpu.memory_space<vmem>>
      %dma_start3A_740 = arith.constant 0 : i32
      %dma_start3A_741 = tpu.memref_slice %arg6[%dma_start3A_734, %dma_start3A_740] : memref<32x50xi32, #tpu.memory_space<vmem>> -> memref<1x50xi32, #tpu.memory_space<vmem>>
      %dma_start3A_742 = tpu.memref_squeeze %dma_start3A_741 : memref<1x50xi32, #tpu.memory_space<vmem>> -> memref<50xi32, #tpu.memory_space<vmem>>
      %dma_start3A_743 = arith.constant 0 : i32
      %dma_start3A_744 = arith.constant 0 : i32
      %dma_start3A_745 = tpu.memref_slice %arg3[%dma_start3A_743, %dma_start3A_744] : memref<1000000x32xf32, #tpu.memory_space<hbm>> -> memref<1000000x32xf32, #tpu.memory_space<hbm>>
      tpu.enqueue_indirect_dma source(%dma_start3A_745 : memref<1000000x32xf32, #tpu.memory_space<hbm>>) target(%dma_start3A_739 : memref<50x32xf32, #tpu.memory_space<vmem>>) offsets(%dma_start3A_742 : memref<50xi32, #tpu.memory_space<vmem>>) semaphore(%arg10 : memref<!tpu.dma_semaphore, #tpu.memory_space<semaphore_mem>>)
      %dma_start3A_746 = arith.constant 28 : i32
      %dma_start3A_747 = arith.constant 28 : i32
      %dma_start3A_748 = arith.constant 0 : i32
      %dma_start3A_749 = arith.constant 0 : i32
      %dma_start3A_750 = tpu.memref_slice %arg8[%dma_start3A_747, %dma_start3A_748, %dma_start3A_749] : memref<32x50x32xf32, #tpu.memory_space<vmem>> -> memref<1x50x32xf32, #tpu.memory_space<vmem>>
      %dma_start3A_751 = tpu.memref_squeeze %dma_start3A_750 : memref<1x50x32xf32, #tpu.memory_space<vmem>> -> memref<50x32xf32, #tpu.memory_space<vmem>>
      %dma_start3A_752 = arith.constant 0 : i32
      %dma_start3A_753 = tpu.memref_slice %arg6[%dma_start3A_746, %dma_start3A_752] : memref<32x50xi32, #tpu.memory_space<vmem>> -> memref<1x50xi32, #tpu.memory_space<vmem>>
      %dma_start3A_754 = tpu.memref_squeeze %dma_start3A_753 : memref<1x50xi32, #tpu.memory_space<vmem>> -> memref<50xi32, #tpu.memory_space<vmem>>
      %dma_start3A_755 = arith.constant 0 : i32
      %dma_start3A_756 = arith.constant 0 : i32
      %dma_start3A_757 = tpu.memref_slice %arg3[%dma_start3A_755, %dma_start3A_756] : memref<1000000x32xf32, #tpu.memory_space<hbm>> -> memref<1000000x32xf32, #tpu.memory_space<hbm>>
      tpu.enqueue_indirect_dma source(%dma_start3A_757 : memref<1000000x32xf32, #tpu.memory_space<hbm>>) target(%dma_start3A_751 : memref<50x32xf32, #tpu.memory_space<vmem>>) offsets(%dma_start3A_754 : memref<50xi32, #tpu.memory_space<vmem>>) semaphore(%arg10 : memref<!tpu.dma_semaphore, #tpu.memory_space<semaphore_mem>>)
      %dma_start3A_758 = arith.constant 29 : i32
      %dma_start3A_759 = arith.constant 29 : i32
      %dma_start3A_760 = arith.constant 0 : i32
      %dma_start3A_761 = arith.constant 0 : i32
      %dma_start3A_762 = tpu.memref_slice %arg8[%dma_start3A_759, %dma_start3A_760, %dma_start3A_761] : memref<32x50x32xf32, #tpu.memory_space<vmem>> -> memref<1x50x32xf32, #tpu.memory_space<vmem>>
      %dma_start3A_763 = tpu.memref_squeeze %dma_start3A_762 : memref<1x50x32xf32, #tpu.memory_space<vmem>> -> memref<50x32xf32, #tpu.memory_space<vmem>>
      %dma_start3A_764 = arith.constant 0 : i32
      %dma_start3A_765 = tpu.memref_slice %arg6[%dma_start3A_758, %dma_start3A_764] : memref<32x50xi32, #tpu.memory_space<vmem>> -> memref<1x50xi32, #tpu.memory_space<vmem>>
      %dma_start3A_766 = tpu.memref_squeeze %dma_start3A_765 : memref<1x50xi32, #tpu.memory_space<vmem>> -> memref<50xi32, #tpu.memory_space<vmem>>
      %dma_start3A_767 = arith.constant 0 : i32
      %dma_start3A_768 = arith.constant 0 : i32
      %dma_start3A_769 = tpu.memref_slice %arg3[%dma_start3A_767, %dma_start3A_768] : memref<1000000x32xf32, #tpu.memory_space<hbm>> -> memref<1000000x32xf32, #tpu.memory_space<hbm>>
      tpu.enqueue_indirect_dma source(%dma_start3A_769 : memref<1000000x32xf32, #tpu.memory_space<hbm>>) target(%dma_start3A_763 : memref<50x32xf32, #tpu.memory_space<vmem>>) offsets(%dma_start3A_766 : memref<50xi32, #tpu.memory_space<vmem>>) semaphore(%arg10 : memref<!tpu.dma_semaphore, #tpu.memory_space<semaphore_mem>>)
      %dma_start3A_770 = arith.constant 30 : i32
      %dma_start3A_771 = arith.constant 30 : i32
      %dma_start3A_772 = arith.constant 0 : i32
      %dma_start3A_773 = arith.constant 0 : i32
      %dma_start3A_774 = tpu.memref_slice %arg8[%dma_start3A_771, %dma_start3A_772, %dma_start3A_773] : memref<32x50x32xf32, #tpu.memory_space<vmem>> -> memref<1x50x32xf32, #tpu.memory_space<vmem>>
      %dma_start3A_775 = tpu.memref_squeeze %dma_start3A_774 : memref<1x50x32xf32, #tpu.memory_space<vmem>> -> memref<50x32xf32, #tpu.memory_space<vmem>>
      %dma_start3A_776 = arith.constant 0 : i32
      %dma_start3A_777 = tpu.memref_slice %arg6[%dma_start3A_770, %dma_start3A_776] : memref<32x50xi32, #tpu.memory_space<vmem>> -> memref<1x50xi32, #tpu.memory_space<vmem>>
      %dma_start3A_778 = tpu.memref_squeeze %dma_start3A_777 : memref<1x50xi32, #tpu.memory_space<vmem>> -> memref<50xi32, #tpu.memory_space<vmem>>
      %dma_start3A_779 = arith.constant 0 : i32
      %dma_start3A_780 = arith.constant 0 : i32
      %dma_start3A_781 = tpu.memref_slice %arg3[%dma_start3A_779, %dma_start3A_780] : memref<1000000x32xf32, #tpu.memory_space<hbm>> -> memref<1000000x32xf32, #tpu.memory_space<hbm>>
      tpu.enqueue_indirect_dma source(%dma_start3A_781 : memref<1000000x32xf32, #tpu.memory_space<hbm>>) target(%dma_start3A_775 : memref<50x32xf32, #tpu.memory_space<vmem>>) offsets(%dma_start3A_778 : memref<50xi32, #tpu.memory_space<vmem>>) semaphore(%arg10 : memref<!tpu.dma_semaphore, #tpu.memory_space<semaphore_mem>>)
      %dma_start3A_782 = arith.constant 31 : i32
      %dma_start3A_783 = arith.constant 31 : i32
      %dma_start3A_784 = arith.constant 0 : i32
      %dma_start3A_785 = arith.constant 0 : i32
      %dma_start3A_786 = tpu.memref_slice %arg8[%dma_start3A_783, %dma_start3A_784, %dma_start3A_785] : memref<32x50x32xf32, #tpu.memory_space<vmem>> -> memref<1x50x32xf32, #tpu.memory_space<vmem>>
      %dma_start3A_787 = tpu.memref_squeeze %dma_start3A_786 : memref<1x50x32xf32, #tpu.memory_space<vmem>> -> memref<50x32xf32, #tpu.memory_space<vmem>>
      %dma_start3A_788 = arith.constant 0 : i32
      %dma_start3A_789 = tpu.memref_slice %arg6[%dma_start3A_782, %dma_start3A_788] : memref<32x50xi32, #tpu.memory_space<vmem>> -> memref<1x50xi32, #tpu.memory_space<vmem>>
      %dma_start3A_790 = tpu.memref_squeeze %dma_start3A_789 : memref<1x50xi32, #tpu.memory_space<vmem>> -> memref<50xi32, #tpu.memory_space<vmem>>
      %dma_start3A_791 = arith.constant 0 : i32
      %dma_start3A_792 = arith.constant 0 : i32
      %dma_start3A_793 = tpu.memref_slice %arg3[%dma_start3A_791, %dma_start3A_792] : memref<1000000x32xf32, #tpu.memory_space<hbm>> -> memref<1000000x32xf32, #tpu.memory_space<hbm>>
      tpu.enqueue_indirect_dma source(%dma_start3A_793 : memref<1000000x32xf32, #tpu.memory_space<hbm>>) target(%dma_start3A_787 : memref<50x32xf32, #tpu.memory_space<vmem>>) offsets(%dma_start3A_790 : memref<50xi32, #tpu.memory_space<vmem>>) semaphore(%arg10 : memref<!tpu.dma_semaphore, #tpu.memory_space<semaphore_mem>>)
      %dma_wait3A_794 = arith.constant 0 : i32
      %dma_wait3A_795 = arith.constant 0 : i32
      %dma_wait3A_796 = arith.constant 0 : i32
      %dma_wait3A_797 = arith.constant 0 : i32
      %dma_wait3A_798 = tpu.memref_slice %arg7[%dma_wait3A_795, %dma_wait3A_796, %dma_wait3A_797] : memref<32x50x32xf32, #tpu.memory_space<vmem>> -> memref<1x50x32xf32, #tpu.memory_space<vmem>>
      %dma_wait3A_799 = tpu.memref_squeeze %dma_wait3A_798 : memref<1x50x32xf32, #tpu.memory_space<vmem>> -> memref<50x32xf32, #tpu.memory_space<vmem>>
      %dma_wait3A_800 = arith.constant 0 : i32
      %dma_wait3A_801 = tpu.memref_slice %arg5[%dma_wait3A_794, %dma_wait3A_800] : memref<32x50xi32, #tpu.memory_space<vmem>> -> memref<1x50xi32, #tpu.memory_space<vmem>>
      %dma_wait3A_802 = tpu.memref_squeeze %dma_wait3A_801 : memref<1x50xi32, #tpu.memory_space<vmem>> -> memref<50xi32, #tpu.memory_space<vmem>>
      %dma_wait3A_803 = arith.constant 0 : i32
      %dma_wait3A_804 = arith.constant 0 : i32
      %dma_wait3A_805 = tpu.memref_slice %arg3[%dma_wait3A_803, %dma_wait3A_804] : memref<1000000x32xf32, #tpu.memory_space<hbm>> -> memref<1000000x32xf32, #tpu.memory_space<hbm>>
      tpu.wait_indirect_dma semaphore(%arg9 : memref<!tpu.dma_semaphore, #tpu.memory_space<semaphore_mem>>) src(%dma_wait3A_805 : memref<1000000x32xf32, #tpu.memory_space<hbm>>) dst(%dma_wait3A_799 : memref<50x32xf32, #tpu.memory_space<vmem>>)
      %dma_wait3A_806 = arith.constant 1 : i32
      %dma_wait3A_807 = arith.constant 1 : i32
      %dma_wait3A_808 = arith.constant 0 : i32
      %dma_wait3A_809 = arith.constant 0 : i32
      %dma_wait3A_810 = tpu.memref_slice %arg7[%dma_wait3A_807, %dma_wait3A_808, %dma_wait3A_809] : memref<32x50x32xf32, #tpu.memory_space<vmem>> -> memref<1x50x32xf32, #tpu.memory_space<vmem>>
      %dma_wait3A_811 = tpu.memref_squeeze %dma_wait3A_810 : memref<1x50x32xf32, #tpu.memory_space<vmem>> -> memref<50x32xf32, #tpu.memory_space<vmem>>
      %dma_wait3A_812 = arith.constant 0 : i32
      %dma_wait3A_813 = tpu.memref_slice %arg5[%dma_wait3A_806, %dma_wait3A_812] : memref<32x50xi32, #tpu.memory_space<vmem>> -> memref<1x50xi32, #tpu.memory_space<vmem>>
      %dma_wait3A_814 = tpu.memref_squeeze %dma_wait3A_813 : memref<1x50xi32, #tpu.memory_space<vmem>> -> memref<50xi32, #tpu.memory_space<vmem>>
      %dma_wait3A_815 = arith.constant 0 : i32
      %dma_wait3A_816 = arith.constant 0 : i32
      %dma_wait3A_817 = tpu.memref_slice %arg3[%dma_wait3A_815, %dma_wait3A_816] : memref<1000000x32xf32, #tpu.memory_space<hbm>> -> memref<1000000x32xf32, #tpu.memory_space<hbm>>
      tpu.wait_indirect_dma semaphore(%arg9 : memref<!tpu.dma_semaphore, #tpu.memory_space<semaphore_mem>>) src(%dma_wait3A_817 : memref<1000000x32xf32, #tpu.memory_space<hbm>>) dst(%dma_wait3A_811 : memref<50x32xf32, #tpu.memory_space<vmem>>)
      %dma_wait3A_818 = arith.constant 2 : i32
      %dma_wait3A_819 = arith.constant 2 : i32
      %dma_wait3A_820 = arith.constant 0 : i32
      %dma_wait3A_821 = arith.constant 0 : i32
      %dma_wait3A_822 = tpu.memref_slice %arg7[%dma_wait3A_819, %dma_wait3A_820, %dma_wait3A_821] : memref<32x50x32xf32, #tpu.memory_space<vmem>> -> memref<1x50x32xf32, #tpu.memory_space<vmem>>
      %dma_wait3A_823 = tpu.memref_squeeze %dma_wait3A_822 : memref<1x50x32xf32, #tpu.memory_space<vmem>> -> memref<50x32xf32, #tpu.memory_space<vmem>>
      %dma_wait3A_824 = arith.constant 0 : i32
      %dma_wait3A_825 = tpu.memref_slice %arg5[%dma_wait3A_818, %dma_wait3A_824] : memref<32x50xi32, #tpu.memory_space<vmem>> -> memref<1x50xi32, #tpu.memory_space<vmem>>
      %dma_wait3A_826 = tpu.memref_squeeze %dma_wait3A_825 : memref<1x50xi32, #tpu.memory_space<vmem>> -> memref<50xi32, #tpu.memory_space<vmem>>
      %dma_wait3A_827 = arith.constant 0 : i32
      %dma_wait3A_828 = arith.constant 0 : i32
      %dma_wait3A_829 = tpu.memref_slice %arg3[%dma_wait3A_827, %dma_wait3A_828] : memref<1000000x32xf32, #tpu.memory_space<hbm>> -> memref<1000000x32xf32, #tpu.memory_space<hbm>>
      tpu.wait_indirect_dma semaphore(%arg9 : memref<!tpu.dma_semaphore, #tpu.memory_space<semaphore_mem>>) src(%dma_wait3A_829 : memref<1000000x32xf32, #tpu.memory_space<hbm>>) dst(%dma_wait3A_823 : memref<50x32xf32, #tpu.memory_space<vmem>>)
      %dma_wait3A_830 = arith.constant 3 : i32
      %dma_wait3A_831 = arith.constant 3 : i32
      %dma_wait3A_832 = arith.constant 0 : i32
      %dma_wait3A_833 = arith.constant 0 : i32
      %dma_wait3A_834 = tpu.memref_slice %arg7[%dma_wait3A_831, %dma_wait3A_832, %dma_wait3A_833] : memref<32x50x32xf32, #tpu.memory_space<vmem>> -> memref<1x50x32xf32, #tpu.memory_space<vmem>>
      %dma_wait3A_835 = tpu.memref_squeeze %dma_wait3A_834 : memref<1x50x32xf32, #tpu.memory_space<vmem>> -> memref<50x32xf32, #tpu.memory_space<vmem>>
      %dma_wait3A_836 = arith.constant 0 : i32
      %dma_wait3A_837 = tpu.memref_slice %arg5[%dma_wait3A_830, %dma_wait3A_836] : memref<32x50xi32, #tpu.memory_space<vmem>> -> memref<1x50xi32, #tpu.memory_space<vmem>>
      %dma_wait3A_838 = tpu.memref_squeeze %dma_wait3A_837 : memref<1x50xi32, #tpu.memory_space<vmem>> -> memref<50xi32, #tpu.memory_space<vmem>>
      %dma_wait3A_839 = arith.constant 0 : i32
      %dma_wait3A_840 = arith.constant 0 : i32
      %dma_wait3A_841 = tpu.memref_slice %arg3[%dma_wait3A_839, %dma_wait3A_840] : memref<1000000x32xf32, #tpu.memory_space<hbm>> -> memref<1000000x32xf32, #tpu.memory_space<hbm>>
      tpu.wait_indirect_dma semaphore(%arg9 : memref<!tpu.dma_semaphore, #tpu.memory_space<semaphore_mem>>) src(%dma_wait3A_841 : memref<1000000x32xf32, #tpu.memory_space<hbm>>) dst(%dma_wait3A_835 : memref<50x32xf32, #tpu.memory_space<vmem>>)
      %dma_wait3A_842 = arith.constant 4 : i32
      %dma_wait3A_843 = arith.constant 4 : i32
      %dma_wait3A_844 = arith.constant 0 : i32
      %dma_wait3A_845 = arith.constant 0 : i32
      %dma_wait3A_846 = tpu.memref_slice %arg7[%dma_wait3A_843, %dma_wait3A_844, %dma_wait3A_845] : memref<32x50x32xf32, #tpu.memory_space<vmem>> -> memref<1x50x32xf32, #tpu.memory_space<vmem>>
      %dma_wait3A_847 = tpu.memref_squeeze %dma_wait3A_846 : memref<1x50x32xf32, #tpu.memory_space<vmem>> -> memref<50x32xf32, #tpu.memory_space<vmem>>
      %dma_wait3A_848 = arith.constant 0 : i32
      %dma_wait3A_849 = tpu.memref_slice %arg5[%dma_wait3A_842, %dma_wait3A_848] : memref<32x50xi32, #tpu.memory_space<vmem>> -> memref<1x50xi32, #tpu.memory_space<vmem>>
      %dma_wait3A_850 = tpu.memref_squeeze %dma_wait3A_849 : memref<1x50xi32, #tpu.memory_space<vmem>> -> memref<50xi32, #tpu.memory_space<vmem>>
      %dma_wait3A_851 = arith.constant 0 : i32
      %dma_wait3A_852 = arith.constant 0 : i32
      %dma_wait3A_853 = tpu.memref_slice %arg3[%dma_wait3A_851, %dma_wait3A_852] : memref<1000000x32xf32, #tpu.memory_space<hbm>> -> memref<1000000x32xf32, #tpu.memory_space<hbm>>
      tpu.wait_indirect_dma semaphore(%arg9 : memref<!tpu.dma_semaphore, #tpu.memory_space<semaphore_mem>>) src(%dma_wait3A_853 : memref<1000000x32xf32, #tpu.memory_space<hbm>>) dst(%dma_wait3A_847 : memref<50x32xf32, #tpu.memory_space<vmem>>)
      %dma_wait3A_854 = arith.constant 5 : i32
      %dma_wait3A_855 = arith.constant 5 : i32
      %dma_wait3A_856 = arith.constant 0 : i32
      %dma_wait3A_857 = arith.constant 0 : i32
      %dma_wait3A_858 = tpu.memref_slice %arg7[%dma_wait3A_855, %dma_wait3A_856, %dma_wait3A_857] : memref<32x50x32xf32, #tpu.memory_space<vmem>> -> memref<1x50x32xf32, #tpu.memory_space<vmem>>
      %dma_wait3A_859 = tpu.memref_squeeze %dma_wait3A_858 : memref<1x50x32xf32, #tpu.memory_space<vmem>> -> memref<50x32xf32, #tpu.memory_space<vmem>>
      %dma_wait3A_860 = arith.constant 0 : i32
      %dma_wait3A_861 = tpu.memref_slice %arg5[%dma_wait3A_854, %dma_wait3A_860] : memref<32x50xi32, #tpu.memory_space<vmem>> -> memref<1x50xi32, #tpu.memory_space<vmem>>
      %dma_wait3A_862 = tpu.memref_squeeze %dma_wait3A_861 : memref<1x50xi32, #tpu.memory_space<vmem>> -> memref<50xi32, #tpu.memory_space<vmem>>
      %dma_wait3A_863 = arith.constant 0 : i32
      %dma_wait3A_864 = arith.constant 0 : i32
      %dma_wait3A_865 = tpu.memref_slice %arg3[%dma_wait3A_863, %dma_wait3A_864] : memref<1000000x32xf32, #tpu.memory_space<hbm>> -> memref<1000000x32xf32, #tpu.memory_space<hbm>>
      tpu.wait_indirect_dma semaphore(%arg9 : memref<!tpu.dma_semaphore, #tpu.memory_space<semaphore_mem>>) src(%dma_wait3A_865 : memref<1000000x32xf32, #tpu.memory_space<hbm>>) dst(%dma_wait3A_859 : memref<50x32xf32, #tpu.memory_space<vmem>>)
      %dma_wait3A_866 = arith.constant 6 : i32
      %dma_wait3A_867 = arith.constant 6 : i32
      %dma_wait3A_868 = arith.constant 0 : i32
      %dma_wait3A_869 = arith.constant 0 : i32
      %dma_wait3A_870 = tpu.memref_slice %arg7[%dma_wait3A_867, %dma_wait3A_868, %dma_wait3A_869] : memref<32x50x32xf32, #tpu.memory_space<vmem>> -> memref<1x50x32xf32, #tpu.memory_space<vmem>>
      %dma_wait3A_871 = tpu.memref_squeeze %dma_wait3A_870 : memref<1x50x32xf32, #tpu.memory_space<vmem>> -> memref<50x32xf32, #tpu.memory_space<vmem>>
      %dma_wait3A_872 = arith.constant 0 : i32
      %dma_wait3A_873 = tpu.memref_slice %arg5[%dma_wait3A_866, %dma_wait3A_872] : memref<32x50xi32, #tpu.memory_space<vmem>> -> memref<1x50xi32, #tpu.memory_space<vmem>>
      %dma_wait3A_874 = tpu.memref_squeeze %dma_wait3A_873 : memref<1x50xi32, #tpu.memory_space<vmem>> -> memref<50xi32, #tpu.memory_space<vmem>>
      %dma_wait3A_875 = arith.constant 0 : i32
      %dma_wait3A_876 = arith.constant 0 : i32
      %dma_wait3A_877 = tpu.memref_slice %arg3[%dma_wait3A_875, %dma_wait3A_876] : memref<1000000x32xf32, #tpu.memory_space<hbm>> -> memref<1000000x32xf32, #tpu.memory_space<hbm>>
      tpu.wait_indirect_dma semaphore(%arg9 : memref<!tpu.dma_semaphore, #tpu.memory_space<semaphore_mem>>) src(%dma_wait3A_877 : memref<1000000x32xf32, #tpu.memory_space<hbm>>) dst(%dma_wait3A_871 : memref<50x32xf32, #tpu.memory_space<vmem>>)
      %dma_wait3A_878 = arith.constant 7 : i32
      %dma_wait3A_879 = arith.constant 7 : i32
      %dma_wait3A_880 = arith.constant 0 : i32
      %dma_wait3A_881 = arith.constant 0 : i32
      %dma_wait3A_882 = tpu.memref_slice %arg7[%dma_wait3A_879, %dma_wait3A_880, %dma_wait3A_881] : memref<32x50x32xf32, #tpu.memory_space<vmem>> -> memref<1x50x32xf32, #tpu.memory_space<vmem>>
      %dma_wait3A_883 = tpu.memref_squeeze %dma_wait3A_882 : memref<1x50x32xf32, #tpu.memory_space<vmem>> -> memref<50x32xf32, #tpu.memory_space<vmem>>
      %dma_wait3A_884 = arith.constant 0 : i32
      %dma_wait3A_885 = tpu.memref_slice %arg5[%dma_wait3A_878, %dma_wait3A_884] : memref<32x50xi32, #tpu.memory_space<vmem>> -> memref<1x50xi32, #tpu.memory_space<vmem>>
      %dma_wait3A_886 = tpu.memref_squeeze %dma_wait3A_885 : memref<1x50xi32, #tpu.memory_space<vmem>> -> memref<50xi32, #tpu.memory_space<vmem>>
      %dma_wait3A_887 = arith.constant 0 : i32
      %dma_wait3A_888 = arith.constant 0 : i32
      %dma_wait3A_889 = tpu.memref_slice %arg3[%dma_wait3A_887, %dma_wait3A_888] : memref<1000000x32xf32, #tpu.memory_space<hbm>> -> memref<1000000x32xf32, #tpu.memory_space<hbm>>
      tpu.wait_indirect_dma semaphore(%arg9 : memref<!tpu.dma_semaphore, #tpu.memory_space<semaphore_mem>>) src(%dma_wait3A_889 : memref<1000000x32xf32, #tpu.memory_space<hbm>>) dst(%dma_wait3A_883 : memref<50x32xf32, #tpu.memory_space<vmem>>)
      %dma_wait3A_890 = arith.constant 8 : i32
      %dma_wait3A_891 = arith.constant 8 : i32
      %dma_wait3A_892 = arith.constant 0 : i32
      %dma_wait3A_893 = arith.constant 0 : i32
      %dma_wait3A_894 = tpu.memref_slice %arg7[%dma_wait3A_891, %dma_wait3A_892, %dma_wait3A_893] : memref<32x50x32xf32, #tpu.memory_space<vmem>> -> memref<1x50x32xf32, #tpu.memory_space<vmem>>
      %dma_wait3A_895 = tpu.memref_squeeze %dma_wait3A_894 : memref<1x50x32xf32, #tpu.memory_space<vmem>> -> memref<50x32xf32, #tpu.memory_space<vmem>>
      %dma_wait3A_896 = arith.constant 0 : i32
      %dma_wait3A_897 = tpu.memref_slice %arg5[%dma_wait3A_890, %dma_wait3A_896] : memref<32x50xi32, #tpu.memory_space<vmem>> -> memref<1x50xi32, #tpu.memory_space<vmem>>
      %dma_wait3A_898 = tpu.memref_squeeze %dma_wait3A_897 : memref<1x50xi32, #tpu.memory_space<vmem>> -> memref<50xi32, #tpu.memory_space<vmem>>
      %dma_wait3A_899 = arith.constant 0 : i32
      %dma_wait3A_900 = arith.constant 0 : i32
      %dma_wait3A_901 = tpu.memref_slice %arg3[%dma_wait3A_899, %dma_wait3A_900] : memref<1000000x32xf32, #tpu.memory_space<hbm>> -> memref<1000000x32xf32, #tpu.memory_space<hbm>>
      tpu.wait_indirect_dma semaphore(%arg9 : memref<!tpu.dma_semaphore, #tpu.memory_space<semaphore_mem>>) src(%dma_wait3A_901 : memref<1000000x32xf32, #tpu.memory_space<hbm>>) dst(%dma_wait3A_895 : memref<50x32xf32, #tpu.memory_space<vmem>>)
      %dma_wait3A_902 = arith.constant 9 : i32
      %dma_wait3A_903 = arith.constant 9 : i32
      %dma_wait3A_904 = arith.constant 0 : i32
      %dma_wait3A_905 = arith.constant 0 : i32
      %dma_wait3A_906 = tpu.memref_slice %arg7[%dma_wait3A_903, %dma_wait3A_904, %dma_wait3A_905] : memref<32x50x32xf32, #tpu.memory_space<vmem>> -> memref<1x50x32xf32, #tpu.memory_space<vmem>>
      %dma_wait3A_907 = tpu.memref_squeeze %dma_wait3A_906 : memref<1x50x32xf32, #tpu.memory_space<vmem>> -> memref<50x32xf32, #tpu.memory_space<vmem>>
      %dma_wait3A_908 = arith.constant 0 : i32
      %dma_wait3A_909 = tpu.memref_slice %arg5[%dma_wait3A_902, %dma_wait3A_908] : memref<32x50xi32, #tpu.memory_space<vmem>> -> memref<1x50xi32, #tpu.memory_space<vmem>>
      %dma_wait3A_910 = tpu.memref_squeeze %dma_wait3A_909 : memref<1x50xi32, #tpu.memory_space<vmem>> -> memref<50xi32, #tpu.memory_space<vmem>>
      %dma_wait3A_911 = arith.constant 0 : i32
      %dma_wait3A_912 = arith.constant 0 : i32
      %dma_wait3A_913 = tpu.memref_slice %arg3[%dma_wait3A_911, %dma_wait3A_912] : memref<1000000x32xf32, #tpu.memory_space<hbm>> -> memref<1000000x32xf32, #tpu.memory_space<hbm>>
      tpu.wait_indirect_dma semaphore(%arg9 : memref<!tpu.dma_semaphore, #tpu.memory_space<semaphore_mem>>) src(%dma_wait3A_913 : memref<1000000x32xf32, #tpu.memory_space<hbm>>) dst(%dma_wait3A_907 : memref<50x32xf32, #tpu.memory_space<vmem>>)
      %dma_wait3A_914 = arith.constant 10 : i32
      %dma_wait3A_915 = arith.constant 10 : i32
      %dma_wait3A_916 = arith.constant 0 : i32
      %dma_wait3A_917 = arith.constant 0 : i32
      %dma_wait3A_918 = tpu.memref_slice %arg7[%dma_wait3A_915, %dma_wait3A_916, %dma_wait3A_917] : memref<32x50x32xf32, #tpu.memory_space<vmem>> -> memref<1x50x32xf32, #tpu.memory_space<vmem>>
      %dma_wait3A_919 = tpu.memref_squeeze %dma_wait3A_918 : memref<1x50x32xf32, #tpu.memory_space<vmem>> -> memref<50x32xf32, #tpu.memory_space<vmem>>
      %dma_wait3A_920 = arith.constant 0 : i32
      %dma_wait3A_921 = tpu.memref_slice %arg5[%dma_wait3A_914, %dma_wait3A_920] : memref<32x50xi32, #tpu.memory_space<vmem>> -> memref<1x50xi32, #tpu.memory_space<vmem>>
      %dma_wait3A_922 = tpu.memref_squeeze %dma_wait3A_921 : memref<1x50xi32, #tpu.memory_space<vmem>> -> memref<50xi32, #tpu.memory_space<vmem>>
      %dma_wait3A_923 = arith.constant 0 : i32
      %dma_wait3A_924 = arith.constant 0 : i32
      %dma_wait3A_925 = tpu.memref_slice %arg3[%dma_wait3A_923, %dma_wait3A_924] : memref<1000000x32xf32, #tpu.memory_space<hbm>> -> memref<1000000x32xf32, #tpu.memory_space<hbm>>
      tpu.wait_indirect_dma semaphore(%arg9 : memref<!tpu.dma_semaphore, #tpu.memory_space<semaphore_mem>>) src(%dma_wait3A_925 : memref<1000000x32xf32, #tpu.memory_space<hbm>>) dst(%dma_wait3A_919 : memref<50x32xf32, #tpu.memory_space<vmem>>)
      %dma_wait3A_926 = arith.constant 11 : i32
      %dma_wait3A_927 = arith.constant 11 : i32
      %dma_wait3A_928 = arith.constant 0 : i32
      %dma_wait3A_929 = arith.constant 0 : i32
      %dma_wait3A_930 = tpu.memref_slice %arg7[%dma_wait3A_927, %dma_wait3A_928, %dma_wait3A_929] : memref<32x50x32xf32, #tpu.memory_space<vmem>> -> memref<1x50x32xf32, #tpu.memory_space<vmem>>
      %dma_wait3A_931 = tpu.memref_squeeze %dma_wait3A_930 : memref<1x50x32xf32, #tpu.memory_space<vmem>> -> memref<50x32xf32, #tpu.memory_space<vmem>>
      %dma_wait3A_932 = arith.constant 0 : i32
      %dma_wait3A_933 = tpu.memref_slice %arg5[%dma_wait3A_926, %dma_wait3A_932] : memref<32x50xi32, #tpu.memory_space<vmem>> -> memref<1x50xi32, #tpu.memory_space<vmem>>
      %dma_wait3A_934 = tpu.memref_squeeze %dma_wait3A_933 : memref<1x50xi32, #tpu.memory_space<vmem>> -> memref<50xi32, #tpu.memory_space<vmem>>
      %dma_wait3A_935 = arith.constant 0 : i32
      %dma_wait3A_936 = arith.constant 0 : i32
      %dma_wait3A_937 = tpu.memref_slice %arg3[%dma_wait3A_935, %dma_wait3A_936] : memref<1000000x32xf32, #tpu.memory_space<hbm>> -> memref<1000000x32xf32, #tpu.memory_space<hbm>>
      tpu.wait_indirect_dma semaphore(%arg9 : memref<!tpu.dma_semaphore, #tpu.memory_space<semaphore_mem>>) src(%dma_wait3A_937 : memref<1000000x32xf32, #tpu.memory_space<hbm>>) dst(%dma_wait3A_931 : memref<50x32xf32, #tpu.memory_space<vmem>>)
      %dma_wait3A_938 = arith.constant 12 : i32
      %dma_wait3A_939 = arith.constant 12 : i32
      %dma_wait3A_940 = arith.constant 0 : i32
      %dma_wait3A_941 = arith.constant 0 : i32
      %dma_wait3A_942 = tpu.memref_slice %arg7[%dma_wait3A_939, %dma_wait3A_940, %dma_wait3A_941] : memref<32x50x32xf32, #tpu.memory_space<vmem>> -> memref<1x50x32xf32, #tpu.memory_space<vmem>>
      %dma_wait3A_943 = tpu.memref_squeeze %dma_wait3A_942 : memref<1x50x32xf32, #tpu.memory_space<vmem>> -> memref<50x32xf32, #tpu.memory_space<vmem>>
      %dma_wait3A_944 = arith.constant 0 : i32
      %dma_wait3A_945 = tpu.memref_slice %arg5[%dma_wait3A_938, %dma_wait3A_944] : memref<32x50xi32, #tpu.memory_space<vmem>> -> memref<1x50xi32, #tpu.memory_space<vmem>>
      %dma_wait3A_946 = tpu.memref_squeeze %dma_wait3A_945 : memref<1x50xi32, #tpu.memory_space<vmem>> -> memref<50xi32, #tpu.memory_space<vmem>>
      %dma_wait3A_947 = arith.constant 0 : i32
      %dma_wait3A_948 = arith.constant 0 : i32
      %dma_wait3A_949 = tpu.memref_slice %arg3[%dma_wait3A_947, %dma_wait3A_948] : memref<1000000x32xf32, #tpu.memory_space<hbm>> -> memref<1000000x32xf32, #tpu.memory_space<hbm>>
      tpu.wait_indirect_dma semaphore(%arg9 : memref<!tpu.dma_semaphore, #tpu.memory_space<semaphore_mem>>) src(%dma_wait3A_949 : memref<1000000x32xf32, #tpu.memory_space<hbm>>) dst(%dma_wait3A_943 : memref<50x32xf32, #tpu.memory_space<vmem>>)
      %dma_wait3A_950 = arith.constant 13 : i32
      %dma_wait3A_951 = arith.constant 13 : i32
      %dma_wait3A_952 = arith.constant 0 : i32
      %dma_wait3A_953 = arith.constant 0 : i32
      %dma_wait3A_954 = tpu.memref_slice %arg7[%dma_wait3A_951, %dma_wait3A_952, %dma_wait3A_953] : memref<32x50x32xf32, #tpu.memory_space<vmem>> -> memref<1x50x32xf32, #tpu.memory_space<vmem>>
      %dma_wait3A_955 = tpu.memref_squeeze %dma_wait3A_954 : memref<1x50x32xf32, #tpu.memory_space<vmem>> -> memref<50x32xf32, #tpu.memory_space<vmem>>
      %dma_wait3A_956 = arith.constant 0 : i32
      %dma_wait3A_957 = tpu.memref_slice %arg5[%dma_wait3A_950, %dma_wait3A_956] : memref<32x50xi32, #tpu.memory_space<vmem>> -> memref<1x50xi32, #tpu.memory_space<vmem>>
      %dma_wait3A_958 = tpu.memref_squeeze %dma_wait3A_957 : memref<1x50xi32, #tpu.memory_space<vmem>> -> memref<50xi32, #tpu.memory_space<vmem>>
      %dma_wait3A_959 = arith.constant 0 : i32
      %dma_wait3A_960 = arith.constant 0 : i32
      %dma_wait3A_961 = tpu.memref_slice %arg3[%dma_wait3A_959, %dma_wait3A_960] : memref<1000000x32xf32, #tpu.memory_space<hbm>> -> memref<1000000x32xf32, #tpu.memory_space<hbm>>
      tpu.wait_indirect_dma semaphore(%arg9 : memref<!tpu.dma_semaphore, #tpu.memory_space<semaphore_mem>>) src(%dma_wait3A_961 : memref<1000000x32xf32, #tpu.memory_space<hbm>>) dst(%dma_wait3A_955 : memref<50x32xf32, #tpu.memory_space<vmem>>)
      %dma_wait3A_962 = arith.constant 14 : i32
      %dma_wait3A_963 = arith.constant 14 : i32
      %dma_wait3A_964 = arith.constant 0 : i32
      %dma_wait3A_965 = arith.constant 0 : i32
      %dma_wait3A_966 = tpu.memref_slice %arg7[%dma_wait3A_963, %dma_wait3A_964, %dma_wait3A_965] : memref<32x50x32xf32, #tpu.memory_space<vmem>> -> memref<1x50x32xf32, #tpu.memory_space<vmem>>
      %dma_wait3A_967 = tpu.memref_squeeze %dma_wait3A_966 : memref<1x50x32xf32, #tpu.memory_space<vmem>> -> memref<50x32xf32, #tpu.memory_space<vmem>>
      %dma_wait3A_968 = arith.constant 0 : i32
      %dma_wait3A_969 = tpu.memref_slice %arg5[%dma_wait3A_962, %dma_wait3A_968] : memref<32x50xi32, #tpu.memory_space<vmem>> -> memref<1x50xi32, #tpu.memory_space<vmem>>
      %dma_wait3A_970 = tpu.memref_squeeze %dma_wait3A_969 : memref<1x50xi32, #tpu.memory_space<vmem>> -> memref<50xi32, #tpu.memory_space<vmem>>
      %dma_wait3A_971 = arith.constant 0 : i32
      %dma_wait3A_972 = arith.constant 0 : i32
      %dma_wait3A_973 = tpu.memref_slice %arg3[%dma_wait3A_971, %dma_wait3A_972] : memref<1000000x32xf32, #tpu.memory_space<hbm>> -> memref<1000000x32xf32, #tpu.memory_space<hbm>>
      tpu.wait_indirect_dma semaphore(%arg9 : memref<!tpu.dma_semaphore, #tpu.memory_space<semaphore_mem>>) src(%dma_wait3A_973 : memref<1000000x32xf32, #tpu.memory_space<hbm>>) dst(%dma_wait3A_967 : memref<50x32xf32, #tpu.memory_space<vmem>>)
      %dma_wait3A_974 = arith.constant 15 : i32
      %dma_wait3A_975 = arith.constant 15 : i32
      %dma_wait3A_976 = arith.constant 0 : i32
      %dma_wait3A_977 = arith.constant 0 : i32
      %dma_wait3A_978 = tpu.memref_slice %arg7[%dma_wait3A_975, %dma_wait3A_976, %dma_wait3A_977] : memref<32x50x32xf32, #tpu.memory_space<vmem>> -> memref<1x50x32xf32, #tpu.memory_space<vmem>>
      %dma_wait3A_979 = tpu.memref_squeeze %dma_wait3A_978 : memref<1x50x32xf32, #tpu.memory_space<vmem>> -> memref<50x32xf32, #tpu.memory_space<vmem>>
      %dma_wait3A_980 = arith.constant 0 : i32
      %dma_wait3A_981 = tpu.memref_slice %arg5[%dma_wait3A_974, %dma_wait3A_980] : memref<32x50xi32, #tpu.memory_space<vmem>> -> memref<1x50xi32, #tpu.memory_space<vmem>>
      %dma_wait3A_982 = tpu.memref_squeeze %dma_wait3A_981 : memref<1x50xi32, #tpu.memory_space<vmem>> -> memref<50xi32, #tpu.memory_space<vmem>>
      %dma_wait3A_983 = arith.constant 0 : i32
      %dma_wait3A_984 = arith.constant 0 : i32
      %dma_wait3A_985 = tpu.memref_slice %arg3[%dma_wait3A_983, %dma_wait3A_984] : memref<1000000x32xf32, #tpu.memory_space<hbm>> -> memref<1000000x32xf32, #tpu.memory_space<hbm>>
      tpu.wait_indirect_dma semaphore(%arg9 : memref<!tpu.dma_semaphore, #tpu.memory_space<semaphore_mem>>) src(%dma_wait3A_985 : memref<1000000x32xf32, #tpu.memory_space<hbm>>) dst(%dma_wait3A_979 : memref<50x32xf32, #tpu.memory_space<vmem>>)
      %dma_wait3A_986 = arith.constant 16 : i32
      %dma_wait3A_987 = arith.constant 16 : i32
      %dma_wait3A_988 = arith.constant 0 : i32
      %dma_wait3A_989 = arith.constant 0 : i32
      %dma_wait3A_990 = tpu.memref_slice %arg7[%dma_wait3A_987, %dma_wait3A_988, %dma_wait3A_989] : memref<32x50x32xf32, #tpu.memory_space<vmem>> -> memref<1x50x32xf32, #tpu.memory_space<vmem>>
      %dma_wait3A_991 = tpu.memref_squeeze %dma_wait3A_990 : memref<1x50x32xf32, #tpu.memory_space<vmem>> -> memref<50x32xf32, #tpu.memory_space<vmem>>
      %dma_wait3A_992 = arith.constant 0 : i32
      %dma_wait3A_993 = tpu.memref_slice %arg5[%dma_wait3A_986, %dma_wait3A_992] : memref<32x50xi32, #tpu.memory_space<vmem>> -> memref<1x50xi32, #tpu.memory_space<vmem>>
      %dma_wait3A_994 = tpu.memref_squeeze %dma_wait3A_993 : memref<1x50xi32, #tpu.memory_space<vmem>> -> memref<50xi32, #tpu.memory_space<vmem>>
      %dma_wait3A_995 = arith.constant 0 : i32
      %dma_wait3A_996 = arith.constant 0 : i32
      %dma_wait3A_997 = tpu.memref_slice %arg3[%dma_wait3A_995, %dma_wait3A_996] : memref<1000000x32xf32, #tpu.memory_space<hbm>> -> memref<1000000x32xf32, #tpu.memory_space<hbm>>
      tpu.wait_indirect_dma semaphore(%arg9 : memref<!tpu.dma_semaphore, #tpu.memory_space<semaphore_mem>>) src(%dma_wait3A_997 : memref<1000000x32xf32, #tpu.memory_space<hbm>>) dst(%dma_wait3A_991 : memref<50x32xf32, #tpu.memory_space<vmem>>)
      %dma_wait3A_998 = arith.constant 17 : i32
      %dma_wait3A_999 = arith.constant 17 : i32
      %dma_wait3A_1000 = arith.constant 0 : i32
      %dma_wait3A_1001 = arith.constant 0 : i32
      %dma_wait3A_1002 = tpu.memref_slice %arg7[%dma_wait3A_999, %dma_wait3A_1000, %dma_wait3A_1001] : memref<32x50x32xf32, #tpu.memory_space<vmem>> -> memref<1x50x32xf32, #tpu.memory_space<vmem>>
      %dma_wait3A_1003 = tpu.memref_squeeze %dma_wait3A_1002 : memref<1x50x32xf32, #tpu.memory_space<vmem>> -> memref<50x32xf32, #tpu.memory_space<vmem>>
      %dma_wait3A_1004 = arith.constant 0 : i32
      %dma_wait3A_1005 = tpu.memref_slice %arg5[%dma_wait3A_998, %dma_wait3A_1004] : memref<32x50xi32, #tpu.memory_space<vmem>> -> memref<1x50xi32, #tpu.memory_space<vmem>>
      %dma_wait3A_1006 = tpu.memref_squeeze %dma_wait3A_1005 : memref<1x50xi32, #tpu.memory_space<vmem>> -> memref<50xi32, #tpu.memory_space<vmem>>
      %dma_wait3A_1007 = arith.constant 0 : i32
      %dma_wait3A_1008 = arith.constant 0 : i32
      %dma_wait3A_1009 = tpu.memref_slice %arg3[%dma_wait3A_1007, %dma_wait3A_1008] : memref<1000000x32xf32, #tpu.memory_space<hbm>> -> memref<1000000x32xf32, #tpu.memory_space<hbm>>
      tpu.wait_indirect_dma semaphore(%arg9 : memref<!tpu.dma_semaphore, #tpu.memory_space<semaphore_mem>>) src(%dma_wait3A_1009 : memref<1000000x32xf32, #tpu.memory_space<hbm>>) dst(%dma_wait3A_1003 : memref<50x32xf32, #tpu.memory_space<vmem>>)
      %dma_wait3A_1010 = arith.constant 18 : i32
      %dma_wait3A_1011 = arith.constant 18 : i32
      %dma_wait3A_1012 = arith.constant 0 : i32
      %dma_wait3A_1013 = arith.constant 0 : i32
      %dma_wait3A_1014 = tpu.memref_slice %arg7[%dma_wait3A_1011, %dma_wait3A_1012, %dma_wait3A_1013] : memref<32x50x32xf32, #tpu.memory_space<vmem>> -> memref<1x50x32xf32, #tpu.memory_space<vmem>>
      %dma_wait3A_1015 = tpu.memref_squeeze %dma_wait3A_1014 : memref<1x50x32xf32, #tpu.memory_space<vmem>> -> memref<50x32xf32, #tpu.memory_space<vmem>>
      %dma_wait3A_1016 = arith.constant 0 : i32
      %dma_wait3A_1017 = tpu.memref_slice %arg5[%dma_wait3A_1010, %dma_wait3A_1016] : memref<32x50xi32, #tpu.memory_space<vmem>> -> memref<1x50xi32, #tpu.memory_space<vmem>>
      %dma_wait3A_1018 = tpu.memref_squeeze %dma_wait3A_1017 : memref<1x50xi32, #tpu.memory_space<vmem>> -> memref<50xi32, #tpu.memory_space<vmem>>
      %dma_wait3A_1019 = arith.constant 0 : i32
      %dma_wait3A_1020 = arith.constant 0 : i32
      %dma_wait3A_1021 = tpu.memref_slice %arg3[%dma_wait3A_1019, %dma_wait3A_1020] : memref<1000000x32xf32, #tpu.memory_space<hbm>> -> memref<1000000x32xf32, #tpu.memory_space<hbm>>
      tpu.wait_indirect_dma semaphore(%arg9 : memref<!tpu.dma_semaphore, #tpu.memory_space<semaphore_mem>>) src(%dma_wait3A_1021 : memref<1000000x32xf32, #tpu.memory_space<hbm>>) dst(%dma_wait3A_1015 : memref<50x32xf32, #tpu.memory_space<vmem>>)
      %dma_wait3A_1022 = arith.constant 19 : i32
      %dma_wait3A_1023 = arith.constant 19 : i32
      %dma_wait3A_1024 = arith.constant 0 : i32
      %dma_wait3A_1025 = arith.constant 0 : i32
      %dma_wait3A_1026 = tpu.memref_slice %arg7[%dma_wait3A_1023, %dma_wait3A_1024, %dma_wait3A_1025] : memref<32x50x32xf32, #tpu.memory_space<vmem>> -> memref<1x50x32xf32, #tpu.memory_space<vmem>>
      %dma_wait3A_1027 = tpu.memref_squeeze %dma_wait3A_1026 : memref<1x50x32xf32, #tpu.memory_space<vmem>> -> memref<50x32xf32, #tpu.memory_space<vmem>>
      %dma_wait3A_1028 = arith.constant 0 : i32
      %dma_wait3A_1029 = tpu.memref_slice %arg5[%dma_wait3A_1022, %dma_wait3A_1028] : memref<32x50xi32, #tpu.memory_space<vmem>> -> memref<1x50xi32, #tpu.memory_space<vmem>>
      %dma_wait3A_1030 = tpu.memref_squeeze %dma_wait3A_1029 : memref<1x50xi32, #tpu.memory_space<vmem>> -> memref<50xi32, #tpu.memory_space<vmem>>
      %dma_wait3A_1031 = arith.constant 0 : i32
      %dma_wait3A_1032 = arith.constant 0 : i32
      %dma_wait3A_1033 = tpu.memref_slice %arg3[%dma_wait3A_1031, %dma_wait3A_1032] : memref<1000000x32xf32, #tpu.memory_space<hbm>> -> memref<1000000x32xf32, #tpu.memory_space<hbm>>
      tpu.wait_indirect_dma semaphore(%arg9 : memref<!tpu.dma_semaphore, #tpu.memory_space<semaphore_mem>>) src(%dma_wait3A_1033 : memref<1000000x32xf32, #tpu.memory_space<hbm>>) dst(%dma_wait3A_1027 : memref<50x32xf32, #tpu.memory_space<vmem>>)
      %dma_wait3A_1034 = arith.constant 20 : i32
      %dma_wait3A_1035 = arith.constant 20 : i32
      %dma_wait3A_1036 = arith.constant 0 : i32
      %dma_wait3A_1037 = arith.constant 0 : i32
      %dma_wait3A_1038 = tpu.memref_slice %arg7[%dma_wait3A_1035, %dma_wait3A_1036, %dma_wait3A_1037] : memref<32x50x32xf32, #tpu.memory_space<vmem>> -> memref<1x50x32xf32, #tpu.memory_space<vmem>>
      %dma_wait3A_1039 = tpu.memref_squeeze %dma_wait3A_1038 : memref<1x50x32xf32, #tpu.memory_space<vmem>> -> memref<50x32xf32, #tpu.memory_space<vmem>>
      %dma_wait3A_1040 = arith.constant 0 : i32
      %dma_wait3A_1041 = tpu.memref_slice %arg5[%dma_wait3A_1034, %dma_wait3A_1040] : memref<32x50xi32, #tpu.memory_space<vmem>> -> memref<1x50xi32, #tpu.memory_space<vmem>>
      %dma_wait3A_1042 = tpu.memref_squeeze %dma_wait3A_1041 : memref<1x50xi32, #tpu.memory_space<vmem>> -> memref<50xi32, #tpu.memory_space<vmem>>
      %dma_wait3A_1043 = arith.constant 0 : i32
      %dma_wait3A_1044 = arith.constant 0 : i32
      %dma_wait3A_1045 = tpu.memref_slice %arg3[%dma_wait3A_1043, %dma_wait3A_1044] : memref<1000000x32xf32, #tpu.memory_space<hbm>> -> memref<1000000x32xf32, #tpu.memory_space<hbm>>
      tpu.wait_indirect_dma semaphore(%arg9 : memref<!tpu.dma_semaphore, #tpu.memory_space<semaphore_mem>>) src(%dma_wait3A_1045 : memref<1000000x32xf32, #tpu.memory_space<hbm>>) dst(%dma_wait3A_1039 : memref<50x32xf32, #tpu.memory_space<vmem>>)
      %dma_wait3A_1046 = arith.constant 21 : i32
      %dma_wait3A_1047 = arith.constant 21 : i32
      %dma_wait3A_1048 = arith.constant 0 : i32
      %dma_wait3A_1049 = arith.constant 0 : i32
      %dma_wait3A_1050 = tpu.memref_slice %arg7[%dma_wait3A_1047, %dma_wait3A_1048, %dma_wait3A_1049] : memref<32x50x32xf32, #tpu.memory_space<vmem>> -> memref<1x50x32xf32, #tpu.memory_space<vmem>>
      %dma_wait3A_1051 = tpu.memref_squeeze %dma_wait3A_1050 : memref<1x50x32xf32, #tpu.memory_space<vmem>> -> memref<50x32xf32, #tpu.memory_space<vmem>>
      %dma_wait3A_1052 = arith.constant 0 : i32
      %dma_wait3A_1053 = tpu.memref_slice %arg5[%dma_wait3A_1046, %dma_wait3A_1052] : memref<32x50xi32, #tpu.memory_space<vmem>> -> memref<1x50xi32, #tpu.memory_space<vmem>>
      %dma_wait3A_1054 = tpu.memref_squeeze %dma_wait3A_1053 : memref<1x50xi32, #tpu.memory_space<vmem>> -> memref<50xi32, #tpu.memory_space<vmem>>
      %dma_wait3A_1055 = arith.constant 0 : i32
      %dma_wait3A_1056 = arith.constant 0 : i32
      %dma_wait3A_1057 = tpu.memref_slice %arg3[%dma_wait3A_1055, %dma_wait3A_1056] : memref<1000000x32xf32, #tpu.memory_space<hbm>> -> memref<1000000x32xf32, #tpu.memory_space<hbm>>
      tpu.wait_indirect_dma semaphore(%arg9 : memref<!tpu.dma_semaphore, #tpu.memory_space<semaphore_mem>>) src(%dma_wait3A_1057 : memref<1000000x32xf32, #tpu.memory_space<hbm>>) dst(%dma_wait3A_1051 : memref<50x32xf32, #tpu.memory_space<vmem>>)
      %dma_wait3A_1058 = arith.constant 22 : i32
      %dma_wait3A_1059 = arith.constant 22 : i32
      %dma_wait3A_1060 = arith.constant 0 : i32
      %dma_wait3A_1061 = arith.constant 0 : i32
      %dma_wait3A_1062 = tpu.memref_slice %arg7[%dma_wait3A_1059, %dma_wait3A_1060, %dma_wait3A_1061] : memref<32x50x32xf32, #tpu.memory_space<vmem>> -> memref<1x50x32xf32, #tpu.memory_space<vmem>>
      %dma_wait3A_1063 = tpu.memref_squeeze %dma_wait3A_1062 : memref<1x50x32xf32, #tpu.memory_space<vmem>> -> memref<50x32xf32, #tpu.memory_space<vmem>>
      %dma_wait3A_1064 = arith.constant 0 : i32
      %dma_wait3A_1065 = tpu.memref_slice %arg5[%dma_wait3A_1058, %dma_wait3A_1064] : memref<32x50xi32, #tpu.memory_space<vmem>> -> memref<1x50xi32, #tpu.memory_space<vmem>>
      %dma_wait3A_1066 = tpu.memref_squeeze %dma_wait3A_1065 : memref<1x50xi32, #tpu.memory_space<vmem>> -> memref<50xi32, #tpu.memory_space<vmem>>
      %dma_wait3A_1067 = arith.constant 0 : i32
      %dma_wait3A_1068 = arith.constant 0 : i32
      %dma_wait3A_1069 = tpu.memref_slice %arg3[%dma_wait3A_1067, %dma_wait3A_1068] : memref<1000000x32xf32, #tpu.memory_space<hbm>> -> memref<1000000x32xf32, #tpu.memory_space<hbm>>
      tpu.wait_indirect_dma semaphore(%arg9 : memref<!tpu.dma_semaphore, #tpu.memory_space<semaphore_mem>>) src(%dma_wait3A_1069 : memref<1000000x32xf32, #tpu.memory_space<hbm>>) dst(%dma_wait3A_1063 : memref<50x32xf32, #tpu.memory_space<vmem>>)
      %dma_wait3A_1070 = arith.constant 23 : i32
      %dma_wait3A_1071 = arith.constant 23 : i32
      %dma_wait3A_1072 = arith.constant 0 : i32
      %dma_wait3A_1073 = arith.constant 0 : i32
      %dma_wait3A_1074 = tpu.memref_slice %arg7[%dma_wait3A_1071, %dma_wait3A_1072, %dma_wait3A_1073] : memref<32x50x32xf32, #tpu.memory_space<vmem>> -> memref<1x50x32xf32, #tpu.memory_space<vmem>>
      %dma_wait3A_1075 = tpu.memref_squeeze %dma_wait3A_1074 : memref<1x50x32xf32, #tpu.memory_space<vmem>> -> memref<50x32xf32, #tpu.memory_space<vmem>>
      %dma_wait3A_1076 = arith.constant 0 : i32
      %dma_wait3A_1077 = tpu.memref_slice %arg5[%dma_wait3A_1070, %dma_wait3A_1076] : memref<32x50xi32, #tpu.memory_space<vmem>> -> memref<1x50xi32, #tpu.memory_space<vmem>>
      %dma_wait3A_1078 = tpu.memref_squeeze %dma_wait3A_1077 : memref<1x50xi32, #tpu.memory_space<vmem>> -> memref<50xi32, #tpu.memory_space<vmem>>
      %dma_wait3A_1079 = arith.constant 0 : i32
      %dma_wait3A_1080 = arith.constant 0 : i32
      %dma_wait3A_1081 = tpu.memref_slice %arg3[%dma_wait3A_1079, %dma_wait3A_1080] : memref<1000000x32xf32, #tpu.memory_space<hbm>> -> memref<1000000x32xf32, #tpu.memory_space<hbm>>
      tpu.wait_indirect_dma semaphore(%arg9 : memref<!tpu.dma_semaphore, #tpu.memory_space<semaphore_mem>>) src(%dma_wait3A_1081 : memref<1000000x32xf32, #tpu.memory_space<hbm>>) dst(%dma_wait3A_1075 : memref<50x32xf32, #tpu.memory_space<vmem>>)
      %dma_wait3A_1082 = arith.constant 24 : i32
      %dma_wait3A_1083 = arith.constant 24 : i32
      %dma_wait3A_1084 = arith.constant 0 : i32
      %dma_wait3A_1085 = arith.constant 0 : i32
      %dma_wait3A_1086 = tpu.memref_slice %arg7[%dma_wait3A_1083, %dma_wait3A_1084, %dma_wait3A_1085] : memref<32x50x32xf32, #tpu.memory_space<vmem>> -> memref<1x50x32xf32, #tpu.memory_space<vmem>>
      %dma_wait3A_1087 = tpu.memref_squeeze %dma_wait3A_1086 : memref<1x50x32xf32, #tpu.memory_space<vmem>> -> memref<50x32xf32, #tpu.memory_space<vmem>>
      %dma_wait3A_1088 = arith.constant 0 : i32
      %dma_wait3A_1089 = tpu.memref_slice %arg5[%dma_wait3A_1082, %dma_wait3A_1088] : memref<32x50xi32, #tpu.memory_space<vmem>> -> memref<1x50xi32, #tpu.memory_space<vmem>>
      %dma_wait3A_1090 = tpu.memref_squeeze %dma_wait3A_1089 : memref<1x50xi32, #tpu.memory_space<vmem>> -> memref<50xi32, #tpu.memory_space<vmem>>
      %dma_wait3A_1091 = arith.constant 0 : i32
      %dma_wait3A_1092 = arith.constant 0 : i32
      %dma_wait3A_1093 = tpu.memref_slice %arg3[%dma_wait3A_1091, %dma_wait3A_1092] : memref<1000000x32xf32, #tpu.memory_space<hbm>> -> memref<1000000x32xf32, #tpu.memory_space<hbm>>
      tpu.wait_indirect_dma semaphore(%arg9 : memref<!tpu.dma_semaphore, #tpu.memory_space<semaphore_mem>>) src(%dma_wait3A_1093 : memref<1000000x32xf32, #tpu.memory_space<hbm>>) dst(%dma_wait3A_1087 : memref<50x32xf32, #tpu.memory_space<vmem>>)
      %dma_wait3A_1094 = arith.constant 25 : i32
      %dma_wait3A_1095 = arith.constant 25 : i32
      %dma_wait3A_1096 = arith.constant 0 : i32
      %dma_wait3A_1097 = arith.constant 0 : i32
      %dma_wait3A_1098 = tpu.memref_slice %arg7[%dma_wait3A_1095, %dma_wait3A_1096, %dma_wait3A_1097] : memref<32x50x32xf32, #tpu.memory_space<vmem>> -> memref<1x50x32xf32, #tpu.memory_space<vmem>>
      %dma_wait3A_1099 = tpu.memref_squeeze %dma_wait3A_1098 : memref<1x50x32xf32, #tpu.memory_space<vmem>> -> memref<50x32xf32, #tpu.memory_space<vmem>>
      %dma_wait3A_1100 = arith.constant 0 : i32
      %dma_wait3A_1101 = tpu.memref_slice %arg5[%dma_wait3A_1094, %dma_wait3A_1100] : memref<32x50xi32, #tpu.memory_space<vmem>> -> memref<1x50xi32, #tpu.memory_space<vmem>>
      %dma_wait3A_1102 = tpu.memref_squeeze %dma_wait3A_1101 : memref<1x50xi32, #tpu.memory_space<vmem>> -> memref<50xi32, #tpu.memory_space<vmem>>
      %dma_wait3A_1103 = arith.constant 0 : i32
      %dma_wait3A_1104 = arith.constant 0 : i32
      %dma_wait3A_1105 = tpu.memref_slice %arg3[%dma_wait3A_1103, %dma_wait3A_1104] : memref<1000000x32xf32, #tpu.memory_space<hbm>> -> memref<1000000x32xf32, #tpu.memory_space<hbm>>
      tpu.wait_indirect_dma semaphore(%arg9 : memref<!tpu.dma_semaphore, #tpu.memory_space<semaphore_mem>>) src(%dma_wait3A_1105 : memref<1000000x32xf32, #tpu.memory_space<hbm>>) dst(%dma_wait3A_1099 : memref<50x32xf32, #tpu.memory_space<vmem>>)
      %dma_wait3A_1106 = arith.constant 26 : i32
      %dma_wait3A_1107 = arith.constant 26 : i32
      %dma_wait3A_1108 = arith.constant 0 : i32
      %dma_wait3A_1109 = arith.constant 0 : i32
      %dma_wait3A_1110 = tpu.memref_slice %arg7[%dma_wait3A_1107, %dma_wait3A_1108, %dma_wait3A_1109] : memref<32x50x32xf32, #tpu.memory_space<vmem>> -> memref<1x50x32xf32, #tpu.memory_space<vmem>>
      %dma_wait3A_1111 = tpu.memref_squeeze %dma_wait3A_1110 : memref<1x50x32xf32, #tpu.memory_space<vmem>> -> memref<50x32xf32, #tpu.memory_space<vmem>>
      %dma_wait3A_1112 = arith.constant 0 : i32
      %dma_wait3A_1113 = tpu.memref_slice %arg5[%dma_wait3A_1106, %dma_wait3A_1112] : memref<32x50xi32, #tpu.memory_space<vmem>> -> memref<1x50xi32, #tpu.memory_space<vmem>>
      %dma_wait3A_1114 = tpu.memref_squeeze %dma_wait3A_1113 : memref<1x50xi32, #tpu.memory_space<vmem>> -> memref<50xi32, #tpu.memory_space<vmem>>
      %dma_wait3A_1115 = arith.constant 0 : i32
      %dma_wait3A_1116 = arith.constant 0 : i32
      %dma_wait3A_1117 = tpu.memref_slice %arg3[%dma_wait3A_1115, %dma_wait3A_1116] : memref<1000000x32xf32, #tpu.memory_space<hbm>> -> memref<1000000x32xf32, #tpu.memory_space<hbm>>
      tpu.wait_indirect_dma semaphore(%arg9 : memref<!tpu.dma_semaphore, #tpu.memory_space<semaphore_mem>>) src(%dma_wait3A_1117 : memref<1000000x32xf32, #tpu.memory_space<hbm>>) dst(%dma_wait3A_1111 : memref<50x32xf32, #tpu.memory_space<vmem>>)
      %dma_wait3A_1118 = arith.constant 27 : i32
      %dma_wait3A_1119 = arith.constant 27 : i32
      %dma_wait3A_1120 = arith.constant 0 : i32
      %dma_wait3A_1121 = arith.constant 0 : i32
      %dma_wait3A_1122 = tpu.memref_slice %arg7[%dma_wait3A_1119, %dma_wait3A_1120, %dma_wait3A_1121] : memref<32x50x32xf32, #tpu.memory_space<vmem>> -> memref<1x50x32xf32, #tpu.memory_space<vmem>>
      %dma_wait3A_1123 = tpu.memref_squeeze %dma_wait3A_1122 : memref<1x50x32xf32, #tpu.memory_space<vmem>> -> memref<50x32xf32, #tpu.memory_space<vmem>>
      %dma_wait3A_1124 = arith.constant 0 : i32
      %dma_wait3A_1125 = tpu.memref_slice %arg5[%dma_wait3A_1118, %dma_wait3A_1124] : memref<32x50xi32, #tpu.memory_space<vmem>> -> memref<1x50xi32, #tpu.memory_space<vmem>>
      %dma_wait3A_1126 = tpu.memref_squeeze %dma_wait3A_1125 : memref<1x50xi32, #tpu.memory_space<vmem>> -> memref<50xi32, #tpu.memory_space<vmem>>
      %dma_wait3A_1127 = arith.constant 0 : i32
      %dma_wait3A_1128 = arith.constant 0 : i32
      %dma_wait3A_1129 = tpu.memref_slice %arg3[%dma_wait3A_1127, %dma_wait3A_1128] : memref<1000000x32xf32, #tpu.memory_space<hbm>> -> memref<1000000x32xf32, #tpu.memory_space<hbm>>
      tpu.wait_indirect_dma semaphore(%arg9 : memref<!tpu.dma_semaphore, #tpu.memory_space<semaphore_mem>>) src(%dma_wait3A_1129 : memref<1000000x32xf32, #tpu.memory_space<hbm>>) dst(%dma_wait3A_1123 : memref<50x32xf32, #tpu.memory_space<vmem>>)
      %dma_wait3A_1130 = arith.constant 28 : i32
      %dma_wait3A_1131 = arith.constant 28 : i32
      %dma_wait3A_1132 = arith.constant 0 : i32
      %dma_wait3A_1133 = arith.constant 0 : i32
      %dma_wait3A_1134 = tpu.memref_slice %arg7[%dma_wait3A_1131, %dma_wait3A_1132, %dma_wait3A_1133] : memref<32x50x32xf32, #tpu.memory_space<vmem>> -> memref<1x50x32xf32, #tpu.memory_space<vmem>>
      %dma_wait3A_1135 = tpu.memref_squeeze %dma_wait3A_1134 : memref<1x50x32xf32, #tpu.memory_space<vmem>> -> memref<50x32xf32, #tpu.memory_space<vmem>>
      %dma_wait3A_1136 = arith.constant 0 : i32
      %dma_wait3A_1137 = tpu.memref_slice %arg5[%dma_wait3A_1130, %dma_wait3A_1136] : memref<32x50xi32, #tpu.memory_space<vmem>> -> memref<1x50xi32, #tpu.memory_space<vmem>>
      %dma_wait3A_1138 = tpu.memref_squeeze %dma_wait3A_1137 : memref<1x50xi32, #tpu.memory_space<vmem>> -> memref<50xi32, #tpu.memory_space<vmem>>
      %dma_wait3A_1139 = arith.constant 0 : i32
      %dma_wait3A_1140 = arith.constant 0 : i32
      %dma_wait3A_1141 = tpu.memref_slice %arg3[%dma_wait3A_1139, %dma_wait3A_1140] : memref<1000000x32xf32, #tpu.memory_space<hbm>> -> memref<1000000x32xf32, #tpu.memory_space<hbm>>
      tpu.wait_indirect_dma semaphore(%arg9 : memref<!tpu.dma_semaphore, #tpu.memory_space<semaphore_mem>>) src(%dma_wait3A_1141 : memref<1000000x32xf32, #tpu.memory_space<hbm>>) dst(%dma_wait3A_1135 : memref<50x32xf32, #tpu.memory_space<vmem>>)
      %dma_wait3A_1142 = arith.constant 29 : i32
      %dma_wait3A_1143 = arith.constant 29 : i32
      %dma_wait3A_1144 = arith.constant 0 : i32
      %dma_wait3A_1145 = arith.constant 0 : i32
      %dma_wait3A_1146 = tpu.memref_slice %arg7[%dma_wait3A_1143, %dma_wait3A_1144, %dma_wait3A_1145] : memref<32x50x32xf32, #tpu.memory_space<vmem>> -> memref<1x50x32xf32, #tpu.memory_space<vmem>>
      %dma_wait3A_1147 = tpu.memref_squeeze %dma_wait3A_1146 : memref<1x50x32xf32, #tpu.memory_space<vmem>> -> memref<50x32xf32, #tpu.memory_space<vmem>>
      %dma_wait3A_1148 = arith.constant 0 : i32
      %dma_wait3A_1149 = tpu.memref_slice %arg5[%dma_wait3A_1142, %dma_wait3A_1148] : memref<32x50xi32, #tpu.memory_space<vmem>> -> memref<1x50xi32, #tpu.memory_space<vmem>>
      %dma_wait3A_1150 = tpu.memref_squeeze %dma_wait3A_1149 : memref<1x50xi32, #tpu.memory_space<vmem>> -> memref<50xi32, #tpu.memory_space<vmem>>
      %dma_wait3A_1151 = arith.constant 0 : i32
      %dma_wait3A_1152 = arith.constant 0 : i32
      %dma_wait3A_1153 = tpu.memref_slice %arg3[%dma_wait3A_1151, %dma_wait3A_1152] : memref<1000000x32xf32, #tpu.memory_space<hbm>> -> memref<1000000x32xf32, #tpu.memory_space<hbm>>
      tpu.wait_indirect_dma semaphore(%arg9 : memref<!tpu.dma_semaphore, #tpu.memory_space<semaphore_mem>>) src(%dma_wait3A_1153 : memref<1000000x32xf32, #tpu.memory_space<hbm>>) dst(%dma_wait3A_1147 : memref<50x32xf32, #tpu.memory_space<vmem>>)
      %dma_wait3A_1154 = arith.constant 30 : i32
      %dma_wait3A_1155 = arith.constant 30 : i32
      %dma_wait3A_1156 = arith.constant 0 : i32
      %dma_wait3A_1157 = arith.constant 0 : i32
      %dma_wait3A_1158 = tpu.memref_slice %arg7[%dma_wait3A_1155, %dma_wait3A_1156, %dma_wait3A_1157] : memref<32x50x32xf32, #tpu.memory_space<vmem>> -> memref<1x50x32xf32, #tpu.memory_space<vmem>>
      %dma_wait3A_1159 = tpu.memref_squeeze %dma_wait3A_1158 : memref<1x50x32xf32, #tpu.memory_space<vmem>> -> memref<50x32xf32, #tpu.memory_space<vmem>>
      %dma_wait3A_1160 = arith.constant 0 : i32
      %dma_wait3A_1161 = tpu.memref_slice %arg5[%dma_wait3A_1154, %dma_wait3A_1160] : memref<32x50xi32, #tpu.memory_space<vmem>> -> memref<1x50xi32, #tpu.memory_space<vmem>>
      %dma_wait3A_1162 = tpu.memref_squeeze %dma_wait3A_1161 : memref<1x50xi32, #tpu.memory_space<vmem>> -> memref<50xi32, #tpu.memory_space<vmem>>
      %dma_wait3A_1163 = arith.constant 0 : i32
      %dma_wait3A_1164 = arith.constant 0 : i32
      %dma_wait3A_1165 = tpu.memref_slice %arg3[%dma_wait3A_1163, %dma_wait3A_1164] : memref<1000000x32xf32, #tpu.memory_space<hbm>> -> memref<1000000x32xf32, #tpu.memory_space<hbm>>
      tpu.wait_indirect_dma semaphore(%arg9 : memref<!tpu.dma_semaphore, #tpu.memory_space<semaphore_mem>>) src(%dma_wait3A_1165 : memref<1000000x32xf32, #tpu.memory_space<hbm>>) dst(%dma_wait3A_1159 : memref<50x32xf32, #tpu.memory_space<vmem>>)
      %dma_wait3A_1166 = arith.constant 31 : i32
      %dma_wait3A_1167 = arith.constant 31 : i32
      %dma_wait3A_1168 = arith.constant 0 : i32
      %dma_wait3A_1169 = arith.constant 0 : i32
      %dma_wait3A_1170 = tpu.memref_slice %arg7[%dma_wait3A_1167, %dma_wait3A_1168, %dma_wait3A_1169] : memref<32x50x32xf32, #tpu.memory_space<vmem>> -> memref<1x50x32xf32, #tpu.memory_space<vmem>>
      %dma_wait3A_1171 = tpu.memref_squeeze %dma_wait3A_1170 : memref<1x50x32xf32, #tpu.memory_space<vmem>> -> memref<50x32xf32, #tpu.memory_space<vmem>>
      %dma_wait3A_1172 = arith.constant 0 : i32
      %dma_wait3A_1173 = tpu.memref_slice %arg5[%dma_wait3A_1166, %dma_wait3A_1172] : memref<32x50xi32, #tpu.memory_space<vmem>> -> memref<1x50xi32, #tpu.memory_space<vmem>>
      %dma_wait3A_1174 = tpu.memref_squeeze %dma_wait3A_1173 : memref<1x50xi32, #tpu.memory_space<vmem>> -> memref<50xi32, #tpu.memory_space<vmem>>
      %dma_wait3A_1175 = arith.constant 0 : i32
      %dma_wait3A_1176 = arith.constant 0 : i32
      %dma_wait3A_1177 = tpu.memref_slice %arg3[%dma_wait3A_1175, %dma_wait3A_1176] : memref<1000000x32xf32, #tpu.memory_space<hbm>> -> memref<1000000x32xf32, #tpu.memory_space<hbm>>
      tpu.wait_indirect_dma semaphore(%arg9 : memref<!tpu.dma_semaphore, #tpu.memory_space<semaphore_mem>>) src(%dma_wait3A_1177 : memref<1000000x32xf32, #tpu.memory_space<hbm>>) dst(%dma_wait3A_1171 : memref<50x32xf32, #tpu.memory_space<vmem>>)
      %scan3A_1178 = arith.constant 0 : i32
      %scan3A_1179 = arith.constant 0 : i32
      %scan3A_1180 = arith.constant 100 : i32
      %scan3A_1181 = arith.addi %scan3A_1179, %scan3A_1180 : i32
      %scan3A_1182 = arith.constant 1 : i32
      scf.for %scan3A_1609 = %scan3A_1179 to %scan3A_1181 step %scan3A_1182  : i32 {
        %mul3A_1610 = arith.constant 16 : i32
        %mul3A_1611 = arith.muli %scan3A_1609, %mul3A_1610 : i32
        %add3A_1612 = vector.broadcast %mul3A_1611 : i32 to vector<16xi32>
        %add3A_1613 = arith.addi %iota3A, %add3A_1612 : vector<16xi32>
        %jit3A = arith.constant 50 : i32
        %div3A = vector.broadcast %jit3A : i32 to vector<16xi32>
        %div3A_1614 = arith.divsi %add3A_1613, %div3A : vector<16xi32>
        %sign3A = arith.constant 0 : i32
        %sign3A_1615 = vector.broadcast %sign3A : i32 to vector<16xi32>
        %sign3A_1616 = arith.cmpi sgt, %add3A_1613, %sign3A_1615 : vector<16xi32>
        %sign3A_1617 = arith.extui %sign3A_1616 : vector<16xi1> to vector<16xi32>
        %sign3A_1618 = arith.constant 0 : i32
        %sign3A_1619 = vector.broadcast %sign3A_1618 : i32 to vector<16xi32>
        %sign3A_1620 = arith.cmpi slt, %add3A_1613, %sign3A_1619 : vector<16xi32>
        %sign3A_1621 = arith.extui %sign3A_1620 : vector<16xi1> to vector<16xi32>
        %sign3A_1622 = arith.subi %sign3A_1617, %sign3A_1621 : vector<16xi32>
        %sign3A_1623 = arith.constant 0 : i32
        %sign3A_1624 = arith.cmpi sgt, %jit3A, %sign3A_1623 : i32
        %sign3A_1625 = arith.extui %sign3A_1624 : i1 to i32
        %sign3A_1626 = arith.constant 0 : i32
        %sign3A_1627 = arith.cmpi slt, %jit3A, %sign3A_1626 : i32
        %sign3A_1628 = arith.extui %sign3A_1627 : i1 to i32
        %sign3A_1629 = arith.subi %sign3A_1625, %sign3A_1628 : i32
        %ne3A = vector.broadcast %sign3A_1629 : i32 to vector<16xi32>
        %ne3A_1630 = arith.cmpi ne, %sign3A_1622, %ne3A : vector<16xi32>
        %rem3A = vector.broadcast %jit3A : i32 to vector<16xi32>
        %rem3A_1631 = arith.remsi %add3A_1613, %rem3A : vector<16xi32>
        %ne3A_1632 = arith.constant 0 : i32
        %ne3A_1633 = vector.broadcast %ne3A_1632 : i32 to vector<16xi32>
        %ne3A_1634 = arith.cmpi ne, %rem3A_1631, %ne3A_1633 : vector<16xi32>
        %and3A = arith.andi %ne3A_1630, %ne3A_1634 : vector<16xi1>
        %sub3A = arith.constant 1 : i32
        %sub3A_1635 = vector.broadcast %sub3A : i32 to vector<16xi32>
        %sub3A_1636 = arith.subi %div3A_1614, %sub3A_1635 : vector<16xi32>
        %select_n3A = arith.select %and3A, %sub3A_1636, %div3A_1614 : vector<16xi1>, vector<16xi32>
        %mul3A_1637 = arith.constant 50 : i32
        %mul3A_1638 = vector.broadcast %mul3A_1637 : i32 to vector<16xi32>
        %mul3A_1639 = arith.muli %select_n3A, %mul3A_1638 : vector<16xi32>
        %sub3A_1640 = arith.subi %add3A_1613, %mul3A_1639 : vector<16xi32>
        %broadcast_in_dim3A = arith.constant 0.000000e+00 : f32
        %broadcast_in_dim3A_1641 = vector.broadcast %broadcast_in_dim3A : f32 to vector<16xf32>
        %add3A_1642 = arith.constant 0 : i32
        %add3A_1643 = vector.broadcast %add3A_1642 : i32 to vector<16xi32>
        %add3A_1644 = arith.addi %iota3A, %add3A_1643 : vector<16xi32>
        %and3A_1645 = arith.constant 31 : i32
        %and3A_1646 = vector.broadcast %and3A_1645 : i32 to vector<16xi32>
        %and3A_1647 = arith.andi %add3A_1644, %and3A_1646 : vector<16xi32>
        %gather3A = tpu.vector_load_idx %arg7[%select_n3A, %sub3A_1640, %and3A_1647] : memref<32x50x32xf32, #tpu.memory_space<vmem>>[vector<16xi32>, vector<16xi32>, vector<16xi32>], vector<16xf32>,
        %mul3A_1648 = arith.mulf %gather3A, %gather3A : vector<16xf32>
        %add3A_1649 = arith.addf %broadcast_in_dim3A_1641, %mul3A_1648 : vector<16xf32>
        %add3A_1650 = arith.constant 1 : i32
        %add3A_1651 = vector.broadcast %add3A_1650 : i32 to vector<16xi32>
        %add3A_1652 = arith.addi %iota3A, %add3A_1651 : vector<16xi32>
        %and3A_1653 = arith.constant 31 : i32
        %and3A_1654 = vector.broadcast %and3A_1653 : i32 to vector<16xi32>
        %and3A_1655 = arith.andi %add3A_1652, %and3A_1654 : vector<16xi32>
        %gather3A_1656 = tpu.vector_load_idx %arg7[%select_n3A, %sub3A_1640, %and3A_1655] : memref<32x50x32xf32, #tpu.memory_space<vmem>>[vector<16xi32>, vector<16xi32>, vector<16xi32>], vector<16xf32>,
        %mul3A_1657 = arith.mulf %gather3A_1656, %gather3A_1656 : vector<16xf32>
        %add3A_1658 = arith.addf %add3A_1649, %mul3A_1657 : vector<16xf32>
        %add3A_1659 = arith.constant 2 : i32
        %add3A_1660 = vector.broadcast %add3A_1659 : i32 to vector<16xi32>
        %add3A_1661 = arith.addi %iota3A, %add3A_1660 : vector<16xi32>
        %and3A_1662 = arith.constant 31 : i32
        %and3A_1663 = vector.broadcast %and3A_1662 : i32 to vector<16xi32>
        %and3A_1664 = arith.andi %add3A_1661, %and3A_1663 : vector<16xi32>
        %gather3A_1665 = tpu.vector_load_idx %arg7[%select_n3A, %sub3A_1640, %and3A_1664] : memref<32x50x32xf32, #tpu.memory_space<vmem>>[vector<16xi32>, vector<16xi32>, vector<16xi32>], vector<16xf32>,
        %mul3A_1666 = arith.mulf %gather3A_1665, %gather3A_1665 : vector<16xf32>
        %add3A_1667 = arith.addf %add3A_1658, %mul3A_1666 : vector<16xf32>
        %add3A_1668 = arith.constant 3 : i32
        %add3A_1669 = vector.broadcast %add3A_1668 : i32 to vector<16xi32>
        %add3A_1670 = arith.addi %iota3A, %add3A_1669 : vector<16xi32>
        %and3A_1671 = arith.constant 31 : i32
        %and3A_1672 = vector.broadcast %and3A_1671 : i32 to vector<16xi32>
        %and3A_1673 = arith.andi %add3A_1670, %and3A_1672 : vector<16xi32>
        %gather3A_1674 = tpu.vector_load_idx %arg7[%select_n3A, %sub3A_1640, %and3A_1673] : memref<32x50x32xf32, #tpu.memory_space<vmem>>[vector<16xi32>, vector<16xi32>, vector<16xi32>], vector<16xf32>,
        %mul3A_1675 = arith.mulf %gather3A_1674, %gather3A_1674 : vector<16xf32>
        %add3A_1676 = arith.addf %add3A_1667, %mul3A_1675 : vector<16xf32>
        %add3A_1677 = arith.constant 4 : i32
        %add3A_1678 = vector.broadcast %add3A_1677 : i32 to vector<16xi32>
        %add3A_1679 = arith.addi %iota3A, %add3A_1678 : vector<16xi32>
        %and3A_1680 = arith.constant 31 : i32
        %and3A_1681 = vector.broadcast %and3A_1680 : i32 to vector<16xi32>
        %and3A_1682 = arith.andi %add3A_1679, %and3A_1681 : vector<16xi32>
        %gather3A_1683 = tpu.vector_load_idx %arg7[%select_n3A, %sub3A_1640, %and3A_1682] : memref<32x50x32xf32, #tpu.memory_space<vmem>>[vector<16xi32>, vector<16xi32>, vector<16xi32>], vector<16xf32>,
        %mul3A_1684 = arith.mulf %gather3A_1683, %gather3A_1683 : vector<16xf32>
        %add3A_1685 = arith.addf %add3A_1676, %mul3A_1684 : vector<16xf32>
        %add3A_1686 = arith.constant 5 : i32
        %add3A_1687 = vector.broadcast %add3A_1686 : i32 to vector<16xi32>
        %add3A_1688 = arith.addi %iota3A, %add3A_1687 : vector<16xi32>
        %and3A_1689 = arith.constant 31 : i32
        %and3A_1690 = vector.broadcast %and3A_1689 : i32 to vector<16xi32>
        %and3A_1691 = arith.andi %add3A_1688, %and3A_1690 : vector<16xi32>
        %gather3A_1692 = tpu.vector_load_idx %arg7[%select_n3A, %sub3A_1640, %and3A_1691] : memref<32x50x32xf32, #tpu.memory_space<vmem>>[vector<16xi32>, vector<16xi32>, vector<16xi32>], vector<16xf32>,
        %mul3A_1693 = arith.mulf %gather3A_1692, %gather3A_1692 : vector<16xf32>
        %add3A_1694 = arith.addf %add3A_1685, %mul3A_1693 : vector<16xf32>
        %add3A_1695 = arith.constant 6 : i32
        %add3A_1696 = vector.broadcast %add3A_1695 : i32 to vector<16xi32>
        %add3A_1697 = arith.addi %iota3A, %add3A_1696 : vector<16xi32>
        %and3A_1698 = arith.constant 31 : i32
        %and3A_1699 = vector.broadcast %and3A_1698 : i32 to vector<16xi32>
        %and3A_1700 = arith.andi %add3A_1697, %and3A_1699 : vector<16xi32>
        %gather3A_1701 = tpu.vector_load_idx %arg7[%select_n3A, %sub3A_1640, %and3A_1700] : memref<32x50x32xf32, #tpu.memory_space<vmem>>[vector<16xi32>, vector<16xi32>, vector<16xi32>], vector<16xf32>,
        %mul3A_1702 = arith.mulf %gather3A_1701, %gather3A_1701 : vector<16xf32>
        %add3A_1703 = arith.addf %add3A_1694, %mul3A_1702 : vector<16xf32>
        %add3A_1704 = arith.constant 7 : i32
        %add3A_1705 = vector.broadcast %add3A_1704 : i32 to vector<16xi32>
        %add3A_1706 = arith.addi %iota3A, %add3A_1705 : vector<16xi32>
        %and3A_1707 = arith.constant 31 : i32
        %and3A_1708 = vector.broadcast %and3A_1707 : i32 to vector<16xi32>
        %and3A_1709 = arith.andi %add3A_1706, %and3A_1708 : vector<16xi32>
        %gather3A_1710 = tpu.vector_load_idx %arg7[%select_n3A, %sub3A_1640, %and3A_1709] : memref<32x50x32xf32, #tpu.memory_space<vmem>>[vector<16xi32>, vector<16xi32>, vector<16xi32>], vector<16xf32>,
        %mul3A_1711 = arith.mulf %gather3A_1710, %gather3A_1710 : vector<16xf32>
        %add3A_1712 = arith.addf %add3A_1703, %mul3A_1711 : vector<16xf32>
        %add3A_1713 = arith.constant 8 : i32
        %add3A_1714 = vector.broadcast %add3A_1713 : i32 to vector<16xi32>
        %add3A_1715 = arith.addi %iota3A, %add3A_1714 : vector<16xi32>
        %and3A_1716 = arith.constant 31 : i32
        %and3A_1717 = vector.broadcast %and3A_1716 : i32 to vector<16xi32>
        %and3A_1718 = arith.andi %add3A_1715, %and3A_1717 : vector<16xi32>
        %gather3A_1719 = tpu.vector_load_idx %arg7[%select_n3A, %sub3A_1640, %and3A_1718] : memref<32x50x32xf32, #tpu.memory_space<vmem>>[vector<16xi32>, vector<16xi32>, vector<16xi32>], vector<16xf32>,
        %mul3A_1720 = arith.mulf %gather3A_1719, %gather3A_1719 : vector<16xf32>
        %add3A_1721 = arith.addf %add3A_1712, %mul3A_1720 : vector<16xf32>
        %add3A_1722 = arith.constant 9 : i32
        %add3A_1723 = vector.broadcast %add3A_1722 : i32 to vector<16xi32>
        %add3A_1724 = arith.addi %iota3A, %add3A_1723 : vector<16xi32>
        %and3A_1725 = arith.constant 31 : i32
        %and3A_1726 = vector.broadcast %and3A_1725 : i32 to vector<16xi32>
        %and3A_1727 = arith.andi %add3A_1724, %and3A_1726 : vector<16xi32>
        %gather3A_1728 = tpu.vector_load_idx %arg7[%select_n3A, %sub3A_1640, %and3A_1727] : memref<32x50x32xf32, #tpu.memory_space<vmem>>[vector<16xi32>, vector<16xi32>, vector<16xi32>], vector<16xf32>,
        %mul3A_1729 = arith.mulf %gather3A_1728, %gather3A_1728 : vector<16xf32>
        %add3A_1730 = arith.addf %add3A_1721, %mul3A_1729 : vector<16xf32>
        %add3A_1731 = arith.constant 10 : i32
        %add3A_1732 = vector.broadcast %add3A_1731 : i32 to vector<16xi32>
        %add3A_1733 = arith.addi %iota3A, %add3A_1732 : vector<16xi32>
        %and3A_1734 = arith.constant 31 : i32
        %and3A_1735 = vector.broadcast %and3A_1734 : i32 to vector<16xi32>
        %and3A_1736 = arith.andi %add3A_1733, %and3A_1735 : vector<16xi32>
        %gather3A_1737 = tpu.vector_load_idx %arg7[%select_n3A, %sub3A_1640, %and3A_1736] : memref<32x50x32xf32, #tpu.memory_space<vmem>>[vector<16xi32>, vector<16xi32>, vector<16xi32>], vector<16xf32>,
        %mul3A_1738 = arith.mulf %gather3A_1737, %gather3A_1737 : vector<16xf32>
        %add3A_1739 = arith.addf %add3A_1730, %mul3A_1738 : vector<16xf32>
        %add3A_1740 = arith.constant 11 : i32
        %add3A_1741 = vector.broadcast %add3A_1740 : i32 to vector<16xi32>
        %add3A_1742 = arith.addi %iota3A, %add3A_1741 : vector<16xi32>
        %and3A_1743 = arith.constant 31 : i32
        %and3A_1744 = vector.broadcast %and3A_1743 : i32 to vector<16xi32>
        %and3A_1745 = arith.andi %add3A_1742, %and3A_1744 : vector<16xi32>
        %gather3A_1746 = tpu.vector_load_idx %arg7[%select_n3A, %sub3A_1640, %and3A_1745] : memref<32x50x32xf32, #tpu.memory_space<vmem>>[vector<16xi32>, vector<16xi32>, vector<16xi32>], vector<16xf32>,
        %mul3A_1747 = arith.mulf %gather3A_1746, %gather3A_1746 : vector<16xf32>
        %add3A_1748 = arith.addf %add3A_1739, %mul3A_1747 : vector<16xf32>
        %add3A_1749 = arith.constant 12 : i32
        %add3A_1750 = vector.broadcast %add3A_1749 : i32 to vector<16xi32>
        %add3A_1751 = arith.addi %iota3A, %add3A_1750 : vector<16xi32>
        %and3A_1752 = arith.constant 31 : i32
        %and3A_1753 = vector.broadcast %and3A_1752 : i32 to vector<16xi32>
        %and3A_1754 = arith.andi %add3A_1751, %and3A_1753 : vector<16xi32>
        %gather3A_1755 = tpu.vector_load_idx %arg7[%select_n3A, %sub3A_1640, %and3A_1754] : memref<32x50x32xf32, #tpu.memory_space<vmem>>[vector<16xi32>, vector<16xi32>, vector<16xi32>], vector<16xf32>,
        %mul3A_1756 = arith.mulf %gather3A_1755, %gather3A_1755 : vector<16xf32>
        %add3A_1757 = arith.addf %add3A_1748, %mul3A_1756 : vector<16xf32>
        %add3A_1758 = arith.constant 13 : i32
        %add3A_1759 = vector.broadcast %add3A_1758 : i32 to vector<16xi32>
        %add3A_1760 = arith.addi %iota3A, %add3A_1759 : vector<16xi32>
        %and3A_1761 = arith.constant 31 : i32
        %and3A_1762 = vector.broadcast %and3A_1761 : i32 to vector<16xi32>
        %and3A_1763 = arith.andi %add3A_1760, %and3A_1762 : vector<16xi32>
        %gather3A_1764 = tpu.vector_load_idx %arg7[%select_n3A, %sub3A_1640, %and3A_1763] : memref<32x50x32xf32, #tpu.memory_space<vmem>>[vector<16xi32>, vector<16xi32>, vector<16xi32>], vector<16xf32>,
        %mul3A_1765 = arith.mulf %gather3A_1764, %gather3A_1764 : vector<16xf32>
        %add3A_1766 = arith.addf %add3A_1757, %mul3A_1765 : vector<16xf32>
        %add3A_1767 = arith.constant 14 : i32
        %add3A_1768 = vector.broadcast %add3A_1767 : i32 to vector<16xi32>
        %add3A_1769 = arith.addi %iota3A, %add3A_1768 : vector<16xi32>
        %and3A_1770 = arith.constant 31 : i32
        %and3A_1771 = vector.broadcast %and3A_1770 : i32 to vector<16xi32>
        %and3A_1772 = arith.andi %add3A_1769, %and3A_1771 : vector<16xi32>
        %gather3A_1773 = tpu.vector_load_idx %arg7[%select_n3A, %sub3A_1640, %and3A_1772] : memref<32x50x32xf32, #tpu.memory_space<vmem>>[vector<16xi32>, vector<16xi32>, vector<16xi32>], vector<16xf32>,
        %mul3A_1774 = arith.mulf %gather3A_1773, %gather3A_1773 : vector<16xf32>
        %add3A_1775 = arith.addf %add3A_1766, %mul3A_1774 : vector<16xf32>
        %add3A_1776 = arith.constant 15 : i32
        %add3A_1777 = vector.broadcast %add3A_1776 : i32 to vector<16xi32>
        %add3A_1778 = arith.addi %iota3A, %add3A_1777 : vector<16xi32>
        %and3A_1779 = arith.constant 31 : i32
        %and3A_1780 = vector.broadcast %and3A_1779 : i32 to vector<16xi32>
        %and3A_1781 = arith.andi %add3A_1778, %and3A_1780 : vector<16xi32>
        %gather3A_1782 = tpu.vector_load_idx %arg7[%select_n3A, %sub3A_1640, %and3A_1781] : memref<32x50x32xf32, #tpu.memory_space<vmem>>[vector<16xi32>, vector<16xi32>, vector<16xi32>], vector<16xf32>,
        %mul3A_1783 = arith.mulf %gather3A_1782, %gather3A_1782 : vector<16xf32>
        %add3A_1784 = arith.addf %add3A_1775, %mul3A_1783 : vector<16xf32>
        %add3A_1785 = arith.constant 16 : i32
        %add3A_1786 = vector.broadcast %add3A_1785 : i32 to vector<16xi32>
        %add3A_1787 = arith.addi %iota3A, %add3A_1786 : vector<16xi32>
        %and3A_1788 = arith.constant 31 : i32
        %and3A_1789 = vector.broadcast %and3A_1788 : i32 to vector<16xi32>
        %and3A_1790 = arith.andi %add3A_1787, %and3A_1789 : vector<16xi32>
        %gather3A_1791 = tpu.vector_load_idx %arg7[%select_n3A, %sub3A_1640, %and3A_1790] : memref<32x50x32xf32, #tpu.memory_space<vmem>>[vector<16xi32>, vector<16xi32>, vector<16xi32>], vector<16xf32>,
        %mul3A_1792 = arith.mulf %gather3A_1791, %gather3A_1791 : vector<16xf32>
        %add3A_1793 = arith.addf %add3A_1784, %mul3A_1792 : vector<16xf32>
        %add3A_1794 = arith.constant 17 : i32
        %add3A_1795 = vector.broadcast %add3A_1794 : i32 to vector<16xi32>
        %add3A_1796 = arith.addi %iota3A, %add3A_1795 : vector<16xi32>
        %and3A_1797 = arith.constant 31 : i32
        %and3A_1798 = vector.broadcast %and3A_1797 : i32 to vector<16xi32>
        %and3A_1799 = arith.andi %add3A_1796, %and3A_1798 : vector<16xi32>
        %gather3A_1800 = tpu.vector_load_idx %arg7[%select_n3A, %sub3A_1640, %and3A_1799] : memref<32x50x32xf32, #tpu.memory_space<vmem>>[vector<16xi32>, vector<16xi32>, vector<16xi32>], vector<16xf32>,
        %mul3A_1801 = arith.mulf %gather3A_1800, %gather3A_1800 : vector<16xf32>
        %add3A_1802 = arith.addf %add3A_1793, %mul3A_1801 : vector<16xf32>
        %add3A_1803 = arith.constant 18 : i32
        %add3A_1804 = vector.broadcast %add3A_1803 : i32 to vector<16xi32>
        %add3A_1805 = arith.addi %iota3A, %add3A_1804 : vector<16xi32>
        %and3A_1806 = arith.constant 31 : i32
        %and3A_1807 = vector.broadcast %and3A_1806 : i32 to vector<16xi32>
        %and3A_1808 = arith.andi %add3A_1805, %and3A_1807 : vector<16xi32>
        %gather3A_1809 = tpu.vector_load_idx %arg7[%select_n3A, %sub3A_1640, %and3A_1808] : memref<32x50x32xf32, #tpu.memory_space<vmem>>[vector<16xi32>, vector<16xi32>, vector<16xi32>], vector<16xf32>,
        %mul3A_1810 = arith.mulf %gather3A_1809, %gather3A_1809 : vector<16xf32>
        %add3A_1811 = arith.addf %add3A_1802, %mul3A_1810 : vector<16xf32>
        %add3A_1812 = arith.constant 19 : i32
        %add3A_1813 = vector.broadcast %add3A_1812 : i32 to vector<16xi32>
        %add3A_1814 = arith.addi %iota3A, %add3A_1813 : vector<16xi32>
        %and3A_1815 = arith.constant 31 : i32
        %and3A_1816 = vector.broadcast %and3A_1815 : i32 to vector<16xi32>
        %and3A_1817 = arith.andi %add3A_1814, %and3A_1816 : vector<16xi32>
        %gather3A_1818 = tpu.vector_load_idx %arg7[%select_n3A, %sub3A_1640, %and3A_1817] : memref<32x50x32xf32, #tpu.memory_space<vmem>>[vector<16xi32>, vector<16xi32>, vector<16xi32>], vector<16xf32>,
        %mul3A_1819 = arith.mulf %gather3A_1818, %gather3A_1818 : vector<16xf32>
        %add3A_1820 = arith.addf %add3A_1811, %mul3A_1819 : vector<16xf32>
        %add3A_1821 = arith.constant 20 : i32
        %add3A_1822 = vector.broadcast %add3A_1821 : i32 to vector<16xi32>
        %add3A_1823 = arith.addi %iota3A, %add3A_1822 : vector<16xi32>
        %and3A_1824 = arith.constant 31 : i32
        %and3A_1825 = vector.broadcast %and3A_1824 : i32 to vector<16xi32>
        %and3A_1826 = arith.andi %add3A_1823, %and3A_1825 : vector<16xi32>
        %gather3A_1827 = tpu.vector_load_idx %arg7[%select_n3A, %sub3A_1640, %and3A_1826] : memref<32x50x32xf32, #tpu.memory_space<vmem>>[vector<16xi32>, vector<16xi32>, vector<16xi32>], vector<16xf32>,
        %mul3A_1828 = arith.mulf %gather3A_1827, %gather3A_1827 : vector<16xf32>
        %add3A_1829 = arith.addf %add3A_1820, %mul3A_1828 : vector<16xf32>
        %add3A_1830 = arith.constant 21 : i32
        %add3A_1831 = vector.broadcast %add3A_1830 : i32 to vector<16xi32>
        %add3A_1832 = arith.addi %iota3A, %add3A_1831 : vector<16xi32>
        %and3A_1833 = arith.constant 31 : i32
        %and3A_1834 = vector.broadcast %and3A_1833 : i32 to vector<16xi32>
        %and3A_1835 = arith.andi %add3A_1832, %and3A_1834 : vector<16xi32>
        %gather3A_1836 = tpu.vector_load_idx %arg7[%select_n3A, %sub3A_1640, %and3A_1835] : memref<32x50x32xf32, #tpu.memory_space<vmem>>[vector<16xi32>, vector<16xi32>, vector<16xi32>], vector<16xf32>,
        %mul3A_1837 = arith.mulf %gather3A_1836, %gather3A_1836 : vector<16xf32>
        %add3A_1838 = arith.addf %add3A_1829, %mul3A_1837 : vector<16xf32>
        %add3A_1839 = arith.constant 22 : i32
        %add3A_1840 = vector.broadcast %add3A_1839 : i32 to vector<16xi32>
        %add3A_1841 = arith.addi %iota3A, %add3A_1840 : vector<16xi32>
        %and3A_1842 = arith.constant 31 : i32
        %and3A_1843 = vector.broadcast %and3A_1842 : i32 to vector<16xi32>
        %and3A_1844 = arith.andi %add3A_1841, %and3A_1843 : vector<16xi32>
        %gather3A_1845 = tpu.vector_load_idx %arg7[%select_n3A, %sub3A_1640, %and3A_1844] : memref<32x50x32xf32, #tpu.memory_space<vmem>>[vector<16xi32>, vector<16xi32>, vector<16xi32>], vector<16xf32>,
        %mul3A_1846 = arith.mulf %gather3A_1845, %gather3A_1845 : vector<16xf32>
        %add3A_1847 = arith.addf %add3A_1838, %mul3A_1846 : vector<16xf32>
        %add3A_1848 = arith.constant 23 : i32
        %add3A_1849 = vector.broadcast %add3A_1848 : i32 to vector<16xi32>
        %add3A_1850 = arith.addi %iota3A, %add3A_1849 : vector<16xi32>
        %and3A_1851 = arith.constant 31 : i32
        %and3A_1852 = vector.broadcast %and3A_1851 : i32 to vector<16xi32>
        %and3A_1853 = arith.andi %add3A_1850, %and3A_1852 : vector<16xi32>
        %gather3A_1854 = tpu.vector_load_idx %arg7[%select_n3A, %sub3A_1640, %and3A_1853] : memref<32x50x32xf32, #tpu.memory_space<vmem>>[vector<16xi32>, vector<16xi32>, vector<16xi32>], vector<16xf32>,
        %mul3A_1855 = arith.mulf %gather3A_1854, %gather3A_1854 : vector<16xf32>
        %add3A_1856 = arith.addf %add3A_1847, %mul3A_1855 : vector<16xf32>
        %add3A_1857 = arith.constant 24 : i32
        %add3A_1858 = vector.broadcast %add3A_1857 : i32 to vector<16xi32>
        %add3A_1859 = arith.addi %iota3A, %add3A_1858 : vector<16xi32>
        %and3A_1860 = arith.constant 31 : i32
        %and3A_1861 = vector.broadcast %and3A_1860 : i32 to vector<16xi32>
        %and3A_1862 = arith.andi %add3A_1859, %and3A_1861 : vector<16xi32>
        %gather3A_1863 = tpu.vector_load_idx %arg7[%select_n3A, %sub3A_1640, %and3A_1862] : memref<32x50x32xf32, #tpu.memory_space<vmem>>[vector<16xi32>, vector<16xi32>, vector<16xi32>], vector<16xf32>,
        %mul3A_1864 = arith.mulf %gather3A_1863, %gather3A_1863 : vector<16xf32>
        %add3A_1865 = arith.addf %add3A_1856, %mul3A_1864 : vector<16xf32>
        %add3A_1866 = arith.constant 25 : i32
        %add3A_1867 = vector.broadcast %add3A_1866 : i32 to vector<16xi32>
        %add3A_1868 = arith.addi %iota3A, %add3A_1867 : vector<16xi32>
        %and3A_1869 = arith.constant 31 : i32
        %and3A_1870 = vector.broadcast %and3A_1869 : i32 to vector<16xi32>
        %and3A_1871 = arith.andi %add3A_1868, %and3A_1870 : vector<16xi32>
        %gather3A_1872 = tpu.vector_load_idx %arg7[%select_n3A, %sub3A_1640, %and3A_1871] : memref<32x50x32xf32, #tpu.memory_space<vmem>>[vector<16xi32>, vector<16xi32>, vector<16xi32>], vector<16xf32>,
        %mul3A_1873 = arith.mulf %gather3A_1872, %gather3A_1872 : vector<16xf32>
        %add3A_1874 = arith.addf %add3A_1865, %mul3A_1873 : vector<16xf32>
        %add3A_1875 = arith.constant 26 : i32
        %add3A_1876 = vector.broadcast %add3A_1875 : i32 to vector<16xi32>
        %add3A_1877 = arith.addi %iota3A, %add3A_1876 : vector<16xi32>
        %and3A_1878 = arith.constant 31 : i32
        %and3A_1879 = vector.broadcast %and3A_1878 : i32 to vector<16xi32>
        %and3A_1880 = arith.andi %add3A_1877, %and3A_1879 : vector<16xi32>
        %gather3A_1881 = tpu.vector_load_idx %arg7[%select_n3A, %sub3A_1640, %and3A_1880] : memref<32x50x32xf32, #tpu.memory_space<vmem>>[vector<16xi32>, vector<16xi32>, vector<16xi32>], vector<16xf32>,
        %mul3A_1882 = arith.mulf %gather3A_1881, %gather3A_1881 : vector<16xf32>
        %add3A_1883 = arith.addf %add3A_1874, %mul3A_1882 : vector<16xf32>
        %add3A_1884 = arith.constant 27 : i32
        %add3A_1885 = vector.broadcast %add3A_1884 : i32 to vector<16xi32>
        %add3A_1886 = arith.addi %iota3A, %add3A_1885 : vector<16xi32>
        %and3A_1887 = arith.constant 31 : i32
        %and3A_1888 = vector.broadcast %and3A_1887 : i32 to vector<16xi32>
        %and3A_1889 = arith.andi %add3A_1886, %and3A_1888 : vector<16xi32>
        %gather3A_1890 = tpu.vector_load_idx %arg7[%select_n3A, %sub3A_1640, %and3A_1889] : memref<32x50x32xf32, #tpu.memory_space<vmem>>[vector<16xi32>, vector<16xi32>, vector<16xi32>], vector<16xf32>,
        %mul3A_1891 = arith.mulf %gather3A_1890, %gather3A_1890 : vector<16xf32>
        %add3A_1892 = arith.addf %add3A_1883, %mul3A_1891 : vector<16xf32>
        %add3A_1893 = arith.constant 28 : i32
        %add3A_1894 = vector.broadcast %add3A_1893 : i32 to vector<16xi32>
        %add3A_1895 = arith.addi %iota3A, %add3A_1894 : vector<16xi32>
        %and3A_1896 = arith.constant 31 : i32
        %and3A_1897 = vector.broadcast %and3A_1896 : i32 to vector<16xi32>
        %and3A_1898 = arith.andi %add3A_1895, %and3A_1897 : vector<16xi32>
        %gather3A_1899 = tpu.vector_load_idx %arg7[%select_n3A, %sub3A_1640, %and3A_1898] : memref<32x50x32xf32, #tpu.memory_space<vmem>>[vector<16xi32>, vector<16xi32>, vector<16xi32>], vector<16xf32>,
        %mul3A_1900 = arith.mulf %gather3A_1899, %gather3A_1899 : vector<16xf32>
        %add3A_1901 = arith.addf %add3A_1892, %mul3A_1900 : vector<16xf32>
        %add3A_1902 = arith.constant 29 : i32
        %add3A_1903 = vector.broadcast %add3A_1902 : i32 to vector<16xi32>
        %add3A_1904 = arith.addi %iota3A, %add3A_1903 : vector<16xi32>
        %and3A_1905 = arith.constant 31 : i32
        %and3A_1906 = vector.broadcast %and3A_1905 : i32 to vector<16xi32>
        %and3A_1907 = arith.andi %add3A_1904, %and3A_1906 : vector<16xi32>
        %gather3A_1908 = tpu.vector_load_idx %arg7[%select_n3A, %sub3A_1640, %and3A_1907] : memref<32x50x32xf32, #tpu.memory_space<vmem>>[vector<16xi32>, vector<16xi32>, vector<16xi32>], vector<16xf32>,
        %mul3A_1909 = arith.mulf %gather3A_1908, %gather3A_1908 : vector<16xf32>
        %add3A_1910 = arith.addf %add3A_1901, %mul3A_1909 : vector<16xf32>
        %add3A_1911 = arith.constant 30 : i32
        %add3A_1912 = vector.broadcast %add3A_1911 : i32 to vector<16xi32>
        %add3A_1913 = arith.addi %iota3A, %add3A_1912 : vector<16xi32>
        %and3A_1914 = arith.constant 31 : i32
        %and3A_1915 = vector.broadcast %and3A_1914 : i32 to vector<16xi32>
        %and3A_1916 = arith.andi %add3A_1913, %and3A_1915 : vector<16xi32>
        %gather3A_1917 = tpu.vector_load_idx %arg7[%select_n3A, %sub3A_1640, %and3A_1916] : memref<32x50x32xf32, #tpu.memory_space<vmem>>[vector<16xi32>, vector<16xi32>, vector<16xi32>], vector<16xf32>,
        %mul3A_1918 = arith.mulf %gather3A_1917, %gather3A_1917 : vector<16xf32>
        %add3A_1919 = arith.addf %add3A_1910, %mul3A_1918 : vector<16xf32>
        %add3A_1920 = arith.constant 31 : i32
        %add3A_1921 = vector.broadcast %add3A_1920 : i32 to vector<16xi32>
        %add3A_1922 = arith.addi %iota3A, %add3A_1921 : vector<16xi32>
        %and3A_1923 = arith.constant 31 : i32
        %and3A_1924 = vector.broadcast %and3A_1923 : i32 to vector<16xi32>
        %and3A_1925 = arith.andi %add3A_1922, %and3A_1924 : vector<16xi32>
        %gather3A_1926 = tpu.vector_load_idx %arg7[%select_n3A, %sub3A_1640, %and3A_1925] : memref<32x50x32xf32, #tpu.memory_space<vmem>>[vector<16xi32>, vector<16xi32>, vector<16xi32>], vector<16xf32>,
        %mul3A_1927 = arith.mulf %gather3A_1926, %gather3A_1926 : vector<16xf32>
        %add3A_1928 = arith.addf %add3A_1919, %mul3A_1927 : vector<16xf32>
        %bitcast3A = vector.bitcast %add3A_1928 : vector<16xf32> to vector<16xi32>
        %shift_right_logical3A = arith.constant 1 : i32
        %shift_right_logical3A_1929 = vector.broadcast %shift_right_logical3A : i32 to vector<16xi32>
        %shift_right_logical3A_1930 = arith.shrui %bitcast3A, %shift_right_logical3A_1929 : vector<16xi32>
        %sub3A_1931 = arith.constant 1597463007 : i32
        %sub3A_1932 = vector.broadcast %sub3A_1931 : i32 to vector<16xi32>
        %sub3A_1933 = arith.subi %sub3A_1932, %shift_right_logical3A_1930 : vector<16xi32>
        %bitcast3A_1934 = vector.bitcast %sub3A_1933 : vector<16xi32> to vector<16xf32>
        %mul3A_1935 = arith.constant 5.000000e-01 : f32
        %mul3A_1936 = vector.broadcast %mul3A_1935 : f32 to vector<16xf32>
        %mul3A_1937 = arith.mulf %mul3A_1936, %add3A_1928 : vector<16xf32>
        %mul3A_1938 = arith.mulf %mul3A_1937, %bitcast3A_1934 : vector<16xf32>
        %mul3A_1939 = arith.mulf %mul3A_1938, %bitcast3A_1934 : vector<16xf32>
        %sub3A_1940 = arith.constant 1.500000e+00 : f32
        %sub3A_1941 = vector.broadcast %sub3A_1940 : f32 to vector<16xf32>
        %sub3A_1942 = arith.subf %sub3A_1941, %mul3A_1939 : vector<16xf32>
        %mul3A_1943 = arith.mulf %bitcast3A_1934, %sub3A_1942 : vector<16xf32>
        %mul3A_1944 = arith.constant 5.000000e-01 : f32
        %mul3A_1945 = vector.broadcast %mul3A_1944 : f32 to vector<16xf32>
        %mul3A_1946 = arith.mulf %mul3A_1945, %add3A_1928 : vector<16xf32>
        %mul3A_1947 = arith.mulf %mul3A_1946, %mul3A_1943 : vector<16xf32>
        %mul3A_1948 = arith.mulf %mul3A_1947, %mul3A_1943 : vector<16xf32>
        %sub3A_1949 = arith.constant 1.500000e+00 : f32
        %sub3A_1950 = vector.broadcast %sub3A_1949 : f32 to vector<16xf32>
        %sub3A_1951 = arith.subf %sub3A_1950, %mul3A_1948 : vector<16xf32>
        %mul3A_1952 = arith.mulf %mul3A_1943, %sub3A_1951 : vector<16xf32>
        %mul3A_1953 = arith.constant 5.000000e-01 : f32
        %mul3A_1954 = vector.broadcast %mul3A_1953 : f32 to vector<16xf32>
        %mul3A_1955 = arith.mulf %mul3A_1954, %add3A_1928 : vector<16xf32>
        %mul3A_1956 = arith.mulf %mul3A_1955, %mul3A_1952 : vector<16xf32>
        %mul3A_1957 = arith.mulf %mul3A_1956, %mul3A_1952 : vector<16xf32>
        %sub3A_1958 = arith.constant 1.500000e+00 : f32
        %sub3A_1959 = vector.broadcast %sub3A_1958 : f32 to vector<16xf32>
        %sub3A_1960 = arith.subf %sub3A_1959, %mul3A_1957 : vector<16xf32>
        %mul3A_1961 = arith.mulf %mul3A_1952, %sub3A_1960 : vector<16xf32>
        %mul3A_1962 = arith.mulf %add3A_1928, %mul3A_1961 : vector<16xf32>
        %gt3A_1963 = arith.constant 1.000000e+00 : f32
        %gt3A_1964 = vector.broadcast %gt3A_1963 : f32 to vector<16xf32>
        %gt3A_1965 = arith.cmpf ogt, %add3A_1928, %gt3A_1964 : vector<16xf32>
        %add3A_1966 = arith.constant 1.000000e-07 : f32
        %add3A_1967 = vector.broadcast %add3A_1966 : f32 to vector<16xf32>
        %add3A_1968 = arith.addf %mul3A_1962, %add3A_1967 : vector<16xf32>
        %div3A_1969 = arith.constant 1.000000e+00 : f32
        %div3A_1970 = vector.broadcast %div3A_1969 : f32 to vector<16xf32>
        %div3A_1971 = arith.divf %div3A_1970, %add3A_1968 : vector<16xf32>
        %jit3A_1972 = arith.constant 1.000000e+00 : f32
        %broadcast_in_dim3A_1973 = vector.broadcast %jit3A_1972 : f32 to vector<16xf32>
        %select_n3A_1974 = arith.select %gt3A_1965, %div3A_1971, %broadcast_in_dim3A_1973 : vector<16xi1>, vector<16xf32>
        %add3A_1975 = arith.constant 0 : i32
        %add3A_1976 = vector.broadcast %add3A_1975 : i32 to vector<16xi32>
        %add3A_1977 = arith.addi %iota3A, %add3A_1976 : vector<16xi32>
        %and3A_1978 = arith.constant 31 : i32
        %and3A_1979 = vector.broadcast %and3A_1978 : i32 to vector<16xi32>
        %and3A_1980 = arith.andi %add3A_1977, %and3A_1979 : vector<16xi32>
        %mul3A_1981 = arith.mulf %gather3A, %select_n3A_1974 : vector<16xf32>
        tpu.vector_store_idx %arg7[%select_n3A, %sub3A_1640, %and3A_1980], %mul3A_1981 : memref<32x50x32xf32, #tpu.memory_space<vmem>>[vector<16xi32>, vector<16xi32>, vector<16xi32>], vector<16xf32>,
        %add3A_1982 = arith.constant 1 : i32
        %add3A_1983 = vector.broadcast %add3A_1982 : i32 to vector<16xi32>
        %add3A_1984 = arith.addi %iota3A, %add3A_1983 : vector<16xi32>
        %and3A_1985 = arith.constant 31 : i32
        %and3A_1986 = vector.broadcast %and3A_1985 : i32 to vector<16xi32>
        %and3A_1987 = arith.andi %add3A_1984, %and3A_1986 : vector<16xi32>
        %mul3A_1988 = arith.mulf %gather3A_1656, %select_n3A_1974 : vector<16xf32>
        tpu.vector_store_idx %arg7[%select_n3A, %sub3A_1640, %and3A_1987], %mul3A_1988 : memref<32x50x32xf32, #tpu.memory_space<vmem>>[vector<16xi32>, vector<16xi32>, vector<16xi32>], vector<16xf32>,
        %add3A_1989 = arith.constant 2 : i32
        %add3A_1990 = vector.broadcast %add3A_1989 : i32 to vector<16xi32>
        %add3A_1991 = arith.addi %iota3A, %add3A_1990 : vector<16xi32>
        %and3A_1992 = arith.constant 31 : i32
        %and3A_1993 = vector.broadcast %and3A_1992 : i32 to vector<16xi32>
        %and3A_1994 = arith.andi %add3A_1991, %and3A_1993 : vector<16xi32>
        %mul3A_1995 = arith.mulf %gather3A_1665, %select_n3A_1974 : vector<16xf32>
        tpu.vector_store_idx %arg7[%select_n3A, %sub3A_1640, %and3A_1994], %mul3A_1995 : memref<32x50x32xf32, #tpu.memory_space<vmem>>[vector<16xi32>, vector<16xi32>, vector<16xi32>], vector<16xf32>,
        %add3A_1996 = arith.constant 3 : i32
        %add3A_1997 = vector.broadcast %add3A_1996 : i32 to vector<16xi32>
        %add3A_1998 = arith.addi %iota3A, %add3A_1997 : vector<16xi32>
        %and3A_1999 = arith.constant 31 : i32
        %and3A_2000 = vector.broadcast %and3A_1999 : i32 to vector<16xi32>
        %and3A_2001 = arith.andi %add3A_1998, %and3A_2000 : vector<16xi32>
        %mul3A_2002 = arith.mulf %gather3A_1674, %select_n3A_1974 : vector<16xf32>
        tpu.vector_store_idx %arg7[%select_n3A, %sub3A_1640, %and3A_2001], %mul3A_2002 : memref<32x50x32xf32, #tpu.memory_space<vmem>>[vector<16xi32>, vector<16xi32>, vector<16xi32>], vector<16xf32>,
        %add3A_2003 = arith.constant 4 : i32
        %add3A_2004 = vector.broadcast %add3A_2003 : i32 to vector<16xi32>
        %add3A_2005 = arith.addi %iota3A, %add3A_2004 : vector<16xi32>
        %and3A_2006 = arith.constant 31 : i32
        %and3A_2007 = vector.broadcast %and3A_2006 : i32 to vector<16xi32>
        %and3A_2008 = arith.andi %add3A_2005, %and3A_2007 : vector<16xi32>
        %mul3A_2009 = arith.mulf %gather3A_1683, %select_n3A_1974 : vector<16xf32>
        tpu.vector_store_idx %arg7[%select_n3A, %sub3A_1640, %and3A_2008], %mul3A_2009 : memref<32x50x32xf32, #tpu.memory_space<vmem>>[vector<16xi32>, vector<16xi32>, vector<16xi32>], vector<16xf32>,
        %add3A_2010 = arith.constant 5 : i32
        %add3A_2011 = vector.broadcast %add3A_2010 : i32 to vector<16xi32>
        %add3A_2012 = arith.addi %iota3A, %add3A_2011 : vector<16xi32>
        %and3A_2013 = arith.constant 31 : i32
        %and3A_2014 = vector.broadcast %and3A_2013 : i32 to vector<16xi32>
        %and3A_2015 = arith.andi %add3A_2012, %and3A_2014 : vector<16xi32>
        %mul3A_2016 = arith.mulf %gather3A_1692, %select_n3A_1974 : vector<16xf32>
        tpu.vector_store_idx %arg7[%select_n3A, %sub3A_1640, %and3A_2015], %mul3A_2016 : memref<32x50x32xf32, #tpu.memory_space<vmem>>[vector<16xi32>, vector<16xi32>, vector<16xi32>], vector<16xf32>,
        %add3A_2017 = arith.constant 6 : i32
        %add3A_2018 = vector.broadcast %add3A_2017 : i32 to vector<16xi32>
        %add3A_2019 = arith.addi %iota3A, %add3A_2018 : vector<16xi32>
        %and3A_2020 = arith.constant 31 : i32
        %and3A_2021 = vector.broadcast %and3A_2020 : i32 to vector<16xi32>
        %and3A_2022 = arith.andi %add3A_2019, %and3A_2021 : vector<16xi32>
        %mul3A_2023 = arith.mulf %gather3A_1701, %select_n3A_1974 : vector<16xf32>
        tpu.vector_store_idx %arg7[%select_n3A, %sub3A_1640, %and3A_2022], %mul3A_2023 : memref<32x50x32xf32, #tpu.memory_space<vmem>>[vector<16xi32>, vector<16xi32>, vector<16xi32>], vector<16xf32>,
        %add3A_2024 = arith.constant 7 : i32
        %add3A_2025 = vector.broadcast %add3A_2024 : i32 to vector<16xi32>
        %add3A_2026 = arith.addi %iota3A, %add3A_2025 : vector<16xi32>
        %and3A_2027 = arith.constant 31 : i32
        %and3A_2028 = vector.broadcast %and3A_2027 : i32 to vector<16xi32>
        %and3A_2029 = arith.andi %add3A_2026, %and3A_2028 : vector<16xi32>
        %mul3A_2030 = arith.mulf %gather3A_1710, %select_n3A_1974 : vector<16xf32>
        tpu.vector_store_idx %arg7[%select_n3A, %sub3A_1640, %and3A_2029], %mul3A_2030 : memref<32x50x32xf32, #tpu.memory_space<vmem>>[vector<16xi32>, vector<16xi32>, vector<16xi32>], vector<16xf32>,
        %add3A_2031 = arith.constant 8 : i32
        %add3A_2032 = vector.broadcast %add3A_2031 : i32 to vector<16xi32>
        %add3A_2033 = arith.addi %iota3A, %add3A_2032 : vector<16xi32>
        %and3A_2034 = arith.constant 31 : i32
        %and3A_2035 = vector.broadcast %and3A_2034 : i32 to vector<16xi32>
        %and3A_2036 = arith.andi %add3A_2033, %and3A_2035 : vector<16xi32>
        %mul3A_2037 = arith.mulf %gather3A_1719, %select_n3A_1974 : vector<16xf32>
        tpu.vector_store_idx %arg7[%select_n3A, %sub3A_1640, %and3A_2036], %mul3A_2037 : memref<32x50x32xf32, #tpu.memory_space<vmem>>[vector<16xi32>, vector<16xi32>, vector<16xi32>], vector<16xf32>,
        %add3A_2038 = arith.constant 9 : i32
        %add3A_2039 = vector.broadcast %add3A_2038 : i32 to vector<16xi32>
        %add3A_2040 = arith.addi %iota3A, %add3A_2039 : vector<16xi32>
        %and3A_2041 = arith.constant 31 : i32
        %and3A_2042 = vector.broadcast %and3A_2041 : i32 to vector<16xi32>
        %and3A_2043 = arith.andi %add3A_2040, %and3A_2042 : vector<16xi32>
        %mul3A_2044 = arith.mulf %gather3A_1728, %select_n3A_1974 : vector<16xf32>
        tpu.vector_store_idx %arg7[%select_n3A, %sub3A_1640, %and3A_2043], %mul3A_2044 : memref<32x50x32xf32, #tpu.memory_space<vmem>>[vector<16xi32>, vector<16xi32>, vector<16xi32>], vector<16xf32>,
        %add3A_2045 = arith.constant 10 : i32
        %add3A_2046 = vector.broadcast %add3A_2045 : i32 to vector<16xi32>
        %add3A_2047 = arith.addi %iota3A, %add3A_2046 : vector<16xi32>
        %and3A_2048 = arith.constant 31 : i32
        %and3A_2049 = vector.broadcast %and3A_2048 : i32 to vector<16xi32>
        %and3A_2050 = arith.andi %add3A_2047, %and3A_2049 : vector<16xi32>
        %mul3A_2051 = arith.mulf %gather3A_1737, %select_n3A_1974 : vector<16xf32>
        tpu.vector_store_idx %arg7[%select_n3A, %sub3A_1640, %and3A_2050], %mul3A_2051 : memref<32x50x32xf32, #tpu.memory_space<vmem>>[vector<16xi32>, vector<16xi32>, vector<16xi32>], vector<16xf32>,
        %add3A_2052 = arith.constant 11 : i32
        %add3A_2053 = vector.broadcast %add3A_2052 : i32 to vector<16xi32>
        %add3A_2054 = arith.addi %iota3A, %add3A_2053 : vector<16xi32>
        %and3A_2055 = arith.constant 31 : i32
        %and3A_2056 = vector.broadcast %and3A_2055 : i32 to vector<16xi32>
        %and3A_2057 = arith.andi %add3A_2054, %and3A_2056 : vector<16xi32>
        %mul3A_2058 = arith.mulf %gather3A_1746, %select_n3A_1974 : vector<16xf32>
        tpu.vector_store_idx %arg7[%select_n3A, %sub3A_1640, %and3A_2057], %mul3A_2058 : memref<32x50x32xf32, #tpu.memory_space<vmem>>[vector<16xi32>, vector<16xi32>, vector<16xi32>], vector<16xf32>,
        %add3A_2059 = arith.constant 12 : i32
        %add3A_2060 = vector.broadcast %add3A_2059 : i32 to vector<16xi32>
        %add3A_2061 = arith.addi %iota3A, %add3A_2060 : vector<16xi32>
        %and3A_2062 = arith.constant 31 : i32
        %and3A_2063 = vector.broadcast %and3A_2062 : i32 to vector<16xi32>
        %and3A_2064 = arith.andi %add3A_2061, %and3A_2063 : vector<16xi32>
        %mul3A_2065 = arith.mulf %gather3A_1755, %select_n3A_1974 : vector<16xf32>
        tpu.vector_store_idx %arg7[%select_n3A, %sub3A_1640, %and3A_2064], %mul3A_2065 : memref<32x50x32xf32, #tpu.memory_space<vmem>>[vector<16xi32>, vector<16xi32>, vector<16xi32>], vector<16xf32>,
        %add3A_2066 = arith.constant 13 : i32
        %add3A_2067 = vector.broadcast %add3A_2066 : i32 to vector<16xi32>
        %add3A_2068 = arith.addi %iota3A, %add3A_2067 : vector<16xi32>
        %and3A_2069 = arith.constant 31 : i32
        %and3A_2070 = vector.broadcast %and3A_2069 : i32 to vector<16xi32>
        %and3A_2071 = arith.andi %add3A_2068, %and3A_2070 : vector<16xi32>
        %mul3A_2072 = arith.mulf %gather3A_1764, %select_n3A_1974 : vector<16xf32>
        tpu.vector_store_idx %arg7[%select_n3A, %sub3A_1640, %and3A_2071], %mul3A_2072 : memref<32x50x32xf32, #tpu.memory_space<vmem>>[vector<16xi32>, vector<16xi32>, vector<16xi32>], vector<16xf32>,
        %add3A_2073 = arith.constant 14 : i32
        %add3A_2074 = vector.broadcast %add3A_2073 : i32 to vector<16xi32>
        %add3A_2075 = arith.addi %iota3A, %add3A_2074 : vector<16xi32>
        %and3A_2076 = arith.constant 31 : i32
        %and3A_2077 = vector.broadcast %and3A_2076 : i32 to vector<16xi32>
        %and3A_2078 = arith.andi %add3A_2075, %and3A_2077 : vector<16xi32>
        %mul3A_2079 = arith.mulf %gather3A_1773, %select_n3A_1974 : vector<16xf32>
        tpu.vector_store_idx %arg7[%select_n3A, %sub3A_1640, %and3A_2078], %mul3A_2079 : memref<32x50x32xf32, #tpu.memory_space<vmem>>[vector<16xi32>, vector<16xi32>, vector<16xi32>], vector<16xf32>,
        %add3A_2080 = arith.constant 15 : i32
        %add3A_2081 = vector.broadcast %add3A_2080 : i32 to vector<16xi32>
        %add3A_2082 = arith.addi %iota3A, %add3A_2081 : vector<16xi32>
        %and3A_2083 = arith.constant 31 : i32
        %and3A_2084 = vector.broadcast %and3A_2083 : i32 to vector<16xi32>
        %and3A_2085 = arith.andi %add3A_2082, %and3A_2084 : vector<16xi32>
        %mul3A_2086 = arith.mulf %gather3A_1782, %select_n3A_1974 : vector<16xf32>
        tpu.vector_store_idx %arg7[%select_n3A, %sub3A_1640, %and3A_2085], %mul3A_2086 : memref<32x50x32xf32, #tpu.memory_space<vmem>>[vector<16xi32>, vector<16xi32>, vector<16xi32>], vector<16xf32>,
        %add3A_2087 = arith.constant 16 : i32
        %add3A_2088 = vector.broadcast %add3A_2087 : i32 to vector<16xi32>
        %add3A_2089 = arith.addi %iota3A, %add3A_2088 : vector<16xi32>
        %and3A_2090 = arith.constant 31 : i32
        %and3A_2091 = vector.broadcast %and3A_2090 : i32 to vector<16xi32>
        %and3A_2092 = arith.andi %add3A_2089, %and3A_2091 : vector<16xi32>
        %mul3A_2093 = arith.mulf %gather3A_1791, %select_n3A_1974 : vector<16xf32>
        tpu.vector_store_idx %arg7[%select_n3A, %sub3A_1640, %and3A_2092], %mul3A_2093 : memref<32x50x32xf32, #tpu.memory_space<vmem>>[vector<16xi32>, vector<16xi32>, vector<16xi32>], vector<16xf32>,
        %add3A_2094 = arith.constant 17 : i32
        %add3A_2095 = vector.broadcast %add3A_2094 : i32 to vector<16xi32>
        %add3A_2096 = arith.addi %iota3A, %add3A_2095 : vector<16xi32>
        %and3A_2097 = arith.constant 31 : i32
        %and3A_2098 = vector.broadcast %and3A_2097 : i32 to vector<16xi32>
        %and3A_2099 = arith.andi %add3A_2096, %and3A_2098 : vector<16xi32>
        %mul3A_2100 = arith.mulf %gather3A_1800, %select_n3A_1974 : vector<16xf32>
        tpu.vector_store_idx %arg7[%select_n3A, %sub3A_1640, %and3A_2099], %mul3A_2100 : memref<32x50x32xf32, #tpu.memory_space<vmem>>[vector<16xi32>, vector<16xi32>, vector<16xi32>], vector<16xf32>,
        %add3A_2101 = arith.constant 18 : i32
        %add3A_2102 = vector.broadcast %add3A_2101 : i32 to vector<16xi32>
        %add3A_2103 = arith.addi %iota3A, %add3A_2102 : vector<16xi32>
        %and3A_2104 = arith.constant 31 : i32
        %and3A_2105 = vector.broadcast %and3A_2104 : i32 to vector<16xi32>
        %and3A_2106 = arith.andi %add3A_2103, %and3A_2105 : vector<16xi32>
        %mul3A_2107 = arith.mulf %gather3A_1809, %select_n3A_1974 : vector<16xf32>
        tpu.vector_store_idx %arg7[%select_n3A, %sub3A_1640, %and3A_2106], %mul3A_2107 : memref<32x50x32xf32, #tpu.memory_space<vmem>>[vector<16xi32>, vector<16xi32>, vector<16xi32>], vector<16xf32>,
        %add3A_2108 = arith.constant 19 : i32
        %add3A_2109 = vector.broadcast %add3A_2108 : i32 to vector<16xi32>
        %add3A_2110 = arith.addi %iota3A, %add3A_2109 : vector<16xi32>
        %and3A_2111 = arith.constant 31 : i32
        %and3A_2112 = vector.broadcast %and3A_2111 : i32 to vector<16xi32>
        %and3A_2113 = arith.andi %add3A_2110, %and3A_2112 : vector<16xi32>
        %mul3A_2114 = arith.mulf %gather3A_1818, %select_n3A_1974 : vector<16xf32>
        tpu.vector_store_idx %arg7[%select_n3A, %sub3A_1640, %and3A_2113], %mul3A_2114 : memref<32x50x32xf32, #tpu.memory_space<vmem>>[vector<16xi32>, vector<16xi32>, vector<16xi32>], vector<16xf32>,
        %add3A_2115 = arith.constant 20 : i32
        %add3A_2116 = vector.broadcast %add3A_2115 : i32 to vector<16xi32>
        %add3A_2117 = arith.addi %iota3A, %add3A_2116 : vector<16xi32>
        %and3A_2118 = arith.constant 31 : i32
        %and3A_2119 = vector.broadcast %and3A_2118 : i32 to vector<16xi32>
        %and3A_2120 = arith.andi %add3A_2117, %and3A_2119 : vector<16xi32>
        %mul3A_2121 = arith.mulf %gather3A_1827, %select_n3A_1974 : vector<16xf32>
        tpu.vector_store_idx %arg7[%select_n3A, %sub3A_1640, %and3A_2120], %mul3A_2121 : memref<32x50x32xf32, #tpu.memory_space<vmem>>[vector<16xi32>, vector<16xi32>, vector<16xi32>], vector<16xf32>,
        %add3A_2122 = arith.constant 21 : i32
        %add3A_2123 = vector.broadcast %add3A_2122 : i32 to vector<16xi32>
        %add3A_2124 = arith.addi %iota3A, %add3A_2123 : vector<16xi32>
        %and3A_2125 = arith.constant 31 : i32
        %and3A_2126 = vector.broadcast %and3A_2125 : i32 to vector<16xi32>
        %and3A_2127 = arith.andi %add3A_2124, %and3A_2126 : vector<16xi32>
        %mul3A_2128 = arith.mulf %gather3A_1836, %select_n3A_1974 : vector<16xf32>
        tpu.vector_store_idx %arg7[%select_n3A, %sub3A_1640, %and3A_2127], %mul3A_2128 : memref<32x50x32xf32, #tpu.memory_space<vmem>>[vector<16xi32>, vector<16xi32>, vector<16xi32>], vector<16xf32>,
        %add3A_2129 = arith.constant 22 : i32
        %add3A_2130 = vector.broadcast %add3A_2129 : i32 to vector<16xi32>
        %add3A_2131 = arith.addi %iota3A, %add3A_2130 : vector<16xi32>
        %and3A_2132 = arith.constant 31 : i32
        %and3A_2133 = vector.broadcast %and3A_2132 : i32 to vector<16xi32>
        %and3A_2134 = arith.andi %add3A_2131, %and3A_2133 : vector<16xi32>
        %mul3A_2135 = arith.mulf %gather3A_1845, %select_n3A_1974 : vector<16xf32>
        tpu.vector_store_idx %arg7[%select_n3A, %sub3A_1640, %and3A_2134], %mul3A_2135 : memref<32x50x32xf32, #tpu.memory_space<vmem>>[vector<16xi32>, vector<16xi32>, vector<16xi32>], vector<16xf32>,
        %add3A_2136 = arith.constant 23 : i32
        %add3A_2137 = vector.broadcast %add3A_2136 : i32 to vector<16xi32>
        %add3A_2138 = arith.addi %iota3A, %add3A_2137 : vector<16xi32>
        %and3A_2139 = arith.constant 31 : i32
        %and3A_2140 = vector.broadcast %and3A_2139 : i32 to vector<16xi32>
        %and3A_2141 = arith.andi %add3A_2138, %and3A_2140 : vector<16xi32>
        %mul3A_2142 = arith.mulf %gather3A_1854, %select_n3A_1974 : vector<16xf32>
        tpu.vector_store_idx %arg7[%select_n3A, %sub3A_1640, %and3A_2141], %mul3A_2142 : memref<32x50x32xf32, #tpu.memory_space<vmem>>[vector<16xi32>, vector<16xi32>, vector<16xi32>], vector<16xf32>,
        %add3A_2143 = arith.constant 24 : i32
        %add3A_2144 = vector.broadcast %add3A_2143 : i32 to vector<16xi32>
        %add3A_2145 = arith.addi %iota3A, %add3A_2144 : vector<16xi32>
        %and3A_2146 = arith.constant 31 : i32
        %and3A_2147 = vector.broadcast %and3A_2146 : i32 to vector<16xi32>
        %and3A_2148 = arith.andi %add3A_2145, %and3A_2147 : vector<16xi32>
        %mul3A_2149 = arith.mulf %gather3A_1863, %select_n3A_1974 : vector<16xf32>
        tpu.vector_store_idx %arg7[%select_n3A, %sub3A_1640, %and3A_2148], %mul3A_2149 : memref<32x50x32xf32, #tpu.memory_space<vmem>>[vector<16xi32>, vector<16xi32>, vector<16xi32>], vector<16xf32>,
        %add3A_2150 = arith.constant 25 : i32
        %add3A_2151 = vector.broadcast %add3A_2150 : i32 to vector<16xi32>
        %add3A_2152 = arith.addi %iota3A, %add3A_2151 : vector<16xi32>
        %and3A_2153 = arith.constant 31 : i32
        %and3A_2154 = vector.broadcast %and3A_2153 : i32 to vector<16xi32>
        %and3A_2155 = arith.andi %add3A_2152, %and3A_2154 : vector<16xi32>
        %mul3A_2156 = arith.mulf %gather3A_1872, %select_n3A_1974 : vector<16xf32>
        tpu.vector_store_idx %arg7[%select_n3A, %sub3A_1640, %and3A_2155], %mul3A_2156 : memref<32x50x32xf32, #tpu.memory_space<vmem>>[vector<16xi32>, vector<16xi32>, vector<16xi32>], vector<16xf32>,
        %add3A_2157 = arith.constant 26 : i32
        %add3A_2158 = vector.broadcast %add3A_2157 : i32 to vector<16xi32>
        %add3A_2159 = arith.addi %iota3A, %add3A_2158 : vector<16xi32>
        %and3A_2160 = arith.constant 31 : i32
        %and3A_2161 = vector.broadcast %and3A_2160 : i32 to vector<16xi32>
        %and3A_2162 = arith.andi %add3A_2159, %and3A_2161 : vector<16xi32>
        %mul3A_2163 = arith.mulf %gather3A_1881, %select_n3A_1974 : vector<16xf32>
        tpu.vector_store_idx %arg7[%select_n3A, %sub3A_1640, %and3A_2162], %mul3A_2163 : memref<32x50x32xf32, #tpu.memory_space<vmem>>[vector<16xi32>, vector<16xi32>, vector<16xi32>], vector<16xf32>,
        %add3A_2164 = arith.constant 27 : i32
        %add3A_2165 = vector.broadcast %add3A_2164 : i32 to vector<16xi32>
        %add3A_2166 = arith.addi %iota3A, %add3A_2165 : vector<16xi32>
        %and3A_2167 = arith.constant 31 : i32
        %and3A_2168 = vector.broadcast %and3A_2167 : i32 to vector<16xi32>
        %and3A_2169 = arith.andi %add3A_2166, %and3A_2168 : vector<16xi32>
        %mul3A_2170 = arith.mulf %gather3A_1890, %select_n3A_1974 : vector<16xf32>
        tpu.vector_store_idx %arg7[%select_n3A, %sub3A_1640, %and3A_2169], %mul3A_2170 : memref<32x50x32xf32, #tpu.memory_space<vmem>>[vector<16xi32>, vector<16xi32>, vector<16xi32>], vector<16xf32>,
        %add3A_2171 = arith.constant 28 : i32
        %add3A_2172 = vector.broadcast %add3A_2171 : i32 to vector<16xi32>
        %add3A_2173 = arith.addi %iota3A, %add3A_2172 : vector<16xi32>
        %and3A_2174 = arith.constant 31 : i32
        %and3A_2175 = vector.broadcast %and3A_2174 : i32 to vector<16xi32>
        %and3A_2176 = arith.andi %add3A_2173, %and3A_2175 : vector<16xi32>
        %mul3A_2177 = arith.mulf %gather3A_1899, %select_n3A_1974 : vector<16xf32>
        tpu.vector_store_idx %arg7[%select_n3A, %sub3A_1640, %and3A_2176], %mul3A_2177 : memref<32x50x32xf32, #tpu.memory_space<vmem>>[vector<16xi32>, vector<16xi32>, vector<16xi32>], vector<16xf32>,
        %add3A_2178 = arith.constant 29 : i32
        %add3A_2179 = vector.broadcast %add3A_2178 : i32 to vector<16xi32>
        %add3A_2180 = arith.addi %iota3A, %add3A_2179 : vector<16xi32>
        %and3A_2181 = arith.constant 31 : i32
        %and3A_2182 = vector.broadcast %and3A_2181 : i32 to vector<16xi32>
        %and3A_2183 = arith.andi %add3A_2180, %and3A_2182 : vector<16xi32>
        %mul3A_2184 = arith.mulf %gather3A_1908, %select_n3A_1974 : vector<16xf32>
        tpu.vector_store_idx %arg7[%select_n3A, %sub3A_1640, %and3A_2183], %mul3A_2184 : memref<32x50x32xf32, #tpu.memory_space<vmem>>[vector<16xi32>, vector<16xi32>, vector<16xi32>], vector<16xf32>,
        %add3A_2185 = arith.constant 30 : i32
        %add3A_2186 = vector.broadcast %add3A_2185 : i32 to vector<16xi32>
        %add3A_2187 = arith.addi %iota3A, %add3A_2186 : vector<16xi32>
        %and3A_2188 = arith.constant 31 : i32
        %and3A_2189 = vector.broadcast %and3A_2188 : i32 to vector<16xi32>
        %and3A_2190 = arith.andi %add3A_2187, %and3A_2189 : vector<16xi32>
        %mul3A_2191 = arith.mulf %gather3A_1917, %select_n3A_1974 : vector<16xf32>
        tpu.vector_store_idx %arg7[%select_n3A, %sub3A_1640, %and3A_2190], %mul3A_2191 : memref<32x50x32xf32, #tpu.memory_space<vmem>>[vector<16xi32>, vector<16xi32>, vector<16xi32>], vector<16xf32>,
        %add3A_2192 = arith.constant 31 : i32
        %add3A_2193 = vector.broadcast %add3A_2192 : i32 to vector<16xi32>
        %add3A_2194 = arith.addi %iota3A, %add3A_2193 : vector<16xi32>
        %and3A_2195 = arith.constant 31 : i32
        %and3A_2196 = vector.broadcast %and3A_2195 : i32 to vector<16xi32>
        %and3A_2197 = arith.andi %add3A_2194, %and3A_2196 : vector<16xi32>
        %mul3A_2198 = arith.mulf %gather3A_1926, %select_n3A_1974 : vector<16xf32>
        tpu.vector_store_idx %arg7[%select_n3A, %sub3A_1640, %and3A_2197], %mul3A_2198 : memref<32x50x32xf32, #tpu.memory_space<vmem>>[vector<16xi32>, vector<16xi32>, vector<16xi32>], vector<16xf32>,
      }
      %scan3A_1183 = arith.constant 100 : i32
      %mul3A_1184 = arith.constant 32 : i32
      %mul3A_1185 = arith.muli %mul3A_402, %mul3A_1184 : i32
      %add3A_1186 = arith.addi %mul3A_2, %mul3A_1185 : i32
      %dma_start3A_1187 = arith.constant 0 : i32
      %dma_start3A_1188 = arith.constant 0 : i32
      %dma_start3A_1189 = tpu.memref_slice %arg4[%add3A_1186, %dma_start3A_1187, %dma_start3A_1188] : memref<16384x50x32xf32, #tpu.memory_space<hbm>> -> memref<32x50x32xf32, #tpu.memory_space<hbm>>
      %dma_start3A_1190 = arith.constant 0 : i32
      %dma_start3A_1191 = arith.constant 0 : i32
      %dma_start3A_1192 = tpu.memref_slice %arg4[%add3A_1186, %dma_start3A_1190, %dma_start3A_1191] : memref<16384x50x32xf32, #tpu.memory_space<hbm>> -> memref<32x50x32xf32, #tpu.memory_space<hbm>>
      tpu.enqueue_dma source(%arg7 : memref<32x50x32xf32, #tpu.memory_space<vmem>>) target(%dma_start3A_1192 : memref<32x50x32xf32, #tpu.memory_space<hbm>>) target_semaphore(%arg11 : memref<!tpu.dma_semaphore, #tpu.memory_space<semaphore_mem>>)
      %dma_wait3A_1193 = arith.constant 0 : i32
      %dma_wait3A_1194 = arith.constant 0 : i32
      %dma_wait3A_1195 = arith.constant 0 : i32
      %dma_wait3A_1196 = arith.constant 0 : i32
      %dma_wait3A_1197 = tpu.memref_slice %arg8[%dma_wait3A_1194, %dma_wait3A_1195, %dma_wait3A_1196] : memref<32x50x32xf32, #tpu.memory_space<vmem>> -> memref<1x50x32xf32, #tpu.memory_space<vmem>>
      %dma_wait3A_1198 = tpu.memref_squeeze %dma_wait3A_1197 : memref<1x50x32xf32, #tpu.memory_space<vmem>> -> memref<50x32xf32, #tpu.memory_space<vmem>>
      %dma_wait3A_1199 = arith.constant 0 : i32
      %dma_wait3A_1200 = tpu.memref_slice %arg6[%dma_wait3A_1193, %dma_wait3A_1199] : memref<32x50xi32, #tpu.memory_space<vmem>> -> memref<1x50xi32, #tpu.memory_space<vmem>>
      %dma_wait3A_1201 = tpu.memref_squeeze %dma_wait3A_1200 : memref<1x50xi32, #tpu.memory_space<vmem>> -> memref<50xi32, #tpu.memory_space<vmem>>
      %dma_wait3A_1202 = arith.constant 0 : i32
      %dma_wait3A_1203 = arith.constant 0 : i32
      %dma_wait3A_1204 = tpu.memref_slice %arg3[%dma_wait3A_1202, %dma_wait3A_1203] : memref<1000000x32xf32, #tpu.memory_space<hbm>> -> memref<1000000x32xf32, #tpu.memory_space<hbm>>
      tpu.wait_indirect_dma semaphore(%arg10 : memref<!tpu.dma_semaphore, #tpu.memory_space<semaphore_mem>>) src(%dma_wait3A_1204 : memref<1000000x32xf32, #tpu.memory_space<hbm>>) dst(%dma_wait3A_1198 : memref<50x32xf32, #tpu.memory_space<vmem>>)
      %dma_wait3A_1205 = arith.constant 1 : i32
      %dma_wait3A_1206 = arith.constant 1 : i32
      %dma_wait3A_1207 = arith.constant 0 : i32
      %dma_wait3A_1208 = arith.constant 0 : i32
      %dma_wait3A_1209 = tpu.memref_slice %arg8[%dma_wait3A_1206, %dma_wait3A_1207, %dma_wait3A_1208] : memref<32x50x32xf32, #tpu.memory_space<vmem>> -> memref<1x50x32xf32, #tpu.memory_space<vmem>>
      %dma_wait3A_1210 = tpu.memref_squeeze %dma_wait3A_1209 : memref<1x50x32xf32, #tpu.memory_space<vmem>> -> memref<50x32xf32, #tpu.memory_space<vmem>>
      %dma_wait3A_1211 = arith.constant 0 : i32
      %dma_wait3A_1212 = tpu.memref_slice %arg6[%dma_wait3A_1205, %dma_wait3A_1211] : memref<32x50xi32, #tpu.memory_space<vmem>> -> memref<1x50xi32, #tpu.memory_space<vmem>>
      %dma_wait3A_1213 = tpu.memref_squeeze %dma_wait3A_1212 : memref<1x50xi32, #tpu.memory_space<vmem>> -> memref<50xi32, #tpu.memory_space<vmem>>
      %dma_wait3A_1214 = arith.constant 0 : i32
      %dma_wait3A_1215 = arith.constant 0 : i32
      %dma_wait3A_1216 = tpu.memref_slice %arg3[%dma_wait3A_1214, %dma_wait3A_1215] : memref<1000000x32xf32, #tpu.memory_space<hbm>> -> memref<1000000x32xf32, #tpu.memory_space<hbm>>
      tpu.wait_indirect_dma semaphore(%arg10 : memref<!tpu.dma_semaphore, #tpu.memory_space<semaphore_mem>>) src(%dma_wait3A_1216 : memref<1000000x32xf32, #tpu.memory_space<hbm>>) dst(%dma_wait3A_1210 : memref<50x32xf32, #tpu.memory_space<vmem>>)
      %dma_wait3A_1217 = arith.constant 2 : i32
      %dma_wait3A_1218 = arith.constant 2 : i32
      %dma_wait3A_1219 = arith.constant 0 : i32
      %dma_wait3A_1220 = arith.constant 0 : i32
      %dma_wait3A_1221 = tpu.memref_slice %arg8[%dma_wait3A_1218, %dma_wait3A_1219, %dma_wait3A_1220] : memref<32x50x32xf32, #tpu.memory_space<vmem>> -> memref<1x50x32xf32, #tpu.memory_space<vmem>>
      %dma_wait3A_1222 = tpu.memref_squeeze %dma_wait3A_1221 : memref<1x50x32xf32, #tpu.memory_space<vmem>> -> memref<50x32xf32, #tpu.memory_space<vmem>>
      %dma_wait3A_1223 = arith.constant 0 : i32
      %dma_wait3A_1224 = tpu.memref_slice %arg6[%dma_wait3A_1217, %dma_wait3A_1223] : memref<32x50xi32, #tpu.memory_space<vmem>> -> memref<1x50xi32, #tpu.memory_space<vmem>>
      %dma_wait3A_1225 = tpu.memref_squeeze %dma_wait3A_1224 : memref<1x50xi32, #tpu.memory_space<vmem>> -> memref<50xi32, #tpu.memory_space<vmem>>
      %dma_wait3A_1226 = arith.constant 0 : i32
      %dma_wait3A_1227 = arith.constant 0 : i32
      %dma_wait3A_1228 = tpu.memref_slice %arg3[%dma_wait3A_1226, %dma_wait3A_1227] : memref<1000000x32xf32, #tpu.memory_space<hbm>> -> memref<1000000x32xf32, #tpu.memory_space<hbm>>
      tpu.wait_indirect_dma semaphore(%arg10 : memref<!tpu.dma_semaphore, #tpu.memory_space<semaphore_mem>>) src(%dma_wait3A_1228 : memref<1000000x32xf32, #tpu.memory_space<hbm>>) dst(%dma_wait3A_1222 : memref<50x32xf32, #tpu.memory_space<vmem>>)
      %dma_wait3A_1229 = arith.constant 3 : i32
      %dma_wait3A_1230 = arith.constant 3 : i32
      %dma_wait3A_1231 = arith.constant 0 : i32
      %dma_wait3A_1232 = arith.constant 0 : i32
      %dma_wait3A_1233 = tpu.memref_slice %arg8[%dma_wait3A_1230, %dma_wait3A_1231, %dma_wait3A_1232] : memref<32x50x32xf32, #tpu.memory_space<vmem>> -> memref<1x50x32xf32, #tpu.memory_space<vmem>>
      %dma_wait3A_1234 = tpu.memref_squeeze %dma_wait3A_1233 : memref<1x50x32xf32, #tpu.memory_space<vmem>> -> memref<50x32xf32, #tpu.memory_space<vmem>>
      %dma_wait3A_1235 = arith.constant 0 : i32
      %dma_wait3A_1236 = tpu.memref_slice %arg6[%dma_wait3A_1229, %dma_wait3A_1235] : memref<32x50xi32, #tpu.memory_space<vmem>> -> memref<1x50xi32, #tpu.memory_space<vmem>>
      %dma_wait3A_1237 = tpu.memref_squeeze %dma_wait3A_1236 : memref<1x50xi32, #tpu.memory_space<vmem>> -> memref<50xi32, #tpu.memory_space<vmem>>
      %dma_wait3A_1238 = arith.constant 0 : i32
      %dma_wait3A_1239 = arith.constant 0 : i32
      %dma_wait3A_1240 = tpu.memref_slice %arg3[%dma_wait3A_1238, %dma_wait3A_1239] : memref<1000000x32xf32, #tpu.memory_space<hbm>> -> memref<1000000x32xf32, #tpu.memory_space<hbm>>
      tpu.wait_indirect_dma semaphore(%arg10 : memref<!tpu.dma_semaphore, #tpu.memory_space<semaphore_mem>>) src(%dma_wait3A_1240 : memref<1000000x32xf32, #tpu.memory_space<hbm>>) dst(%dma_wait3A_1234 : memref<50x32xf32, #tpu.memory_space<vmem>>)
      %dma_wait3A_1241 = arith.constant 4 : i32
      %dma_wait3A_1242 = arith.constant 4 : i32
      %dma_wait3A_1243 = arith.constant 0 : i32
      %dma_wait3A_1244 = arith.constant 0 : i32
      %dma_wait3A_1245 = tpu.memref_slice %arg8[%dma_wait3A_1242, %dma_wait3A_1243, %dma_wait3A_1244] : memref<32x50x32xf32, #tpu.memory_space<vmem>> -> memref<1x50x32xf32, #tpu.memory_space<vmem>>
      %dma_wait3A_1246 = tpu.memref_squeeze %dma_wait3A_1245 : memref<1x50x32xf32, #tpu.memory_space<vmem>> -> memref<50x32xf32, #tpu.memory_space<vmem>>
      %dma_wait3A_1247 = arith.constant 0 : i32
      %dma_wait3A_1248 = tpu.memref_slice %arg6[%dma_wait3A_1241, %dma_wait3A_1247] : memref<32x50xi32, #tpu.memory_space<vmem>> -> memref<1x50xi32, #tpu.memory_space<vmem>>
      %dma_wait3A_1249 = tpu.memref_squeeze %dma_wait3A_1248 : memref<1x50xi32, #tpu.memory_space<vmem>> -> memref<50xi32, #tpu.memory_space<vmem>>
      %dma_wait3A_1250 = arith.constant 0 : i32
      %dma_wait3A_1251 = arith.constant 0 : i32
      %dma_wait3A_1252 = tpu.memref_slice %arg3[%dma_wait3A_1250, %dma_wait3A_1251] : memref<1000000x32xf32, #tpu.memory_space<hbm>> -> memref<1000000x32xf32, #tpu.memory_space<hbm>>
      tpu.wait_indirect_dma semaphore(%arg10 : memref<!tpu.dma_semaphore, #tpu.memory_space<semaphore_mem>>) src(%dma_wait3A_1252 : memref<1000000x32xf32, #tpu.memory_space<hbm>>) dst(%dma_wait3A_1246 : memref<50x32xf32, #tpu.memory_space<vmem>>)
      %dma_wait3A_1253 = arith.constant 5 : i32
      %dma_wait3A_1254 = arith.constant 5 : i32
      %dma_wait3A_1255 = arith.constant 0 : i32
      %dma_wait3A_1256 = arith.constant 0 : i32
      %dma_wait3A_1257 = tpu.memref_slice %arg8[%dma_wait3A_1254, %dma_wait3A_1255, %dma_wait3A_1256] : memref<32x50x32xf32, #tpu.memory_space<vmem>> -> memref<1x50x32xf32, #tpu.memory_space<vmem>>
      %dma_wait3A_1258 = tpu.memref_squeeze %dma_wait3A_1257 : memref<1x50x32xf32, #tpu.memory_space<vmem>> -> memref<50x32xf32, #tpu.memory_space<vmem>>
      %dma_wait3A_1259 = arith.constant 0 : i32
      %dma_wait3A_1260 = tpu.memref_slice %arg6[%dma_wait3A_1253, %dma_wait3A_1259] : memref<32x50xi32, #tpu.memory_space<vmem>> -> memref<1x50xi32, #tpu.memory_space<vmem>>
      %dma_wait3A_1261 = tpu.memref_squeeze %dma_wait3A_1260 : memref<1x50xi32, #tpu.memory_space<vmem>> -> memref<50xi32, #tpu.memory_space<vmem>>
      %dma_wait3A_1262 = arith.constant 0 : i32
      %dma_wait3A_1263 = arith.constant 0 : i32
      %dma_wait3A_1264 = tpu.memref_slice %arg3[%dma_wait3A_1262, %dma_wait3A_1263] : memref<1000000x32xf32, #tpu.memory_space<hbm>> -> memref<1000000x32xf32, #tpu.memory_space<hbm>>
      tpu.wait_indirect_dma semaphore(%arg10 : memref<!tpu.dma_semaphore, #tpu.memory_space<semaphore_mem>>) src(%dma_wait3A_1264 : memref<1000000x32xf32, #tpu.memory_space<hbm>>) dst(%dma_wait3A_1258 : memref<50x32xf32, #tpu.memory_space<vmem>>)
      %dma_wait3A_1265 = arith.constant 6 : i32
      %dma_wait3A_1266 = arith.constant 6 : i32
      %dma_wait3A_1267 = arith.constant 0 : i32
      %dma_wait3A_1268 = arith.constant 0 : i32
      %dma_wait3A_1269 = tpu.memref_slice %arg8[%dma_wait3A_1266, %dma_wait3A_1267, %dma_wait3A_1268] : memref<32x50x32xf32, #tpu.memory_space<vmem>> -> memref<1x50x32xf32, #tpu.memory_space<vmem>>
      %dma_wait3A_1270 = tpu.memref_squeeze %dma_wait3A_1269 : memref<1x50x32xf32, #tpu.memory_space<vmem>> -> memref<50x32xf32, #tpu.memory_space<vmem>>
      %dma_wait3A_1271 = arith.constant 0 : i32
      %dma_wait3A_1272 = tpu.memref_slice %arg6[%dma_wait3A_1265, %dma_wait3A_1271] : memref<32x50xi32, #tpu.memory_space<vmem>> -> memref<1x50xi32, #tpu.memory_space<vmem>>
      %dma_wait3A_1273 = tpu.memref_squeeze %dma_wait3A_1272 : memref<1x50xi32, #tpu.memory_space<vmem>> -> memref<50xi32, #tpu.memory_space<vmem>>
      %dma_wait3A_1274 = arith.constant 0 : i32
      %dma_wait3A_1275 = arith.constant 0 : i32
      %dma_wait3A_1276 = tpu.memref_slice %arg3[%dma_wait3A_1274, %dma_wait3A_1275] : memref<1000000x32xf32, #tpu.memory_space<hbm>> -> memref<1000000x32xf32, #tpu.memory_space<hbm>>
      tpu.wait_indirect_dma semaphore(%arg10 : memref<!tpu.dma_semaphore, #tpu.memory_space<semaphore_mem>>) src(%dma_wait3A_1276 : memref<1000000x32xf32, #tpu.memory_space<hbm>>) dst(%dma_wait3A_1270 : memref<50x32xf32, #tpu.memory_space<vmem>>)
      %dma_wait3A_1277 = arith.constant 7 : i32
      %dma_wait3A_1278 = arith.constant 7 : i32
      %dma_wait3A_1279 = arith.constant 0 : i32
      %dma_wait3A_1280 = arith.constant 0 : i32
      %dma_wait3A_1281 = tpu.memref_slice %arg8[%dma_wait3A_1278, %dma_wait3A_1279, %dma_wait3A_1280] : memref<32x50x32xf32, #tpu.memory_space<vmem>> -> memref<1x50x32xf32, #tpu.memory_space<vmem>>
      %dma_wait3A_1282 = tpu.memref_squeeze %dma_wait3A_1281 : memref<1x50x32xf32, #tpu.memory_space<vmem>> -> memref<50x32xf32, #tpu.memory_space<vmem>>
      %dma_wait3A_1283 = arith.constant 0 : i32
      %dma_wait3A_1284 = tpu.memref_slice %arg6[%dma_wait3A_1277, %dma_wait3A_1283] : memref<32x50xi32, #tpu.memory_space<vmem>> -> memref<1x50xi32, #tpu.memory_space<vmem>>
      %dma_wait3A_1285 = tpu.memref_squeeze %dma_wait3A_1284 : memref<1x50xi32, #tpu.memory_space<vmem>> -> memref<50xi32, #tpu.memory_space<vmem>>
      %dma_wait3A_1286 = arith.constant 0 : i32
      %dma_wait3A_1287 = arith.constant 0 : i32
      %dma_wait3A_1288 = tpu.memref_slice %arg3[%dma_wait3A_1286, %dma_wait3A_1287] : memref<1000000x32xf32, #tpu.memory_space<hbm>> -> memref<1000000x32xf32, #tpu.memory_space<hbm>>
      tpu.wait_indirect_dma semaphore(%arg10 : memref<!tpu.dma_semaphore, #tpu.memory_space<semaphore_mem>>) src(%dma_wait3A_1288 : memref<1000000x32xf32, #tpu.memory_space<hbm>>) dst(%dma_wait3A_1282 : memref<50x32xf32, #tpu.memory_space<vmem>>)
      %dma_wait3A_1289 = arith.constant 8 : i32
      %dma_wait3A_1290 = arith.constant 8 : i32
      %dma_wait3A_1291 = arith.constant 0 : i32
      %dma_wait3A_1292 = arith.constant 0 : i32
      %dma_wait3A_1293 = tpu.memref_slice %arg8[%dma_wait3A_1290, %dma_wait3A_1291, %dma_wait3A_1292] : memref<32x50x32xf32, #tpu.memory_space<vmem>> -> memref<1x50x32xf32, #tpu.memory_space<vmem>>
      %dma_wait3A_1294 = tpu.memref_squeeze %dma_wait3A_1293 : memref<1x50x32xf32, #tpu.memory_space<vmem>> -> memref<50x32xf32, #tpu.memory_space<vmem>>
      %dma_wait3A_1295 = arith.constant 0 : i32
      %dma_wait3A_1296 = tpu.memref_slice %arg6[%dma_wait3A_1289, %dma_wait3A_1295] : memref<32x50xi32, #tpu.memory_space<vmem>> -> memref<1x50xi32, #tpu.memory_space<vmem>>
      %dma_wait3A_1297 = tpu.memref_squeeze %dma_wait3A_1296 : memref<1x50xi32, #tpu.memory_space<vmem>> -> memref<50xi32, #tpu.memory_space<vmem>>
      %dma_wait3A_1298 = arith.constant 0 : i32
      %dma_wait3A_1299 = arith.constant 0 : i32
      %dma_wait3A_1300 = tpu.memref_slice %arg3[%dma_wait3A_1298, %dma_wait3A_1299] : memref<1000000x32xf32, #tpu.memory_space<hbm>> -> memref<1000000x32xf32, #tpu.memory_space<hbm>>
      tpu.wait_indirect_dma semaphore(%arg10 : memref<!tpu.dma_semaphore, #tpu.memory_space<semaphore_mem>>) src(%dma_wait3A_1300 : memref<1000000x32xf32, #tpu.memory_space<hbm>>) dst(%dma_wait3A_1294 : memref<50x32xf32, #tpu.memory_space<vmem>>)
      %dma_wait3A_1301 = arith.constant 9 : i32
      %dma_wait3A_1302 = arith.constant 9 : i32
      %dma_wait3A_1303 = arith.constant 0 : i32
      %dma_wait3A_1304 = arith.constant 0 : i32
      %dma_wait3A_1305 = tpu.memref_slice %arg8[%dma_wait3A_1302, %dma_wait3A_1303, %dma_wait3A_1304] : memref<32x50x32xf32, #tpu.memory_space<vmem>> -> memref<1x50x32xf32, #tpu.memory_space<vmem>>
      %dma_wait3A_1306 = tpu.memref_squeeze %dma_wait3A_1305 : memref<1x50x32xf32, #tpu.memory_space<vmem>> -> memref<50x32xf32, #tpu.memory_space<vmem>>
      %dma_wait3A_1307 = arith.constant 0 : i32
      %dma_wait3A_1308 = tpu.memref_slice %arg6[%dma_wait3A_1301, %dma_wait3A_1307] : memref<32x50xi32, #tpu.memory_space<vmem>> -> memref<1x50xi32, #tpu.memory_space<vmem>>
      %dma_wait3A_1309 = tpu.memref_squeeze %dma_wait3A_1308 : memref<1x50xi32, #tpu.memory_space<vmem>> -> memref<50xi32, #tpu.memory_space<vmem>>
      %dma_wait3A_1310 = arith.constant 0 : i32
      %dma_wait3A_1311 = arith.constant 0 : i32
      %dma_wait3A_1312 = tpu.memref_slice %arg3[%dma_wait3A_1310, %dma_wait3A_1311] : memref<1000000x32xf32, #tpu.memory_space<hbm>> -> memref<1000000x32xf32, #tpu.memory_space<hbm>>
      tpu.wait_indirect_dma semaphore(%arg10 : memref<!tpu.dma_semaphore, #tpu.memory_space<semaphore_mem>>) src(%dma_wait3A_1312 : memref<1000000x32xf32, #tpu.memory_space<hbm>>) dst(%dma_wait3A_1306 : memref<50x32xf32, #tpu.memory_space<vmem>>)
      %dma_wait3A_1313 = arith.constant 10 : i32
      %dma_wait3A_1314 = arith.constant 10 : i32
      %dma_wait3A_1315 = arith.constant 0 : i32
      %dma_wait3A_1316 = arith.constant 0 : i32
      %dma_wait3A_1317 = tpu.memref_slice %arg8[%dma_wait3A_1314, %dma_wait3A_1315, %dma_wait3A_1316] : memref<32x50x32xf32, #tpu.memory_space<vmem>> -> memref<1x50x32xf32, #tpu.memory_space<vmem>>
      %dma_wait3A_1318 = tpu.memref_squeeze %dma_wait3A_1317 : memref<1x50x32xf32, #tpu.memory_space<vmem>> -> memref<50x32xf32, #tpu.memory_space<vmem>>
      %dma_wait3A_1319 = arith.constant 0 : i32
      %dma_wait3A_1320 = tpu.memref_slice %arg6[%dma_wait3A_1313, %dma_wait3A_1319] : memref<32x50xi32, #tpu.memory_space<vmem>> -> memref<1x50xi32, #tpu.memory_space<vmem>>
      %dma_wait3A_1321 = tpu.memref_squeeze %dma_wait3A_1320 : memref<1x50xi32, #tpu.memory_space<vmem>> -> memref<50xi32, #tpu.memory_space<vmem>>
      %dma_wait3A_1322 = arith.constant 0 : i32
      %dma_wait3A_1323 = arith.constant 0 : i32
      %dma_wait3A_1324 = tpu.memref_slice %arg3[%dma_wait3A_1322, %dma_wait3A_1323] : memref<1000000x32xf32, #tpu.memory_space<hbm>> -> memref<1000000x32xf32, #tpu.memory_space<hbm>>
      tpu.wait_indirect_dma semaphore(%arg10 : memref<!tpu.dma_semaphore, #tpu.memory_space<semaphore_mem>>) src(%dma_wait3A_1324 : memref<1000000x32xf32, #tpu.memory_space<hbm>>) dst(%dma_wait3A_1318 : memref<50x32xf32, #tpu.memory_space<vmem>>)
      %dma_wait3A_1325 = arith.constant 11 : i32
      %dma_wait3A_1326 = arith.constant 11 : i32
      %dma_wait3A_1327 = arith.constant 0 : i32
      %dma_wait3A_1328 = arith.constant 0 : i32
      %dma_wait3A_1329 = tpu.memref_slice %arg8[%dma_wait3A_1326, %dma_wait3A_1327, %dma_wait3A_1328] : memref<32x50x32xf32, #tpu.memory_space<vmem>> -> memref<1x50x32xf32, #tpu.memory_space<vmem>>
      %dma_wait3A_1330 = tpu.memref_squeeze %dma_wait3A_1329 : memref<1x50x32xf32, #tpu.memory_space<vmem>> -> memref<50x32xf32, #tpu.memory_space<vmem>>
      %dma_wait3A_1331 = arith.constant 0 : i32
      %dma_wait3A_1332 = tpu.memref_slice %arg6[%dma_wait3A_1325, %dma_wait3A_1331] : memref<32x50xi32, #tpu.memory_space<vmem>> -> memref<1x50xi32, #tpu.memory_space<vmem>>
      %dma_wait3A_1333 = tpu.memref_squeeze %dma_wait3A_1332 : memref<1x50xi32, #tpu.memory_space<vmem>> -> memref<50xi32, #tpu.memory_space<vmem>>
      %dma_wait3A_1334 = arith.constant 0 : i32
      %dma_wait3A_1335 = arith.constant 0 : i32
      %dma_wait3A_1336 = tpu.memref_slice %arg3[%dma_wait3A_1334, %dma_wait3A_1335] : memref<1000000x32xf32, #tpu.memory_space<hbm>> -> memref<1000000x32xf32, #tpu.memory_space<hbm>>
      tpu.wait_indirect_dma semaphore(%arg10 : memref<!tpu.dma_semaphore, #tpu.memory_space<semaphore_mem>>) src(%dma_wait3A_1336 : memref<1000000x32xf32, #tpu.memory_space<hbm>>) dst(%dma_wait3A_1330 : memref<50x32xf32, #tpu.memory_space<vmem>>)
      %dma_wait3A_1337 = arith.constant 12 : i32
      %dma_wait3A_1338 = arith.constant 12 : i32
      %dma_wait3A_1339 = arith.constant 0 : i32
      %dma_wait3A_1340 = arith.constant 0 : i32
      %dma_wait3A_1341 = tpu.memref_slice %arg8[%dma_wait3A_1338, %dma_wait3A_1339, %dma_wait3A_1340] : memref<32x50x32xf32, #tpu.memory_space<vmem>> -> memref<1x50x32xf32, #tpu.memory_space<vmem>>
      %dma_wait3A_1342 = tpu.memref_squeeze %dma_wait3A_1341 : memref<1x50x32xf32, #tpu.memory_space<vmem>> -> memref<50x32xf32, #tpu.memory_space<vmem>>
      %dma_wait3A_1343 = arith.constant 0 : i32
      %dma_wait3A_1344 = tpu.memref_slice %arg6[%dma_wait3A_1337, %dma_wait3A_1343] : memref<32x50xi32, #tpu.memory_space<vmem>> -> memref<1x50xi32, #tpu.memory_space<vmem>>
      %dma_wait3A_1345 = tpu.memref_squeeze %dma_wait3A_1344 : memref<1x50xi32, #tpu.memory_space<vmem>> -> memref<50xi32, #tpu.memory_space<vmem>>
      %dma_wait3A_1346 = arith.constant 0 : i32
      %dma_wait3A_1347 = arith.constant 0 : i32
      %dma_wait3A_1348 = tpu.memref_slice %arg3[%dma_wait3A_1346, %dma_wait3A_1347] : memref<1000000x32xf32, #tpu.memory_space<hbm>> -> memref<1000000x32xf32, #tpu.memory_space<hbm>>
      tpu.wait_indirect_dma semaphore(%arg10 : memref<!tpu.dma_semaphore, #tpu.memory_space<semaphore_mem>>) src(%dma_wait3A_1348 : memref<1000000x32xf32, #tpu.memory_space<hbm>>) dst(%dma_wait3A_1342 : memref<50x32xf32, #tpu.memory_space<vmem>>)
      %dma_wait3A_1349 = arith.constant 13 : i32
      %dma_wait3A_1350 = arith.constant 13 : i32
      %dma_wait3A_1351 = arith.constant 0 : i32
      %dma_wait3A_1352 = arith.constant 0 : i32
      %dma_wait3A_1353 = tpu.memref_slice %arg8[%dma_wait3A_1350, %dma_wait3A_1351, %dma_wait3A_1352] : memref<32x50x32xf32, #tpu.memory_space<vmem>> -> memref<1x50x32xf32, #tpu.memory_space<vmem>>
      %dma_wait3A_1354 = tpu.memref_squeeze %dma_wait3A_1353 : memref<1x50x32xf32, #tpu.memory_space<vmem>> -> memref<50x32xf32, #tpu.memory_space<vmem>>
      %dma_wait3A_1355 = arith.constant 0 : i32
      %dma_wait3A_1356 = tpu.memref_slice %arg6[%dma_wait3A_1349, %dma_wait3A_1355] : memref<32x50xi32, #tpu.memory_space<vmem>> -> memref<1x50xi32, #tpu.memory_space<vmem>>
      %dma_wait3A_1357 = tpu.memref_squeeze %dma_wait3A_1356 : memref<1x50xi32, #tpu.memory_space<vmem>> -> memref<50xi32, #tpu.memory_space<vmem>>
      %dma_wait3A_1358 = arith.constant 0 : i32
      %dma_wait3A_1359 = arith.constant 0 : i32
      %dma_wait3A_1360 = tpu.memref_slice %arg3[%dma_wait3A_1358, %dma_wait3A_1359] : memref<1000000x32xf32, #tpu.memory_space<hbm>> -> memref<1000000x32xf32, #tpu.memory_space<hbm>>
      tpu.wait_indirect_dma semaphore(%arg10 : memref<!tpu.dma_semaphore, #tpu.memory_space<semaphore_mem>>) src(%dma_wait3A_1360 : memref<1000000x32xf32, #tpu.memory_space<hbm>>) dst(%dma_wait3A_1354 : memref<50x32xf32, #tpu.memory_space<vmem>>)
      %dma_wait3A_1361 = arith.constant 14 : i32
      %dma_wait3A_1362 = arith.constant 14 : i32
      %dma_wait3A_1363 = arith.constant 0 : i32
      %dma_wait3A_1364 = arith.constant 0 : i32
      %dma_wait3A_1365 = tpu.memref_slice %arg8[%dma_wait3A_1362, %dma_wait3A_1363, %dma_wait3A_1364] : memref<32x50x32xf32, #tpu.memory_space<vmem>> -> memref<1x50x32xf32, #tpu.memory_space<vmem>>
      %dma_wait3A_1366 = tpu.memref_squeeze %dma_wait3A_1365 : memref<1x50x32xf32, #tpu.memory_space<vmem>> -> memref<50x32xf32, #tpu.memory_space<vmem>>
      %dma_wait3A_1367 = arith.constant 0 : i32
      %dma_wait3A_1368 = tpu.memref_slice %arg6[%dma_wait3A_1361, %dma_wait3A_1367] : memref<32x50xi32, #tpu.memory_space<vmem>> -> memref<1x50xi32, #tpu.memory_space<vmem>>
      %dma_wait3A_1369 = tpu.memref_squeeze %dma_wait3A_1368 : memref<1x50xi32, #tpu.memory_space<vmem>> -> memref<50xi32, #tpu.memory_space<vmem>>
      %dma_wait3A_1370 = arith.constant 0 : i32
      %dma_wait3A_1371 = arith.constant 0 : i32
      %dma_wait3A_1372 = tpu.memref_slice %arg3[%dma_wait3A_1370, %dma_wait3A_1371] : memref<1000000x32xf32, #tpu.memory_space<hbm>> -> memref<1000000x32xf32, #tpu.memory_space<hbm>>
      tpu.wait_indirect_dma semaphore(%arg10 : memref<!tpu.dma_semaphore, #tpu.memory_space<semaphore_mem>>) src(%dma_wait3A_1372 : memref<1000000x32xf32, #tpu.memory_space<hbm>>) dst(%dma_wait3A_1366 : memref<50x32xf32, #tpu.memory_space<vmem>>)
      %dma_wait3A_1373 = arith.constant 15 : i32
      %dma_wait3A_1374 = arith.constant 15 : i32
      %dma_wait3A_1375 = arith.constant 0 : i32
      %dma_wait3A_1376 = arith.constant 0 : i32
      %dma_wait3A_1377 = tpu.memref_slice %arg8[%dma_wait3A_1374, %dma_wait3A_1375, %dma_wait3A_1376] : memref<32x50x32xf32, #tpu.memory_space<vmem>> -> memref<1x50x32xf32, #tpu.memory_space<vmem>>
      %dma_wait3A_1378 = tpu.memref_squeeze %dma_wait3A_1377 : memref<1x50x32xf32, #tpu.memory_space<vmem>> -> memref<50x32xf32, #tpu.memory_space<vmem>>
      %dma_wait3A_1379 = arith.constant 0 : i32
      %dma_wait3A_1380 = tpu.memref_slice %arg6[%dma_wait3A_1373, %dma_wait3A_1379] : memref<32x50xi32, #tpu.memory_space<vmem>> -> memref<1x50xi32, #tpu.memory_space<vmem>>
      %dma_wait3A_1381 = tpu.memref_squeeze %dma_wait3A_1380 : memref<1x50xi32, #tpu.memory_space<vmem>> -> memref<50xi32, #tpu.memory_space<vmem>>
      %dma_wait3A_1382 = arith.constant 0 : i32
      %dma_wait3A_1383 = arith.constant 0 : i32
      %dma_wait3A_1384 = tpu.memref_slice %arg3[%dma_wait3A_1382, %dma_wait3A_1383] : memref<1000000x32xf32, #tpu.memory_space<hbm>> -> memref<1000000x32xf32, #tpu.memory_space<hbm>>
      tpu.wait_indirect_dma semaphore(%arg10 : memref<!tpu.dma_semaphore, #tpu.memory_space<semaphore_mem>>) src(%dma_wait3A_1384 : memref<1000000x32xf32, #tpu.memory_space<hbm>>) dst(%dma_wait3A_1378 : memref<50x32xf32, #tpu.memory_space<vmem>>)
      %dma_wait3A_1385 = arith.constant 16 : i32
      %dma_wait3A_1386 = arith.constant 16 : i32
      %dma_wait3A_1387 = arith.constant 0 : i32
      %dma_wait3A_1388 = arith.constant 0 : i32
      %dma_wait3A_1389 = tpu.memref_slice %arg8[%dma_wait3A_1386, %dma_wait3A_1387, %dma_wait3A_1388] : memref<32x50x32xf32, #tpu.memory_space<vmem>> -> memref<1x50x32xf32, #tpu.memory_space<vmem>>
      %dma_wait3A_1390 = tpu.memref_squeeze %dma_wait3A_1389 : memref<1x50x32xf32, #tpu.memory_space<vmem>> -> memref<50x32xf32, #tpu.memory_space<vmem>>
      %dma_wait3A_1391 = arith.constant 0 : i32
      %dma_wait3A_1392 = tpu.memref_slice %arg6[%dma_wait3A_1385, %dma_wait3A_1391] : memref<32x50xi32, #tpu.memory_space<vmem>> -> memref<1x50xi32, #tpu.memory_space<vmem>>
      %dma_wait3A_1393 = tpu.memref_squeeze %dma_wait3A_1392 : memref<1x50xi32, #tpu.memory_space<vmem>> -> memref<50xi32, #tpu.memory_space<vmem>>
      %dma_wait3A_1394 = arith.constant 0 : i32
      %dma_wait3A_1395 = arith.constant 0 : i32
      %dma_wait3A_1396 = tpu.memref_slice %arg3[%dma_wait3A_1394, %dma_wait3A_1395] : memref<1000000x32xf32, #tpu.memory_space<hbm>> -> memref<1000000x32xf32, #tpu.memory_space<hbm>>
      tpu.wait_indirect_dma semaphore(%arg10 : memref<!tpu.dma_semaphore, #tpu.memory_space<semaphore_mem>>) src(%dma_wait3A_1396 : memref<1000000x32xf32, #tpu.memory_space<hbm>>) dst(%dma_wait3A_1390 : memref<50x32xf32, #tpu.memory_space<vmem>>)
      %dma_wait3A_1397 = arith.constant 17 : i32
      %dma_wait3A_1398 = arith.constant 17 : i32
      %dma_wait3A_1399 = arith.constant 0 : i32
      %dma_wait3A_1400 = arith.constant 0 : i32
      %dma_wait3A_1401 = tpu.memref_slice %arg8[%dma_wait3A_1398, %dma_wait3A_1399, %dma_wait3A_1400] : memref<32x50x32xf32, #tpu.memory_space<vmem>> -> memref<1x50x32xf32, #tpu.memory_space<vmem>>
      %dma_wait3A_1402 = tpu.memref_squeeze %dma_wait3A_1401 : memref<1x50x32xf32, #tpu.memory_space<vmem>> -> memref<50x32xf32, #tpu.memory_space<vmem>>
      %dma_wait3A_1403 = arith.constant 0 : i32
      %dma_wait3A_1404 = tpu.memref_slice %arg6[%dma_wait3A_1397, %dma_wait3A_1403] : memref<32x50xi32, #tpu.memory_space<vmem>> -> memref<1x50xi32, #tpu.memory_space<vmem>>
      %dma_wait3A_1405 = tpu.memref_squeeze %dma_wait3A_1404 : memref<1x50xi32, #tpu.memory_space<vmem>> -> memref<50xi32, #tpu.memory_space<vmem>>
      %dma_wait3A_1406 = arith.constant 0 : i32
      %dma_wait3A_1407 = arith.constant 0 : i32
      %dma_wait3A_1408 = tpu.memref_slice %arg3[%dma_wait3A_1406, %dma_wait3A_1407] : memref<1000000x32xf32, #tpu.memory_space<hbm>> -> memref<1000000x32xf32, #tpu.memory_space<hbm>>
      tpu.wait_indirect_dma semaphore(%arg10 : memref<!tpu.dma_semaphore, #tpu.memory_space<semaphore_mem>>) src(%dma_wait3A_1408 : memref<1000000x32xf32, #tpu.memory_space<hbm>>) dst(%dma_wait3A_1402 : memref<50x32xf32, #tpu.memory_space<vmem>>)
      %dma_wait3A_1409 = arith.constant 18 : i32
      %dma_wait3A_1410 = arith.constant 18 : i32
      %dma_wait3A_1411 = arith.constant 0 : i32
      %dma_wait3A_1412 = arith.constant 0 : i32
      %dma_wait3A_1413 = tpu.memref_slice %arg8[%dma_wait3A_1410, %dma_wait3A_1411, %dma_wait3A_1412] : memref<32x50x32xf32, #tpu.memory_space<vmem>> -> memref<1x50x32xf32, #tpu.memory_space<vmem>>
      %dma_wait3A_1414 = tpu.memref_squeeze %dma_wait3A_1413 : memref<1x50x32xf32, #tpu.memory_space<vmem>> -> memref<50x32xf32, #tpu.memory_space<vmem>>
      %dma_wait3A_1415 = arith.constant 0 : i32
      %dma_wait3A_1416 = tpu.memref_slice %arg6[%dma_wait3A_1409, %dma_wait3A_1415] : memref<32x50xi32, #tpu.memory_space<vmem>> -> memref<1x50xi32, #tpu.memory_space<vmem>>
      %dma_wait3A_1417 = tpu.memref_squeeze %dma_wait3A_1416 : memref<1x50xi32, #tpu.memory_space<vmem>> -> memref<50xi32, #tpu.memory_space<vmem>>
      %dma_wait3A_1418 = arith.constant 0 : i32
      %dma_wait3A_1419 = arith.constant 0 : i32
      %dma_wait3A_1420 = tpu.memref_slice %arg3[%dma_wait3A_1418, %dma_wait3A_1419] : memref<1000000x32xf32, #tpu.memory_space<hbm>> -> memref<1000000x32xf32, #tpu.memory_space<hbm>>
      tpu.wait_indirect_dma semaphore(%arg10 : memref<!tpu.dma_semaphore, #tpu.memory_space<semaphore_mem>>) src(%dma_wait3A_1420 : memref<1000000x32xf32, #tpu.memory_space<hbm>>) dst(%dma_wait3A_1414 : memref<50x32xf32, #tpu.memory_space<vmem>>)
      %dma_wait3A_1421 = arith.constant 19 : i32
      %dma_wait3A_1422 = arith.constant 19 : i32
      %dma_wait3A_1423 = arith.constant 0 : i32
      %dma_wait3A_1424 = arith.constant 0 : i32
      %dma_wait3A_1425 = tpu.memref_slice %arg8[%dma_wait3A_1422, %dma_wait3A_1423, %dma_wait3A_1424] : memref<32x50x32xf32, #tpu.memory_space<vmem>> -> memref<1x50x32xf32, #tpu.memory_space<vmem>>
      %dma_wait3A_1426 = tpu.memref_squeeze %dma_wait3A_1425 : memref<1x50x32xf32, #tpu.memory_space<vmem>> -> memref<50x32xf32, #tpu.memory_space<vmem>>
      %dma_wait3A_1427 = arith.constant 0 : i32
      %dma_wait3A_1428 = tpu.memref_slice %arg6[%dma_wait3A_1421, %dma_wait3A_1427] : memref<32x50xi32, #tpu.memory_space<vmem>> -> memref<1x50xi32, #tpu.memory_space<vmem>>
      %dma_wait3A_1429 = tpu.memref_squeeze %dma_wait3A_1428 : memref<1x50xi32, #tpu.memory_space<vmem>> -> memref<50xi32, #tpu.memory_space<vmem>>
      %dma_wait3A_1430 = arith.constant 0 : i32
      %dma_wait3A_1431 = arith.constant 0 : i32
      %dma_wait3A_1432 = tpu.memref_slice %arg3[%dma_wait3A_1430, %dma_wait3A_1431] : memref<1000000x32xf32, #tpu.memory_space<hbm>> -> memref<1000000x32xf32, #tpu.memory_space<hbm>>
      tpu.wait_indirect_dma semaphore(%arg10 : memref<!tpu.dma_semaphore, #tpu.memory_space<semaphore_mem>>) src(%dma_wait3A_1432 : memref<1000000x32xf32, #tpu.memory_space<hbm>>) dst(%dma_wait3A_1426 : memref<50x32xf32, #tpu.memory_space<vmem>>)
      %dma_wait3A_1433 = arith.constant 20 : i32
      %dma_wait3A_1434 = arith.constant 20 : i32
      %dma_wait3A_1435 = arith.constant 0 : i32
      %dma_wait3A_1436 = arith.constant 0 : i32
      %dma_wait3A_1437 = tpu.memref_slice %arg8[%dma_wait3A_1434, %dma_wait3A_1435, %dma_wait3A_1436] : memref<32x50x32xf32, #tpu.memory_space<vmem>> -> memref<1x50x32xf32, #tpu.memory_space<vmem>>
      %dma_wait3A_1438 = tpu.memref_squeeze %dma_wait3A_1437 : memref<1x50x32xf32, #tpu.memory_space<vmem>> -> memref<50x32xf32, #tpu.memory_space<vmem>>
      %dma_wait3A_1439 = arith.constant 0 : i32
      %dma_wait3A_1440 = tpu.memref_slice %arg6[%dma_wait3A_1433, %dma_wait3A_1439] : memref<32x50xi32, #tpu.memory_space<vmem>> -> memref<1x50xi32, #tpu.memory_space<vmem>>
      %dma_wait3A_1441 = tpu.memref_squeeze %dma_wait3A_1440 : memref<1x50xi32, #tpu.memory_space<vmem>> -> memref<50xi32, #tpu.memory_space<vmem>>
      %dma_wait3A_1442 = arith.constant 0 : i32
      %dma_wait3A_1443 = arith.constant 0 : i32
      %dma_wait3A_1444 = tpu.memref_slice %arg3[%dma_wait3A_1442, %dma_wait3A_1443] : memref<1000000x32xf32, #tpu.memory_space<hbm>> -> memref<1000000x32xf32, #tpu.memory_space<hbm>>
      tpu.wait_indirect_dma semaphore(%arg10 : memref<!tpu.dma_semaphore, #tpu.memory_space<semaphore_mem>>) src(%dma_wait3A_1444 : memref<1000000x32xf32, #tpu.memory_space<hbm>>) dst(%dma_wait3A_1438 : memref<50x32xf32, #tpu.memory_space<vmem>>)
      %dma_wait3A_1445 = arith.constant 21 : i32
      %dma_wait3A_1446 = arith.constant 21 : i32
      %dma_wait3A_1447 = arith.constant 0 : i32
      %dma_wait3A_1448 = arith.constant 0 : i32
      %dma_wait3A_1449 = tpu.memref_slice %arg8[%dma_wait3A_1446, %dma_wait3A_1447, %dma_wait3A_1448] : memref<32x50x32xf32, #tpu.memory_space<vmem>> -> memref<1x50x32xf32, #tpu.memory_space<vmem>>
      %dma_wait3A_1450 = tpu.memref_squeeze %dma_wait3A_1449 : memref<1x50x32xf32, #tpu.memory_space<vmem>> -> memref<50x32xf32, #tpu.memory_space<vmem>>
      %dma_wait3A_1451 = arith.constant 0 : i32
      %dma_wait3A_1452 = tpu.memref_slice %arg6[%dma_wait3A_1445, %dma_wait3A_1451] : memref<32x50xi32, #tpu.memory_space<vmem>> -> memref<1x50xi32, #tpu.memory_space<vmem>>
      %dma_wait3A_1453 = tpu.memref_squeeze %dma_wait3A_1452 : memref<1x50xi32, #tpu.memory_space<vmem>> -> memref<50xi32, #tpu.memory_space<vmem>>
      %dma_wait3A_1454 = arith.constant 0 : i32
      %dma_wait3A_1455 = arith.constant 0 : i32
      %dma_wait3A_1456 = tpu.memref_slice %arg3[%dma_wait3A_1454, %dma_wait3A_1455] : memref<1000000x32xf32, #tpu.memory_space<hbm>> -> memref<1000000x32xf32, #tpu.memory_space<hbm>>
      tpu.wait_indirect_dma semaphore(%arg10 : memref<!tpu.dma_semaphore, #tpu.memory_space<semaphore_mem>>) src(%dma_wait3A_1456 : memref<1000000x32xf32, #tpu.memory_space<hbm>>) dst(%dma_wait3A_1450 : memref<50x32xf32, #tpu.memory_space<vmem>>)
      %dma_wait3A_1457 = arith.constant 22 : i32
      %dma_wait3A_1458 = arith.constant 22 : i32
      %dma_wait3A_1459 = arith.constant 0 : i32
      %dma_wait3A_1460 = arith.constant 0 : i32
      %dma_wait3A_1461 = tpu.memref_slice %arg8[%dma_wait3A_1458, %dma_wait3A_1459, %dma_wait3A_1460] : memref<32x50x32xf32, #tpu.memory_space<vmem>> -> memref<1x50x32xf32, #tpu.memory_space<vmem>>
      %dma_wait3A_1462 = tpu.memref_squeeze %dma_wait3A_1461 : memref<1x50x32xf32, #tpu.memory_space<vmem>> -> memref<50x32xf32, #tpu.memory_space<vmem>>
      %dma_wait3A_1463 = arith.constant 0 : i32
      %dma_wait3A_1464 = tpu.memref_slice %arg6[%dma_wait3A_1457, %dma_wait3A_1463] : memref<32x50xi32, #tpu.memory_space<vmem>> -> memref<1x50xi32, #tpu.memory_space<vmem>>
      %dma_wait3A_1465 = tpu.memref_squeeze %dma_wait3A_1464 : memref<1x50xi32, #tpu.memory_space<vmem>> -> memref<50xi32, #tpu.memory_space<vmem>>
      %dma_wait3A_1466 = arith.constant 0 : i32
      %dma_wait3A_1467 = arith.constant 0 : i32
      %dma_wait3A_1468 = tpu.memref_slice %arg3[%dma_wait3A_1466, %dma_wait3A_1467] : memref<1000000x32xf32, #tpu.memory_space<hbm>> -> memref<1000000x32xf32, #tpu.memory_space<hbm>>
      tpu.wait_indirect_dma semaphore(%arg10 : memref<!tpu.dma_semaphore, #tpu.memory_space<semaphore_mem>>) src(%dma_wait3A_1468 : memref<1000000x32xf32, #tpu.memory_space<hbm>>) dst(%dma_wait3A_1462 : memref<50x32xf32, #tpu.memory_space<vmem>>)
      %dma_wait3A_1469 = arith.constant 23 : i32
      %dma_wait3A_1470 = arith.constant 23 : i32
      %dma_wait3A_1471 = arith.constant 0 : i32
      %dma_wait3A_1472 = arith.constant 0 : i32
      %dma_wait3A_1473 = tpu.memref_slice %arg8[%dma_wait3A_1470, %dma_wait3A_1471, %dma_wait3A_1472] : memref<32x50x32xf32, #tpu.memory_space<vmem>> -> memref<1x50x32xf32, #tpu.memory_space<vmem>>
      %dma_wait3A_1474 = tpu.memref_squeeze %dma_wait3A_1473 : memref<1x50x32xf32, #tpu.memory_space<vmem>> -> memref<50x32xf32, #tpu.memory_space<vmem>>
      %dma_wait3A_1475 = arith.constant 0 : i32
      %dma_wait3A_1476 = tpu.memref_slice %arg6[%dma_wait3A_1469, %dma_wait3A_1475] : memref<32x50xi32, #tpu.memory_space<vmem>> -> memref<1x50xi32, #tpu.memory_space<vmem>>
      %dma_wait3A_1477 = tpu.memref_squeeze %dma_wait3A_1476 : memref<1x50xi32, #tpu.memory_space<vmem>> -> memref<50xi32, #tpu.memory_space<vmem>>
      %dma_wait3A_1478 = arith.constant 0 : i32
      %dma_wait3A_1479 = arith.constant 0 : i32
      %dma_wait3A_1480 = tpu.memref_slice %arg3[%dma_wait3A_1478, %dma_wait3A_1479] : memref<1000000x32xf32, #tpu.memory_space<hbm>> -> memref<1000000x32xf32, #tpu.memory_space<hbm>>
      tpu.wait_indirect_dma semaphore(%arg10 : memref<!tpu.dma_semaphore, #tpu.memory_space<semaphore_mem>>) src(%dma_wait3A_1480 : memref<1000000x32xf32, #tpu.memory_space<hbm>>) dst(%dma_wait3A_1474 : memref<50x32xf32, #tpu.memory_space<vmem>>)
      %dma_wait3A_1481 = arith.constant 24 : i32
      %dma_wait3A_1482 = arith.constant 24 : i32
      %dma_wait3A_1483 = arith.constant 0 : i32
      %dma_wait3A_1484 = arith.constant 0 : i32
      %dma_wait3A_1485 = tpu.memref_slice %arg8[%dma_wait3A_1482, %dma_wait3A_1483, %dma_wait3A_1484] : memref<32x50x32xf32, #tpu.memory_space<vmem>> -> memref<1x50x32xf32, #tpu.memory_space<vmem>>
      %dma_wait3A_1486 = tpu.memref_squeeze %dma_wait3A_1485 : memref<1x50x32xf32, #tpu.memory_space<vmem>> -> memref<50x32xf32, #tpu.memory_space<vmem>>
      %dma_wait3A_1487 = arith.constant 0 : i32
      %dma_wait3A_1488 = tpu.memref_slice %arg6[%dma_wait3A_1481, %dma_wait3A_1487] : memref<32x50xi32, #tpu.memory_space<vmem>> -> memref<1x50xi32, #tpu.memory_space<vmem>>
      %dma_wait3A_1489 = tpu.memref_squeeze %dma_wait3A_1488 : memref<1x50xi32, #tpu.memory_space<vmem>> -> memref<50xi32, #tpu.memory_space<vmem>>
      %dma_wait3A_1490 = arith.constant 0 : i32
      %dma_wait3A_1491 = arith.constant 0 : i32
      %dma_wait3A_1492 = tpu.memref_slice %arg3[%dma_wait3A_1490, %dma_wait3A_1491] : memref<1000000x32xf32, #tpu.memory_space<hbm>> -> memref<1000000x32xf32, #tpu.memory_space<hbm>>
      tpu.wait_indirect_dma semaphore(%arg10 : memref<!tpu.dma_semaphore, #tpu.memory_space<semaphore_mem>>) src(%dma_wait3A_1492 : memref<1000000x32xf32, #tpu.memory_space<hbm>>) dst(%dma_wait3A_1486 : memref<50x32xf32, #tpu.memory_space<vmem>>)
      %dma_wait3A_1493 = arith.constant 25 : i32
      %dma_wait3A_1494 = arith.constant 25 : i32
      %dma_wait3A_1495 = arith.constant 0 : i32
      %dma_wait3A_1496 = arith.constant 0 : i32
      %dma_wait3A_1497 = tpu.memref_slice %arg8[%dma_wait3A_1494, %dma_wait3A_1495, %dma_wait3A_1496] : memref<32x50x32xf32, #tpu.memory_space<vmem>> -> memref<1x50x32xf32, #tpu.memory_space<vmem>>
      %dma_wait3A_1498 = tpu.memref_squeeze %dma_wait3A_1497 : memref<1x50x32xf32, #tpu.memory_space<vmem>> -> memref<50x32xf32, #tpu.memory_space<vmem>>
      %dma_wait3A_1499 = arith.constant 0 : i32
      %dma_wait3A_1500 = tpu.memref_slice %arg6[%dma_wait3A_1493, %dma_wait3A_1499] : memref<32x50xi32, #tpu.memory_space<vmem>> -> memref<1x50xi32, #tpu.memory_space<vmem>>
      %dma_wait3A_1501 = tpu.memref_squeeze %dma_wait3A_1500 : memref<1x50xi32, #tpu.memory_space<vmem>> -> memref<50xi32, #tpu.memory_space<vmem>>
      %dma_wait3A_1502 = arith.constant 0 : i32
      %dma_wait3A_1503 = arith.constant 0 : i32
      %dma_wait3A_1504 = tpu.memref_slice %arg3[%dma_wait3A_1502, %dma_wait3A_1503] : memref<1000000x32xf32, #tpu.memory_space<hbm>> -> memref<1000000x32xf32, #tpu.memory_space<hbm>>
      tpu.wait_indirect_dma semaphore(%arg10 : memref<!tpu.dma_semaphore, #tpu.memory_space<semaphore_mem>>) src(%dma_wait3A_1504 : memref<1000000x32xf32, #tpu.memory_space<hbm>>) dst(%dma_wait3A_1498 : memref<50x32xf32, #tpu.memory_space<vmem>>)
      %dma_wait3A_1505 = arith.constant 26 : i32
      %dma_wait3A_1506 = arith.constant 26 : i32
      %dma_wait3A_1507 = arith.constant 0 : i32
      %dma_wait3A_1508 = arith.constant 0 : i32
      %dma_wait3A_1509 = tpu.memref_slice %arg8[%dma_wait3A_1506, %dma_wait3A_1507, %dma_wait3A_1508] : memref<32x50x32xf32, #tpu.memory_space<vmem>> -> memref<1x50x32xf32, #tpu.memory_space<vmem>>
      %dma_wait3A_1510 = tpu.memref_squeeze %dma_wait3A_1509 : memref<1x50x32xf32, #tpu.memory_space<vmem>> -> memref<50x32xf32, #tpu.memory_space<vmem>>
      %dma_wait3A_1511 = arith.constant 0 : i32
      %dma_wait3A_1512 = tpu.memref_slice %arg6[%dma_wait3A_1505, %dma_wait3A_1511] : memref<32x50xi32, #tpu.memory_space<vmem>> -> memref<1x50xi32, #tpu.memory_space<vmem>>
      %dma_wait3A_1513 = tpu.memref_squeeze %dma_wait3A_1512 : memref<1x50xi32, #tpu.memory_space<vmem>> -> memref<50xi32, #tpu.memory_space<vmem>>
      %dma_wait3A_1514 = arith.constant 0 : i32
      %dma_wait3A_1515 = arith.constant 0 : i32
      %dma_wait3A_1516 = tpu.memref_slice %arg3[%dma_wait3A_1514, %dma_wait3A_1515] : memref<1000000x32xf32, #tpu.memory_space<hbm>> -> memref<1000000x32xf32, #tpu.memory_space<hbm>>
      tpu.wait_indirect_dma semaphore(%arg10 : memref<!tpu.dma_semaphore, #tpu.memory_space<semaphore_mem>>) src(%dma_wait3A_1516 : memref<1000000x32xf32, #tpu.memory_space<hbm>>) dst(%dma_wait3A_1510 : memref<50x32xf32, #tpu.memory_space<vmem>>)
      %dma_wait3A_1517 = arith.constant 27 : i32
      %dma_wait3A_1518 = arith.constant 27 : i32
      %dma_wait3A_1519 = arith.constant 0 : i32
      %dma_wait3A_1520 = arith.constant 0 : i32
      %dma_wait3A_1521 = tpu.memref_slice %arg8[%dma_wait3A_1518, %dma_wait3A_1519, %dma_wait3A_1520] : memref<32x50x32xf32, #tpu.memory_space<vmem>> -> memref<1x50x32xf32, #tpu.memory_space<vmem>>
      %dma_wait3A_1522 = tpu.memref_squeeze %dma_wait3A_1521 : memref<1x50x32xf32, #tpu.memory_space<vmem>> -> memref<50x32xf32, #tpu.memory_space<vmem>>
      %dma_wait3A_1523 = arith.constant 0 : i32
      %dma_wait3A_1524 = tpu.memref_slice %arg6[%dma_wait3A_1517, %dma_wait3A_1523] : memref<32x50xi32, #tpu.memory_space<vmem>> -> memref<1x50xi32, #tpu.memory_space<vmem>>
      %dma_wait3A_1525 = tpu.memref_squeeze %dma_wait3A_1524 : memref<1x50xi32, #tpu.memory_space<vmem>> -> memref<50xi32, #tpu.memory_space<vmem>>
      %dma_wait3A_1526 = arith.constant 0 : i32
      %dma_wait3A_1527 = arith.constant 0 : i32
      %dma_wait3A_1528 = tpu.memref_slice %arg3[%dma_wait3A_1526, %dma_wait3A_1527] : memref<1000000x32xf32, #tpu.memory_space<hbm>> -> memref<1000000x32xf32, #tpu.memory_space<hbm>>
      tpu.wait_indirect_dma semaphore(%arg10 : memref<!tpu.dma_semaphore, #tpu.memory_space<semaphore_mem>>) src(%dma_wait3A_1528 : memref<1000000x32xf32, #tpu.memory_space<hbm>>) dst(%dma_wait3A_1522 : memref<50x32xf32, #tpu.memory_space<vmem>>)
      %dma_wait3A_1529 = arith.constant 28 : i32
      %dma_wait3A_1530 = arith.constant 28 : i32
      %dma_wait3A_1531 = arith.constant 0 : i32
      %dma_wait3A_1532 = arith.constant 0 : i32
      %dma_wait3A_1533 = tpu.memref_slice %arg8[%dma_wait3A_1530, %dma_wait3A_1531, %dma_wait3A_1532] : memref<32x50x32xf32, #tpu.memory_space<vmem>> -> memref<1x50x32xf32, #tpu.memory_space<vmem>>
      %dma_wait3A_1534 = tpu.memref_squeeze %dma_wait3A_1533 : memref<1x50x32xf32, #tpu.memory_space<vmem>> -> memref<50x32xf32, #tpu.memory_space<vmem>>
      %dma_wait3A_1535 = arith.constant 0 : i32
      %dma_wait3A_1536 = tpu.memref_slice %arg6[%dma_wait3A_1529, %dma_wait3A_1535] : memref<32x50xi32, #tpu.memory_space<vmem>> -> memref<1x50xi32, #tpu.memory_space<vmem>>
      %dma_wait3A_1537 = tpu.memref_squeeze %dma_wait3A_1536 : memref<1x50xi32, #tpu.memory_space<vmem>> -> memref<50xi32, #tpu.memory_space<vmem>>
      %dma_wait3A_1538 = arith.constant 0 : i32
      %dma_wait3A_1539 = arith.constant 0 : i32
      %dma_wait3A_1540 = tpu.memref_slice %arg3[%dma_wait3A_1538, %dma_wait3A_1539] : memref<1000000x32xf32, #tpu.memory_space<hbm>> -> memref<1000000x32xf32, #tpu.memory_space<hbm>>
      tpu.wait_indirect_dma semaphore(%arg10 : memref<!tpu.dma_semaphore, #tpu.memory_space<semaphore_mem>>) src(%dma_wait3A_1540 : memref<1000000x32xf32, #tpu.memory_space<hbm>>) dst(%dma_wait3A_1534 : memref<50x32xf32, #tpu.memory_space<vmem>>)
      %dma_wait3A_1541 = arith.constant 29 : i32
      %dma_wait3A_1542 = arith.constant 29 : i32
      %dma_wait3A_1543 = arith.constant 0 : i32
      %dma_wait3A_1544 = arith.constant 0 : i32
      %dma_wait3A_1545 = tpu.memref_slice %arg8[%dma_wait3A_1542, %dma_wait3A_1543, %dma_wait3A_1544] : memref<32x50x32xf32, #tpu.memory_space<vmem>> -> memref<1x50x32xf32, #tpu.memory_space<vmem>>
      %dma_wait3A_1546 = tpu.memref_squeeze %dma_wait3A_1545 : memref<1x50x32xf32, #tpu.memory_space<vmem>> -> memref<50x32xf32, #tpu.memory_space<vmem>>
      %dma_wait3A_1547 = arith.constant 0 : i32
      %dma_wait3A_1548 = tpu.memref_slice %arg6[%dma_wait3A_1541, %dma_wait3A_1547] : memref<32x50xi32, #tpu.memory_space<vmem>> -> memref<1x50xi32, #tpu.memory_space<vmem>>
      %dma_wait3A_1549 = tpu.memref_squeeze %dma_wait3A_1548 : memref<1x50xi32, #tpu.memory_space<vmem>> -> memref<50xi32, #tpu.memory_space<vmem>>
      %dma_wait3A_1550 = arith.constant 0 : i32
      %dma_wait3A_1551 = arith.constant 0 : i32
      %dma_wait3A_1552 = tpu.memref_slice %arg3[%dma_wait3A_1550, %dma_wait3A_1551] : memref<1000000x32xf32, #tpu.memory_space<hbm>> -> memref<1000000x32xf32, #tpu.memory_space<hbm>>
      tpu.wait_indirect_dma semaphore(%arg10 : memref<!tpu.dma_semaphore, #tpu.memory_space<semaphore_mem>>) src(%dma_wait3A_1552 : memref<1000000x32xf32, #tpu.memory_space<hbm>>) dst(%dma_wait3A_1546 : memref<50x32xf32, #tpu.memory_space<vmem>>)
      %dma_wait3A_1553 = arith.constant 30 : i32
      %dma_wait3A_1554 = arith.constant 30 : i32
      %dma_wait3A_1555 = arith.constant 0 : i32
      %dma_wait3A_1556 = arith.constant 0 : i32
      %dma_wait3A_1557 = tpu.memref_slice %arg8[%dma_wait3A_1554, %dma_wait3A_1555, %dma_wait3A_1556] : memref<32x50x32xf32, #tpu.memory_space<vmem>> -> memref<1x50x32xf32, #tpu.memory_space<vmem>>
      %dma_wait3A_1558 = tpu.memref_squeeze %dma_wait3A_1557 : memref<1x50x32xf32, #tpu.memory_space<vmem>> -> memref<50x32xf32, #tpu.memory_space<vmem>>
      %dma_wait3A_1559 = arith.constant 0 : i32
      %dma_wait3A_1560 = tpu.memref_slice %arg6[%dma_wait3A_1553, %dma_wait3A_1559] : memref<32x50xi32, #tpu.memory_space<vmem>> -> memref<1x50xi32, #tpu.memory_space<vmem>>
      %dma_wait3A_1561 = tpu.memref_squeeze %dma_wait3A_1560 : memref<1x50xi32, #tpu.memory_space<vmem>> -> memref<50xi32, #tpu.memory_space<vmem>>
      %dma_wait3A_1562 = arith.constant 0 : i32
      %dma_wait3A_1563 = arith.constant 0 : i32
      %dma_wait3A_1564 = tpu.memref_slice %arg3[%dma_wait3A_1562, %dma_wait3A_1563] : memref<1000000x32xf32, #tpu.memory_space<hbm>> -> memref<1000000x32xf32, #tpu.memory_space<hbm>>
      tpu.wait_indirect_dma semaphore(%arg10 : memref<!tpu.dma_semaphore, #tpu.memory_space<semaphore_mem>>) src(%dma_wait3A_1564 : memref<1000000x32xf32, #tpu.memory_space<hbm>>) dst(%dma_wait3A_1558 : memref<50x32xf32, #tpu.memory_space<vmem>>)
      %dma_wait3A_1565 = arith.constant 31 : i32
      %dma_wait3A_1566 = arith.constant 31 : i32
      %dma_wait3A_1567 = arith.constant 0 : i32
      %dma_wait3A_1568 = arith.constant 0 : i32
      %dma_wait3A_1569 = tpu.memref_slice %arg8[%dma_wait3A_1566, %dma_wait3A_1567, %dma_wait3A_1568] : memref<32x50x32xf32, #tpu.memory_space<vmem>> -> memref<1x50x32xf32, #tpu.memory_space<vmem>>
      %dma_wait3A_1570 = tpu.memref_squeeze %dma_wait3A_1569 : memref<1x50x32xf32, #tpu.memory_space<vmem>> -> memref<50x32xf32, #tpu.memory_space<vmem>>
      %dma_wait3A_1571 = arith.constant 0 : i32
      %dma_wait3A_1572 = tpu.memref_slice %arg6[%dma_wait3A_1565, %dma_wait3A_1571] : memref<32x50xi32, #tpu.memory_space<vmem>> -> memref<1x50xi32, #tpu.memory_space<vmem>>
      %dma_wait3A_1573 = tpu.memref_squeeze %dma_wait3A_1572 : memref<1x50xi32, #tpu.memory_space<vmem>> -> memref<50xi32, #tpu.memory_space<vmem>>
      %dma_wait3A_1574 = arith.constant 0 : i32
      %dma_wait3A_1575 = arith.constant 0 : i32
      %dma_wait3A_1576 = tpu.memref_slice %arg3[%dma_wait3A_1574, %dma_wait3A_1575] : memref<1000000x32xf32, #tpu.memory_space<hbm>> -> memref<1000000x32xf32, #tpu.memory_space<hbm>>
      tpu.wait_indirect_dma semaphore(%arg10 : memref<!tpu.dma_semaphore, #tpu.memory_space<semaphore_mem>>) src(%dma_wait3A_1576 : memref<1000000x32xf32, #tpu.memory_space<hbm>>) dst(%dma_wait3A_1570 : memref<50x32xf32, #tpu.memory_space<vmem>>)
      %add3A_1577 = arith.constant 1 : i32
      %add3A_1578 = arith.addi %mul3A_402, %add3A_1577 : i32
      %scan3A_1579 = arith.constant 0 : i32
      %scan3A_1580 = arith.constant 0 : i32
      %scan3A_1581 = arith.constant 100 : i32
      %scan3A_1582 = arith.addi %scan3A_1580, %scan3A_1581 : i32
      %scan3A_1583 = arith.constant 1 : i32
      scf.for %scan3A_1609 = %scan3A_1580 to %scan3A_1582 step %scan3A_1583  : i32 {
        %mul3A_1610 = arith.constant 16 : i32
        %mul3A_1611 = arith.muli %scan3A_1609, %mul3A_1610 : i32
        %add3A_1612 = vector.broadcast %mul3A_1611 : i32 to vector<16xi32>
        %add3A_1613 = arith.addi %iota3A, %add3A_1612 : vector<16xi32>
        %jit3A = arith.constant 50 : i32
        %div3A = vector.broadcast %jit3A : i32 to vector<16xi32>
        %div3A_1614 = arith.divsi %add3A_1613, %div3A : vector<16xi32>
        %sign3A = arith.constant 0 : i32
        %sign3A_1615 = vector.broadcast %sign3A : i32 to vector<16xi32>
        %sign3A_1616 = arith.cmpi sgt, %add3A_1613, %sign3A_1615 : vector<16xi32>
        %sign3A_1617 = arith.extui %sign3A_1616 : vector<16xi1> to vector<16xi32>
        %sign3A_1618 = arith.constant 0 : i32
        %sign3A_1619 = vector.broadcast %sign3A_1618 : i32 to vector<16xi32>
        %sign3A_1620 = arith.cmpi slt, %add3A_1613, %sign3A_1619 : vector<16xi32>
        %sign3A_1621 = arith.extui %sign3A_1620 : vector<16xi1> to vector<16xi32>
        %sign3A_1622 = arith.subi %sign3A_1617, %sign3A_1621 : vector<16xi32>
        %sign3A_1623 = arith.constant 0 : i32
        %sign3A_1624 = arith.cmpi sgt, %jit3A, %sign3A_1623 : i32
        %sign3A_1625 = arith.extui %sign3A_1624 : i1 to i32
        %sign3A_1626 = arith.constant 0 : i32
        %sign3A_1627 = arith.cmpi slt, %jit3A, %sign3A_1626 : i32
        %sign3A_1628 = arith.extui %sign3A_1627 : i1 to i32
        %sign3A_1629 = arith.subi %sign3A_1625, %sign3A_1628 : i32
        %ne3A = vector.broadcast %sign3A_1629 : i32 to vector<16xi32>
        %ne3A_1630 = arith.cmpi ne, %sign3A_1622, %ne3A : vector<16xi32>
        %rem3A = vector.broadcast %jit3A : i32 to vector<16xi32>
        %rem3A_1631 = arith.remsi %add3A_1613, %rem3A : vector<16xi32>
        %ne3A_1632 = arith.constant 0 : i32
        %ne3A_1633 = vector.broadcast %ne3A_1632 : i32 to vector<16xi32>
        %ne3A_1634 = arith.cmpi ne, %rem3A_1631, %ne3A_1633 : vector<16xi32>
        %and3A = arith.andi %ne3A_1630, %ne3A_1634 : vector<16xi1>
        %sub3A = arith.constant 1 : i32
        %sub3A_1635 = vector.broadcast %sub3A : i32 to vector<16xi32>
        %sub3A_1636 = arith.subi %div3A_1614, %sub3A_1635 : vector<16xi32>
        %select_n3A = arith.select %and3A, %sub3A_1636, %div3A_1614 : vector<16xi1>, vector<16xi32>
        %mul3A_1637 = arith.constant 50 : i32
        %mul3A_1638 = vector.broadcast %mul3A_1637 : i32 to vector<16xi32>
        %mul3A_1639 = arith.muli %select_n3A, %mul3A_1638 : vector<16xi32>
        %sub3A_1640 = arith.subi %add3A_1613, %mul3A_1639 : vector<16xi32>
        %broadcast_in_dim3A = arith.constant 0.000000e+00 : f32
        %broadcast_in_dim3A_1641 = vector.broadcast %broadcast_in_dim3A : f32 to vector<16xf32>
        %add3A_1642 = arith.constant 0 : i32
        %add3A_1643 = vector.broadcast %add3A_1642 : i32 to vector<16xi32>
        %add3A_1644 = arith.addi %iota3A, %add3A_1643 : vector<16xi32>
        %and3A_1645 = arith.constant 31 : i32
        %and3A_1646 = vector.broadcast %and3A_1645 : i32 to vector<16xi32>
        %and3A_1647 = arith.andi %add3A_1644, %and3A_1646 : vector<16xi32>
        %gather3A = tpu.vector_load_idx %arg8[%select_n3A, %sub3A_1640, %and3A_1647] : memref<32x50x32xf32, #tpu.memory_space<vmem>>[vector<16xi32>, vector<16xi32>, vector<16xi32>], vector<16xf32>,
        %mul3A_1648 = arith.mulf %gather3A, %gather3A : vector<16xf32>
        %add3A_1649 = arith.addf %broadcast_in_dim3A_1641, %mul3A_1648 : vector<16xf32>
        %add3A_1650 = arith.constant 1 : i32
        %add3A_1651 = vector.broadcast %add3A_1650 : i32 to vector<16xi32>
        %add3A_1652 = arith.addi %iota3A, %add3A_1651 : vector<16xi32>
        %and3A_1653 = arith.constant 31 : i32
        %and3A_1654 = vector.broadcast %and3A_1653 : i32 to vector<16xi32>
        %and3A_1655 = arith.andi %add3A_1652, %and3A_1654 : vector<16xi32>
        %gather3A_1656 = tpu.vector_load_idx %arg8[%select_n3A, %sub3A_1640, %and3A_1655] : memref<32x50x32xf32, #tpu.memory_space<vmem>>[vector<16xi32>, vector<16xi32>, vector<16xi32>], vector<16xf32>,
        %mul3A_1657 = arith.mulf %gather3A_1656, %gather3A_1656 : vector<16xf32>
        %add3A_1658 = arith.addf %add3A_1649, %mul3A_1657 : vector<16xf32>
        %add3A_1659 = arith.constant 2 : i32
        %add3A_1660 = vector.broadcast %add3A_1659 : i32 to vector<16xi32>
        %add3A_1661 = arith.addi %iota3A, %add3A_1660 : vector<16xi32>
        %and3A_1662 = arith.constant 31 : i32
        %and3A_1663 = vector.broadcast %and3A_1662 : i32 to vector<16xi32>
        %and3A_1664 = arith.andi %add3A_1661, %and3A_1663 : vector<16xi32>
        %gather3A_1665 = tpu.vector_load_idx %arg8[%select_n3A, %sub3A_1640, %and3A_1664] : memref<32x50x32xf32, #tpu.memory_space<vmem>>[vector<16xi32>, vector<16xi32>, vector<16xi32>], vector<16xf32>,
        %mul3A_1666 = arith.mulf %gather3A_1665, %gather3A_1665 : vector<16xf32>
        %add3A_1667 = arith.addf %add3A_1658, %mul3A_1666 : vector<16xf32>
        %add3A_1668 = arith.constant 3 : i32
        %add3A_1669 = vector.broadcast %add3A_1668 : i32 to vector<16xi32>
        %add3A_1670 = arith.addi %iota3A, %add3A_1669 : vector<16xi32>
        %and3A_1671 = arith.constant 31 : i32
        %and3A_1672 = vector.broadcast %and3A_1671 : i32 to vector<16xi32>
        %and3A_1673 = arith.andi %add3A_1670, %and3A_1672 : vector<16xi32>
        %gather3A_1674 = tpu.vector_load_idx %arg8[%select_n3A, %sub3A_1640, %and3A_1673] : memref<32x50x32xf32, #tpu.memory_space<vmem>>[vector<16xi32>, vector<16xi32>, vector<16xi32>], vector<16xf32>,
        %mul3A_1675 = arith.mulf %gather3A_1674, %gather3A_1674 : vector<16xf32>
        %add3A_1676 = arith.addf %add3A_1667, %mul3A_1675 : vector<16xf32>
        %add3A_1677 = arith.constant 4 : i32
        %add3A_1678 = vector.broadcast %add3A_1677 : i32 to vector<16xi32>
        %add3A_1679 = arith.addi %iota3A, %add3A_1678 : vector<16xi32>
        %and3A_1680 = arith.constant 31 : i32
        %and3A_1681 = vector.broadcast %and3A_1680 : i32 to vector<16xi32>
        %and3A_1682 = arith.andi %add3A_1679, %and3A_1681 : vector<16xi32>
        %gather3A_1683 = tpu.vector_load_idx %arg8[%select_n3A, %sub3A_1640, %and3A_1682] : memref<32x50x32xf32, #tpu.memory_space<vmem>>[vector<16xi32>, vector<16xi32>, vector<16xi32>], vector<16xf32>,
        %mul3A_1684 = arith.mulf %gather3A_1683, %gather3A_1683 : vector<16xf32>
        %add3A_1685 = arith.addf %add3A_1676, %mul3A_1684 : vector<16xf32>
        %add3A_1686 = arith.constant 5 : i32
        %add3A_1687 = vector.broadcast %add3A_1686 : i32 to vector<16xi32>
        %add3A_1688 = arith.addi %iota3A, %add3A_1687 : vector<16xi32>
        %and3A_1689 = arith.constant 31 : i32
        %and3A_1690 = vector.broadcast %and3A_1689 : i32 to vector<16xi32>
        %and3A_1691 = arith.andi %add3A_1688, %and3A_1690 : vector<16xi32>
        %gather3A_1692 = tpu.vector_load_idx %arg8[%select_n3A, %sub3A_1640, %and3A_1691] : memref<32x50x32xf32, #tpu.memory_space<vmem>>[vector<16xi32>, vector<16xi32>, vector<16xi32>], vector<16xf32>,
        %mul3A_1693 = arith.mulf %gather3A_1692, %gather3A_1692 : vector<16xf32>
        %add3A_1694 = arith.addf %add3A_1685, %mul3A_1693 : vector<16xf32>
        %add3A_1695 = arith.constant 6 : i32
        %add3A_1696 = vector.broadcast %add3A_1695 : i32 to vector<16xi32>
        %add3A_1697 = arith.addi %iota3A, %add3A_1696 : vector<16xi32>
        %and3A_1698 = arith.constant 31 : i32
        %and3A_1699 = vector.broadcast %and3A_1698 : i32 to vector<16xi32>
        %and3A_1700 = arith.andi %add3A_1697, %and3A_1699 : vector<16xi32>
        %gather3A_1701 = tpu.vector_load_idx %arg8[%select_n3A, %sub3A_1640, %and3A_1700] : memref<32x50x32xf32, #tpu.memory_space<vmem>>[vector<16xi32>, vector<16xi32>, vector<16xi32>], vector<16xf32>,
        %mul3A_1702 = arith.mulf %gather3A_1701, %gather3A_1701 : vector<16xf32>
        %add3A_1703 = arith.addf %add3A_1694, %mul3A_1702 : vector<16xf32>
        %add3A_1704 = arith.constant 7 : i32
        %add3A_1705 = vector.broadcast %add3A_1704 : i32 to vector<16xi32>
        %add3A_1706 = arith.addi %iota3A, %add3A_1705 : vector<16xi32>
        %and3A_1707 = arith.constant 31 : i32
        %and3A_1708 = vector.broadcast %and3A_1707 : i32 to vector<16xi32>
        %and3A_1709 = arith.andi %add3A_1706, %and3A_1708 : vector<16xi32>
        %gather3A_1710 = tpu.vector_load_idx %arg8[%select_n3A, %sub3A_1640, %and3A_1709] : memref<32x50x32xf32, #tpu.memory_space<vmem>>[vector<16xi32>, vector<16xi32>, vector<16xi32>], vector<16xf32>,
        %mul3A_1711 = arith.mulf %gather3A_1710, %gather3A_1710 : vector<16xf32>
        %add3A_1712 = arith.addf %add3A_1703, %mul3A_1711 : vector<16xf32>
        %add3A_1713 = arith.constant 8 : i32
        %add3A_1714 = vector.broadcast %add3A_1713 : i32 to vector<16xi32>
        %add3A_1715 = arith.addi %iota3A, %add3A_1714 : vector<16xi32>
        %and3A_1716 = arith.constant 31 : i32
        %and3A_1717 = vector.broadcast %and3A_1716 : i32 to vector<16xi32>
        %and3A_1718 = arith.andi %add3A_1715, %and3A_1717 : vector<16xi32>
        %gather3A_1719 = tpu.vector_load_idx %arg8[%select_n3A, %sub3A_1640, %and3A_1718] : memref<32x50x32xf32, #tpu.memory_space<vmem>>[vector<16xi32>, vector<16xi32>, vector<16xi32>], vector<16xf32>,
        %mul3A_1720 = arith.mulf %gather3A_1719, %gather3A_1719 : vector<16xf32>
        %add3A_1721 = arith.addf %add3A_1712, %mul3A_1720 : vector<16xf32>
        %add3A_1722 = arith.constant 9 : i32
        %add3A_1723 = vector.broadcast %add3A_1722 : i32 to vector<16xi32>
        %add3A_1724 = arith.addi %iota3A, %add3A_1723 : vector<16xi32>
        %and3A_1725 = arith.constant 31 : i32
        %and3A_1726 = vector.broadcast %and3A_1725 : i32 to vector<16xi32>
        %and3A_1727 = arith.andi %add3A_1724, %and3A_1726 : vector<16xi32>
        %gather3A_1728 = tpu.vector_load_idx %arg8[%select_n3A, %sub3A_1640, %and3A_1727] : memref<32x50x32xf32, #tpu.memory_space<vmem>>[vector<16xi32>, vector<16xi32>, vector<16xi32>], vector<16xf32>,
        %mul3A_1729 = arith.mulf %gather3A_1728, %gather3A_1728 : vector<16xf32>
        %add3A_1730 = arith.addf %add3A_1721, %mul3A_1729 : vector<16xf32>
        %add3A_1731 = arith.constant 10 : i32
        %add3A_1732 = vector.broadcast %add3A_1731 : i32 to vector<16xi32>
        %add3A_1733 = arith.addi %iota3A, %add3A_1732 : vector<16xi32>
        %and3A_1734 = arith.constant 31 : i32
        %and3A_1735 = vector.broadcast %and3A_1734 : i32 to vector<16xi32>
        %and3A_1736 = arith.andi %add3A_1733, %and3A_1735 : vector<16xi32>
        %gather3A_1737 = tpu.vector_load_idx %arg8[%select_n3A, %sub3A_1640, %and3A_1736] : memref<32x50x32xf32, #tpu.memory_space<vmem>>[vector<16xi32>, vector<16xi32>, vector<16xi32>], vector<16xf32>,
        %mul3A_1738 = arith.mulf %gather3A_1737, %gather3A_1737 : vector<16xf32>
        %add3A_1739 = arith.addf %add3A_1730, %mul3A_1738 : vector<16xf32>
        %add3A_1740 = arith.constant 11 : i32
        %add3A_1741 = vector.broadcast %add3A_1740 : i32 to vector<16xi32>
        %add3A_1742 = arith.addi %iota3A, %add3A_1741 : vector<16xi32>
        %and3A_1743 = arith.constant 31 : i32
        %and3A_1744 = vector.broadcast %and3A_1743 : i32 to vector<16xi32>
        %and3A_1745 = arith.andi %add3A_1742, %and3A_1744 : vector<16xi32>
        %gather3A_1746 = tpu.vector_load_idx %arg8[%select_n3A, %sub3A_1640, %and3A_1745] : memref<32x50x32xf32, #tpu.memory_space<vmem>>[vector<16xi32>, vector<16xi32>, vector<16xi32>], vector<16xf32>,
        %mul3A_1747 = arith.mulf %gather3A_1746, %gather3A_1746 : vector<16xf32>
        %add3A_1748 = arith.addf %add3A_1739, %mul3A_1747 : vector<16xf32>
        %add3A_1749 = arith.constant 12 : i32
        %add3A_1750 = vector.broadcast %add3A_1749 : i32 to vector<16xi32>
        %add3A_1751 = arith.addi %iota3A, %add3A_1750 : vector<16xi32>
        %and3A_1752 = arith.constant 31 : i32
        %and3A_1753 = vector.broadcast %and3A_1752 : i32 to vector<16xi32>
        %and3A_1754 = arith.andi %add3A_1751, %and3A_1753 : vector<16xi32>
        %gather3A_1755 = tpu.vector_load_idx %arg8[%select_n3A, %sub3A_1640, %and3A_1754] : memref<32x50x32xf32, #tpu.memory_space<vmem>>[vector<16xi32>, vector<16xi32>, vector<16xi32>], vector<16xf32>,
        %mul3A_1756 = arith.mulf %gather3A_1755, %gather3A_1755 : vector<16xf32>
        %add3A_1757 = arith.addf %add3A_1748, %mul3A_1756 : vector<16xf32>
        %add3A_1758 = arith.constant 13 : i32
        %add3A_1759 = vector.broadcast %add3A_1758 : i32 to vector<16xi32>
        %add3A_1760 = arith.addi %iota3A, %add3A_1759 : vector<16xi32>
        %and3A_1761 = arith.constant 31 : i32
        %and3A_1762 = vector.broadcast %and3A_1761 : i32 to vector<16xi32>
        %and3A_1763 = arith.andi %add3A_1760, %and3A_1762 : vector<16xi32>
        %gather3A_1764 = tpu.vector_load_idx %arg8[%select_n3A, %sub3A_1640, %and3A_1763] : memref<32x50x32xf32, #tpu.memory_space<vmem>>[vector<16xi32>, vector<16xi32>, vector<16xi32>], vector<16xf32>,
        %mul3A_1765 = arith.mulf %gather3A_1764, %gather3A_1764 : vector<16xf32>
        %add3A_1766 = arith.addf %add3A_1757, %mul3A_1765 : vector<16xf32>
        %add3A_1767 = arith.constant 14 : i32
        %add3A_1768 = vector.broadcast %add3A_1767 : i32 to vector<16xi32>
        %add3A_1769 = arith.addi %iota3A, %add3A_1768 : vector<16xi32>
        %and3A_1770 = arith.constant 31 : i32
        %and3A_1771 = vector.broadcast %and3A_1770 : i32 to vector<16xi32>
        %and3A_1772 = arith.andi %add3A_1769, %and3A_1771 : vector<16xi32>
        %gather3A_1773 = tpu.vector_load_idx %arg8[%select_n3A, %sub3A_1640, %and3A_1772] : memref<32x50x32xf32, #tpu.memory_space<vmem>>[vector<16xi32>, vector<16xi32>, vector<16xi32>], vector<16xf32>,
        %mul3A_1774 = arith.mulf %gather3A_1773, %gather3A_1773 : vector<16xf32>
        %add3A_1775 = arith.addf %add3A_1766, %mul3A_1774 : vector<16xf32>
        %add3A_1776 = arith.constant 15 : i32
        %add3A_1777 = vector.broadcast %add3A_1776 : i32 to vector<16xi32>
        %add3A_1778 = arith.addi %iota3A, %add3A_1777 : vector<16xi32>
        %and3A_1779 = arith.constant 31 : i32
        %and3A_1780 = vector.broadcast %and3A_1779 : i32 to vector<16xi32>
        %and3A_1781 = arith.andi %add3A_1778, %and3A_1780 : vector<16xi32>
        %gather3A_1782 = tpu.vector_load_idx %arg8[%select_n3A, %sub3A_1640, %and3A_1781] : memref<32x50x32xf32, #tpu.memory_space<vmem>>[vector<16xi32>, vector<16xi32>, vector<16xi32>], vector<16xf32>,
        %mul3A_1783 = arith.mulf %gather3A_1782, %gather3A_1782 : vector<16xf32>
        %add3A_1784 = arith.addf %add3A_1775, %mul3A_1783 : vector<16xf32>
        %add3A_1785 = arith.constant 16 : i32
        %add3A_1786 = vector.broadcast %add3A_1785 : i32 to vector<16xi32>
        %add3A_1787 = arith.addi %iota3A, %add3A_1786 : vector<16xi32>
        %and3A_1788 = arith.constant 31 : i32
        %and3A_1789 = vector.broadcast %and3A_1788 : i32 to vector<16xi32>
        %and3A_1790 = arith.andi %add3A_1787, %and3A_1789 : vector<16xi32>
        %gather3A_1791 = tpu.vector_load_idx %arg8[%select_n3A, %sub3A_1640, %and3A_1790] : memref<32x50x32xf32, #tpu.memory_space<vmem>>[vector<16xi32>, vector<16xi32>, vector<16xi32>], vector<16xf32>,
        %mul3A_1792 = arith.mulf %gather3A_1791, %gather3A_1791 : vector<16xf32>
        %add3A_1793 = arith.addf %add3A_1784, %mul3A_1792 : vector<16xf32>
        %add3A_1794 = arith.constant 17 : i32
        %add3A_1795 = vector.broadcast %add3A_1794 : i32 to vector<16xi32>
        %add3A_1796 = arith.addi %iota3A, %add3A_1795 : vector<16xi32>
        %and3A_1797 = arith.constant 31 : i32
        %and3A_1798 = vector.broadcast %and3A_1797 : i32 to vector<16xi32>
        %and3A_1799 = arith.andi %add3A_1796, %and3A_1798 : vector<16xi32>
        %gather3A_1800 = tpu.vector_load_idx %arg8[%select_n3A, %sub3A_1640, %and3A_1799] : memref<32x50x32xf32, #tpu.memory_space<vmem>>[vector<16xi32>, vector<16xi32>, vector<16xi32>], vector<16xf32>,
        %mul3A_1801 = arith.mulf %gather3A_1800, %gather3A_1800 : vector<16xf32>
        %add3A_1802 = arith.addf %add3A_1793, %mul3A_1801 : vector<16xf32>
        %add3A_1803 = arith.constant 18 : i32
        %add3A_1804 = vector.broadcast %add3A_1803 : i32 to vector<16xi32>
        %add3A_1805 = arith.addi %iota3A, %add3A_1804 : vector<16xi32>
        %and3A_1806 = arith.constant 31 : i32
        %and3A_1807 = vector.broadcast %and3A_1806 : i32 to vector<16xi32>
        %and3A_1808 = arith.andi %add3A_1805, %and3A_1807 : vector<16xi32>
        %gather3A_1809 = tpu.vector_load_idx %arg8[%select_n3A, %sub3A_1640, %and3A_1808] : memref<32x50x32xf32, #tpu.memory_space<vmem>>[vector<16xi32>, vector<16xi32>, vector<16xi32>], vector<16xf32>,
        %mul3A_1810 = arith.mulf %gather3A_1809, %gather3A_1809 : vector<16xf32>
        %add3A_1811 = arith.addf %add3A_1802, %mul3A_1810 : vector<16xf32>
        %add3A_1812 = arith.constant 19 : i32
        %add3A_1813 = vector.broadcast %add3A_1812 : i32 to vector<16xi32>
        %add3A_1814 = arith.addi %iota3A, %add3A_1813 : vector<16xi32>
        %and3A_1815 = arith.constant 31 : i32
        %and3A_1816 = vector.broadcast %and3A_1815 : i32 to vector<16xi32>
        %and3A_1817 = arith.andi %add3A_1814, %and3A_1816 : vector<16xi32>
        %gather3A_1818 = tpu.vector_load_idx %arg8[%select_n3A, %sub3A_1640, %and3A_1817] : memref<32x50x32xf32, #tpu.memory_space<vmem>>[vector<16xi32>, vector<16xi32>, vector<16xi32>], vector<16xf32>,
        %mul3A_1819 = arith.mulf %gather3A_1818, %gather3A_1818 : vector<16xf32>
        %add3A_1820 = arith.addf %add3A_1811, %mul3A_1819 : vector<16xf32>
        %add3A_1821 = arith.constant 20 : i32
        %add3A_1822 = vector.broadcast %add3A_1821 : i32 to vector<16xi32>
        %add3A_1823 = arith.addi %iota3A, %add3A_1822 : vector<16xi32>
        %and3A_1824 = arith.constant 31 : i32
        %and3A_1825 = vector.broadcast %and3A_1824 : i32 to vector<16xi32>
        %and3A_1826 = arith.andi %add3A_1823, %and3A_1825 : vector<16xi32>
        %gather3A_1827 = tpu.vector_load_idx %arg8[%select_n3A, %sub3A_1640, %and3A_1826] : memref<32x50x32xf32, #tpu.memory_space<vmem>>[vector<16xi32>, vector<16xi32>, vector<16xi32>], vector<16xf32>,
        %mul3A_1828 = arith.mulf %gather3A_1827, %gather3A_1827 : vector<16xf32>
        %add3A_1829 = arith.addf %add3A_1820, %mul3A_1828 : vector<16xf32>
        %add3A_1830 = arith.constant 21 : i32
        %add3A_1831 = vector.broadcast %add3A_1830 : i32 to vector<16xi32>
        %add3A_1832 = arith.addi %iota3A, %add3A_1831 : vector<16xi32>
        %and3A_1833 = arith.constant 31 : i32
        %and3A_1834 = vector.broadcast %and3A_1833 : i32 to vector<16xi32>
        %and3A_1835 = arith.andi %add3A_1832, %and3A_1834 : vector<16xi32>
        %gather3A_1836 = tpu.vector_load_idx %arg8[%select_n3A, %sub3A_1640, %and3A_1835] : memref<32x50x32xf32, #tpu.memory_space<vmem>>[vector<16xi32>, vector<16xi32>, vector<16xi32>], vector<16xf32>,
        %mul3A_1837 = arith.mulf %gather3A_1836, %gather3A_1836 : vector<16xf32>
        %add3A_1838 = arith.addf %add3A_1829, %mul3A_1837 : vector<16xf32>
        %add3A_1839 = arith.constant 22 : i32
        %add3A_1840 = vector.broadcast %add3A_1839 : i32 to vector<16xi32>
        %add3A_1841 = arith.addi %iota3A, %add3A_1840 : vector<16xi32>
        %and3A_1842 = arith.constant 31 : i32
        %and3A_1843 = vector.broadcast %and3A_1842 : i32 to vector<16xi32>
        %and3A_1844 = arith.andi %add3A_1841, %and3A_1843 : vector<16xi32>
        %gather3A_1845 = tpu.vector_load_idx %arg8[%select_n3A, %sub3A_1640, %and3A_1844] : memref<32x50x32xf32, #tpu.memory_space<vmem>>[vector<16xi32>, vector<16xi32>, vector<16xi32>], vector<16xf32>,
        %mul3A_1846 = arith.mulf %gather3A_1845, %gather3A_1845 : vector<16xf32>
        %add3A_1847 = arith.addf %add3A_1838, %mul3A_1846 : vector<16xf32>
        %add3A_1848 = arith.constant 23 : i32
        %add3A_1849 = vector.broadcast %add3A_1848 : i32 to vector<16xi32>
        %add3A_1850 = arith.addi %iota3A, %add3A_1849 : vector<16xi32>
        %and3A_1851 = arith.constant 31 : i32
        %and3A_1852 = vector.broadcast %and3A_1851 : i32 to vector<16xi32>
        %and3A_1853 = arith.andi %add3A_1850, %and3A_1852 : vector<16xi32>
        %gather3A_1854 = tpu.vector_load_idx %arg8[%select_n3A, %sub3A_1640, %and3A_1853] : memref<32x50x32xf32, #tpu.memory_space<vmem>>[vector<16xi32>, vector<16xi32>, vector<16xi32>], vector<16xf32>,
        %mul3A_1855 = arith.mulf %gather3A_1854, %gather3A_1854 : vector<16xf32>
        %add3A_1856 = arith.addf %add3A_1847, %mul3A_1855 : vector<16xf32>
        %add3A_1857 = arith.constant 24 : i32
        %add3A_1858 = vector.broadcast %add3A_1857 : i32 to vector<16xi32>
        %add3A_1859 = arith.addi %iota3A, %add3A_1858 : vector<16xi32>
        %and3A_1860 = arith.constant 31 : i32
        %and3A_1861 = vector.broadcast %and3A_1860 : i32 to vector<16xi32>
        %and3A_1862 = arith.andi %add3A_1859, %and3A_1861 : vector<16xi32>
        %gather3A_1863 = tpu.vector_load_idx %arg8[%select_n3A, %sub3A_1640, %and3A_1862] : memref<32x50x32xf32, #tpu.memory_space<vmem>>[vector<16xi32>, vector<16xi32>, vector<16xi32>], vector<16xf32>,
        %mul3A_1864 = arith.mulf %gather3A_1863, %gather3A_1863 : vector<16xf32>
        %add3A_1865 = arith.addf %add3A_1856, %mul3A_1864 : vector<16xf32>
        %add3A_1866 = arith.constant 25 : i32
        %add3A_1867 = vector.broadcast %add3A_1866 : i32 to vector<16xi32>
        %add3A_1868 = arith.addi %iota3A, %add3A_1867 : vector<16xi32>
        %and3A_1869 = arith.constant 31 : i32
        %and3A_1870 = vector.broadcast %and3A_1869 : i32 to vector<16xi32>
        %and3A_1871 = arith.andi %add3A_1868, %and3A_1870 : vector<16xi32>
        %gather3A_1872 = tpu.vector_load_idx %arg8[%select_n3A, %sub3A_1640, %and3A_1871] : memref<32x50x32xf32, #tpu.memory_space<vmem>>[vector<16xi32>, vector<16xi32>, vector<16xi32>], vector<16xf32>,
        %mul3A_1873 = arith.mulf %gather3A_1872, %gather3A_1872 : vector<16xf32>
        %add3A_1874 = arith.addf %add3A_1865, %mul3A_1873 : vector<16xf32>
        %add3A_1875 = arith.constant 26 : i32
        %add3A_1876 = vector.broadcast %add3A_1875 : i32 to vector<16xi32>
        %add3A_1877 = arith.addi %iota3A, %add3A_1876 : vector<16xi32>
        %and3A_1878 = arith.constant 31 : i32
        %and3A_1879 = vector.broadcast %and3A_1878 : i32 to vector<16xi32>
        %and3A_1880 = arith.andi %add3A_1877, %and3A_1879 : vector<16xi32>
        %gather3A_1881 = tpu.vector_load_idx %arg8[%select_n3A, %sub3A_1640, %and3A_1880] : memref<32x50x32xf32, #tpu.memory_space<vmem>>[vector<16xi32>, vector<16xi32>, vector<16xi32>], vector<16xf32>,
        %mul3A_1882 = arith.mulf %gather3A_1881, %gather3A_1881 : vector<16xf32>
        %add3A_1883 = arith.addf %add3A_1874, %mul3A_1882 : vector<16xf32>
        %add3A_1884 = arith.constant 27 : i32
        %add3A_1885 = vector.broadcast %add3A_1884 : i32 to vector<16xi32>
        %add3A_1886 = arith.addi %iota3A, %add3A_1885 : vector<16xi32>
        %and3A_1887 = arith.constant 31 : i32
        %and3A_1888 = vector.broadcast %and3A_1887 : i32 to vector<16xi32>
        %and3A_1889 = arith.andi %add3A_1886, %and3A_1888 : vector<16xi32>
        %gather3A_1890 = tpu.vector_load_idx %arg8[%select_n3A, %sub3A_1640, %and3A_1889] : memref<32x50x32xf32, #tpu.memory_space<vmem>>[vector<16xi32>, vector<16xi32>, vector<16xi32>], vector<16xf32>,
        %mul3A_1891 = arith.mulf %gather3A_1890, %gather3A_1890 : vector<16xf32>
        %add3A_1892 = arith.addf %add3A_1883, %mul3A_1891 : vector<16xf32>
        %add3A_1893 = arith.constant 28 : i32
        %add3A_1894 = vector.broadcast %add3A_1893 : i32 to vector<16xi32>
        %add3A_1895 = arith.addi %iota3A, %add3A_1894 : vector<16xi32>
        %and3A_1896 = arith.constant 31 : i32
        %and3A_1897 = vector.broadcast %and3A_1896 : i32 to vector<16xi32>
        %and3A_1898 = arith.andi %add3A_1895, %and3A_1897 : vector<16xi32>
        %gather3A_1899 = tpu.vector_load_idx %arg8[%select_n3A, %sub3A_1640, %and3A_1898] : memref<32x50x32xf32, #tpu.memory_space<vmem>>[vector<16xi32>, vector<16xi32>, vector<16xi32>], vector<16xf32>,
        %mul3A_1900 = arith.mulf %gather3A_1899, %gather3A_1899 : vector<16xf32>
        %add3A_1901 = arith.addf %add3A_1892, %mul3A_1900 : vector<16xf32>
        %add3A_1902 = arith.constant 29 : i32
        %add3A_1903 = vector.broadcast %add3A_1902 : i32 to vector<16xi32>
        %add3A_1904 = arith.addi %iota3A, %add3A_1903 : vector<16xi32>
        %and3A_1905 = arith.constant 31 : i32
        %and3A_1906 = vector.broadcast %and3A_1905 : i32 to vector<16xi32>
        %and3A_1907 = arith.andi %add3A_1904, %and3A_1906 : vector<16xi32>
        %gather3A_1908 = tpu.vector_load_idx %arg8[%select_n3A, %sub3A_1640, %and3A_1907] : memref<32x50x32xf32, #tpu.memory_space<vmem>>[vector<16xi32>, vector<16xi32>, vector<16xi32>], vector<16xf32>,
        %mul3A_1909 = arith.mulf %gather3A_1908, %gather3A_1908 : vector<16xf32>
        %add3A_1910 = arith.addf %add3A_1901, %mul3A_1909 : vector<16xf32>
        %add3A_1911 = arith.constant 30 : i32
        %add3A_1912 = vector.broadcast %add3A_1911 : i32 to vector<16xi32>
        %add3A_1913 = arith.addi %iota3A, %add3A_1912 : vector<16xi32>
        %and3A_1914 = arith.constant 31 : i32
        %and3A_1915 = vector.broadcast %and3A_1914 : i32 to vector<16xi32>
        %and3A_1916 = arith.andi %add3A_1913, %and3A_1915 : vector<16xi32>
        %gather3A_1917 = tpu.vector_load_idx %arg8[%select_n3A, %sub3A_1640, %and3A_1916] : memref<32x50x32xf32, #tpu.memory_space<vmem>>[vector<16xi32>, vector<16xi32>, vector<16xi32>], vector<16xf32>,
        %mul3A_1918 = arith.mulf %gather3A_1917, %gather3A_1917 : vector<16xf32>
        %add3A_1919 = arith.addf %add3A_1910, %mul3A_1918 : vector<16xf32>
        %add3A_1920 = arith.constant 31 : i32
        %add3A_1921 = vector.broadcast %add3A_1920 : i32 to vector<16xi32>
        %add3A_1922 = arith.addi %iota3A, %add3A_1921 : vector<16xi32>
        %and3A_1923 = arith.constant 31 : i32
        %and3A_1924 = vector.broadcast %and3A_1923 : i32 to vector<16xi32>
        %and3A_1925 = arith.andi %add3A_1922, %and3A_1924 : vector<16xi32>
        %gather3A_1926 = tpu.vector_load_idx %arg8[%select_n3A, %sub3A_1640, %and3A_1925] : memref<32x50x32xf32, #tpu.memory_space<vmem>>[vector<16xi32>, vector<16xi32>, vector<16xi32>], vector<16xf32>,
        %mul3A_1927 = arith.mulf %gather3A_1926, %gather3A_1926 : vector<16xf32>
        %add3A_1928 = arith.addf %add3A_1919, %mul3A_1927 : vector<16xf32>
        %bitcast3A = vector.bitcast %add3A_1928 : vector<16xf32> to vector<16xi32>
        %shift_right_logical3A = arith.constant 1 : i32
        %shift_right_logical3A_1929 = vector.broadcast %shift_right_logical3A : i32 to vector<16xi32>
        %shift_right_logical3A_1930 = arith.shrui %bitcast3A, %shift_right_logical3A_1929 : vector<16xi32>
        %sub3A_1931 = arith.constant 1597463007 : i32
        %sub3A_1932 = vector.broadcast %sub3A_1931 : i32 to vector<16xi32>
        %sub3A_1933 = arith.subi %sub3A_1932, %shift_right_logical3A_1930 : vector<16xi32>
        %bitcast3A_1934 = vector.bitcast %sub3A_1933 : vector<16xi32> to vector<16xf32>
        %mul3A_1935 = arith.constant 5.000000e-01 : f32
        %mul3A_1936 = vector.broadcast %mul3A_1935 : f32 to vector<16xf32>
        %mul3A_1937 = arith.mulf %mul3A_1936, %add3A_1928 : vector<16xf32>
        %mul3A_1938 = arith.mulf %mul3A_1937, %bitcast3A_1934 : vector<16xf32>
        %mul3A_1939 = arith.mulf %mul3A_1938, %bitcast3A_1934 : vector<16xf32>
        %sub3A_1940 = arith.constant 1.500000e+00 : f32
        %sub3A_1941 = vector.broadcast %sub3A_1940 : f32 to vector<16xf32>
        %sub3A_1942 = arith.subf %sub3A_1941, %mul3A_1939 : vector<16xf32>
        %mul3A_1943 = arith.mulf %bitcast3A_1934, %sub3A_1942 : vector<16xf32>
        %mul3A_1944 = arith.constant 5.000000e-01 : f32
        %mul3A_1945 = vector.broadcast %mul3A_1944 : f32 to vector<16xf32>
        %mul3A_1946 = arith.mulf %mul3A_1945, %add3A_1928 : vector<16xf32>
        %mul3A_1947 = arith.mulf %mul3A_1946, %mul3A_1943 : vector<16xf32>
        %mul3A_1948 = arith.mulf %mul3A_1947, %mul3A_1943 : vector<16xf32>
        %sub3A_1949 = arith.constant 1.500000e+00 : f32
        %sub3A_1950 = vector.broadcast %sub3A_1949 : f32 to vector<16xf32>
        %sub3A_1951 = arith.subf %sub3A_1950, %mul3A_1948 : vector<16xf32>
        %mul3A_1952 = arith.mulf %mul3A_1943, %sub3A_1951 : vector<16xf32>
        %mul3A_1953 = arith.constant 5.000000e-01 : f32
        %mul3A_1954 = vector.broadcast %mul3A_1953 : f32 to vector<16xf32>
        %mul3A_1955 = arith.mulf %mul3A_1954, %add3A_1928 : vector<16xf32>
        %mul3A_1956 = arith.mulf %mul3A_1955, %mul3A_1952 : vector<16xf32>
        %mul3A_1957 = arith.mulf %mul3A_1956, %mul3A_1952 : vector<16xf32>
        %sub3A_1958 = arith.constant 1.500000e+00 : f32
        %sub3A_1959 = vector.broadcast %sub3A_1958 : f32 to vector<16xf32>
        %sub3A_1960 = arith.subf %sub3A_1959, %mul3A_1957 : vector<16xf32>
        %mul3A_1961 = arith.mulf %mul3A_1952, %sub3A_1960 : vector<16xf32>
        %mul3A_1962 = arith.mulf %add3A_1928, %mul3A_1961 : vector<16xf32>
        %gt3A_1963 = arith.constant 1.000000e+00 : f32
        %gt3A_1964 = vector.broadcast %gt3A_1963 : f32 to vector<16xf32>
        %gt3A_1965 = arith.cmpf ogt, %add3A_1928, %gt3A_1964 : vector<16xf32>
        %add3A_1966 = arith.constant 1.000000e-07 : f32
        %add3A_1967 = vector.broadcast %add3A_1966 : f32 to vector<16xf32>
        %add3A_1968 = arith.addf %mul3A_1962, %add3A_1967 : vector<16xf32>
        %div3A_1969 = arith.constant 1.000000e+00 : f32
        %div3A_1970 = vector.broadcast %div3A_1969 : f32 to vector<16xf32>
        %div3A_1971 = arith.divf %div3A_1970, %add3A_1968 : vector<16xf32>
        %jit3A_1972 = arith.constant 1.000000e+00 : f32
        %broadcast_in_dim3A_1973 = vector.broadcast %jit3A_1972 : f32 to vector<16xf32>
        %select_n3A_1974 = arith.select %gt3A_1965, %div3A_1971, %broadcast_in_dim3A_1973 : vector<16xi1>, vector<16xf32>
        %add3A_1975 = arith.constant 0 : i32
        %add3A_1976 = vector.broadcast %add3A_1975 : i32 to vector<16xi32>
        %add3A_1977 = arith.addi %iota3A, %add3A_1976 : vector<16xi32>
        %and3A_1978 = arith.constant 31 : i32
        %and3A_1979 = vector.broadcast %and3A_1978 : i32 to vector<16xi32>
        %and3A_1980 = arith.andi %add3A_1977, %and3A_1979 : vector<16xi32>
        %mul3A_1981 = arith.mulf %gather3A, %select_n3A_1974 : vector<16xf32>
        tpu.vector_store_idx %arg8[%select_n3A, %sub3A_1640, %and3A_1980], %mul3A_1981 : memref<32x50x32xf32, #tpu.memory_space<vmem>>[vector<16xi32>, vector<16xi32>, vector<16xi32>], vector<16xf32>,
        %add3A_1982 = arith.constant 1 : i32
        %add3A_1983 = vector.broadcast %add3A_1982 : i32 to vector<16xi32>
        %add3A_1984 = arith.addi %iota3A, %add3A_1983 : vector<16xi32>
        %and3A_1985 = arith.constant 31 : i32
        %and3A_1986 = vector.broadcast %and3A_1985 : i32 to vector<16xi32>
        %and3A_1987 = arith.andi %add3A_1984, %and3A_1986 : vector<16xi32>
        %mul3A_1988 = arith.mulf %gather3A_1656, %select_n3A_1974 : vector<16xf32>
        tpu.vector_store_idx %arg8[%select_n3A, %sub3A_1640, %and3A_1987], %mul3A_1988 : memref<32x50x32xf32, #tpu.memory_space<vmem>>[vector<16xi32>, vector<16xi32>, vector<16xi32>], vector<16xf32>,
        %add3A_1989 = arith.constant 2 : i32
        %add3A_1990 = vector.broadcast %add3A_1989 : i32 to vector<16xi32>
        %add3A_1991 = arith.addi %iota3A, %add3A_1990 : vector<16xi32>
        %and3A_1992 = arith.constant 31 : i32
        %and3A_1993 = vector.broadcast %and3A_1992 : i32 to vector<16xi32>
        %and3A_1994 = arith.andi %add3A_1991, %and3A_1993 : vector<16xi32>
        %mul3A_1995 = arith.mulf %gather3A_1665, %select_n3A_1974 : vector<16xf32>
        tpu.vector_store_idx %arg8[%select_n3A, %sub3A_1640, %and3A_1994], %mul3A_1995 : memref<32x50x32xf32, #tpu.memory_space<vmem>>[vector<16xi32>, vector<16xi32>, vector<16xi32>], vector<16xf32>,
        %add3A_1996 = arith.constant 3 : i32
        %add3A_1997 = vector.broadcast %add3A_1996 : i32 to vector<16xi32>
        %add3A_1998 = arith.addi %iota3A, %add3A_1997 : vector<16xi32>
        %and3A_1999 = arith.constant 31 : i32
        %and3A_2000 = vector.broadcast %and3A_1999 : i32 to vector<16xi32>
        %and3A_2001 = arith.andi %add3A_1998, %and3A_2000 : vector<16xi32>
        %mul3A_2002 = arith.mulf %gather3A_1674, %select_n3A_1974 : vector<16xf32>
        tpu.vector_store_idx %arg8[%select_n3A, %sub3A_1640, %and3A_2001], %mul3A_2002 : memref<32x50x32xf32, #tpu.memory_space<vmem>>[vector<16xi32>, vector<16xi32>, vector<16xi32>], vector<16xf32>,
        %add3A_2003 = arith.constant 4 : i32
        %add3A_2004 = vector.broadcast %add3A_2003 : i32 to vector<16xi32>
        %add3A_2005 = arith.addi %iota3A, %add3A_2004 : vector<16xi32>
        %and3A_2006 = arith.constant 31 : i32
        %and3A_2007 = vector.broadcast %and3A_2006 : i32 to vector<16xi32>
        %and3A_2008 = arith.andi %add3A_2005, %and3A_2007 : vector<16xi32>
        %mul3A_2009 = arith.mulf %gather3A_1683, %select_n3A_1974 : vector<16xf32>
        tpu.vector_store_idx %arg8[%select_n3A, %sub3A_1640, %and3A_2008], %mul3A_2009 : memref<32x50x32xf32, #tpu.memory_space<vmem>>[vector<16xi32>, vector<16xi32>, vector<16xi32>], vector<16xf32>,
        %add3A_2010 = arith.constant 5 : i32
        %add3A_2011 = vector.broadcast %add3A_2010 : i32 to vector<16xi32>
        %add3A_2012 = arith.addi %iota3A, %add3A_2011 : vector<16xi32>
        %and3A_2013 = arith.constant 31 : i32
        %and3A_2014 = vector.broadcast %and3A_2013 : i32 to vector<16xi32>
        %and3A_2015 = arith.andi %add3A_2012, %and3A_2014 : vector<16xi32>
        %mul3A_2016 = arith.mulf %gather3A_1692, %select_n3A_1974 : vector<16xf32>
        tpu.vector_store_idx %arg8[%select_n3A, %sub3A_1640, %and3A_2015], %mul3A_2016 : memref<32x50x32xf32, #tpu.memory_space<vmem>>[vector<16xi32>, vector<16xi32>, vector<16xi32>], vector<16xf32>,
        %add3A_2017 = arith.constant 6 : i32
        %add3A_2018 = vector.broadcast %add3A_2017 : i32 to vector<16xi32>
        %add3A_2019 = arith.addi %iota3A, %add3A_2018 : vector<16xi32>
        %and3A_2020 = arith.constant 31 : i32
        %and3A_2021 = vector.broadcast %and3A_2020 : i32 to vector<16xi32>
        %and3A_2022 = arith.andi %add3A_2019, %and3A_2021 : vector<16xi32>
        %mul3A_2023 = arith.mulf %gather3A_1701, %select_n3A_1974 : vector<16xf32>
        tpu.vector_store_idx %arg8[%select_n3A, %sub3A_1640, %and3A_2022], %mul3A_2023 : memref<32x50x32xf32, #tpu.memory_space<vmem>>[vector<16xi32>, vector<16xi32>, vector<16xi32>], vector<16xf32>,
        %add3A_2024 = arith.constant 7 : i32
        %add3A_2025 = vector.broadcast %add3A_2024 : i32 to vector<16xi32>
        %add3A_2026 = arith.addi %iota3A, %add3A_2025 : vector<16xi32>
        %and3A_2027 = arith.constant 31 : i32
        %and3A_2028 = vector.broadcast %and3A_2027 : i32 to vector<16xi32>
        %and3A_2029 = arith.andi %add3A_2026, %and3A_2028 : vector<16xi32>
        %mul3A_2030 = arith.mulf %gather3A_1710, %select_n3A_1974 : vector<16xf32>
        tpu.vector_store_idx %arg8[%select_n3A, %sub3A_1640, %and3A_2029], %mul3A_2030 : memref<32x50x32xf32, #tpu.memory_space<vmem>>[vector<16xi32>, vector<16xi32>, vector<16xi32>], vector<16xf32>,
        %add3A_2031 = arith.constant 8 : i32
        %add3A_2032 = vector.broadcast %add3A_2031 : i32 to vector<16xi32>
        %add3A_2033 = arith.addi %iota3A, %add3A_2032 : vector<16xi32>
        %and3A_2034 = arith.constant 31 : i32
        %and3A_2035 = vector.broadcast %and3A_2034 : i32 to vector<16xi32>
        %and3A_2036 = arith.andi %add3A_2033, %and3A_2035 : vector<16xi32>
        %mul3A_2037 = arith.mulf %gather3A_1719, %select_n3A_1974 : vector<16xf32>
        tpu.vector_store_idx %arg8[%select_n3A, %sub3A_1640, %and3A_2036], %mul3A_2037 : memref<32x50x32xf32, #tpu.memory_space<vmem>>[vector<16xi32>, vector<16xi32>, vector<16xi32>], vector<16xf32>,
        %add3A_2038 = arith.constant 9 : i32
        %add3A_2039 = vector.broadcast %add3A_2038 : i32 to vector<16xi32>
        %add3A_2040 = arith.addi %iota3A, %add3A_2039 : vector<16xi32>
        %and3A_2041 = arith.constant 31 : i32
        %and3A_2042 = vector.broadcast %and3A_2041 : i32 to vector<16xi32>
        %and3A_2043 = arith.andi %add3A_2040, %and3A_2042 : vector<16xi32>
        %mul3A_2044 = arith.mulf %gather3A_1728, %select_n3A_1974 : vector<16xf32>
        tpu.vector_store_idx %arg8[%select_n3A, %sub3A_1640, %and3A_2043], %mul3A_2044 : memref<32x50x32xf32, #tpu.memory_space<vmem>>[vector<16xi32>, vector<16xi32>, vector<16xi32>], vector<16xf32>,
        %add3A_2045 = arith.constant 10 : i32
        %add3A_2046 = vector.broadcast %add3A_2045 : i32 to vector<16xi32>
        %add3A_2047 = arith.addi %iota3A, %add3A_2046 : vector<16xi32>
        %and3A_2048 = arith.constant 31 : i32
        %and3A_2049 = vector.broadcast %and3A_2048 : i32 to vector<16xi32>
        %and3A_2050 = arith.andi %add3A_2047, %and3A_2049 : vector<16xi32>
        %mul3A_2051 = arith.mulf %gather3A_1737, %select_n3A_1974 : vector<16xf32>
        tpu.vector_store_idx %arg8[%select_n3A, %sub3A_1640, %and3A_2050], %mul3A_2051 : memref<32x50x32xf32, #tpu.memory_space<vmem>>[vector<16xi32>, vector<16xi32>, vector<16xi32>], vector<16xf32>,
        %add3A_2052 = arith.constant 11 : i32
        %add3A_2053 = vector.broadcast %add3A_2052 : i32 to vector<16xi32>
        %add3A_2054 = arith.addi %iota3A, %add3A_2053 : vector<16xi32>
        %and3A_2055 = arith.constant 31 : i32
        %and3A_2056 = vector.broadcast %and3A_2055 : i32 to vector<16xi32>
        %and3A_2057 = arith.andi %add3A_2054, %and3A_2056 : vector<16xi32>
        %mul3A_2058 = arith.mulf %gather3A_1746, %select_n3A_1974 : vector<16xf32>
        tpu.vector_store_idx %arg8[%select_n3A, %sub3A_1640, %and3A_2057], %mul3A_2058 : memref<32x50x32xf32, #tpu.memory_space<vmem>>[vector<16xi32>, vector<16xi32>, vector<16xi32>], vector<16xf32>,
        %add3A_2059 = arith.constant 12 : i32
        %add3A_2060 = vector.broadcast %add3A_2059 : i32 to vector<16xi32>
        %add3A_2061 = arith.addi %iota3A, %add3A_2060 : vector<16xi32>
        %and3A_2062 = arith.constant 31 : i32
        %and3A_2063 = vector.broadcast %and3A_2062 : i32 to vector<16xi32>
        %and3A_2064 = arith.andi %add3A_2061, %and3A_2063 : vector<16xi32>
        %mul3A_2065 = arith.mulf %gather3A_1755, %select_n3A_1974 : vector<16xf32>
        tpu.vector_store_idx %arg8[%select_n3A, %sub3A_1640, %and3A_2064], %mul3A_2065 : memref<32x50x32xf32, #tpu.memory_space<vmem>>[vector<16xi32>, vector<16xi32>, vector<16xi32>], vector<16xf32>,
        %add3A_2066 = arith.constant 13 : i32
        %add3A_2067 = vector.broadcast %add3A_2066 : i32 to vector<16xi32>
        %add3A_2068 = arith.addi %iota3A, %add3A_2067 : vector<16xi32>
        %and3A_2069 = arith.constant 31 : i32
        %and3A_2070 = vector.broadcast %and3A_2069 : i32 to vector<16xi32>
        %and3A_2071 = arith.andi %add3A_2068, %and3A_2070 : vector<16xi32>
        %mul3A_2072 = arith.mulf %gather3A_1764, %select_n3A_1974 : vector<16xf32>
        tpu.vector_store_idx %arg8[%select_n3A, %sub3A_1640, %and3A_2071], %mul3A_2072 : memref<32x50x32xf32, #tpu.memory_space<vmem>>[vector<16xi32>, vector<16xi32>, vector<16xi32>], vector<16xf32>,
        %add3A_2073 = arith.constant 14 : i32
        %add3A_2074 = vector.broadcast %add3A_2073 : i32 to vector<16xi32>
        %add3A_2075 = arith.addi %iota3A, %add3A_2074 : vector<16xi32>
        %and3A_2076 = arith.constant 31 : i32
        %and3A_2077 = vector.broadcast %and3A_2076 : i32 to vector<16xi32>
        %and3A_2078 = arith.andi %add3A_2075, %and3A_2077 : vector<16xi32>
        %mul3A_2079 = arith.mulf %gather3A_1773, %select_n3A_1974 : vector<16xf32>
        tpu.vector_store_idx %arg8[%select_n3A, %sub3A_1640, %and3A_2078], %mul3A_2079 : memref<32x50x32xf32, #tpu.memory_space<vmem>>[vector<16xi32>, vector<16xi32>, vector<16xi32>], vector<16xf32>,
        %add3A_2080 = arith.constant 15 : i32
        %add3A_2081 = vector.broadcast %add3A_2080 : i32 to vector<16xi32>
        %add3A_2082 = arith.addi %iota3A, %add3A_2081 : vector<16xi32>
        %and3A_2083 = arith.constant 31 : i32
        %and3A_2084 = vector.broadcast %and3A_2083 : i32 to vector<16xi32>
        %and3A_2085 = arith.andi %add3A_2082, %and3A_2084 : vector<16xi32>
        %mul3A_2086 = arith.mulf %gather3A_1782, %select_n3A_1974 : vector<16xf32>
        tpu.vector_store_idx %arg8[%select_n3A, %sub3A_1640, %and3A_2085], %mul3A_2086 : memref<32x50x32xf32, #tpu.memory_space<vmem>>[vector<16xi32>, vector<16xi32>, vector<16xi32>], vector<16xf32>,
        %add3A_2087 = arith.constant 16 : i32
        %add3A_2088 = vector.broadcast %add3A_2087 : i32 to vector<16xi32>
        %add3A_2089 = arith.addi %iota3A, %add3A_2088 : vector<16xi32>
        %and3A_2090 = arith.constant 31 : i32
        %and3A_2091 = vector.broadcast %and3A_2090 : i32 to vector<16xi32>
        %and3A_2092 = arith.andi %add3A_2089, %and3A_2091 : vector<16xi32>
        %mul3A_2093 = arith.mulf %gather3A_1791, %select_n3A_1974 : vector<16xf32>
        tpu.vector_store_idx %arg8[%select_n3A, %sub3A_1640, %and3A_2092], %mul3A_2093 : memref<32x50x32xf32, #tpu.memory_space<vmem>>[vector<16xi32>, vector<16xi32>, vector<16xi32>], vector<16xf32>,
        %add3A_2094 = arith.constant 17 : i32
        %add3A_2095 = vector.broadcast %add3A_2094 : i32 to vector<16xi32>
        %add3A_2096 = arith.addi %iota3A, %add3A_2095 : vector<16xi32>
        %and3A_2097 = arith.constant 31 : i32
        %and3A_2098 = vector.broadcast %and3A_2097 : i32 to vector<16xi32>
        %and3A_2099 = arith.andi %add3A_2096, %and3A_2098 : vector<16xi32>
        %mul3A_2100 = arith.mulf %gather3A_1800, %select_n3A_1974 : vector<16xf32>
        tpu.vector_store_idx %arg8[%select_n3A, %sub3A_1640, %and3A_2099], %mul3A_2100 : memref<32x50x32xf32, #tpu.memory_space<vmem>>[vector<16xi32>, vector<16xi32>, vector<16xi32>], vector<16xf32>,
        %add3A_2101 = arith.constant 18 : i32
        %add3A_2102 = vector.broadcast %add3A_2101 : i32 to vector<16xi32>
        %add3A_2103 = arith.addi %iota3A, %add3A_2102 : vector<16xi32>
        %and3A_2104 = arith.constant 31 : i32
        %and3A_2105 = vector.broadcast %and3A_2104 : i32 to vector<16xi32>
        %and3A_2106 = arith.andi %add3A_2103, %and3A_2105 : vector<16xi32>
        %mul3A_2107 = arith.mulf %gather3A_1809, %select_n3A_1974 : vector<16xf32>
        tpu.vector_store_idx %arg8[%select_n3A, %sub3A_1640, %and3A_2106], %mul3A_2107 : memref<32x50x32xf32, #tpu.memory_space<vmem>>[vector<16xi32>, vector<16xi32>, vector<16xi32>], vector<16xf32>,
        %add3A_2108 = arith.constant 19 : i32
        %add3A_2109 = vector.broadcast %add3A_2108 : i32 to vector<16xi32>
        %add3A_2110 = arith.addi %iota3A, %add3A_2109 : vector<16xi32>
        %and3A_2111 = arith.constant 31 : i32
        %and3A_2112 = vector.broadcast %and3A_2111 : i32 to vector<16xi32>
        %and3A_2113 = arith.andi %add3A_2110, %and3A_2112 : vector<16xi32>
        %mul3A_2114 = arith.mulf %gather3A_1818, %select_n3A_1974 : vector<16xf32>
        tpu.vector_store_idx %arg8[%select_n3A, %sub3A_1640, %and3A_2113], %mul3A_2114 : memref<32x50x32xf32, #tpu.memory_space<vmem>>[vector<16xi32>, vector<16xi32>, vector<16xi32>], vector<16xf32>,
        %add3A_2115 = arith.constant 20 : i32
        %add3A_2116 = vector.broadcast %add3A_2115 : i32 to vector<16xi32>
        %add3A_2117 = arith.addi %iota3A, %add3A_2116 : vector<16xi32>
        %and3A_2118 = arith.constant 31 : i32
        %and3A_2119 = vector.broadcast %and3A_2118 : i32 to vector<16xi32>
        %and3A_2120 = arith.andi %add3A_2117, %and3A_2119 : vector<16xi32>
        %mul3A_2121 = arith.mulf %gather3A_1827, %select_n3A_1974 : vector<16xf32>
        tpu.vector_store_idx %arg8[%select_n3A, %sub3A_1640, %and3A_2120], %mul3A_2121 : memref<32x50x32xf32, #tpu.memory_space<vmem>>[vector<16xi32>, vector<16xi32>, vector<16xi32>], vector<16xf32>,
        %add3A_2122 = arith.constant 21 : i32
        %add3A_2123 = vector.broadcast %add3A_2122 : i32 to vector<16xi32>
        %add3A_2124 = arith.addi %iota3A, %add3A_2123 : vector<16xi32>
        %and3A_2125 = arith.constant 31 : i32
        %and3A_2126 = vector.broadcast %and3A_2125 : i32 to vector<16xi32>
        %and3A_2127 = arith.andi %add3A_2124, %and3A_2126 : vector<16xi32>
        %mul3A_2128 = arith.mulf %gather3A_1836, %select_n3A_1974 : vector<16xf32>
        tpu.vector_store_idx %arg8[%select_n3A, %sub3A_1640, %and3A_2127], %mul3A_2128 : memref<32x50x32xf32, #tpu.memory_space<vmem>>[vector<16xi32>, vector<16xi32>, vector<16xi32>], vector<16xf32>,
        %add3A_2129 = arith.constant 22 : i32
        %add3A_2130 = vector.broadcast %add3A_2129 : i32 to vector<16xi32>
        %add3A_2131 = arith.addi %iota3A, %add3A_2130 : vector<16xi32>
        %and3A_2132 = arith.constant 31 : i32
        %and3A_2133 = vector.broadcast %and3A_2132 : i32 to vector<16xi32>
        %and3A_2134 = arith.andi %add3A_2131, %and3A_2133 : vector<16xi32>
        %mul3A_2135 = arith.mulf %gather3A_1845, %select_n3A_1974 : vector<16xf32>
        tpu.vector_store_idx %arg8[%select_n3A, %sub3A_1640, %and3A_2134], %mul3A_2135 : memref<32x50x32xf32, #tpu.memory_space<vmem>>[vector<16xi32>, vector<16xi32>, vector<16xi32>], vector<16xf32>,
        %add3A_2136 = arith.constant 23 : i32
        %add3A_2137 = vector.broadcast %add3A_2136 : i32 to vector<16xi32>
        %add3A_2138 = arith.addi %iota3A, %add3A_2137 : vector<16xi32>
        %and3A_2139 = arith.constant 31 : i32
        %and3A_2140 = vector.broadcast %and3A_2139 : i32 to vector<16xi32>
        %and3A_2141 = arith.andi %add3A_2138, %and3A_2140 : vector<16xi32>
        %mul3A_2142 = arith.mulf %gather3A_1854, %select_n3A_1974 : vector<16xf32>
        tpu.vector_store_idx %arg8[%select_n3A, %sub3A_1640, %and3A_2141], %mul3A_2142 : memref<32x50x32xf32, #tpu.memory_space<vmem>>[vector<16xi32>, vector<16xi32>, vector<16xi32>], vector<16xf32>,
        %add3A_2143 = arith.constant 24 : i32
        %add3A_2144 = vector.broadcast %add3A_2143 : i32 to vector<16xi32>
        %add3A_2145 = arith.addi %iota3A, %add3A_2144 : vector<16xi32>
        %and3A_2146 = arith.constant 31 : i32
        %and3A_2147 = vector.broadcast %and3A_2146 : i32 to vector<16xi32>
        %and3A_2148 = arith.andi %add3A_2145, %and3A_2147 : vector<16xi32>
        %mul3A_2149 = arith.mulf %gather3A_1863, %select_n3A_1974 : vector<16xf32>
        tpu.vector_store_idx %arg8[%select_n3A, %sub3A_1640, %and3A_2148], %mul3A_2149 : memref<32x50x32xf32, #tpu.memory_space<vmem>>[vector<16xi32>, vector<16xi32>, vector<16xi32>], vector<16xf32>,
        %add3A_2150 = arith.constant 25 : i32
        %add3A_2151 = vector.broadcast %add3A_2150 : i32 to vector<16xi32>
        %add3A_2152 = arith.addi %iota3A, %add3A_2151 : vector<16xi32>
        %and3A_2153 = arith.constant 31 : i32
        %and3A_2154 = vector.broadcast %and3A_2153 : i32 to vector<16xi32>
        %and3A_2155 = arith.andi %add3A_2152, %and3A_2154 : vector<16xi32>
        %mul3A_2156 = arith.mulf %gather3A_1872, %select_n3A_1974 : vector<16xf32>
        tpu.vector_store_idx %arg8[%select_n3A, %sub3A_1640, %and3A_2155], %mul3A_2156 : memref<32x50x32xf32, #tpu.memory_space<vmem>>[vector<16xi32>, vector<16xi32>, vector<16xi32>], vector<16xf32>,
        %add3A_2157 = arith.constant 26 : i32
        %add3A_2158 = vector.broadcast %add3A_2157 : i32 to vector<16xi32>
        %add3A_2159 = arith.addi %iota3A, %add3A_2158 : vector<16xi32>
        %and3A_2160 = arith.constant 31 : i32
        %and3A_2161 = vector.broadcast %and3A_2160 : i32 to vector<16xi32>
        %and3A_2162 = arith.andi %add3A_2159, %and3A_2161 : vector<16xi32>
        %mul3A_2163 = arith.mulf %gather3A_1881, %select_n3A_1974 : vector<16xf32>
        tpu.vector_store_idx %arg8[%select_n3A, %sub3A_1640, %and3A_2162], %mul3A_2163 : memref<32x50x32xf32, #tpu.memory_space<vmem>>[vector<16xi32>, vector<16xi32>, vector<16xi32>], vector<16xf32>,
        %add3A_2164 = arith.constant 27 : i32
        %add3A_2165 = vector.broadcast %add3A_2164 : i32 to vector<16xi32>
        %add3A_2166 = arith.addi %iota3A, %add3A_2165 : vector<16xi32>
        %and3A_2167 = arith.constant 31 : i32
        %and3A_2168 = vector.broadcast %and3A_2167 : i32 to vector<16xi32>
        %and3A_2169 = arith.andi %add3A_2166, %and3A_2168 : vector<16xi32>
        %mul3A_2170 = arith.mulf %gather3A_1890, %select_n3A_1974 : vector<16xf32>
        tpu.vector_store_idx %arg8[%select_n3A, %sub3A_1640, %and3A_2169], %mul3A_2170 : memref<32x50x32xf32, #tpu.memory_space<vmem>>[vector<16xi32>, vector<16xi32>, vector<16xi32>], vector<16xf32>,
        %add3A_2171 = arith.constant 28 : i32
        %add3A_2172 = vector.broadcast %add3A_2171 : i32 to vector<16xi32>
        %add3A_2173 = arith.addi %iota3A, %add3A_2172 : vector<16xi32>
        %and3A_2174 = arith.constant 31 : i32
        %and3A_2175 = vector.broadcast %and3A_2174 : i32 to vector<16xi32>
        %and3A_2176 = arith.andi %add3A_2173, %and3A_2175 : vector<16xi32>
        %mul3A_2177 = arith.mulf %gather3A_1899, %select_n3A_1974 : vector<16xf32>
        tpu.vector_store_idx %arg8[%select_n3A, %sub3A_1640, %and3A_2176], %mul3A_2177 : memref<32x50x32xf32, #tpu.memory_space<vmem>>[vector<16xi32>, vector<16xi32>, vector<16xi32>], vector<16xf32>,
        %add3A_2178 = arith.constant 29 : i32
        %add3A_2179 = vector.broadcast %add3A_2178 : i32 to vector<16xi32>
        %add3A_2180 = arith.addi %iota3A, %add3A_2179 : vector<16xi32>
        %and3A_2181 = arith.constant 31 : i32
        %and3A_2182 = vector.broadcast %and3A_2181 : i32 to vector<16xi32>
        %and3A_2183 = arith.andi %add3A_2180, %and3A_2182 : vector<16xi32>
        %mul3A_2184 = arith.mulf %gather3A_1908, %select_n3A_1974 : vector<16xf32>
        tpu.vector_store_idx %arg8[%select_n3A, %sub3A_1640, %and3A_2183], %mul3A_2184 : memref<32x50x32xf32, #tpu.memory_space<vmem>>[vector<16xi32>, vector<16xi32>, vector<16xi32>], vector<16xf32>,
        %add3A_2185 = arith.constant 30 : i32
        %add3A_2186 = vector.broadcast %add3A_2185 : i32 to vector<16xi32>
        %add3A_2187 = arith.addi %iota3A, %add3A_2186 : vector<16xi32>
        %and3A_2188 = arith.constant 31 : i32
        %and3A_2189 = vector.broadcast %and3A_2188 : i32 to vector<16xi32>
        %and3A_2190 = arith.andi %add3A_2187, %and3A_2189 : vector<16xi32>
        %mul3A_2191 = arith.mulf %gather3A_1917, %select_n3A_1974 : vector<16xf32>
        tpu.vector_store_idx %arg8[%select_n3A, %sub3A_1640, %and3A_2190], %mul3A_2191 : memref<32x50x32xf32, #tpu.memory_space<vmem>>[vector<16xi32>, vector<16xi32>, vector<16xi32>], vector<16xf32>,
        %add3A_2192 = arith.constant 31 : i32
        %add3A_2193 = vector.broadcast %add3A_2192 : i32 to vector<16xi32>
        %add3A_2194 = arith.addi %iota3A, %add3A_2193 : vector<16xi32>
        %and3A_2195 = arith.constant 31 : i32
        %and3A_2196 = vector.broadcast %and3A_2195 : i32 to vector<16xi32>
        %and3A_2197 = arith.andi %add3A_2194, %and3A_2196 : vector<16xi32>
        %mul3A_2198 = arith.mulf %gather3A_1926, %select_n3A_1974 : vector<16xf32>
        tpu.vector_store_idx %arg8[%select_n3A, %sub3A_1640, %and3A_2197], %mul3A_2198 : memref<32x50x32xf32, #tpu.memory_space<vmem>>[vector<16xi32>, vector<16xi32>, vector<16xi32>], vector<16xf32>,
      }
      %scan3A_1584 = arith.constant 100 : i32
      %add3A_1585 = arith.constant 1 : i32
      %add3A_1586 = arith.addi %mul3A_402, %add3A_1585 : i32
      %mul3A_1587 = arith.constant 32 : i32
      %mul3A_1588 = arith.muli %add3A_1586, %mul3A_1587 : i32
      %add3A_1589 = arith.addi %mul3A_2, %mul3A_1588 : i32
      %dma_start3A_1590 = arith.constant 0 : i32
      %dma_start3A_1591 = arith.constant 0 : i32
      %dma_start3A_1592 = tpu.memref_slice %arg4[%add3A_1589, %dma_start3A_1590, %dma_start3A_1591] : memref<16384x50x32xf32, #tpu.memory_space<hbm>> -> memref<32x50x32xf32, #tpu.memory_space<hbm>>
      %dma_start3A_1593 = arith.constant 0 : i32
      %dma_start3A_1594 = arith.constant 0 : i32
      %dma_start3A_1595 = tpu.memref_slice %arg4[%add3A_1589, %dma_start3A_1593, %dma_start3A_1594] : memref<16384x50x32xf32, #tpu.memory_space<hbm>> -> memref<32x50x32xf32, #tpu.memory_space<hbm>>
      tpu.enqueue_dma source(%arg8 : memref<32x50x32xf32, #tpu.memory_space<vmem>>) target(%dma_start3A_1595 : memref<32x50x32xf32, #tpu.memory_space<hbm>>) target_semaphore(%arg12 : memref<!tpu.dma_semaphore, #tpu.memory_space<semaphore_mem>>)
      %mul3A_1596 = arith.constant 32 : i32
      %mul3A_1597 = arith.muli %mul3A_402, %mul3A_1596 : i32
      %add3A_1598 = arith.addi %mul3A_2, %mul3A_1597 : i32
      %dma_wait3A_1599 = arith.constant 0 : i32
      %dma_wait3A_1600 = arith.constant 0 : i32
      %dma_wait3A_1601 = tpu.memref_slice %arg4[%add3A_1598, %dma_wait3A_1599, %dma_wait3A_1600] : memref<16384x50x32xf32, #tpu.memory_space<hbm>> -> memref<32x50x32xf32, #tpu.memory_space<hbm>>
      %dma_wait3A_1602 = arith.constant 0 : i32
      %dma_wait3A_1603 = arith.constant 0 : i32
      %dma_wait3A_1604 = tpu.memref_slice %arg4[%add3A_1598, %dma_wait3A_1602, %dma_wait3A_1603] : memref<16384x50x32xf32, #tpu.memory_space<hbm>> -> memref<32x50x32xf32, #tpu.memory_space<hbm>>
      tpu.wait_dma2 semaphore(%arg11 : memref<!tpu.dma_semaphore, #tpu.memory_space<semaphore_mem>>) src(%arg7 : memref<32x50x32xf32, #tpu.memory_space<vmem>>) dst(%dma_wait3A_1604 : memref<32x50x32xf32, #tpu.memory_space<hbm>>)
      %lt3A = arith.constant 7 : i32
      %lt3A_1605 = arith.cmpi slt, %scan3A_400, %lt3A : i32
      %convert_element_type3A_1606 = arith.extui %lt3A_1605 : i1 to i32
      %cond3A_1607 = arith.constant 0 : i32
      %cond3A_1608 = arith.cmpi ne, %convert_element_type3A_1606, %cond3A_1607 : i32
      scf.if %cond3A_1608 {
        %add3A_1609 = arith.constant 2 : i32
        %add3A_1610 = arith.addi %mul3A_402, %add3A_1609 : i32
        %mul3A_1611 = arith.constant 32 : i32
        %mul3A_1612 = arith.muli %add3A_1610, %mul3A_1611 : i32
        %add3A_1613 = arith.addi %mul3A_2, %mul3A_1612 : i32
        "tpu.region"() ({
          %run_scoped3A = tpu.sem_alloc : memref<!tpu.dma_semaphore, #tpu.memory_space<semaphore_mem>>
          %dma_start3A_1998 = arith.constant 0 : i32
          %dma_start3A_1999 = tpu.memref_slice %arg2[%add3A_1613, %dma_start3A_1998] : memref<16384x50xi32, #tpu.memory_space<hbm>> -> memref<32x50xi32, #tpu.memory_space<hbm>>
          %dma_start3A_2000 = arith.constant 0 : i32
          %dma_start3A_2001 = tpu.memref_slice %arg2[%add3A_1613, %dma_start3A_2000] : memref<16384x50xi32, #tpu.memory_space<hbm>> -> memref<32x50xi32, #tpu.memory_space<hbm>>
          tpu.enqueue_dma source(%dma_start3A_2001 : memref<32x50xi32, #tpu.memory_space<hbm>>) target(%arg5 : memref<32x50xi32, #tpu.memory_space<vmem>>) target_semaphore(%run_scoped3A : memref<!tpu.dma_semaphore, #tpu.memory_space<semaphore_mem>>)
          %dma_wait3A_2002 = arith.constant 0 : i32
          %dma_wait3A_2003 = tpu.memref_slice %arg2[%add3A_1613, %dma_wait3A_2002] : memref<16384x50xi32, #tpu.memory_space<hbm>> -> memref<32x50xi32, #tpu.memory_space<hbm>>
          %dma_wait3A_2004 = arith.constant 0 : i32
          %dma_wait3A_2005 = tpu.memref_slice %arg2[%add3A_1613, %dma_wait3A_2004] : memref<16384x50xi32, #tpu.memory_space<hbm>> -> memref<32x50xi32, #tpu.memory_space<hbm>>
          tpu.wait_dma2 semaphore(%run_scoped3A : memref<!tpu.dma_semaphore, #tpu.memory_space<semaphore_mem>>) src(%dma_wait3A_2005 : memref<32x50xi32, #tpu.memory_space<hbm>>) dst(%arg5 : memref<32x50xi32, #tpu.memory_space<vmem>>)
          tpu.yield
        }) : () -> ()
        %dma_start3A_1614 = arith.constant 0 : i32
        %dma_start3A_1615 = arith.constant 0 : i32
        %dma_start3A_1616 = arith.constant 0 : i32
        %dma_start3A_1617 = arith.constant 0 : i32
        %dma_start3A_1618 = tpu.memref_slice %arg7[%dma_start3A_1615, %dma_start3A_1616, %dma_start3A_1617] : memref<32x50x32xf32, #tpu.memory_space<vmem>> -> memref<1x50x32xf32, #tpu.memory_space<vmem>>
        %dma_start3A_1619 = tpu.memref_squeeze %dma_start3A_1618 : memref<1x50x32xf32, #tpu.memory_space<vmem>> -> memref<50x32xf32, #tpu.memory_space<vmem>>
        %dma_start3A_1620 = arith.constant 0 : i32
        %dma_start3A_1621 = tpu.memref_slice %arg5[%dma_start3A_1614, %dma_start3A_1620] : memref<32x50xi32, #tpu.memory_space<vmem>> -> memref<1x50xi32, #tpu.memory_space<vmem>>
        %dma_start3A_1622 = tpu.memref_squeeze %dma_start3A_1621 : memref<1x50xi32, #tpu.memory_space<vmem>> -> memref<50xi32, #tpu.memory_space<vmem>>
        %dma_start3A_1623 = arith.constant 0 : i32
        %dma_start3A_1624 = arith.constant 0 : i32
        %dma_start3A_1625 = tpu.memref_slice %arg3[%dma_start3A_1623, %dma_start3A_1624] : memref<1000000x32xf32, #tpu.memory_space<hbm>> -> memref<1000000x32xf32, #tpu.memory_space<hbm>>
        tpu.enqueue_indirect_dma source(%dma_start3A_1625 : memref<1000000x32xf32, #tpu.memory_space<hbm>>) target(%dma_start3A_1619 : memref<50x32xf32, #tpu.memory_space<vmem>>) offsets(%dma_start3A_1622 : memref<50xi32, #tpu.memory_space<vmem>>) semaphore(%arg9 : memref<!tpu.dma_semaphore, #tpu.memory_space<semaphore_mem>>)
        %dma_start3A_1626 = arith.constant 1 : i32
        %dma_start3A_1627 = arith.constant 1 : i32
        %dma_start3A_1628 = arith.constant 0 : i32
        %dma_start3A_1629 = arith.constant 0 : i32
        %dma_start3A_1630 = tpu.memref_slice %arg7[%dma_start3A_1627, %dma_start3A_1628, %dma_start3A_1629] : memref<32x50x32xf32, #tpu.memory_space<vmem>> -> memref<1x50x32xf32, #tpu.memory_space<vmem>>
        %dma_start3A_1631 = tpu.memref_squeeze %dma_start3A_1630 : memref<1x50x32xf32, #tpu.memory_space<vmem>> -> memref<50x32xf32, #tpu.memory_space<vmem>>
        %dma_start3A_1632 = arith.constant 0 : i32
        %dma_start3A_1633 = tpu.memref_slice %arg5[%dma_start3A_1626, %dma_start3A_1632] : memref<32x50xi32, #tpu.memory_space<vmem>> -> memref<1x50xi32, #tpu.memory_space<vmem>>
        %dma_start3A_1634 = tpu.memref_squeeze %dma_start3A_1633 : memref<1x50xi32, #tpu.memory_space<vmem>> -> memref<50xi32, #tpu.memory_space<vmem>>
        %dma_start3A_1635 = arith.constant 0 : i32
        %dma_start3A_1636 = arith.constant 0 : i32
        %dma_start3A_1637 = tpu.memref_slice %arg3[%dma_start3A_1635, %dma_start3A_1636] : memref<1000000x32xf32, #tpu.memory_space<hbm>> -> memref<1000000x32xf32, #tpu.memory_space<hbm>>
        tpu.enqueue_indirect_dma source(%dma_start3A_1637 : memref<1000000x32xf32, #tpu.memory_space<hbm>>) target(%dma_start3A_1631 : memref<50x32xf32, #tpu.memory_space<vmem>>) offsets(%dma_start3A_1634 : memref<50xi32, #tpu.memory_space<vmem>>) semaphore(%arg9 : memref<!tpu.dma_semaphore, #tpu.memory_space<semaphore_mem>>)
        %dma_start3A_1638 = arith.constant 2 : i32
        %dma_start3A_1639 = arith.constant 2 : i32
        %dma_start3A_1640 = arith.constant 0 : i32
        %dma_start3A_1641 = arith.constant 0 : i32
        %dma_start3A_1642 = tpu.memref_slice %arg7[%dma_start3A_1639, %dma_start3A_1640, %dma_start3A_1641] : memref<32x50x32xf32, #tpu.memory_space<vmem>> -> memref<1x50x32xf32, #tpu.memory_space<vmem>>
        %dma_start3A_1643 = tpu.memref_squeeze %dma_start3A_1642 : memref<1x50x32xf32, #tpu.memory_space<vmem>> -> memref<50x32xf32, #tpu.memory_space<vmem>>
        %dma_start3A_1644 = arith.constant 0 : i32
        %dma_start3A_1645 = tpu.memref_slice %arg5[%dma_start3A_1638, %dma_start3A_1644] : memref<32x50xi32, #tpu.memory_space<vmem>> -> memref<1x50xi32, #tpu.memory_space<vmem>>
        %dma_start3A_1646 = tpu.memref_squeeze %dma_start3A_1645 : memref<1x50xi32, #tpu.memory_space<vmem>> -> memref<50xi32, #tpu.memory_space<vmem>>
        %dma_start3A_1647 = arith.constant 0 : i32
        %dma_start3A_1648 = arith.constant 0 : i32
        %dma_start3A_1649 = tpu.memref_slice %arg3[%dma_start3A_1647, %dma_start3A_1648] : memref<1000000x32xf32, #tpu.memory_space<hbm>> -> memref<1000000x32xf32, #tpu.memory_space<hbm>>
        tpu.enqueue_indirect_dma source(%dma_start3A_1649 : memref<1000000x32xf32, #tpu.memory_space<hbm>>) target(%dma_start3A_1643 : memref<50x32xf32, #tpu.memory_space<vmem>>) offsets(%dma_start3A_1646 : memref<50xi32, #tpu.memory_space<vmem>>) semaphore(%arg9 : memref<!tpu.dma_semaphore, #tpu.memory_space<semaphore_mem>>)
        %dma_start3A_1650 = arith.constant 3 : i32
        %dma_start3A_1651 = arith.constant 3 : i32
        %dma_start3A_1652 = arith.constant 0 : i32
        %dma_start3A_1653 = arith.constant 0 : i32
        %dma_start3A_1654 = tpu.memref_slice %arg7[%dma_start3A_1651, %dma_start3A_1652, %dma_start3A_1653] : memref<32x50x32xf32, #tpu.memory_space<vmem>> -> memref<1x50x32xf32, #tpu.memory_space<vmem>>
        %dma_start3A_1655 = tpu.memref_squeeze %dma_start3A_1654 : memref<1x50x32xf32, #tpu.memory_space<vmem>> -> memref<50x32xf32, #tpu.memory_space<vmem>>
        %dma_start3A_1656 = arith.constant 0 : i32
        %dma_start3A_1657 = tpu.memref_slice %arg5[%dma_start3A_1650, %dma_start3A_1656] : memref<32x50xi32, #tpu.memory_space<vmem>> -> memref<1x50xi32, #tpu.memory_space<vmem>>
        %dma_start3A_1658 = tpu.memref_squeeze %dma_start3A_1657 : memref<1x50xi32, #tpu.memory_space<vmem>> -> memref<50xi32, #tpu.memory_space<vmem>>
        %dma_start3A_1659 = arith.constant 0 : i32
        %dma_start3A_1660 = arith.constant 0 : i32
        %dma_start3A_1661 = tpu.memref_slice %arg3[%dma_start3A_1659, %dma_start3A_1660] : memref<1000000x32xf32, #tpu.memory_space<hbm>> -> memref<1000000x32xf32, #tpu.memory_space<hbm>>
        tpu.enqueue_indirect_dma source(%dma_start3A_1661 : memref<1000000x32xf32, #tpu.memory_space<hbm>>) target(%dma_start3A_1655 : memref<50x32xf32, #tpu.memory_space<vmem>>) offsets(%dma_start3A_1658 : memref<50xi32, #tpu.memory_space<vmem>>) semaphore(%arg9 : memref<!tpu.dma_semaphore, #tpu.memory_space<semaphore_mem>>)
        %dma_start3A_1662 = arith.constant 4 : i32
        %dma_start3A_1663 = arith.constant 4 : i32
        %dma_start3A_1664 = arith.constant 0 : i32
        %dma_start3A_1665 = arith.constant 0 : i32
        %dma_start3A_1666 = tpu.memref_slice %arg7[%dma_start3A_1663, %dma_start3A_1664, %dma_start3A_1665] : memref<32x50x32xf32, #tpu.memory_space<vmem>> -> memref<1x50x32xf32, #tpu.memory_space<vmem>>
        %dma_start3A_1667 = tpu.memref_squeeze %dma_start3A_1666 : memref<1x50x32xf32, #tpu.memory_space<vmem>> -> memref<50x32xf32, #tpu.memory_space<vmem>>
        %dma_start3A_1668 = arith.constant 0 : i32
        %dma_start3A_1669 = tpu.memref_slice %arg5[%dma_start3A_1662, %dma_start3A_1668] : memref<32x50xi32, #tpu.memory_space<vmem>> -> memref<1x50xi32, #tpu.memory_space<vmem>>
        %dma_start3A_1670 = tpu.memref_squeeze %dma_start3A_1669 : memref<1x50xi32, #tpu.memory_space<vmem>> -> memref<50xi32, #tpu.memory_space<vmem>>
        %dma_start3A_1671 = arith.constant 0 : i32
        %dma_start3A_1672 = arith.constant 0 : i32
        %dma_start3A_1673 = tpu.memref_slice %arg3[%dma_start3A_1671, %dma_start3A_1672] : memref<1000000x32xf32, #tpu.memory_space<hbm>> -> memref<1000000x32xf32, #tpu.memory_space<hbm>>
        tpu.enqueue_indirect_dma source(%dma_start3A_1673 : memref<1000000x32xf32, #tpu.memory_space<hbm>>) target(%dma_start3A_1667 : memref<50x32xf32, #tpu.memory_space<vmem>>) offsets(%dma_start3A_1670 : memref<50xi32, #tpu.memory_space<vmem>>) semaphore(%arg9 : memref<!tpu.dma_semaphore, #tpu.memory_space<semaphore_mem>>)
        %dma_start3A_1674 = arith.constant 5 : i32
        %dma_start3A_1675 = arith.constant 5 : i32
        %dma_start3A_1676 = arith.constant 0 : i32
        %dma_start3A_1677 = arith.constant 0 : i32
        %dma_start3A_1678 = tpu.memref_slice %arg7[%dma_start3A_1675, %dma_start3A_1676, %dma_start3A_1677] : memref<32x50x32xf32, #tpu.memory_space<vmem>> -> memref<1x50x32xf32, #tpu.memory_space<vmem>>
        %dma_start3A_1679 = tpu.memref_squeeze %dma_start3A_1678 : memref<1x50x32xf32, #tpu.memory_space<vmem>> -> memref<50x32xf32, #tpu.memory_space<vmem>>
        %dma_start3A_1680 = arith.constant 0 : i32
        %dma_start3A_1681 = tpu.memref_slice %arg5[%dma_start3A_1674, %dma_start3A_1680] : memref<32x50xi32, #tpu.memory_space<vmem>> -> memref<1x50xi32, #tpu.memory_space<vmem>>
        %dma_start3A_1682 = tpu.memref_squeeze %dma_start3A_1681 : memref<1x50xi32, #tpu.memory_space<vmem>> -> memref<50xi32, #tpu.memory_space<vmem>>
        %dma_start3A_1683 = arith.constant 0 : i32
        %dma_start3A_1684 = arith.constant 0 : i32
        %dma_start3A_1685 = tpu.memref_slice %arg3[%dma_start3A_1683, %dma_start3A_1684] : memref<1000000x32xf32, #tpu.memory_space<hbm>> -> memref<1000000x32xf32, #tpu.memory_space<hbm>>
        tpu.enqueue_indirect_dma source(%dma_start3A_1685 : memref<1000000x32xf32, #tpu.memory_space<hbm>>) target(%dma_start3A_1679 : memref<50x32xf32, #tpu.memory_space<vmem>>) offsets(%dma_start3A_1682 : memref<50xi32, #tpu.memory_space<vmem>>) semaphore(%arg9 : memref<!tpu.dma_semaphore, #tpu.memory_space<semaphore_mem>>)
        %dma_start3A_1686 = arith.constant 6 : i32
        %dma_start3A_1687 = arith.constant 6 : i32
        %dma_start3A_1688 = arith.constant 0 : i32
        %dma_start3A_1689 = arith.constant 0 : i32
        %dma_start3A_1690 = tpu.memref_slice %arg7[%dma_start3A_1687, %dma_start3A_1688, %dma_start3A_1689] : memref<32x50x32xf32, #tpu.memory_space<vmem>> -> memref<1x50x32xf32, #tpu.memory_space<vmem>>
        %dma_start3A_1691 = tpu.memref_squeeze %dma_start3A_1690 : memref<1x50x32xf32, #tpu.memory_space<vmem>> -> memref<50x32xf32, #tpu.memory_space<vmem>>
        %dma_start3A_1692 = arith.constant 0 : i32
        %dma_start3A_1693 = tpu.memref_slice %arg5[%dma_start3A_1686, %dma_start3A_1692] : memref<32x50xi32, #tpu.memory_space<vmem>> -> memref<1x50xi32, #tpu.memory_space<vmem>>
        %dma_start3A_1694 = tpu.memref_squeeze %dma_start3A_1693 : memref<1x50xi32, #tpu.memory_space<vmem>> -> memref<50xi32, #tpu.memory_space<vmem>>
        %dma_start3A_1695 = arith.constant 0 : i32
        %dma_start3A_1696 = arith.constant 0 : i32
        %dma_start3A_1697 = tpu.memref_slice %arg3[%dma_start3A_1695, %dma_start3A_1696] : memref<1000000x32xf32, #tpu.memory_space<hbm>> -> memref<1000000x32xf32, #tpu.memory_space<hbm>>
        tpu.enqueue_indirect_dma source(%dma_start3A_1697 : memref<1000000x32xf32, #tpu.memory_space<hbm>>) target(%dma_start3A_1691 : memref<50x32xf32, #tpu.memory_space<vmem>>) offsets(%dma_start3A_1694 : memref<50xi32, #tpu.memory_space<vmem>>) semaphore(%arg9 : memref<!tpu.dma_semaphore, #tpu.memory_space<semaphore_mem>>)
        %dma_start3A_1698 = arith.constant 7 : i32
        %dma_start3A_1699 = arith.constant 7 : i32
        %dma_start3A_1700 = arith.constant 0 : i32
        %dma_start3A_1701 = arith.constant 0 : i32
        %dma_start3A_1702 = tpu.memref_slice %arg7[%dma_start3A_1699, %dma_start3A_1700, %dma_start3A_1701] : memref<32x50x32xf32, #tpu.memory_space<vmem>> -> memref<1x50x32xf32, #tpu.memory_space<vmem>>
        %dma_start3A_1703 = tpu.memref_squeeze %dma_start3A_1702 : memref<1x50x32xf32, #tpu.memory_space<vmem>> -> memref<50x32xf32, #tpu.memory_space<vmem>>
        %dma_start3A_1704 = arith.constant 0 : i32
        %dma_start3A_1705 = tpu.memref_slice %arg5[%dma_start3A_1698, %dma_start3A_1704] : memref<32x50xi32, #tpu.memory_space<vmem>> -> memref<1x50xi32, #tpu.memory_space<vmem>>
        %dma_start3A_1706 = tpu.memref_squeeze %dma_start3A_1705 : memref<1x50xi32, #tpu.memory_space<vmem>> -> memref<50xi32, #tpu.memory_space<vmem>>
        %dma_start3A_1707 = arith.constant 0 : i32
        %dma_start3A_1708 = arith.constant 0 : i32
        %dma_start3A_1709 = tpu.memref_slice %arg3[%dma_start3A_1707, %dma_start3A_1708] : memref<1000000x32xf32, #tpu.memory_space<hbm>> -> memref<1000000x32xf32, #tpu.memory_space<hbm>>
        tpu.enqueue_indirect_dma source(%dma_start3A_1709 : memref<1000000x32xf32, #tpu.memory_space<hbm>>) target(%dma_start3A_1703 : memref<50x32xf32, #tpu.memory_space<vmem>>) offsets(%dma_start3A_1706 : memref<50xi32, #tpu.memory_space<vmem>>) semaphore(%arg9 : memref<!tpu.dma_semaphore, #tpu.memory_space<semaphore_mem>>)
        %dma_start3A_1710 = arith.constant 8 : i32
        %dma_start3A_1711 = arith.constant 8 : i32
        %dma_start3A_1712 = arith.constant 0 : i32
        %dma_start3A_1713 = arith.constant 0 : i32
        %dma_start3A_1714 = tpu.memref_slice %arg7[%dma_start3A_1711, %dma_start3A_1712, %dma_start3A_1713] : memref<32x50x32xf32, #tpu.memory_space<vmem>> -> memref<1x50x32xf32, #tpu.memory_space<vmem>>
        %dma_start3A_1715 = tpu.memref_squeeze %dma_start3A_1714 : memref<1x50x32xf32, #tpu.memory_space<vmem>> -> memref<50x32xf32, #tpu.memory_space<vmem>>
        %dma_start3A_1716 = arith.constant 0 : i32
        %dma_start3A_1717 = tpu.memref_slice %arg5[%dma_start3A_1710, %dma_start3A_1716] : memref<32x50xi32, #tpu.memory_space<vmem>> -> memref<1x50xi32, #tpu.memory_space<vmem>>
        %dma_start3A_1718 = tpu.memref_squeeze %dma_start3A_1717 : memref<1x50xi32, #tpu.memory_space<vmem>> -> memref<50xi32, #tpu.memory_space<vmem>>
        %dma_start3A_1719 = arith.constant 0 : i32
        %dma_start3A_1720 = arith.constant 0 : i32
        %dma_start3A_1721 = tpu.memref_slice %arg3[%dma_start3A_1719, %dma_start3A_1720] : memref<1000000x32xf32, #tpu.memory_space<hbm>> -> memref<1000000x32xf32, #tpu.memory_space<hbm>>
        tpu.enqueue_indirect_dma source(%dma_start3A_1721 : memref<1000000x32xf32, #tpu.memory_space<hbm>>) target(%dma_start3A_1715 : memref<50x32xf32, #tpu.memory_space<vmem>>) offsets(%dma_start3A_1718 : memref<50xi32, #tpu.memory_space<vmem>>) semaphore(%arg9 : memref<!tpu.dma_semaphore, #tpu.memory_space<semaphore_mem>>)
        %dma_start3A_1722 = arith.constant 9 : i32
        %dma_start3A_1723 = arith.constant 9 : i32
        %dma_start3A_1724 = arith.constant 0 : i32
        %dma_start3A_1725 = arith.constant 0 : i32
        %dma_start3A_1726 = tpu.memref_slice %arg7[%dma_start3A_1723, %dma_start3A_1724, %dma_start3A_1725] : memref<32x50x32xf32, #tpu.memory_space<vmem>> -> memref<1x50x32xf32, #tpu.memory_space<vmem>>
        %dma_start3A_1727 = tpu.memref_squeeze %dma_start3A_1726 : memref<1x50x32xf32, #tpu.memory_space<vmem>> -> memref<50x32xf32, #tpu.memory_space<vmem>>
        %dma_start3A_1728 = arith.constant 0 : i32
        %dma_start3A_1729 = tpu.memref_slice %arg5[%dma_start3A_1722, %dma_start3A_1728] : memref<32x50xi32, #tpu.memory_space<vmem>> -> memref<1x50xi32, #tpu.memory_space<vmem>>
        %dma_start3A_1730 = tpu.memref_squeeze %dma_start3A_1729 : memref<1x50xi32, #tpu.memory_space<vmem>> -> memref<50xi32, #tpu.memory_space<vmem>>
        %dma_start3A_1731 = arith.constant 0 : i32
        %dma_start3A_1732 = arith.constant 0 : i32
        %dma_start3A_1733 = tpu.memref_slice %arg3[%dma_start3A_1731, %dma_start3A_1732] : memref<1000000x32xf32, #tpu.memory_space<hbm>> -> memref<1000000x32xf32, #tpu.memory_space<hbm>>
        tpu.enqueue_indirect_dma source(%dma_start3A_1733 : memref<1000000x32xf32, #tpu.memory_space<hbm>>) target(%dma_start3A_1727 : memref<50x32xf32, #tpu.memory_space<vmem>>) offsets(%dma_start3A_1730 : memref<50xi32, #tpu.memory_space<vmem>>) semaphore(%arg9 : memref<!tpu.dma_semaphore, #tpu.memory_space<semaphore_mem>>)
        %dma_start3A_1734 = arith.constant 10 : i32
        %dma_start3A_1735 = arith.constant 10 : i32
        %dma_start3A_1736 = arith.constant 0 : i32
        %dma_start3A_1737 = arith.constant 0 : i32
        %dma_start3A_1738 = tpu.memref_slice %arg7[%dma_start3A_1735, %dma_start3A_1736, %dma_start3A_1737] : memref<32x50x32xf32, #tpu.memory_space<vmem>> -> memref<1x50x32xf32, #tpu.memory_space<vmem>>
        %dma_start3A_1739 = tpu.memref_squeeze %dma_start3A_1738 : memref<1x50x32xf32, #tpu.memory_space<vmem>> -> memref<50x32xf32, #tpu.memory_space<vmem>>
        %dma_start3A_1740 = arith.constant 0 : i32
        %dma_start3A_1741 = tpu.memref_slice %arg5[%dma_start3A_1734, %dma_start3A_1740] : memref<32x50xi32, #tpu.memory_space<vmem>> -> memref<1x50xi32, #tpu.memory_space<vmem>>
        %dma_start3A_1742 = tpu.memref_squeeze %dma_start3A_1741 : memref<1x50xi32, #tpu.memory_space<vmem>> -> memref<50xi32, #tpu.memory_space<vmem>>
        %dma_start3A_1743 = arith.constant 0 : i32
        %dma_start3A_1744 = arith.constant 0 : i32
        %dma_start3A_1745 = tpu.memref_slice %arg3[%dma_start3A_1743, %dma_start3A_1744] : memref<1000000x32xf32, #tpu.memory_space<hbm>> -> memref<1000000x32xf32, #tpu.memory_space<hbm>>
        tpu.enqueue_indirect_dma source(%dma_start3A_1745 : memref<1000000x32xf32, #tpu.memory_space<hbm>>) target(%dma_start3A_1739 : memref<50x32xf32, #tpu.memory_space<vmem>>) offsets(%dma_start3A_1742 : memref<50xi32, #tpu.memory_space<vmem>>) semaphore(%arg9 : memref<!tpu.dma_semaphore, #tpu.memory_space<semaphore_mem>>)
        %dma_start3A_1746 = arith.constant 11 : i32
        %dma_start3A_1747 = arith.constant 11 : i32
        %dma_start3A_1748 = arith.constant 0 : i32
        %dma_start3A_1749 = arith.constant 0 : i32
        %dma_start3A_1750 = tpu.memref_slice %arg7[%dma_start3A_1747, %dma_start3A_1748, %dma_start3A_1749] : memref<32x50x32xf32, #tpu.memory_space<vmem>> -> memref<1x50x32xf32, #tpu.memory_space<vmem>>
        %dma_start3A_1751 = tpu.memref_squeeze %dma_start3A_1750 : memref<1x50x32xf32, #tpu.memory_space<vmem>> -> memref<50x32xf32, #tpu.memory_space<vmem>>
        %dma_start3A_1752 = arith.constant 0 : i32
        %dma_start3A_1753 = tpu.memref_slice %arg5[%dma_start3A_1746, %dma_start3A_1752] : memref<32x50xi32, #tpu.memory_space<vmem>> -> memref<1x50xi32, #tpu.memory_space<vmem>>
        %dma_start3A_1754 = tpu.memref_squeeze %dma_start3A_1753 : memref<1x50xi32, #tpu.memory_space<vmem>> -> memref<50xi32, #tpu.memory_space<vmem>>
        %dma_start3A_1755 = arith.constant 0 : i32
        %dma_start3A_1756 = arith.constant 0 : i32
        %dma_start3A_1757 = tpu.memref_slice %arg3[%dma_start3A_1755, %dma_start3A_1756] : memref<1000000x32xf32, #tpu.memory_space<hbm>> -> memref<1000000x32xf32, #tpu.memory_space<hbm>>
        tpu.enqueue_indirect_dma source(%dma_start3A_1757 : memref<1000000x32xf32, #tpu.memory_space<hbm>>) target(%dma_start3A_1751 : memref<50x32xf32, #tpu.memory_space<vmem>>) offsets(%dma_start3A_1754 : memref<50xi32, #tpu.memory_space<vmem>>) semaphore(%arg9 : memref<!tpu.dma_semaphore, #tpu.memory_space<semaphore_mem>>)
        %dma_start3A_1758 = arith.constant 12 : i32
        %dma_start3A_1759 = arith.constant 12 : i32
        %dma_start3A_1760 = arith.constant 0 : i32
        %dma_start3A_1761 = arith.constant 0 : i32
        %dma_start3A_1762 = tpu.memref_slice %arg7[%dma_start3A_1759, %dma_start3A_1760, %dma_start3A_1761] : memref<32x50x32xf32, #tpu.memory_space<vmem>> -> memref<1x50x32xf32, #tpu.memory_space<vmem>>
        %dma_start3A_1763 = tpu.memref_squeeze %dma_start3A_1762 : memref<1x50x32xf32, #tpu.memory_space<vmem>> -> memref<50x32xf32, #tpu.memory_space<vmem>>
        %dma_start3A_1764 = arith.constant 0 : i32
        %dma_start3A_1765 = tpu.memref_slice %arg5[%dma_start3A_1758, %dma_start3A_1764] : memref<32x50xi32, #tpu.memory_space<vmem>> -> memref<1x50xi32, #tpu.memory_space<vmem>>
        %dma_start3A_1766 = tpu.memref_squeeze %dma_start3A_1765 : memref<1x50xi32, #tpu.memory_space<vmem>> -> memref<50xi32, #tpu.memory_space<vmem>>
        %dma_start3A_1767 = arith.constant 0 : i32
        %dma_start3A_1768 = arith.constant 0 : i32
        %dma_start3A_1769 = tpu.memref_slice %arg3[%dma_start3A_1767, %dma_start3A_1768] : memref<1000000x32xf32, #tpu.memory_space<hbm>> -> memref<1000000x32xf32, #tpu.memory_space<hbm>>
        tpu.enqueue_indirect_dma source(%dma_start3A_1769 : memref<1000000x32xf32, #tpu.memory_space<hbm>>) target(%dma_start3A_1763 : memref<50x32xf32, #tpu.memory_space<vmem>>) offsets(%dma_start3A_1766 : memref<50xi32, #tpu.memory_space<vmem>>) semaphore(%arg9 : memref<!tpu.dma_semaphore, #tpu.memory_space<semaphore_mem>>)
        %dma_start3A_1770 = arith.constant 13 : i32
        %dma_start3A_1771 = arith.constant 13 : i32
        %dma_start3A_1772 = arith.constant 0 : i32
        %dma_start3A_1773 = arith.constant 0 : i32
        %dma_start3A_1774 = tpu.memref_slice %arg7[%dma_start3A_1771, %dma_start3A_1772, %dma_start3A_1773] : memref<32x50x32xf32, #tpu.memory_space<vmem>> -> memref<1x50x32xf32, #tpu.memory_space<vmem>>
        %dma_start3A_1775 = tpu.memref_squeeze %dma_start3A_1774 : memref<1x50x32xf32, #tpu.memory_space<vmem>> -> memref<50x32xf32, #tpu.memory_space<vmem>>
        %dma_start3A_1776 = arith.constant 0 : i32
        %dma_start3A_1777 = tpu.memref_slice %arg5[%dma_start3A_1770, %dma_start3A_1776] : memref<32x50xi32, #tpu.memory_space<vmem>> -> memref<1x50xi32, #tpu.memory_space<vmem>>
        %dma_start3A_1778 = tpu.memref_squeeze %dma_start3A_1777 : memref<1x50xi32, #tpu.memory_space<vmem>> -> memref<50xi32, #tpu.memory_space<vmem>>
        %dma_start3A_1779 = arith.constant 0 : i32
        %dma_start3A_1780 = arith.constant 0 : i32
        %dma_start3A_1781 = tpu.memref_slice %arg3[%dma_start3A_1779, %dma_start3A_1780] : memref<1000000x32xf32, #tpu.memory_space<hbm>> -> memref<1000000x32xf32, #tpu.memory_space<hbm>>
        tpu.enqueue_indirect_dma source(%dma_start3A_1781 : memref<1000000x32xf32, #tpu.memory_space<hbm>>) target(%dma_start3A_1775 : memref<50x32xf32, #tpu.memory_space<vmem>>) offsets(%dma_start3A_1778 : memref<50xi32, #tpu.memory_space<vmem>>) semaphore(%arg9 : memref<!tpu.dma_semaphore, #tpu.memory_space<semaphore_mem>>)
        %dma_start3A_1782 = arith.constant 14 : i32
        %dma_start3A_1783 = arith.constant 14 : i32
        %dma_start3A_1784 = arith.constant 0 : i32
        %dma_start3A_1785 = arith.constant 0 : i32
        %dma_start3A_1786 = tpu.memref_slice %arg7[%dma_start3A_1783, %dma_start3A_1784, %dma_start3A_1785] : memref<32x50x32xf32, #tpu.memory_space<vmem>> -> memref<1x50x32xf32, #tpu.memory_space<vmem>>
        %dma_start3A_1787 = tpu.memref_squeeze %dma_start3A_1786 : memref<1x50x32xf32, #tpu.memory_space<vmem>> -> memref<50x32xf32, #tpu.memory_space<vmem>>
        %dma_start3A_1788 = arith.constant 0 : i32
        %dma_start3A_1789 = tpu.memref_slice %arg5[%dma_start3A_1782, %dma_start3A_1788] : memref<32x50xi32, #tpu.memory_space<vmem>> -> memref<1x50xi32, #tpu.memory_space<vmem>>
        %dma_start3A_1790 = tpu.memref_squeeze %dma_start3A_1789 : memref<1x50xi32, #tpu.memory_space<vmem>> -> memref<50xi32, #tpu.memory_space<vmem>>
        %dma_start3A_1791 = arith.constant 0 : i32
        %dma_start3A_1792 = arith.constant 0 : i32
        %dma_start3A_1793 = tpu.memref_slice %arg3[%dma_start3A_1791, %dma_start3A_1792] : memref<1000000x32xf32, #tpu.memory_space<hbm>> -> memref<1000000x32xf32, #tpu.memory_space<hbm>>
        tpu.enqueue_indirect_dma source(%dma_start3A_1793 : memref<1000000x32xf32, #tpu.memory_space<hbm>>) target(%dma_start3A_1787 : memref<50x32xf32, #tpu.memory_space<vmem>>) offsets(%dma_start3A_1790 : memref<50xi32, #tpu.memory_space<vmem>>) semaphore(%arg9 : memref<!tpu.dma_semaphore, #tpu.memory_space<semaphore_mem>>)
        %dma_start3A_1794 = arith.constant 15 : i32
        %dma_start3A_1795 = arith.constant 15 : i32
        %dma_start3A_1796 = arith.constant 0 : i32
        %dma_start3A_1797 = arith.constant 0 : i32
        %dma_start3A_1798 = tpu.memref_slice %arg7[%dma_start3A_1795, %dma_start3A_1796, %dma_start3A_1797] : memref<32x50x32xf32, #tpu.memory_space<vmem>> -> memref<1x50x32xf32, #tpu.memory_space<vmem>>
        %dma_start3A_1799 = tpu.memref_squeeze %dma_start3A_1798 : memref<1x50x32xf32, #tpu.memory_space<vmem>> -> memref<50x32xf32, #tpu.memory_space<vmem>>
        %dma_start3A_1800 = arith.constant 0 : i32
        %dma_start3A_1801 = tpu.memref_slice %arg5[%dma_start3A_1794, %dma_start3A_1800] : memref<32x50xi32, #tpu.memory_space<vmem>> -> memref<1x50xi32, #tpu.memory_space<vmem>>
        %dma_start3A_1802 = tpu.memref_squeeze %dma_start3A_1801 : memref<1x50xi32, #tpu.memory_space<vmem>> -> memref<50xi32, #tpu.memory_space<vmem>>
        %dma_start3A_1803 = arith.constant 0 : i32
        %dma_start3A_1804 = arith.constant 0 : i32
        %dma_start3A_1805 = tpu.memref_slice %arg3[%dma_start3A_1803, %dma_start3A_1804] : memref<1000000x32xf32, #tpu.memory_space<hbm>> -> memref<1000000x32xf32, #tpu.memory_space<hbm>>
        tpu.enqueue_indirect_dma source(%dma_start3A_1805 : memref<1000000x32xf32, #tpu.memory_space<hbm>>) target(%dma_start3A_1799 : memref<50x32xf32, #tpu.memory_space<vmem>>) offsets(%dma_start3A_1802 : memref<50xi32, #tpu.memory_space<vmem>>) semaphore(%arg9 : memref<!tpu.dma_semaphore, #tpu.memory_space<semaphore_mem>>)
        %dma_start3A_1806 = arith.constant 16 : i32
        %dma_start3A_1807 = arith.constant 16 : i32
        %dma_start3A_1808 = arith.constant 0 : i32
        %dma_start3A_1809 = arith.constant 0 : i32
        %dma_start3A_1810 = tpu.memref_slice %arg7[%dma_start3A_1807, %dma_start3A_1808, %dma_start3A_1809] : memref<32x50x32xf32, #tpu.memory_space<vmem>> -> memref<1x50x32xf32, #tpu.memory_space<vmem>>
        %dma_start3A_1811 = tpu.memref_squeeze %dma_start3A_1810 : memref<1x50x32xf32, #tpu.memory_space<vmem>> -> memref<50x32xf32, #tpu.memory_space<vmem>>
        %dma_start3A_1812 = arith.constant 0 : i32
        %dma_start3A_1813 = tpu.memref_slice %arg5[%dma_start3A_1806, %dma_start3A_1812] : memref<32x50xi32, #tpu.memory_space<vmem>> -> memref<1x50xi32, #tpu.memory_space<vmem>>
        %dma_start3A_1814 = tpu.memref_squeeze %dma_start3A_1813 : memref<1x50xi32, #tpu.memory_space<vmem>> -> memref<50xi32, #tpu.memory_space<vmem>>
        %dma_start3A_1815 = arith.constant 0 : i32
        %dma_start3A_1816 = arith.constant 0 : i32
        %dma_start3A_1817 = tpu.memref_slice %arg3[%dma_start3A_1815, %dma_start3A_1816] : memref<1000000x32xf32, #tpu.memory_space<hbm>> -> memref<1000000x32xf32, #tpu.memory_space<hbm>>
        tpu.enqueue_indirect_dma source(%dma_start3A_1817 : memref<1000000x32xf32, #tpu.memory_space<hbm>>) target(%dma_start3A_1811 : memref<50x32xf32, #tpu.memory_space<vmem>>) offsets(%dma_start3A_1814 : memref<50xi32, #tpu.memory_space<vmem>>) semaphore(%arg9 : memref<!tpu.dma_semaphore, #tpu.memory_space<semaphore_mem>>)
        %dma_start3A_1818 = arith.constant 17 : i32
        %dma_start3A_1819 = arith.constant 17 : i32
        %dma_start3A_1820 = arith.constant 0 : i32
        %dma_start3A_1821 = arith.constant 0 : i32
        %dma_start3A_1822 = tpu.memref_slice %arg7[%dma_start3A_1819, %dma_start3A_1820, %dma_start3A_1821] : memref<32x50x32xf32, #tpu.memory_space<vmem>> -> memref<1x50x32xf32, #tpu.memory_space<vmem>>
        %dma_start3A_1823 = tpu.memref_squeeze %dma_start3A_1822 : memref<1x50x32xf32, #tpu.memory_space<vmem>> -> memref<50x32xf32, #tpu.memory_space<vmem>>
        %dma_start3A_1824 = arith.constant 0 : i32
        %dma_start3A_1825 = tpu.memref_slice %arg5[%dma_start3A_1818, %dma_start3A_1824] : memref<32x50xi32, #tpu.memory_space<vmem>> -> memref<1x50xi32, #tpu.memory_space<vmem>>
        %dma_start3A_1826 = tpu.memref_squeeze %dma_start3A_1825 : memref<1x50xi32, #tpu.memory_space<vmem>> -> memref<50xi32, #tpu.memory_space<vmem>>
        %dma_start3A_1827 = arith.constant 0 : i32
        %dma_start3A_1828 = arith.constant 0 : i32
        %dma_start3A_1829 = tpu.memref_slice %arg3[%dma_start3A_1827, %dma_start3A_1828] : memref<1000000x32xf32, #tpu.memory_space<hbm>> -> memref<1000000x32xf32, #tpu.memory_space<hbm>>
        tpu.enqueue_indirect_dma source(%dma_start3A_1829 : memref<1000000x32xf32, #tpu.memory_space<hbm>>) target(%dma_start3A_1823 : memref<50x32xf32, #tpu.memory_space<vmem>>) offsets(%dma_start3A_1826 : memref<50xi32, #tpu.memory_space<vmem>>) semaphore(%arg9 : memref<!tpu.dma_semaphore, #tpu.memory_space<semaphore_mem>>)
        %dma_start3A_1830 = arith.constant 18 : i32
        %dma_start3A_1831 = arith.constant 18 : i32
        %dma_start3A_1832 = arith.constant 0 : i32
        %dma_start3A_1833 = arith.constant 0 : i32
        %dma_start3A_1834 = tpu.memref_slice %arg7[%dma_start3A_1831, %dma_start3A_1832, %dma_start3A_1833] : memref<32x50x32xf32, #tpu.memory_space<vmem>> -> memref<1x50x32xf32, #tpu.memory_space<vmem>>
        %dma_start3A_1835 = tpu.memref_squeeze %dma_start3A_1834 : memref<1x50x32xf32, #tpu.memory_space<vmem>> -> memref<50x32xf32, #tpu.memory_space<vmem>>
        %dma_start3A_1836 = arith.constant 0 : i32
        %dma_start3A_1837 = tpu.memref_slice %arg5[%dma_start3A_1830, %dma_start3A_1836] : memref<32x50xi32, #tpu.memory_space<vmem>> -> memref<1x50xi32, #tpu.memory_space<vmem>>
        %dma_start3A_1838 = tpu.memref_squeeze %dma_start3A_1837 : memref<1x50xi32, #tpu.memory_space<vmem>> -> memref<50xi32, #tpu.memory_space<vmem>>
        %dma_start3A_1839 = arith.constant 0 : i32
        %dma_start3A_1840 = arith.constant 0 : i32
        %dma_start3A_1841 = tpu.memref_slice %arg3[%dma_start3A_1839, %dma_start3A_1840] : memref<1000000x32xf32, #tpu.memory_space<hbm>> -> memref<1000000x32xf32, #tpu.memory_space<hbm>>
        tpu.enqueue_indirect_dma source(%dma_start3A_1841 : memref<1000000x32xf32, #tpu.memory_space<hbm>>) target(%dma_start3A_1835 : memref<50x32xf32, #tpu.memory_space<vmem>>) offsets(%dma_start3A_1838 : memref<50xi32, #tpu.memory_space<vmem>>) semaphore(%arg9 : memref<!tpu.dma_semaphore, #tpu.memory_space<semaphore_mem>>)
        %dma_start3A_1842 = arith.constant 19 : i32
        %dma_start3A_1843 = arith.constant 19 : i32
        %dma_start3A_1844 = arith.constant 0 : i32
        %dma_start3A_1845 = arith.constant 0 : i32
        %dma_start3A_1846 = tpu.memref_slice %arg7[%dma_start3A_1843, %dma_start3A_1844, %dma_start3A_1845] : memref<32x50x32xf32, #tpu.memory_space<vmem>> -> memref<1x50x32xf32, #tpu.memory_space<vmem>>
        %dma_start3A_1847 = tpu.memref_squeeze %dma_start3A_1846 : memref<1x50x32xf32, #tpu.memory_space<vmem>> -> memref<50x32xf32, #tpu.memory_space<vmem>>
        %dma_start3A_1848 = arith.constant 0 : i32
        %dma_start3A_1849 = tpu.memref_slice %arg5[%dma_start3A_1842, %dma_start3A_1848] : memref<32x50xi32, #tpu.memory_space<vmem>> -> memref<1x50xi32, #tpu.memory_space<vmem>>
        %dma_start3A_1850 = tpu.memref_squeeze %dma_start3A_1849 : memref<1x50xi32, #tpu.memory_space<vmem>> -> memref<50xi32, #tpu.memory_space<vmem>>
        %dma_start3A_1851 = arith.constant 0 : i32
        %dma_start3A_1852 = arith.constant 0 : i32
        %dma_start3A_1853 = tpu.memref_slice %arg3[%dma_start3A_1851, %dma_start3A_1852] : memref<1000000x32xf32, #tpu.memory_space<hbm>> -> memref<1000000x32xf32, #tpu.memory_space<hbm>>
        tpu.enqueue_indirect_dma source(%dma_start3A_1853 : memref<1000000x32xf32, #tpu.memory_space<hbm>>) target(%dma_start3A_1847 : memref<50x32xf32, #tpu.memory_space<vmem>>) offsets(%dma_start3A_1850 : memref<50xi32, #tpu.memory_space<vmem>>) semaphore(%arg9 : memref<!tpu.dma_semaphore, #tpu.memory_space<semaphore_mem>>)
        %dma_start3A_1854 = arith.constant 20 : i32
        %dma_start3A_1855 = arith.constant 20 : i32
        %dma_start3A_1856 = arith.constant 0 : i32
        %dma_start3A_1857 = arith.constant 0 : i32
        %dma_start3A_1858 = tpu.memref_slice %arg7[%dma_start3A_1855, %dma_start3A_1856, %dma_start3A_1857] : memref<32x50x32xf32, #tpu.memory_space<vmem>> -> memref<1x50x32xf32, #tpu.memory_space<vmem>>
        %dma_start3A_1859 = tpu.memref_squeeze %dma_start3A_1858 : memref<1x50x32xf32, #tpu.memory_space<vmem>> -> memref<50x32xf32, #tpu.memory_space<vmem>>
        %dma_start3A_1860 = arith.constant 0 : i32
        %dma_start3A_1861 = tpu.memref_slice %arg5[%dma_start3A_1854, %dma_start3A_1860] : memref<32x50xi32, #tpu.memory_space<vmem>> -> memref<1x50xi32, #tpu.memory_space<vmem>>
        %dma_start3A_1862 = tpu.memref_squeeze %dma_start3A_1861 : memref<1x50xi32, #tpu.memory_space<vmem>> -> memref<50xi32, #tpu.memory_space<vmem>>
        %dma_start3A_1863 = arith.constant 0 : i32
        %dma_start3A_1864 = arith.constant 0 : i32
        %dma_start3A_1865 = tpu.memref_slice %arg3[%dma_start3A_1863, %dma_start3A_1864] : memref<1000000x32xf32, #tpu.memory_space<hbm>> -> memref<1000000x32xf32, #tpu.memory_space<hbm>>
        tpu.enqueue_indirect_dma source(%dma_start3A_1865 : memref<1000000x32xf32, #tpu.memory_space<hbm>>) target(%dma_start3A_1859 : memref<50x32xf32, #tpu.memory_space<vmem>>) offsets(%dma_start3A_1862 : memref<50xi32, #tpu.memory_space<vmem>>) semaphore(%arg9 : memref<!tpu.dma_semaphore, #tpu.memory_space<semaphore_mem>>)
        %dma_start3A_1866 = arith.constant 21 : i32
        %dma_start3A_1867 = arith.constant 21 : i32
        %dma_start3A_1868 = arith.constant 0 : i32
        %dma_start3A_1869 = arith.constant 0 : i32
        %dma_start3A_1870 = tpu.memref_slice %arg7[%dma_start3A_1867, %dma_start3A_1868, %dma_start3A_1869] : memref<32x50x32xf32, #tpu.memory_space<vmem>> -> memref<1x50x32xf32, #tpu.memory_space<vmem>>
        %dma_start3A_1871 = tpu.memref_squeeze %dma_start3A_1870 : memref<1x50x32xf32, #tpu.memory_space<vmem>> -> memref<50x32xf32, #tpu.memory_space<vmem>>
        %dma_start3A_1872 = arith.constant 0 : i32
        %dma_start3A_1873 = tpu.memref_slice %arg5[%dma_start3A_1866, %dma_start3A_1872] : memref<32x50xi32, #tpu.memory_space<vmem>> -> memref<1x50xi32, #tpu.memory_space<vmem>>
        %dma_start3A_1874 = tpu.memref_squeeze %dma_start3A_1873 : memref<1x50xi32, #tpu.memory_space<vmem>> -> memref<50xi32, #tpu.memory_space<vmem>>
        %dma_start3A_1875 = arith.constant 0 : i32
        %dma_start3A_1876 = arith.constant 0 : i32
        %dma_start3A_1877 = tpu.memref_slice %arg3[%dma_start3A_1875, %dma_start3A_1876] : memref<1000000x32xf32, #tpu.memory_space<hbm>> -> memref<1000000x32xf32, #tpu.memory_space<hbm>>
        tpu.enqueue_indirect_dma source(%dma_start3A_1877 : memref<1000000x32xf32, #tpu.memory_space<hbm>>) target(%dma_start3A_1871 : memref<50x32xf32, #tpu.memory_space<vmem>>) offsets(%dma_start3A_1874 : memref<50xi32, #tpu.memory_space<vmem>>) semaphore(%arg9 : memref<!tpu.dma_semaphore, #tpu.memory_space<semaphore_mem>>)
        %dma_start3A_1878 = arith.constant 22 : i32
        %dma_start3A_1879 = arith.constant 22 : i32
        %dma_start3A_1880 = arith.constant 0 : i32
        %dma_start3A_1881 = arith.constant 0 : i32
        %dma_start3A_1882 = tpu.memref_slice %arg7[%dma_start3A_1879, %dma_start3A_1880, %dma_start3A_1881] : memref<32x50x32xf32, #tpu.memory_space<vmem>> -> memref<1x50x32xf32, #tpu.memory_space<vmem>>
        %dma_start3A_1883 = tpu.memref_squeeze %dma_start3A_1882 : memref<1x50x32xf32, #tpu.memory_space<vmem>> -> memref<50x32xf32, #tpu.memory_space<vmem>>
        %dma_start3A_1884 = arith.constant 0 : i32
        %dma_start3A_1885 = tpu.memref_slice %arg5[%dma_start3A_1878, %dma_start3A_1884] : memref<32x50xi32, #tpu.memory_space<vmem>> -> memref<1x50xi32, #tpu.memory_space<vmem>>
        %dma_start3A_1886 = tpu.memref_squeeze %dma_start3A_1885 : memref<1x50xi32, #tpu.memory_space<vmem>> -> memref<50xi32, #tpu.memory_space<vmem>>
        %dma_start3A_1887 = arith.constant 0 : i32
        %dma_start3A_1888 = arith.constant 0 : i32
        %dma_start3A_1889 = tpu.memref_slice %arg3[%dma_start3A_1887, %dma_start3A_1888] : memref<1000000x32xf32, #tpu.memory_space<hbm>> -> memref<1000000x32xf32, #tpu.memory_space<hbm>>
        tpu.enqueue_indirect_dma source(%dma_start3A_1889 : memref<1000000x32xf32, #tpu.memory_space<hbm>>) target(%dma_start3A_1883 : memref<50x32xf32, #tpu.memory_space<vmem>>) offsets(%dma_start3A_1886 : memref<50xi32, #tpu.memory_space<vmem>>) semaphore(%arg9 : memref<!tpu.dma_semaphore, #tpu.memory_space<semaphore_mem>>)
        %dma_start3A_1890 = arith.constant 23 : i32
        %dma_start3A_1891 = arith.constant 23 : i32
        %dma_start3A_1892 = arith.constant 0 : i32
        %dma_start3A_1893 = arith.constant 0 : i32
        %dma_start3A_1894 = tpu.memref_slice %arg7[%dma_start3A_1891, %dma_start3A_1892, %dma_start3A_1893] : memref<32x50x32xf32, #tpu.memory_space<vmem>> -> memref<1x50x32xf32, #tpu.memory_space<vmem>>
        %dma_start3A_1895 = tpu.memref_squeeze %dma_start3A_1894 : memref<1x50x32xf32, #tpu.memory_space<vmem>> -> memref<50x32xf32, #tpu.memory_space<vmem>>
        %dma_start3A_1896 = arith.constant 0 : i32
        %dma_start3A_1897 = tpu.memref_slice %arg5[%dma_start3A_1890, %dma_start3A_1896] : memref<32x50xi32, #tpu.memory_space<vmem>> -> memref<1x50xi32, #tpu.memory_space<vmem>>
        %dma_start3A_1898 = tpu.memref_squeeze %dma_start3A_1897 : memref<1x50xi32, #tpu.memory_space<vmem>> -> memref<50xi32, #tpu.memory_space<vmem>>
        %dma_start3A_1899 = arith.constant 0 : i32
        %dma_start3A_1900 = arith.constant 0 : i32
        %dma_start3A_1901 = tpu.memref_slice %arg3[%dma_start3A_1899, %dma_start3A_1900] : memref<1000000x32xf32, #tpu.memory_space<hbm>> -> memref<1000000x32xf32, #tpu.memory_space<hbm>>
        tpu.enqueue_indirect_dma source(%dma_start3A_1901 : memref<1000000x32xf32, #tpu.memory_space<hbm>>) target(%dma_start3A_1895 : memref<50x32xf32, #tpu.memory_space<vmem>>) offsets(%dma_start3A_1898 : memref<50xi32, #tpu.memory_space<vmem>>) semaphore(%arg9 : memref<!tpu.dma_semaphore, #tpu.memory_space<semaphore_mem>>)
        %dma_start3A_1902 = arith.constant 24 : i32
        %dma_start3A_1903 = arith.constant 24 : i32
        %dma_start3A_1904 = arith.constant 0 : i32
        %dma_start3A_1905 = arith.constant 0 : i32
        %dma_start3A_1906 = tpu.memref_slice %arg7[%dma_start3A_1903, %dma_start3A_1904, %dma_start3A_1905] : memref<32x50x32xf32, #tpu.memory_space<vmem>> -> memref<1x50x32xf32, #tpu.memory_space<vmem>>
        %dma_start3A_1907 = tpu.memref_squeeze %dma_start3A_1906 : memref<1x50x32xf32, #tpu.memory_space<vmem>> -> memref<50x32xf32, #tpu.memory_space<vmem>>
        %dma_start3A_1908 = arith.constant 0 : i32
        %dma_start3A_1909 = tpu.memref_slice %arg5[%dma_start3A_1902, %dma_start3A_1908] : memref<32x50xi32, #tpu.memory_space<vmem>> -> memref<1x50xi32, #tpu.memory_space<vmem>>
        %dma_start3A_1910 = tpu.memref_squeeze %dma_start3A_1909 : memref<1x50xi32, #tpu.memory_space<vmem>> -> memref<50xi32, #tpu.memory_space<vmem>>
        %dma_start3A_1911 = arith.constant 0 : i32
        %dma_start3A_1912 = arith.constant 0 : i32
        %dma_start3A_1913 = tpu.memref_slice %arg3[%dma_start3A_1911, %dma_start3A_1912] : memref<1000000x32xf32, #tpu.memory_space<hbm>> -> memref<1000000x32xf32, #tpu.memory_space<hbm>>
        tpu.enqueue_indirect_dma source(%dma_start3A_1913 : memref<1000000x32xf32, #tpu.memory_space<hbm>>) target(%dma_start3A_1907 : memref<50x32xf32, #tpu.memory_space<vmem>>) offsets(%dma_start3A_1910 : memref<50xi32, #tpu.memory_space<vmem>>) semaphore(%arg9 : memref<!tpu.dma_semaphore, #tpu.memory_space<semaphore_mem>>)
        %dma_start3A_1914 = arith.constant 25 : i32
        %dma_start3A_1915 = arith.constant 25 : i32
        %dma_start3A_1916 = arith.constant 0 : i32
        %dma_start3A_1917 = arith.constant 0 : i32
        %dma_start3A_1918 = tpu.memref_slice %arg7[%dma_start3A_1915, %dma_start3A_1916, %dma_start3A_1917] : memref<32x50x32xf32, #tpu.memory_space<vmem>> -> memref<1x50x32xf32, #tpu.memory_space<vmem>>
        %dma_start3A_1919 = tpu.memref_squeeze %dma_start3A_1918 : memref<1x50x32xf32, #tpu.memory_space<vmem>> -> memref<50x32xf32, #tpu.memory_space<vmem>>
        %dma_start3A_1920 = arith.constant 0 : i32
        %dma_start3A_1921 = tpu.memref_slice %arg5[%dma_start3A_1914, %dma_start3A_1920] : memref<32x50xi32, #tpu.memory_space<vmem>> -> memref<1x50xi32, #tpu.memory_space<vmem>>
        %dma_start3A_1922 = tpu.memref_squeeze %dma_start3A_1921 : memref<1x50xi32, #tpu.memory_space<vmem>> -> memref<50xi32, #tpu.memory_space<vmem>>
        %dma_start3A_1923 = arith.constant 0 : i32
        %dma_start3A_1924 = arith.constant 0 : i32
        %dma_start3A_1925 = tpu.memref_slice %arg3[%dma_start3A_1923, %dma_start3A_1924] : memref<1000000x32xf32, #tpu.memory_space<hbm>> -> memref<1000000x32xf32, #tpu.memory_space<hbm>>
        tpu.enqueue_indirect_dma source(%dma_start3A_1925 : memref<1000000x32xf32, #tpu.memory_space<hbm>>) target(%dma_start3A_1919 : memref<50x32xf32, #tpu.memory_space<vmem>>) offsets(%dma_start3A_1922 : memref<50xi32, #tpu.memory_space<vmem>>) semaphore(%arg9 : memref<!tpu.dma_semaphore, #tpu.memory_space<semaphore_mem>>)
        %dma_start3A_1926 = arith.constant 26 : i32
        %dma_start3A_1927 = arith.constant 26 : i32
        %dma_start3A_1928 = arith.constant 0 : i32
        %dma_start3A_1929 = arith.constant 0 : i32
        %dma_start3A_1930 = tpu.memref_slice %arg7[%dma_start3A_1927, %dma_start3A_1928, %dma_start3A_1929] : memref<32x50x32xf32, #tpu.memory_space<vmem>> -> memref<1x50x32xf32, #tpu.memory_space<vmem>>
        %dma_start3A_1931 = tpu.memref_squeeze %dma_start3A_1930 : memref<1x50x32xf32, #tpu.memory_space<vmem>> -> memref<50x32xf32, #tpu.memory_space<vmem>>
        %dma_start3A_1932 = arith.constant 0 : i32
        %dma_start3A_1933 = tpu.memref_slice %arg5[%dma_start3A_1926, %dma_start3A_1932] : memref<32x50xi32, #tpu.memory_space<vmem>> -> memref<1x50xi32, #tpu.memory_space<vmem>>
        %dma_start3A_1934 = tpu.memref_squeeze %dma_start3A_1933 : memref<1x50xi32, #tpu.memory_space<vmem>> -> memref<50xi32, #tpu.memory_space<vmem>>
        %dma_start3A_1935 = arith.constant 0 : i32
        %dma_start3A_1936 = arith.constant 0 : i32
        %dma_start3A_1937 = tpu.memref_slice %arg3[%dma_start3A_1935, %dma_start3A_1936] : memref<1000000x32xf32, #tpu.memory_space<hbm>> -> memref<1000000x32xf32, #tpu.memory_space<hbm>>
        tpu.enqueue_indirect_dma source(%dma_start3A_1937 : memref<1000000x32xf32, #tpu.memory_space<hbm>>) target(%dma_start3A_1931 : memref<50x32xf32, #tpu.memory_space<vmem>>) offsets(%dma_start3A_1934 : memref<50xi32, #tpu.memory_space<vmem>>) semaphore(%arg9 : memref<!tpu.dma_semaphore, #tpu.memory_space<semaphore_mem>>)
        %dma_start3A_1938 = arith.constant 27 : i32
        %dma_start3A_1939 = arith.constant 27 : i32
        %dma_start3A_1940 = arith.constant 0 : i32
        %dma_start3A_1941 = arith.constant 0 : i32
        %dma_start3A_1942 = tpu.memref_slice %arg7[%dma_start3A_1939, %dma_start3A_1940, %dma_start3A_1941] : memref<32x50x32xf32, #tpu.memory_space<vmem>> -> memref<1x50x32xf32, #tpu.memory_space<vmem>>
        %dma_start3A_1943 = tpu.memref_squeeze %dma_start3A_1942 : memref<1x50x32xf32, #tpu.memory_space<vmem>> -> memref<50x32xf32, #tpu.memory_space<vmem>>
        %dma_start3A_1944 = arith.constant 0 : i32
        %dma_start3A_1945 = tpu.memref_slice %arg5[%dma_start3A_1938, %dma_start3A_1944] : memref<32x50xi32, #tpu.memory_space<vmem>> -> memref<1x50xi32, #tpu.memory_space<vmem>>
        %dma_start3A_1946 = tpu.memref_squeeze %dma_start3A_1945 : memref<1x50xi32, #tpu.memory_space<vmem>> -> memref<50xi32, #tpu.memory_space<vmem>>
        %dma_start3A_1947 = arith.constant 0 : i32
        %dma_start3A_1948 = arith.constant 0 : i32
        %dma_start3A_1949 = tpu.memref_slice %arg3[%dma_start3A_1947, %dma_start3A_1948] : memref<1000000x32xf32, #tpu.memory_space<hbm>> -> memref<1000000x32xf32, #tpu.memory_space<hbm>>
        tpu.enqueue_indirect_dma source(%dma_start3A_1949 : memref<1000000x32xf32, #tpu.memory_space<hbm>>) target(%dma_start3A_1943 : memref<50x32xf32, #tpu.memory_space<vmem>>) offsets(%dma_start3A_1946 : memref<50xi32, #tpu.memory_space<vmem>>) semaphore(%arg9 : memref<!tpu.dma_semaphore, #tpu.memory_space<semaphore_mem>>)
        %dma_start3A_1950 = arith.constant 28 : i32
        %dma_start3A_1951 = arith.constant 28 : i32
        %dma_start3A_1952 = arith.constant 0 : i32
        %dma_start3A_1953 = arith.constant 0 : i32
        %dma_start3A_1954 = tpu.memref_slice %arg7[%dma_start3A_1951, %dma_start3A_1952, %dma_start3A_1953] : memref<32x50x32xf32, #tpu.memory_space<vmem>> -> memref<1x50x32xf32, #tpu.memory_space<vmem>>
        %dma_start3A_1955 = tpu.memref_squeeze %dma_start3A_1954 : memref<1x50x32xf32, #tpu.memory_space<vmem>> -> memref<50x32xf32, #tpu.memory_space<vmem>>
        %dma_start3A_1956 = arith.constant 0 : i32
        %dma_start3A_1957 = tpu.memref_slice %arg5[%dma_start3A_1950, %dma_start3A_1956] : memref<32x50xi32, #tpu.memory_space<vmem>> -> memref<1x50xi32, #tpu.memory_space<vmem>>
        %dma_start3A_1958 = tpu.memref_squeeze %dma_start3A_1957 : memref<1x50xi32, #tpu.memory_space<vmem>> -> memref<50xi32, #tpu.memory_space<vmem>>
        %dma_start3A_1959 = arith.constant 0 : i32
        %dma_start3A_1960 = arith.constant 0 : i32
        %dma_start3A_1961 = tpu.memref_slice %arg3[%dma_start3A_1959, %dma_start3A_1960] : memref<1000000x32xf32, #tpu.memory_space<hbm>> -> memref<1000000x32xf32, #tpu.memory_space<hbm>>
        tpu.enqueue_indirect_dma source(%dma_start3A_1961 : memref<1000000x32xf32, #tpu.memory_space<hbm>>) target(%dma_start3A_1955 : memref<50x32xf32, #tpu.memory_space<vmem>>) offsets(%dma_start3A_1958 : memref<50xi32, #tpu.memory_space<vmem>>) semaphore(%arg9 : memref<!tpu.dma_semaphore, #tpu.memory_space<semaphore_mem>>)
        %dma_start3A_1962 = arith.constant 29 : i32
        %dma_start3A_1963 = arith.constant 29 : i32
        %dma_start3A_1964 = arith.constant 0 : i32
        %dma_start3A_1965 = arith.constant 0 : i32
        %dma_start3A_1966 = tpu.memref_slice %arg7[%dma_start3A_1963, %dma_start3A_1964, %dma_start3A_1965] : memref<32x50x32xf32, #tpu.memory_space<vmem>> -> memref<1x50x32xf32, #tpu.memory_space<vmem>>
        %dma_start3A_1967 = tpu.memref_squeeze %dma_start3A_1966 : memref<1x50x32xf32, #tpu.memory_space<vmem>> -> memref<50x32xf32, #tpu.memory_space<vmem>>
        %dma_start3A_1968 = arith.constant 0 : i32
        %dma_start3A_1969 = tpu.memref_slice %arg5[%dma_start3A_1962, %dma_start3A_1968] : memref<32x50xi32, #tpu.memory_space<vmem>> -> memref<1x50xi32, #tpu.memory_space<vmem>>
        %dma_start3A_1970 = tpu.memref_squeeze %dma_start3A_1969 : memref<1x50xi32, #tpu.memory_space<vmem>> -> memref<50xi32, #tpu.memory_space<vmem>>
        %dma_start3A_1971 = arith.constant 0 : i32
        %dma_start3A_1972 = arith.constant 0 : i32
        %dma_start3A_1973 = tpu.memref_slice %arg3[%dma_start3A_1971, %dma_start3A_1972] : memref<1000000x32xf32, #tpu.memory_space<hbm>> -> memref<1000000x32xf32, #tpu.memory_space<hbm>>
        tpu.enqueue_indirect_dma source(%dma_start3A_1973 : memref<1000000x32xf32, #tpu.memory_space<hbm>>) target(%dma_start3A_1967 : memref<50x32xf32, #tpu.memory_space<vmem>>) offsets(%dma_start3A_1970 : memref<50xi32, #tpu.memory_space<vmem>>) semaphore(%arg9 : memref<!tpu.dma_semaphore, #tpu.memory_space<semaphore_mem>>)
        %dma_start3A_1974 = arith.constant 30 : i32
        %dma_start3A_1975 = arith.constant 30 : i32
        %dma_start3A_1976 = arith.constant 0 : i32
        %dma_start3A_1977 = arith.constant 0 : i32
        %dma_start3A_1978 = tpu.memref_slice %arg7[%dma_start3A_1975, %dma_start3A_1976, %dma_start3A_1977] : memref<32x50x32xf32, #tpu.memory_space<vmem>> -> memref<1x50x32xf32, #tpu.memory_space<vmem>>
        %dma_start3A_1979 = tpu.memref_squeeze %dma_start3A_1978 : memref<1x50x32xf32, #tpu.memory_space<vmem>> -> memref<50x32xf32, #tpu.memory_space<vmem>>
        %dma_start3A_1980 = arith.constant 0 : i32
        %dma_start3A_1981 = tpu.memref_slice %arg5[%dma_start3A_1974, %dma_start3A_1980] : memref<32x50xi32, #tpu.memory_space<vmem>> -> memref<1x50xi32, #tpu.memory_space<vmem>>
        %dma_start3A_1982 = tpu.memref_squeeze %dma_start3A_1981 : memref<1x50xi32, #tpu.memory_space<vmem>> -> memref<50xi32, #tpu.memory_space<vmem>>
        %dma_start3A_1983 = arith.constant 0 : i32
        %dma_start3A_1984 = arith.constant 0 : i32
        %dma_start3A_1985 = tpu.memref_slice %arg3[%dma_start3A_1983, %dma_start3A_1984] : memref<1000000x32xf32, #tpu.memory_space<hbm>> -> memref<1000000x32xf32, #tpu.memory_space<hbm>>
        tpu.enqueue_indirect_dma source(%dma_start3A_1985 : memref<1000000x32xf32, #tpu.memory_space<hbm>>) target(%dma_start3A_1979 : memref<50x32xf32, #tpu.memory_space<vmem>>) offsets(%dma_start3A_1982 : memref<50xi32, #tpu.memory_space<vmem>>) semaphore(%arg9 : memref<!tpu.dma_semaphore, #tpu.memory_space<semaphore_mem>>)
        %dma_start3A_1986 = arith.constant 31 : i32
        %dma_start3A_1987 = arith.constant 31 : i32
        %dma_start3A_1988 = arith.constant 0 : i32
        %dma_start3A_1989 = arith.constant 0 : i32
        %dma_start3A_1990 = tpu.memref_slice %arg7[%dma_start3A_1987, %dma_start3A_1988, %dma_start3A_1989] : memref<32x50x32xf32, #tpu.memory_space<vmem>> -> memref<1x50x32xf32, #tpu.memory_space<vmem>>
        %dma_start3A_1991 = tpu.memref_squeeze %dma_start3A_1990 : memref<1x50x32xf32, #tpu.memory_space<vmem>> -> memref<50x32xf32, #tpu.memory_space<vmem>>
        %dma_start3A_1992 = arith.constant 0 : i32
        %dma_start3A_1993 = tpu.memref_slice %arg5[%dma_start3A_1986, %dma_start3A_1992] : memref<32x50xi32, #tpu.memory_space<vmem>> -> memref<1x50xi32, #tpu.memory_space<vmem>>
        %dma_start3A_1994 = tpu.memref_squeeze %dma_start3A_1993 : memref<1x50xi32, #tpu.memory_space<vmem>> -> memref<50xi32, #tpu.memory_space<vmem>>
        %dma_start3A_1995 = arith.constant 0 : i32
        %dma_start3A_1996 = arith.constant 0 : i32
        %dma_start3A_1997 = tpu.memref_slice %arg3[%dma_start3A_1995, %dma_start3A_1996] : memref<1000000x32xf32, #tpu.memory_space<hbm>> -> memref<1000000x32xf32, #tpu.memory_space<hbm>>
        tpu.enqueue_indirect_dma source(%dma_start3A_1997 : memref<1000000x32xf32, #tpu.memory_space<hbm>>) target(%dma_start3A_1991 : memref<50x32xf32, #tpu.memory_space<vmem>>) offsets(%dma_start3A_1994 : memref<50xi32, #tpu.memory_space<vmem>>) semaphore(%arg9 : memref<!tpu.dma_semaphore, #tpu.memory_space<semaphore_mem>>)
      } else {
      }
    }
    %scan3A_392 = arith.constant 8 : i32
    %add3A_393 = arith.constant 480 : i32
    %add3A_394 = arith.addi %mul3A_2, %add3A_393 : i32
    %dma_wait3A = arith.constant 0 : i32
    %dma_wait3A_395 = arith.constant 0 : i32
    %dma_wait3A_396 = tpu.memref_slice %arg4[%add3A_394, %dma_wait3A, %dma_wait3A_395] : memref<16384x50x32xf32, #tpu.memory_space<hbm>> -> memref<32x50x32xf32, #tpu.memory_space<hbm>>
    %dma_wait3A_397 = arith.constant 0 : i32
    %dma_wait3A_398 = arith.constant 0 : i32
    %dma_wait3A_399 = tpu.memref_slice %arg4[%add3A_394, %dma_wait3A_397, %dma_wait3A_398] : memref<16384x50x32xf32, #tpu.memory_space<hbm>> -> memref<32x50x32xf32, #tpu.memory_space<hbm>>
    tpu.wait_dma2 semaphore(%arg12 : memref<!tpu.dma_semaphore, #tpu.memory_space<semaphore_mem>>) src(%arg8 : memref<32x50x32xf32, #tpu.memory_space<vmem>>) dst(%dma_wait3A_399 : memref<32x50x32xf32, #tpu.memory_space<hbm>>)
    return
  }
}

</mosaic_0001>

<sc_bundles>
// kernel: kernel.3.cloned.1.call-start
scs
__scs_entry_jumppad:
0x0: {  	(pc) =	sbr.rel $0x88, $3  }
0x1: {  	(tag) =	ssettag $0x0;
	lr =	simm.s32 $0x1  }
0x2: {  	[smem:$0x3F9F] =	sst lr;
	_ =	strace $0xD0000000  }
0x3: {  	_ = 	snop  }
0x4: {  	_ = 	snop  }
0x5: {  	_ = 	snop  }
0x6: {  	_ = 	snop  }
0x7: {  	_ = 	snop  }
__scs_overlays_trampoline_lowered:
0x8: {  	[smem:$0x3FAE] =	sst s0  }
0x9: {  	[smem:$0x3FAF] =	sst s1  }
0xa: {  	[smem:$0x3FB0] =	sst s2  }
0xb: {  	[smem:$0x3FB1] =	sst s3  }
0xc: {  	[smem:$0x3FB2] =	sst s4  }
0xd: {  	[smem:$0x3FB3] =	sst s5  }
0xe: {  	[smem:$0x3FB4] =	sst s6  }
0xf: {  	[smem:$0x3FB5] =	sst s7  }
0x10: {  	[smem:$0x3FB6] =	sst s8  }
0x11: {  	[smem:$0x3FB7] =	sst s9;
	s0 =	simm.s32 @!p0 $0x0  }
0x12: {  	s1 =	sld [smem:$0x3F9D];
	s0 =	simm.s32 @p0 $0x1  }
0x13: {  	[smem:$0x3FB8] =	sst s0;
	s0 =	simm.s32 @!p1 $0x0  }
0x14: {  	s2 =	sld [smem:$0x3F9C];
	s0 =	simm.s32 @p1 $0x1  }
0x15: {  	[smem:$0x3FB9] =	sst s0;
	s0 =	simm.s32 @!p2 $0x0  }
0x16: {  	s3 =	sld [smem:$0x3FDB];
	s0 =	simm.s32 @p2 $0x1  }
0x17: {  	s4 =	simm.s32 $0x1BF5;
	[smem:$0x3FBB] =	sst s0  }
0x18: {  	s0 =	sld [smem:$0x3F9E];
	_ =	swait.ge [sflag:s4], $0x0  }
0x19: {  	s7 =	sld [smem:$0x3F9F]  }
0x1a: {  	s8 =	sadd.s32 $0xFFFFE003, lr  }
0x1b: {  	s9 =	sadd.s32 $0xFFFFFEF7, lr;
	s5 =	simm.s32 $0xFFFFFFFF;
	p2 =	slt.u32 s8, $0xFFFFF086  }
0x1c: {  	p1 =	slt.u32 s9, $0xF7A;
	s5 =	simm.s32 @!p2 $0x0  }
0x1d: {  	s5 =	simm.s32 @p1 $0x1;
	p0 =	seq.s32 s7, s2  }
0x1e: {  	s7 =	smul.u32 @!p0 $0xF7A, s2;
	p2 =	seq.s32 @!p0 s5, $0x0  }
0x1f: {  	s9 =	smul.u32 $0xF7A, s1;
	s8 =	simm.s32 @!p0 $0x1BF5;
	p2 =	por !p2, p0  }
0x20: {  	[sflag:s8] =	ssyncset.s32 @!p0 $0xFFFFF086;
	s6 =	sadd.s32 @!p0 s3, s7;
	s7 =	simm.s32 @!p0 $0x108  }
0x21: {  	s3 =	sadd.s32 s3, s9;
	s6 =	sadd.s32 @!p0 $0x88, s6;
	s7 =	simm.s32 @p2 $0x1082  }
0x22: {  	[simem:s7], [sflag:s8] =	dma.local @!p0 [hbm:s6], $0xF7A  }
0x23: {  	s9 =	sor.u32 $0xD0000000, s2;
	s6 =	simm.s32 $0x108;
	_ =	swait.ge @!p0 [sflag:s8], $0x0  }
0x24: {  	s3 =	sadd.s32 $0x88, s3;
	s6 =	simm.s32 @!p1 $0x1082;
	[sflag:s4] =	ssyncset.s32 $0xFFFFF086  }
0x25: {  	[simem:s6], [sflag:s4] =	dma.local [hbm:s3], $0xF7A  }
0x26: {  	[smem:$0x3F9F] =	sst s1;
	(tag) =	ssettag s2;
	_ =	strace s9  }
0x27: {  	s1 =	sld [smem:$0x3FAF]  }
0x28: {  	s2 =	sld [smem:$0x3FB0]  }
0x29: {  	s4 =	sld [smem:$0x3FB2]  }
0x2a: {  	p0 =	seq.s32 s5, $0x0;
	s5 =	sld [smem:$0x3FB3]  }
0x2b: {  	s6 =	sld [smem:$0x3FB4]  }
0x2c: {  	s7 =	sld [smem:$0x3FB5]  }
0x2d: {  	s3 =	simm.s32 $0x108;
	s8 =	sld [smem:$0x3FB6]  }
0x2e: {  	s3 =	simm.s32 @!p0 $0x1082;
	s9 =	sld [smem:$0x3FB7]  }
0x2f: {  	lr =	sadd.s32 s0, s3;
	s0 =	sld [smem:$0x3FAE]  }
0x30: {  	s3 =	sld [smem:$0x3FB1]  }
0x31: {  	[smem:$0x3FBA] =	sst s10  }
0x32: {  	s10 =	sld [smem:$0x3FB8];
	_ =	sdelay $0x3  }
0x33: {  	p0 =	seq.s32 s10, $0x1;
	s10 =	sld [smem:$0x3FBA];
	_ =	sdelay $0x3  }
0x34: {  	[smem:$0x3FBA] =	sst s10  }
0x35: {  	s10 =	sld [smem:$0x3FB9];
	_ =	sdelay $0x3  }
0x36: {  	p1 =	seq.s32 s10, $0x1;
	s10 =	sld [smem:$0x3FBA];
	_ =	sdelay $0x3  }
0x37: {  	[smem:$0x3FBA] =	sst s10  }
0x38: {  	s10 =	sld [smem:$0x3FBB]  }
0x39: {  	_ = 	snop;
	(pc) =	sbr.ind lr, $3  }
0x3a: {  	_ = 	snop  }
0x3b: {  	_ = 	snop  }
0x3c: {  	p2 =	seq.s32 s10, $0x1;
	s10 =	sld [smem:$0x3FBA]  }
0x3d: {  	_ =	shalt  }
0x3e: {  	_ =	shalt  }
0x3f: {  	_ =	shalt  }
0x40: {  	_ =	shalt  }
0x41: {  	_ =	shalt  }
0x42: {  	_ =	shalt  }
0x43: {  	_ =	shalt  }
0x44: {  	_ =	shalt  }
0x45: {  	_ =	shalt  }
0x46: {  	_ =	shalt  }
0x47: {  	_ =	shalt  }
0x48: {  	_ =	shalt  }
0x49: {  	_ =	shalt  }
0x4a: {  	_ =	shalt  }
0x4b: {  	_ =	shalt  }
0x4c: {  	_ =	shalt  }
0x4d: {  	_ =	shalt  }
0x4e: {  	_ =	shalt  }
0x4f: {  	_ =	shalt  }
0x50: {  	_ =	shalt  }
0x51: {  	_ =	shalt  }
0x52: {  	_ =	shalt  }
0x53: {  	_ =	shalt  }
0x54: {  	_ =	shalt  }
0x55: {  	_ =	shalt  }
0x56: {  	_ =	shalt  }
0x57: {  	_ =	shalt  }
0x58: {  	_ =	shalt  }
0x59: {  	_ =	shalt  }
0x5a: {  	_ =	shalt  }
0x5b: {  	_ =	shalt  }
0x5c: {  	_ =	shalt  }
0x5d: {  	_ =	shalt  }
0x5e: {  	_ =	shalt  }
0x5f: {  	_ =	shalt  }
0x60: {  	_ =	shalt  }
0x61: {  	_ =	shalt  }
0x62: {  	_ =	shalt  }
0x63: {  	_ =	shalt  }
0x64: {  	_ =	shalt  }
0x65: {  	_ =	shalt  }
0x66: {  	_ =	shalt  }
0x67: {  	_ =	shalt  }
0x68: {  	_ =	shalt  }
0x69: {  	_ =	shalt  }
0x6a: {  	_ =	shalt  }
0x6b: {  	_ =	shalt  }
0x6c: {  	_ =	shalt  }
0x6d: {  	_ =	shalt  }
0x6e: {  	_ =	shalt  }
0x6f: {  	_ =	shalt  }
0x70: {  	_ =	shalt  }
0x71: {  	_ =	shalt  }
0x72: {  	_ =	shalt  }
0x73: {  	_ =	shalt  }
0x74: {  	_ =	shalt  }
0x75: {  	_ =	shalt  }
0x76: {  	_ =	shalt  }
0x77: {  	_ =	shalt  }
0x78: {  	_ =	shalt  }
0x79: {  	_ =	shalt  }
0x7a: {  	_ =	shalt  }
0x7b: {  	_ =	shalt  }
0x7c: {  	_ =	shalt  }
0x7d: {  	_ =	shalt  }
0x7e: {  	_ =	shalt  }
0x7f: {  	_ =	shalt  }
0x80: {  	_ =	shalt  }
0x81: {  	_ =	shalt  }
0x82: {  	_ =	shalt  }
0x83: {  	_ =	shalt  }
0x84: {  	_ =	shalt  }
0x85: {  	_ =	shalt  }
0x86: {  	_ =	shalt  }
0x87: {  	_ =	shalt  }
.Lfunc_end0:
.L_simem_size_0:
called_computation.1_lowered:
.L_overlay_start_0:
0x88: {  	s2 =	sld [smem:$0x3FD9]  }
0x89: {  	s3 =	sld [smem:$0x3FFE];
	_ =	sdelay $0x1  }
0x8a: {  	s1 =	srdreg.scid  }
0x8b: {  	s0 =	sand.u32 $0x1, s1  }
0x8c: {  	s17 =	sshll.u32 s0, $0xA;
	s2 =	sadd.s32 s3, s2  }
0x8d: {  	s2 =	sadd.s32 s2, s17  }
0x8e: {  	[smem:$0x3FC6] =	sst s2  }
0x8f: {  	_ = 	snop  }
0x90: {  	s2 =	sld [smem:$0x3FD0];
	(tm) =	ssettm $0x1  }
0x91: {  	s18 =	sld [smem:$0x3FFB];
	_ =	sdelay $0x3  }
0x92: {  	_ =	strace s18  }
0x93: {  	s3 =	sld [smem:$0x3FFC];
	_ =	sdelay $0x3  }
0x94: {  	_ =	strace s3  }
0x95: {  	s3 =	sld [smem:$0x3FFD];
	_ =	sdelay $0x3  }
0x96: {  	_ =	strace s3  }
0x97: {  	_ =	strace $0x8FFFFFFF  }
0x98: {  	s19 =	sld [smem:$0x3FDB];
	_ =	sdelay $0x1  }
0x99: {  	s4 =	simm.s32 $_scs_section_size  }
0x9a: {  	s5 =	simm.s32 $_size__tile_overlayer_lowered;
	s6 =	simm.s32 $_tile_overlayer_lowered  }
0x9b: {  	s22 =	simm.s32 $0x1BFF;
	s21 =	sshll.u32 s6, $0x1;
	s3 =	sadd.s32 s4, s19  }
0x9c: {  	s7 =	simm.s32 $0x0;
	s20 =	sshll.u32 s5, $0x1;
	s5 =	sadd.s32 s21, s3  }
0x9d: {  	[timem:s7], [sflag:s22] =	dma.local [hbm:s5], s20  }
0x9e: {  	_ =	swait.ge [sflag:s22], s20  }
0x9f: {  	s4 =	ssub.s32 $0x0, s20;
	[sflag:s22] =	ssyncset.done $0x0  }
0xa0: {  	[sflag:s22] =	ssyncadd.s32 s4;
	_ =	sdelay $0x1  }
0xa1: {  	s23 =	simm.s32 $0x1B8B  }
0xa2: {  	_ =	swait.ge [sflag:s23], $0x1  }
0xa3: {  	[sflag:s23] =	ssyncset.done $0x0  }
0xa4: {  	s25 =	simm.s32 $0x1B8E;
	s24 =	sld [smem:$0x3FFE];
	[sflag:s23] =	ssyncadd.s32 $0xFFFFFFFF  }
0xa5: {  	s26 =	simm.s32 $execute0_lowered;
	[smem:$0x3FD2] =	sst s25  }
0xa6: {  	s5 =	sshll.u32 s26, $0x1;
	_ =	strace $0x80000046;
	[dreg:$0x1] =	wrdreg $0xFFFFFFFF  }
0xa7: {  	s28 =	simm.s32 $_size_execute0_lowered;
	s3 =	sadd.s32 s3, s5;
	[dreg:$0x0] =	wrdreg $0x0  }
0xa8: {  	s5 =	sshll.u32 s28, $0x1;
	[dreg:$0x2] =	wrdreg s3  }
0xa9: {  	[dreg:$0x3] =	wrdreg s5  }
0xaa: {  	[dreg:$0x4] =	wrdreg $0xC0  }
0xab: {  	_ =	task [dreg:s7], $0x5FFFF  }
0xac: {  	[dreg:$0x1] =	wrdreg $0xFFFFFFFF  }
0xad: {  	[dreg:$0x0] =	wrdreg $0x60  }
0xae: {  	[dreg:$0x2] =	wrdreg s24  }
0xaf: {  	[dreg:$0x3] =	wrdreg s2  }
0xb0: {  	[dreg:$0x4] =	wrdreg $0x9  }
0xb1: {  	_ =	task.clear_ibuf [dreg:s7], $0x5FFFF;
	_ =	strace $0x90000046  }
0xb2: {  	s29 =	simm.s32 $0x9;
	_ =	strace $0x80000048  }
0xb3: {  	_ =	swait.ge [sflag:s29], $0x1  }
0xb4: {  	[sflag:s29] =	ssyncadd.s32 $0xFFFFFFFF  }
0xb5: {  	_ =	strace $0x90000048  }
0xb6: {  	_ =	sfence  }
0xb7: {  	s30 =	sld [smem:$0x0];
	_ =	sdelay $0x2  }
0xb8: {  	s31 =	sshll.u32 s1, $0xD;
	s1 =	sshrl.u32 s1, $0x2  }
0xb9: {  	s3 =	sand.u32 $0x4000, s31;
	s1 =	sadd.s32 s1, s30  }
0xba: {  	s0 =	sor.u32 s3, s0;
	s1 =	sshll.u32 s1, $0x11  }
0xbb: {  	s0 =	sor.u32 s1, s0  }
0xbc: {  	s0 =	sadd.s32 $0x8F2B, s0  }
0xbd: {  	[sflag:s0] =	ssyncadd.remote.s32 $0x1  }
0xbe: {  	_ =	sfence.sel $0xFFFF  }
0xbf: {  	[dreg:$0x0] =	wrdreg $0xFFFFFFFF;
	(pc) =	sbr.abs _section_cstart, $3  }
0xc0: {  	[dreg:$0x1] =	wrdreg $0xFFFFFFFF  }
0xc1: {  	_ =	task.clear_ibuf [dreg:s7], $0x2FFFF;
	_ =	strace $0x9FFFFFFF  }
0xc2: {  	(tm) =	ssettm $0x7FFFFFFF  }
0xc3: {  	_ =	shalt  }
tec
execute0_lowered:
.L_overlay_start_1:
0x0: {  	(tag) =	ssettag $0x1  }
0x1: {  	v19 =	vlaneseq.u32;
	v0 =	vimm.s32 $0x14131211;
	v1 =	vimm.s32 $0x18171615  }
0x2: {  	v2 =	vimm.s32 $0x1C1B1A19;
	v3 =	vimm.s32 $0x1F1E1D;
	v4 =	vimm.s32 $0x15141312  }
0x3: {  	v50 =	vimm.s32 $0x19181716;
	vm0 =	vcmask $0x1F10;
	v51 =	vimm.s32 $0x1D1C1B1A  }
0x4: {  	v8 =	vimm.s32 $0x1001F1E;
	v52 =	vimm.s32 $0x16151413;
	v10 =	vimm.s32 $0x1A191817  }
0x5: {  	v53 =	vimm.s32 $0x1E1D1C1B;
	v55 =	vimm.s32 $0x201001F;
	v13 =	vimm.s32 $0x3020100  }
0x6: {  	v14 =	vimm.s32 $0x1F1E1D1C;
	v56 =	vimm.s32 $0x17161514;
	v58 =	vimm.s32 $0x1B1A1918  }
0x7: {  	v17 =	vimm.s32 $0x4030201;
	v18 =	vimm.s32 $0x5040302;
	v61 =	vimm.s32 $0x6050403  }
0x8: {  	v62 =	vimm.s32 $0x87654321;
	v63 =	vimm.s32 $0x76543210;
	v35 =	vimm.s32 $0x98765432  }
0x9: {  	v36 =	vimm.s32 $0x32107654;
	v41 =	vimm.s32 $0xA9876543;
	v42 =	vimm.s32 $0x43218765  }
0xa: {  	vm14 =	vcmask $0x2F10;
	vm15 =	vcmask $0x3F30;
	v32 =	vadd.s32 $0x1, v19  }
0xb: {  	v33 =	vadd.s32 $0x2, v19;
	v31 =	vadd.s32 $0x3, v19;
	v26 =	vadd.s32 $0x4, v19  }
0xc: {  	v27 =	vadd.s32 $0x5, v19;
	v23 =	vadd.s32 $0x9, v19;
	v25 =	vadd.s32 $0xA, v19  }
0xd: {  	v21 =	vadd.s32 $0xB, v19;
	v24 =	vadd.s32 $0xC, v19;
	v29 =	vadd.s32 $0x6, v19  }
0xe: {  	s0 =	rddreg [dreg:$0x0];
	s3 =	simm.s32 $0x0;
	v28 =	vadd.s32 $0x7, v19;
	v30 =	vadd.s32 $0xD, v19;
	v0 =	vunpack.c.0.s8.s32 v0  }
0xf: {  	[smem:$0x7FF] =	sst s3;
	v5 =	vunpack.c.0.s8.s32 v1;
	v6 =	vunpack.c.0.s8.s32 v2;
	v1 =	vunpack.c.0.s8.s32 v3  }
0x10: {  	s2 =	rddreg [dreg:$0x1];
	v22 =	vadd.s32 $0x8, v19;
	v39 =	vadd.s32 $0xE, v19;
	v4 =	vunpack.c.0.s8.s32 v4;
	_ =	strace $0x80000047;
	[tilespmem:$0x1FE20] =	vst v32  }
0x11: {  	v9 =	vunpack.c.0.s8.s32 v50;
	v11 =	vunpack.c.0.s8.s32 v51;
	v2 =	vunpack.c.0.s8.s32 v8;
	[tilespmem:$0x1FE30] =	vst v33  }
0x12: {  	v54 =	vunpack.c.0.s8.s32 v10;
	v15 =	vunpack.c.0.s8.s32 v53;
	v57 =	vunpack.c.0.s8.s32 v13;
	[tilespmem:$0x1FE40] =	vst v31  }
0x13: {  	v13 =	vunpack.c.0.s8.s32 v14;
	v16 =	vunpack.c.0.s8.s32 v56;
	v14 =	vunpack.c.0.s8.s32 v58;
	[tilespmem:$0x1FE50] =	vst v26  }
0x14: {  	v17 =	vunpack.c.0.s8.s32 v17;
	v18 =	vunpack.c.0.s8.s32 v18;
	v34 =	vunpack.c.l.s4.s8 v62;
	[tilespmem:$0x1FE60] =	vst v27  }
0x15: {  	v37 =	vunpack.c.l.s4.s8 v35;
	v38 =	vunpack.c.l.s4.s8 v36;
	v56 =	vimm.s32 $0xB0A0908;
	[tilespmem:$0x1FE70] =	vst v23  }
0x16: {  	v58 =	vimm.s32 $0x6543A987;
	[tilespmem:$0x1FE80] =	vst v25;
	v0 =	vsel vm0, v5, v0;
	v7 =	vsel vm0, v1, v6  }
0x17: {  	[tilespmem:$0x1FE90] =	vst v21;
	v4 =	vsel vm0, v9, v4;
	v12 =	vsel vm0, v2, v11;
	v10 =	vsel vm0, v57, v13  }
0x18: {  	[tilespmem:$0x1FEA0] =	vst v24;
	v16 =	vsel vm0, v14, v16;
	v59 =	vsel vm0, v17, v1;
	v5 =	vsel vm0, v6, v5  }
0x19: {  	[tilespmem:$0x1FEB0] =	vst v29;
	v60 =	vsel vm0, v18, v2;
	v9 =	vsel vm0, v11, v9;
	v6 =	vunpack.c.0.s8.s32 v61  }
0x1a: {  	[tilespmem:$0x1FEC0] =	vst v28;
	v8 =	vsel vm0, v15, v54;
	v40 =	vsel vm0, v13, v14;
	v57 =	vunpack.c.l.s4.s8 v41  }
0x1b: {  	[tilespmem:$0x1FED0] =	vst v30;
	v41 =	vor.u32 $0x10, v19;
	v43 =	vcombine.low v0, v7;
	v44 =	vcombine.low v4, v12  }
0x1c: {  	[tilespmem:$0x1FEE0] =	vst v22;
	v0 =	vunpack.c.0.s8.s32 v52;
	v45 =	vcombine.low v16, v10;
	v46 =	vcombine.low v5, v59  }
0x1d: {  	[tilespmem:$0x1FEF0] =	vst v39;
	v47 =	vcombine.low v9, v60;
	v5 =	vunpack.c.l.s4.s8 v63;
	v9 =	vunpack.c.0.s8.s32 v34  }
0x1e: {  	v10 =	vunpack.c.l.s4.s8 v58;
	v63 =	vimm.s32 $0xE0D0C0B;
	[tilespmem:$0x1FF90] =	vst v41;
	v4 =	vsel vm0, v54, v0  }
0x1f: {  	v0 =	vunpack.c.0.s8.s32 v55;
	v5 =	vunpack.c.0.s8.s32 v5;
	v9 =	vand.u32 $0xF, v9;
	[tilespmem:$0x1FF00] =	vst v43  }
0x20: {  	v55 =	vimm.s32 $0x54329876;
	v10 =	vunpack.c.0.s8.s32 v10;
	[tilespmem:$0x1FF10] =	vst v44;
	v51 =	vcombine.low v7, v9  }
0x21: {  	[tilespmem:$0x1FF20] =	vst v45;
	v9 =	vunpack.c.0.s8.s32 v57;
	v3 =	vsel vm0, v0, v15;
	v6 =	vsel vm0, v6, v0  }
0x22: {  	s1 =	srdreg.scid;
	s4 =	stileid.u32;
	[tilespmem:$0x1FF30] =	vst v46;
	v50 =	vcombine.low v40, v5;
	v5 =	vunpack.c.l.s4.s8 v42;
	v40 =	vadd.s32 $0xF, v19  }
0x23: {  	s10 =	simm.s32 $0x32;
	s11 =	simm.s32 $0xE00;
	s25 =	simm.s32 $0x5;
	[tilespmem:$0x1FF40] =	vst v47;
	v62 =	vand.u32 $0xF, v10;
	v48 =	vcombine.low v8, v6;
	v6 =	vunpack.c.0.s8.s32 v37  }
0x24: {  	s9 =	simm.s32 $0x700;
	s12 =	simm.s32 $0xD600;
	s30 =	simm.s32 $0xCE8;
	v8 =	vunpack.c.0.s8.s32 v38;
	v61 =	vand.u32 $0xF, v9;
	v9 =	vunpack.c.0.s8.s32 v63;
	[tilespmem:$0x1FF60] =	vst v40  }
0x25: {  	s31 =	simm.s32 $0x17EC0;
	s13 =	simm.s32 $0x18B40;
	s14 =	simm.s32 $0xD90;
	v0 =	vsel vm14, v62, v0;
	[tilespmem:$0x1FFA0] =	vst v51;
	v5 =	vunpack.c.0.s8.s32 v5;
	v6 =	vand.u32 $0xF, v6  }
0x26: {  	s15 =	simm.s32 $0x19180;
	s16 =	simm.s32 $0xDC8;
	s17 =	simm.s32 $0x197C0;
	[tilespmem:$0x1FF80] =	vst v50;
	v49 =	vand.u32 $0xF, v8;
	v0 =	vsel vm15, v9, v0;
	v54 =	vcombine.low v12, v6  }
0x27: {  	s18 =	simm.s32 $0x1;
	s19 =	simm.s32 $0x2;
	s20 =	simm.s32 $0x3;
	[tilespmem:$0x1FF50] =	vst v48;
	v6 =	vunpack.c.l.s4.s8 v55;
	v7 =	vsel vm14, v49, v13;
	v49 =	vcombine.low v4, v3  }
0x28: {  	s24 =	simm.s32 $0x0;
	s1 =	sand.u32 $0x1, s1;
	s4 =	sshll.u32 s4, $0xA;
	v59 =	vimm.s32 $0xC0B0A09;
	v8 =	vunpack.c.0.s8.s32 v56;
	[tilespmem:$0x1FE10] =	vst v0  }
0x29: {  	s6 =	sadd.s32 $0xF42E00, s0;
	s5 =	sshll.u32 s1, $0x9;
	s1 =	ssub.s32 $0x2, s1;
	v5 =	vand.u32 $0xF, v5;
	v55 =	vcombine.low v3, v61;
	v6 =	vunpack.c.0.s8.s32 v6;
	[tilespmem:$0x1FF70] =	vst v49  }
.Ltmp0:
0x2a: {  	s4 =	sor.u32 s5, s4;
	s7 =	sshrl.u32 s1, $0x1;
	v60 =	vimm.s32 $0xD0C0B0A;
	v1 =	vsel vm14, v5, v1;
	v5 =	vunpack.c.0.s8.s32 v59;
	[tilespmem:$0x1FFB0] =	vst v54;
	(pc) =	sbr.rel .LBB2_1-.Ltmp0, $4  }
0x2b: {  	s5 =	sadd.s32 $0xA00, s0;
	s8 =	smul.u32 $0x7, s4;
	s28 =	ssub.s32 s1, s7;
	v4 =	vunpack.c.0.s8.s32 v60;
	v58 =	vsel vm15, v8, v7;
	[tilespmem:$0x1FFC0] =	vst v55;
	v6 =	vand.u32 $0xF, v6  }
0x2c: {  	s22 =	sor.u32 $0x20, s4;
	s1 =	simm.s32 $0x18500;
	s0 =	smax.u32 s28, $0x1;
	[tilespmem:$0x1FFD0] =	vst v58;
	v59 =	vsel vm15, v5, v1;
	v2 =	vsel vm14, v6, v2  }
0x2d: {  	s7 =	simm.s32 $0xD58;
	s29 =	sadd.s32 s5, s8;
	[dreg:$0x4] =	wrdreg s0;
	[tilespmem:$0x1FFE0] =	vst v59;
	v62 =	vsel vm15, v4, v2  }
0x2e: {  	v20 =	vimm.s32 $0x0;
	s8 =	sor.u32 $0x40, s4;
	s0 =	simm.s32 $0xD20;
	[dreg:$0x3] =	wrdreg s29;
	[tilespmem:$0x1FFF0] =	vst v62  }
.LBB2_8:
0x2f: {  	s23 =	simm.s32 $0x4  }
0x30: {  	_ =	swait.ge [sflag:s23], $0xC800  }
0x31: {  	v32 =	vld [tilespmem:$0x1FE20]  }
0x32: {  	v33 =	vld [tilespmem:$0x1FE30]  }
0x33: {  	v31 =	vld [tilespmem:$0x1FE40]  }
0x34: {  	v26 =	vld [tilespmem:$0x1FE50]  }
0x35: {  	v27 =	vld [tilespmem:$0x1FE60]  }
0x36: {  	v23 =	vld [tilespmem:$0x1FE70]  }
0x37: {  	v25 =	vld [tilespmem:$0x1FE80]  }
0x38: {  	v21 =	vld [tilespmem:$0x1FE90]  }
0x39: {  	v24 =	vld [tilespmem:$0x1FEA0]  }
0x3a: {  	v29 =	vld [tilespmem:$0x1FEB0]  }
0x3b: {  	v28 =	vld [tilespmem:$0x1FEC0]  }
0x3c: {  	v30 =	vld [tilespmem:$0x1FED0]  }
0x3d: {  	v22 =	vld [tilespmem:$0x1FEE0]  }
0x3e: {  	v39 =	vld [tilespmem:$0x1FEF0]  }
0x3f: {  	v43 =	vld [tilespmem:$0x1FF00]  }
0x40: {  	v44 =	vld [tilespmem:$0x1FF10]  }
0x41: {  	s24 =	rddreg [dreg:$0x5];
	v45 =	vld [tilespmem:$0x1FF20]  }
0x42: {  	s21 =	rddreg [dreg:$0x4];
	v46 =	vld [tilespmem:$0x1FF30];
	s24 =	sadd.s32 $0x1, s24  }
0x43: {  	v47 =	vld [tilespmem:$0x1FF40];
	p0 =	sne.s32 s24, s21  }
.Ltmp1:
0x44: {  	v48 =	vld [tilespmem:$0x1FF50];
	(pc) =	sbr.rel @!p0 .LBB2_9-.Ltmp1, $4  }
0x45: {  	v50 =	vld [tilespmem:$0x1FF80]  }
0x46: {  	v40 =	vld [tilespmem:$0x1FF60]  }
0x47: {  	v19 =	vlaneseq.u32;
	v20 =	vimm.s32 $0x0;
	v51 =	vmov v5;
	[sflag:s23] =	ssyncset.done $0x0;
	v49 =	vld [tilespmem:$0x1FF70]  }
0x48: {  	v54 =	vmovc v7;
	v55 =	vmovc v6;
	v58 =	vmov v8;
	v59 =	vmov v9;
	v62 =	vmov v10;
	v41 =	vld [tilespmem:$0x1FF90];
	[sflag:s23] =	ssyncadd.s32 $0xFFFF3800  }
.LBB2_1:
0x49: {  	[dreg:$0x5] =	wrdreg s24  }
0x4a: {  	s21 =	rddreg [dreg:$0x3]  }
0x4b: {  	[tilespmem:s3], [sflag:$0x5] =	stream.linear.gather [hbm4b:s21+s3], $0x700, $0x38;
	[tilespmem:$0x19E00] =	vst v63  }
0x4c: {  	_ =	swait.ge [sflag:s25], $0x700  }
0x4d: {  	[sflag:s25] =	ssyncset.done $0x0  }
0x4e: {  	[sflag:s25] =	ssyncadd.s32 $0xFFFFF900  }
0x4f: {  	[tilespmem:s11], [sflag:$0x1] =	stream.indirect.gather [hbm4b:s6+s10], $0x20, s3, s10, $0xb8;
	[tilespmem:$0x19E00] =	vst v63  }
0x50: {  	s29 =	simm.s32 $0x38;
	s23 =	simm.s32 $0x1440  }
0x51: {  	[tilespmem:s23], [sflag:$0x1] =	stream.indirect.gather [hbm4b:s6+s10], $0x20, s29, s10, $0xb8;
	[tilespmem:$0x19E00] =	vst v63  }
0x52: {  	s24 =	simm.s32 $0x70;
	s26 =	simm.s32 $0x1A80  }
0x53: {  	[tilespmem:s26], [sflag:$0x1] =	stream.indirect.gather [hbm4b:s6+s10], $0x20, s24, s10, $0xb8;
	[tilespmem:$0x19E00] =	vst v63  }
0x54: {  	s28 =	simm.s32 $0xA8;
	s29 =	simm.s32 $0x20C0  }
0x55: {  	[tilespmem:s29], [sflag:$0x1] =	stream.indirect.gather [hbm4b:s6+s10], $0x20, s28, s10, $0xb8;
	[tilespmem:$0x19E00] =	vst v63  }
0x56: {  	s24 =	simm.s32 $0xE0;
	s26 =	simm.s32 $0x2700  }
0x57: {  	[tilespmem:s26], [sflag:$0x1] =	stream.indirect.gather [hbm4b:s6+s10], $0x20, s24, s10, $0xb8;
	[tilespmem:$0x19E00] =	vst v63  }
0x58: {  	s28 =	simm.s32 $0x118;
	s29 =	simm.s32 $0x2D40  }
0x59: {  	[tilespmem:s29], [sflag:$0x1] =	stream.indirect.gather [hbm4b:s6+s10], $0x20, s28, s10, $0xb8;
	[tilespmem:$0x19E00] =	vst v63  }
0x5a: {  	s24 =	simm.s32 $0x150;
	s26 =	simm.s32 $0x3380  }
0x5b: {  	[tilespmem:s26], [sflag:$0x1] =	stream.indirect.gather [hbm4b:s6+s10], $0x20, s24, s10, $0xb8;
	[tilespmem:$0x19E00] =	vst v63  }
0x5c: {  	s28 =	simm.s32 $0x188;
	s29 =	simm.s32 $0x39C0  }
0x5d: {  	[tilespmem:s29], [sflag:$0x1] =	stream.indirect.gather [hbm4b:s6+s10], $0x20, s28, s10, $0xb8;
	[tilespmem:$0x19E00] =	vst v63  }
0x5e: {  	s24 =	simm.s32 $0x1C0;
	s26 =	simm.s32 $0x4000  }
0x5f: {  	[tilespmem:s26], [sflag:$0x1] =	stream.indirect.gather [hbm4b:s6+s10], $0x20, s24, s10, $0xb8;
	[tilespmem:$0x19E00] =	vst v63  }
0x60: {  	s28 =	simm.s32 $0x1F8;
	s29 =	simm.s32 $0x4640  }
0x61: {  	[tilespmem:s29], [sflag:$0x1] =	stream.indirect.gather [hbm4b:s6+s10], $0x20, s28, s10, $0xb8;
	[tilespmem:$0x19E00] =	vst v63  }
0x62: {  	s24 =	simm.s32 $0x230;
	s26 =	simm.s32 $0x4C80  }
0x63: {  	[tilespmem:s26], [sflag:$0x1] =	stream.indirect.gather [hbm4b:s6+s10], $0x20, s24, s10, $0xb8;
	[tilespmem:$0x19E00] =	vst v63  }
0x64: {  	s28 =	simm.s32 $0x268;
	s29 =	simm.s32 $0x52C0  }
0x65: {  	[tilespmem:s29], [sflag:$0x1] =	stream.indirect.gather [hbm4b:s6+s10], $0x20, s28, s10, $0xb8;
	[tilespmem:$0x19E00] =	vst v63  }
0x66: {  	s24 =	simm.s32 $0x2A0;
	s26 =	simm.s32 $0x5900  }
0x67: {  	[tilespmem:s26], [sflag:$0x1] =	stream.indirect.gather [hbm4b:s6+s10], $0x20, s24, s10, $0xb8;
	[tilespmem:$0x19E00] =	vst v63  }
0x68: {  	s28 =	simm.s32 $0x2D8;
	s29 =	simm.s32 $0x5F40  }
0x69: {  	[tilespmem:s29], [sflag:$0x1] =	stream.indirect.gather [hbm4b:s6+s10], $0x20, s28, s10, $0xb8;
	[tilespmem:$0x19E00] =	vst v63  }
0x6a: {  	s24 =	simm.s32 $0x310;
	s26 =	simm.s32 $0x6580  }
0x6b: {  	[tilespmem:s26], [sflag:$0x1] =	stream.indirect.gather [hbm4b:s6+s10], $0x20, s24, s10, $0xb8;
	[tilespmem:$0x19E00] =	vst v63  }
0x6c: {  	s28 =	simm.s32 $0x348;
	s29 =	simm.s32 $0x6BC0  }
0x6d: {  	[tilespmem:s29], [sflag:$0x1] =	stream.indirect.gather [hbm4b:s6+s10], $0x20, s28, s10, $0xb8;
	[tilespmem:$0x19E00] =	vst v63  }
0x6e: {  	s24 =	simm.s32 $0x380;
	s26 =	simm.s32 $0x7200  }
0x6f: {  	[tilespmem:s26], [sflag:$0x1] =	stream.indirect.gather [hbm4b:s6+s10], $0x20, s24, s10, $0xb8;
	[tilespmem:$0x19E00] =	vst v63  }
0x70: {  	s28 =	simm.s32 $0x3B8;
	s29 =	simm.s32 $0x7840  }
0x71: {  	[tilespmem:s29], [sflag:$0x1] =	stream.indirect.gather [hbm4b:s6+s10], $0x20, s28, s10, $0xb8;
	[tilespmem:$0x19E00] =	vst v63  }
0x72: {  	s24 =	simm.s32 $0x3F0;
	s26 =	simm.s32 $0x7E80  }
0x73: {  	[tilespmem:s26], [sflag:$0x1] =	stream.indirect.gather [hbm4b:s6+s10], $0x20, s24, s10, $0xb8;
	[tilespmem:$0x19E00] =	vst v63  }
0x74: {  	s28 =	simm.s32 $0x428;
	s29 =	simm.s32 $0x84C0  }
0x75: {  	[tilespmem:s29], [sflag:$0x1] =	stream.indirect.gather [hbm4b:s6+s10], $0x20, s28, s10, $0xb8;
	[tilespmem:$0x19E00] =	vst v63  }
0x76: {  	s24 =	simm.s32 $0x460;
	s26 =	simm.s32 $0x8B00  }
0x77: {  	[tilespmem:s26], [sflag:$0x1] =	stream.indirect.gather [hbm4b:s6+s10], $0x20, s24, s10, $0xb8;
	[tilespmem:$0x19E00] =	vst v63  }
0x78: {  	s28 =	simm.s32 $0x498;
	s29 =	simm.s32 $0x9140  }
0x79: {  	[tilespmem:s29], [sflag:$0x1] =	stream.indirect.gather [hbm4b:s6+s10], $0x20, s28, s10, $0xb8;
	[tilespmem:$0x19E00] =	vst v63  }
0x7a: {  	s24 =	simm.s32 $0x4D0;
	s26 =	simm.s32 $0x9780  }
0x7b: {  	[tilespmem:s26], [sflag:$0x1] =	stream.indirect.gather [hbm4b:s6+s10], $0x20, s24, s10, $0xb8;
	[tilespmem:$0x19E00] =	vst v63  }
0x7c: {  	s28 =	simm.s32 $0x508;
	s29 =	simm.s32 $0x9DC0  }
0x7d: {  	[tilespmem:s29], [sflag:$0x1] =	stream.indirect.gather [hbm4b:s6+s10], $0x20, s28, s10, $0xb8;
	[tilespmem:$0x19E00] =	vst v63  }
0x7e: {  	s24 =	simm.s32 $0x540;
	s26 =	simm.s32 $0xA400  }
0x7f: {  	[tilespmem:s26], [sflag:$0x1] =	stream.indirect.gather [hbm4b:s6+s10], $0x20, s24, s10, $0xb8;
	[tilespmem:$0x19E00] =	vst v63  }
0x80: {  	s28 =	simm.s32 $0x578;
	s29 =	simm.s32 $0xAA40  }
0x81: {  	[tilespmem:s29], [sflag:$0x1] =	stream.indirect.gather [hbm4b:s6+s10], $0x20, s28, s10, $0xb8;
	[tilespmem:$0x19E00] =	vst v63  }
0x82: {  	s24 =	simm.s32 $0x5B0;
	s26 =	simm.s32 $0xB080  }
0x83: {  	[tilespmem:s26], [sflag:$0x1] =	stream.indirect.gather [hbm4b:s6+s10], $0x20, s24, s10, $0xb8;
	[tilespmem:$0x19E00] =	vst v63  }
0x84: {  	s28 =	simm.s32 $0x5E8;
	s29 =	simm.s32 $0xB6C0  }
0x85: {  	[tilespmem:s29], [sflag:$0x1] =	stream.indirect.gather [hbm4b:s6+s10], $0x20, s28, s10, $0xb8;
	[tilespmem:$0x19E00] =	vst v63  }
0x86: {  	s24 =	simm.s32 $0x620;
	s26 =	simm.s32 $0xBD00  }
0x87: {  	[tilespmem:s26], [sflag:$0x1] =	stream.indirect.gather [hbm4b:s6+s10], $0x20, s24, s10, $0xb8;
	[tilespmem:$0x19E00] =	vst v63  }
0x88: {  	s28 =	simm.s32 $0x658;
	s29 =	simm.s32 $0xC340  }
0x89: {  	[tilespmem:s29], [sflag:$0x1] =	stream.indirect.gather [hbm4b:s6+s10], $0x20, s28, s10, $0xb8;
	[tilespmem:$0x19E00] =	vst v63  }
0x8a: {  	s24 =	simm.s32 $0x690;
	s26 =	simm.s32 $0xC980  }
0x8b: {  	[tilespmem:s26], [sflag:$0x1] =	stream.indirect.gather [hbm4b:s6+s10], $0x20, s24, s10, $0xb8;
	[tilespmem:$0x19E00] =	vst v63  }
0x8c: {  	s21 =	simm.s32 $0x0;
	s28 =	simm.s32 $0x6C8;
	s29 =	simm.s32 $0xCFC0  }
0x8d: {  	[tilespmem:s29], [sflag:$0x1] =	stream.indirect.gather [hbm4b:s6+s10], $0x20, s28, s10, $0xb8;
	[tilespmem:$0x19E00] =	vst v63  }
.LBB2_2:
0x8e: {  	s23 =	sshll.u32 s21, $0x6;
	p0 =	seq.s32 s21, $0x0  }
0x8f: {  	s26 =	simm.s32 @!p0 $0x4;
	s24 =	sor.u32 s22, s23  }
0x90: {  	_ =	swait.ge @!p0 [sflag:s26], $0xC800;
	s28 =	smul.u32 $0x7, s24  }
0x91: {  	[sflag:s26] =	ssyncset.done @!p0 $0x0  }
0x92: {  	[sflag:s26] =	ssyncadd.s32 @!p0 $0xFFFF3800;
	s28 =	sadd.s32 s5, s28;
	s26 =	simm.s32 $0x0  }
0x93: {  	[tilespmem:s9], [sflag:$0x5] =	stream.linear.gather [hbm4b:s28+s26], $0x700, $0x38;
	[tilespmem:$0x19E00] =	vst v63  }
0x94: {  	_ =	swait.ge [sflag:s25], $0x700  }
0x95: {  	[sflag:s25] =	ssyncset.done $0x0  }
0x96: {  	[sflag:s25] =	ssyncadd.s32 $0xFFFFF900  }
0x97: {  	[tilespmem:s12], [sflag:$0x2] =	stream.indirect.gather [hbm4b:s6+s10], $0x20, s9, s10, $0xb8;
	[tilespmem:$0x19E00] =	vst v63  }
0x98: {  	s29 =	simm.s32 $0xDC40;
	s28 =	simm.s32 $0x738  }
0x99: {  	[tilespmem:s29], [sflag:$0x2] =	stream.indirect.gather [hbm4b:s6+s10], $0x20, s28, s10, $0xb8;
	[tilespmem:$0x19E00] =	vst v63  }
0x9a: {  	s28 =	simm.s32 $0x770;
	s29 =	simm.s32 $0xE280  }
0x9b: {  	[tilespmem:s29], [sflag:$0x2] =	stream.indirect.gather [hbm4b:s6+s10], $0x20, s28, s10, $0xb8;
	[tilespmem:$0x19E00] =	vst v63  }
0x9c: {  	s28 =	simm.s32 $0x7A8;
	s29 =	simm.s32 $0xE8C0  }
0x9d: {  	[tilespmem:s29], [sflag:$0x2] =	stream.indirect.gather [hbm4b:s6+s10], $0x20, s28, s10, $0xb8;
	[tilespmem:$0x19E00] =	vst v63  }
0x9e: {  	s28 =	simm.s32 $0x7E0;
	s29 =	simm.s32 $0xEF00  }
0x9f: {  	[tilespmem:s29], [sflag:$0x2] =	stream.indirect.gather [hbm4b:s6+s10], $0x20, s28, s10, $0xb8;
	[tilespmem:$0x19E00] =	vst v63  }
0xa0: {  	s28 =	simm.s32 $0x818;
	s29 =	simm.s32 $0xF540  }
0xa1: {  	[tilespmem:s29], [sflag:$0x2] =	stream.indirect.gather [hbm4b:s6+s10], $0x20, s28, s10, $0xb8;
	[tilespmem:$0x19E00] =	vst v63  }
0xa2: {  	s28 =	simm.s32 $0x850;
	s29 =	simm.s32 $0xFB80  }
0xa3: {  	[tilespmem:s29], [sflag:$0x2] =	stream.indirect.gather [hbm4b:s6+s10], $0x20, s28, s10, $0xb8;
	[tilespmem:$0x19E00] =	vst v63  }
0xa4: {  	s28 =	simm.s32 $0x888;
	s29 =	simm.s32 $0x101C0  }
0xa5: {  	[tilespmem:s29], [sflag:$0x2] =	stream.indirect.gather [hbm4b:s6+s10], $0x20, s28, s10, $0xb8;
	[tilespmem:$0x19E00] =	vst v63  }
0xa6: {  	s28 =	simm.s32 $0x8C0;
	s29 =	simm.s32 $0x10800  }
0xa7: {  	[tilespmem:s29], [sflag:$0x2] =	stream.indirect.gather [hbm4b:s6+s10], $0x20, s28, s10, $0xb8;
	[tilespmem:$0x19E00] =	vst v63  }
0xa8: {  	s28 =	simm.s32 $0x8F8;
	s29 =	simm.s32 $0x10E40  }
0xa9: {  	[tilespmem:s29], [sflag:$0x2] =	stream.indirect.gather [hbm4b:s6+s10], $0x20, s28, s10, $0xb8;
	[tilespmem:$0x19E00] =	vst v63  }
0xaa: {  	s28 =	simm.s32 $0x930;
	s29 =	simm.s32 $0x11480  }
0xab: {  	[tilespmem:s29], [sflag:$0x2] =	stream.indirect.gather [hbm4b:s6+s10], $0x20, s28, s10, $0xb8;
	[tilespmem:$0x19E00] =	vst v63  }
0xac: {  	s28 =	simm.s32 $0x968;
	s29 =	simm.s32 $0x11AC0  }
0xad: {  	[tilespmem:s29], [sflag:$0x2] =	stream.indirect.gather [hbm4b:s6+s10], $0x20, s28, s10, $0xb8;
	[tilespmem:$0x19E00] =	vst v63  }
0xae: {  	s28 =	simm.s32 $0x9A0;
	s29 =	simm.s32 $0x12100  }
0xaf: {  	[tilespmem:s29], [sflag:$0x2] =	stream.indirect.gather [hbm4b:s6+s10], $0x20, s28, s10, $0xb8;
	[tilespmem:$0x19E00] =	vst v63  }
0xb0: {  	s28 =	simm.s32 $0x9D8;
	s29 =	simm.s32 $0x12740  }
0xb1: {  	[tilespmem:s29], [sflag:$0x2] =	stream.indirect.gather [hbm4b:s6+s10], $0x20, s28, s10, $0xb8;
	[tilespmem:$0x19E00] =	vst v63  }
0xb2: {  	s28 =	simm.s32 $0xA10;
	s29 =	simm.s32 $0x12D80  }
0xb3: {  	[tilespmem:s29], [sflag:$0x2] =	stream.indirect.gather [hbm4b:s6+s10], $0x20, s28, s10, $0xb8;
	[tilespmem:$0x19E00] =	vst v63  }
0xb4: {  	s28 =	simm.s32 $0xA48;
	s29 =	simm.s32 $0x133C0  }
0xb5: {  	[tilespmem:s29], [sflag:$0x2] =	stream.indirect.gather [hbm4b:s6+s10], $0x20, s28, s10, $0xb8;
	[tilespmem:$0x19E00] =	vst v63  }
0xb6: {  	s28 =	simm.s32 $0xA80;
	s29 =	simm.s32 $0x13A00  }
0xb7: {  	[tilespmem:s29], [sflag:$0x2] =	stream.indirect.gather [hbm4b:s6+s10], $0x20, s28, s10, $0xb8;
	[tilespmem:$0x19E00] =	vst v63  }
0xb8: {  	s28 =	simm.s32 $0xAB8;
	s29 =	simm.s32 $0x14040  }
0xb9: {  	[tilespmem:s29], [sflag:$0x2] =	stream.indirect.gather [hbm4b:s6+s10], $0x20, s28, s10, $0xb8;
	[tilespmem:$0x19E00] =	vst v63  }
0xba: {  	s28 =	simm.s32 $0xAF0;
	s29 =	simm.s32 $0x14680  }
0xbb: {  	[tilespmem:s29], [sflag:$0x2] =	stream.indirect.gather [hbm4b:s6+s10], $0x20, s28, s10, $0xb8;
	[tilespmem:$0x19E00] =	vst v63  }
0xbc: {  	s28 =	simm.s32 $0xB28;
	s29 =	simm.s32 $0x14CC0  }
0xbd: {  	[tilespmem:s29], [sflag:$0x2] =	stream.indirect.gather [hbm4b:s6+s10], $0x20, s28, s10, $0xb8;
	[tilespmem:$0x19E00] =	vst v63  }
0xbe: {  	s28 =	simm.s32 $0xB60;
	s29 =	simm.s32 $0x15300  }
0xbf: {  	[tilespmem:s29], [sflag:$0x2] =	stream.indirect.gather [hbm4b:s6+s10], $0x20, s28, s10, $0xb8;
	[tilespmem:$0x19E00] =	vst v63  }
0xc0: {  	s28 =	simm.s32 $0xB98;
	s29 =	simm.s32 $0x15940  }
0xc1: {  	[tilespmem:s29], [sflag:$0x2] =	stream.indirect.gather [hbm4b:s6+s10], $0x20, s28, s10, $0xb8;
	[tilespmem:$0x19E00] =	vst v63  }
0xc2: {  	s28 =	simm.s32 $0xBD0;
	s29 =	simm.s32 $0x15F80  }
0xc3: {  	[tilespmem:s29], [sflag:$0x2] =	stream.indirect.gather [hbm4b:s6+s10], $0x20, s28, s10, $0xb8;
	[tilespmem:$0x19E00] =	vst v63  }
0xc4: {  	s28 =	simm.s32 $0xC08;
	s29 =	simm.s32 $0x165C0  }
0xc5: {  	[tilespmem:s29], [sflag:$0x2] =	stream.indirect.gather [hbm4b:s6+s10], $0x20, s28, s10, $0xb8;
	[tilespmem:$0x19E00] =	vst v63  }
0xc6: {  	s28 =	simm.s32 $0xC40;
	s29 =	simm.s32 $0x16C00  }
0xc7: {  	[tilespmem:s29], [sflag:$0x2] =	stream.indirect.gather [hbm4b:s6+s10], $0x20, s28, s10, $0xb8;
	[tilespmem:$0x19E00] =	vst v63  }
0xc8: {  	s28 =	simm.s32 $0xC78;
	s29 =	simm.s32 $0x17240  }
0xc9: {  	[tilespmem:s29], [sflag:$0x2] =	stream.indirect.gather [hbm4b:s6+s10], $0x20, s28, s10, $0xb8;
	[tilespmem:$0x19E00] =	vst v63  }
0xca: {  	s28 =	simm.s32 $0x17880;
	s29 =	simm.s32 $0xCB0  }
0xcb: {  	[tilespmem:s28], [sflag:$0x2] =	stream.indirect.gather [hbm4b:s6+s10], $0x20, s29, s10, $0xb8;
	[tilespmem:$0x19E00] =	vst v63  }
0xcc: {  	_ = 	snop  }
0xcd: {  	[tilespmem:s31], [sflag:$0x2] =	stream.indirect.gather [hbm4b:s6+s10], $0x20, s30, s10, $0xb8;
	[tilespmem:$0x19E00] =	vst v63  }
0xce: {  	_ = 	snop  }
0xcf: {  	[tilespmem:s1], [sflag:$0x2] =	stream.indirect.gather [hbm4b:s6+s10], $0x20, s0, s10, $0xb8;
	[tilespmem:$0x19E00] =	vst v63  }
0xd0: {  	_ = 	snop  }
0xd1: {  	[tilespmem:s13], [sflag:$0x2] =	stream.indirect.gather [hbm4b:s6+s10], $0x20, s7, s10, $0xb8;
	[tilespmem:$0x19E00] =	vst v63  }
0xd2: {  	_ = 	snop  }
0xd3: {  	[tilespmem:s15], [sflag:$0x2] =	stream.indirect.gather [hbm4b:s6+s10], $0x20, s14, s10, $0xb8;
	[tilespmem:$0x19E00] =	vst v63  }
0xd4: {  	_ = 	snop  }
0xd5: {  	[tilespmem:s17], [sflag:$0x2] =	stream.indirect.gather [hbm4b:s6+s10], $0x20, s16, s10, $0xb8;
	[tilespmem:$0x19E00] =	vst v63  }
0xd6: {  	_ =	swait.ge [sflag:s18], $0x640  }
0xd7: {  	[sflag:s18] =	ssyncset.done $0x0  }
0xd8: {  	[sflag:s18] =	ssyncadd.s32 $0xFFFFF9C0  }
0xd9: {  	_ =	swait.ge [sflag:s18], $0x640  }
0xda: {  	[sflag:s18] =	ssyncset.done $0x0  }
0xdb: {  	[sflag:s18] =	ssyncadd.s32 $0xFFFFF9C0  }
0xdc: {  	_ =	swait.ge [sflag:s18], $0x640  }
0xdd: {  	[sflag:s18] =	ssyncset.done $0x0  }
0xde: {  	[sflag:s18] =	ssyncadd.s32 $0xFFFFF9C0  }
0xdf: {  	_ =	swait.ge [sflag:s18], $0x640  }
0xe0: {  	[sflag:s18] =	ssyncset.done $0x0  }
0xe1: {  	[sflag:s18] =	ssyncadd.s32 $0xFFFFF9C0  }
0xe2: {  	_ =	swait.ge [sflag:s18], $0x640  }
0xe3: {  	[sflag:s18] =	ssyncset.done $0x0  }
0xe4: {  	[sflag:s18] =	ssyncadd.s32 $0xFFFFF9C0  }
0xe5: {  	_ =	swait.ge [sflag:s18], $0x640  }
0xe6: {  	[sflag:s18] =	ssyncset.done $0x0  }
0xe7: {  	[sflag:s18] =	ssyncadd.s32 $0xFFFFF9C0  }
0xe8: {  	_ =	swait.ge [sflag:s18], $0x640  }
0xe9: {  	[sflag:s18] =	ssyncset.done $0x0  }
0xea: {  	[sflag:s18] =	ssyncadd.s32 $0xFFFFF9C0  }
0xeb: {  	_ =	swait.ge [sflag:s18], $0x640  }
0xec: {  	[sflag:s18] =	ssyncset.done $0x0  }
0xed: {  	[sflag:s18] =	ssyncadd.s32 $0xFFFFF9C0  }
0xee: {  	_ =	swait.ge [sflag:s18], $0x640  }
0xef: {  	[sflag:s18] =	ssyncset.done $0x0  }
0xf0: {  	[sflag:s18] =	ssyncadd.s32 $0xFFFFF9C0  }
0xf1: {  	_ =	swait.ge [sflag:s18], $0x640  }
0xf2: {  	[sflag:s18] =	ssyncset.done $0x0  }
0xf3: {  	[sflag:s18] =	ssyncadd.s32 $0xFFFFF9C0  }
0xf4: {  	_ =	swait.ge [sflag:s18], $0x640  }
0xf5: {  	[sflag:s18] =	ssyncset.done $0x0  }
0xf6: {  	[sflag:s18] =	ssyncadd.s32 $0xFFFFF9C0  }
0xf7: {  	_ =	swait.ge [sflag:s18], $0x640  }
0xf8: {  	[sflag:s18] =	ssyncset.done $0x0  }
0xf9: {  	[sflag:s18] =	ssyncadd.s32 $0xFFFFF9C0  }
0xfa: {  	_ =	swait.ge [sflag:s18], $0x640  }
0xfb: {  	[sflag:s18] =	ssyncset.done $0x0  }
0xfc: {  	[sflag:s18] =	ssyncadd.s32 $0xFFFFF9C0  }
0xfd: {  	_ =	swait.ge [sflag:s18], $0x640  }
0xfe: {  	[sflag:s18] =	ssyncset.done $0x0  }
0xff: {  	[sflag:s18] =	ssyncadd.s32 $0xFFFFF9C0  }
0x100: {  	_ =	swait.ge [sflag:s18], $0x640  }
0x101: {  	[sflag:s18] =	ssyncset.done $0x0  }
0x102: {  	[sflag:s18] =	ssyncadd.s32 $0xFFFFF9C0  }
0x103: {  	_ =	swait.ge [sflag:s18], $0x640  }
0x104: {  	[sflag:s18] =	ssyncset.done $0x0  }
0x105: {  	[sflag:s18] =	ssyncadd.s32 $0xFFFFF9C0  }
0x106: {  	_ =	swait.ge [sflag:s18], $0x640  }
0x107: {  	[sflag:s18] =	ssyncset.done $0x0  }
0x108: {  	[sflag:s18] =	ssyncadd.s32 $0xFFFFF9C0  }
0x109: {  	_ =	swait.ge [sflag:s18], $0x640  }
0x10a: {  	[sflag:s18] =	ssyncset.done $0x0  }
0x10b: {  	[sflag:s18] =	ssyncadd.s32 $0xFFFFF9C0  }
0x10c: {  	_ =	swait.ge [sflag:s18], $0x640  }
0x10d: {  	[sflag:s18] =	ssyncset.done $0x0  }
0x10e: {  	[sflag:s18] =	ssyncadd.s32 $0xFFFFF9C0  }
0x10f: {  	_ =	swait.ge [sflag:s18], $0x640  }
0x110: {  	[sflag:s18] =	ssyncset.done $0x0  }
0x111: {  	[sflag:s18] =	ssyncadd.s32 $0xFFFFF9C0  }
0x112: {  	_ =	swait.ge [sflag:s18], $0x640  }
0x113: {  	[sflag:s18] =	ssyncset.done $0x0  }
0x114: {  	[sflag:s18] =	ssyncadd.s32 $0xFFFFF9C0  }
0x115: {  	_ =	swait.ge [sflag:s18], $0x640  }
0x116: {  	[sflag:s18] =	ssyncset.done $0x0  }
0x117: {  	[sflag:s18] =	ssyncadd.s32 $0xFFFFF9C0  }
0x118: {  	_ =	swait.ge [sflag:s18], $0x640  }
0x119: {  	[sflag:s18] =	ssyncset.done $0x0  }
0x11a: {  	[sflag:s18] =	ssyncadd.s32 $0xFFFFF9C0  }
0x11b: {  	_ =	swait.ge [sflag:s18], $0x640  }
0x11c: {  	[sflag:s18] =	ssyncset.done $0x0  }
0x11d: {  	[sflag:s18] =	ssyncadd.s32 $0xFFFFF9C0  }
0x11e: {  	_ =	swait.ge [sflag:s18], $0x640  }
0x11f: {  	[sflag:s18] =	ssyncset.done $0x0  }
0x120: {  	[sflag:s18] =	ssyncadd.s32 $0xFFFFF9C0  }
0x121: {  	v0 =	vor.u32 s26, v19;
	_ =	swait.ge [sflag:s18], $0x640  }
0x122: {  	v1 =	vmulhi.u32 $0x51EB851F, v0;
	[sflag:s18] =	ssyncset.done $0x0  }
0x123: {  	[sflag:s18] =	ssyncadd.s32 $0xFFFFF9C0  }
0x124: {  	v1 =	vshrl.u32 v1, $0x4;
	_ =	swait.ge [sflag:s18], $0x640  }
0x125: {  	v2 =	vmul.u32 $0xFFFFFFCE, v1;
	[sflag:s18] =	ssyncset.done $0x0  }
0x126: {  	v3 =	vmov s26;
	v4 =	vsub.s32 $0x0, v0;
	[sflag:s18] =	ssyncadd.s32 $0xFFFFF9C0  }
0x127: {  	vm0 =	veq.s32 v3, v19;
	vm1 =	vne.s32 v2, v4;
	_ =	swait.ge [sflag:s18], $0x640  }
0x128: {  	vm0 =	vmand vm0, vm1;
	[sflag:s18] =	ssyncset.done $0x0  }
0x129: {  	v2 =	vsel vm0, $0xFFFFFFFF, v20;
	[sflag:s18] =	ssyncadd.s32 $0xFFFFF9C0  }
0x12a: {  	v1 =	vadd.s32 v2, v1;
	_ =	swait.ge [sflag:s18], $0x640  }
0x12b: {  	v2 =	vmul.u32 $0x7FFFFCE, v1;
	[sflag:s18] =	ssyncset.done $0x0  }
0x12c: {  	[sflag:s18] =	ssyncadd.s32 $0xFFFFF9C0  }
0x12d: {  	v1 =	vmul.u32 $0x640, v1;
	v0 =	vadd.s32 v0, v2;
	_ =	swait.ge [sflag:s18], $0x640  }
0x12e: {  	v0 =	vshll.u32 v0, $0x5;
	[sflag:s18] =	ssyncset.done $0x0  }
0x12f: {  	v35 =	vadd.s32 v1, v0;
	[sflag:s18] =	ssyncadd.s32 $0xFFFFF9C0  }
0x130: {  	v0 =	vor.u32 v19, v35;
	_ =	swait.ge [sflag:s18], $0x640  }
0x131: {  	v1 =	vor.u32 v32, v35;
	[sflag:s18] =	ssyncset.done $0x0;
	[tilespmem:$0x1FDD0] =	vst v0  }
0x132: {  	[tilespmem:$0x1FDE0] =	vst v1;
	[sflag:s18] =	ssyncadd.s32 $0xFFFFF9C0  }
0x133: {  	_ =	swait.ge [sflag:s18], $0x640  }
0x134: {  	v2 =	vor.u32 v33, v35;
	[sflag:s18] =	ssyncset.done $0x0  }
0x135: {  	[sflag:s18] =	ssyncadd.s32 $0xFFFFF9C0  }
0x136: {  	v63 =	vor.u32 v31, v35;
	v3 =	vld.idx.msk [tilespmem:v0+s11+$0x0], $0xffff  }
0x137: {  	v11 =	vld.idx.msk [tilespmem:v1+s11+$0x0], $0xffff  }
0x138: {  	v5 =	vor.u32 v26, v35  }
0x139: {  	v12 =	vld.idx.msk [tilespmem:v2+s11+$0x0], $0xffff  }
0x13a: {  	v6 =	vor.u32 v27, v35  }
0x13b: {  	v13 =	vld.idx.msk [tilespmem:v63+s11+$0x0], $0xffff  }
0x13c: {  	v7 =	vor.u32 v29, v35;
	v9 =	vmul.f32 v3, v3;
	v10 =	vmul.f32 v11, v11  }
0x13d: {  	v15 =	vld.idx.msk [tilespmem:v5+s11+$0x0], $0xffff  }
0x13e: {  	v8 =	vor.u32 v28, v35;
	v14 =	vmul.f32 v12, v12;
	v10 =	vadd.f32 v10, v9  }
0x13f: {  	v17 =	vld.idx.msk [tilespmem:v6+s11+$0x0], $0xffff  }
0x140: {  	v16 =	vmul.f32 v13, v13;
	v9 =	vor.u32 v22, v35;
	v14 =	vadd.f32 v14, v10  }
0x141: {  	v20 =	vld.idx.msk [tilespmem:v7+s11+$0x0], $0xffff  }
0x142: {  	v18 =	vmul.f32 v15, v15;
	v10 =	vor.u32 v23, v35;
	v16 =	vadd.f32 v16, v14  }
0x143: {  	v23 =	vld.idx.msk [tilespmem:v8+s11+$0x0], $0xffff  }
0x144: {  	v4 =	vmul.f32 v17, v17;
	v14 =	vor.u32 v25, v35;
	v18 =	vadd.f32 v18, v16  }
0x145: {  	v25 =	vld.idx.msk [tilespmem:v9+s11+$0x0], $0xffff  }
0x146: {  	v26 =	vmul.f32 v20, v20;
	v16 =	vor.u32 v21, v35;
	v19 =	vadd.f32 v4, v18  }
0x147: {  	v29 =	vld.idx.msk [tilespmem:v10+s11+$0x0], $0xffff  }
0x148: {  	v28 =	vmul.f32 v23, v23;
	v18 =	vor.u32 v24, v35;
	v21 =	vadd.f32 v26, v19  }
0x149: {  	v32 =	vld.idx.msk [tilespmem:v14+s11+$0x0], $0xffff  }
0x14a: {  	v19 =	vor.u32 v30, v35;
	v33 =	vmul.f32 v25, v25;
	v22 =	vadd.f32 v28, v21  }
0x14b: {  	v38 =	vld.idx.msk [tilespmem:v16+s11+$0x0], $0xffff  }
0x14c: {  	v21 =	vor.u32 v39, v35;
	v34 =	vmul.f32 v29, v29;
	v24 =	vadd.f32 v33, v22  }
0x14d: {  	v39 =	vld.idx.msk [tilespmem:v18+s11+$0x0], $0xffff  }
0x14e: {  	v22 =	vor.u32 v40, v35;
	v37 =	vmul.f32 v32, v32;
	v26 =	vadd.f32 v34, v24  }
0x14f: {  	v40 =	vld.idx.msk [tilespmem:v19+s11+$0x0], $0xffff  }
0x150: {  	v24 =	vor.u32 v41, v35;
	v52 =	vmul.f32 v38, v38;
	v27 =	vadd.f32 v37, v26  }
0x151: {  	v41 =	vld.idx.msk [tilespmem:v21+s11+$0x0], $0xffff  }
0x152: {  	v26 =	vor.u32 v43, v35;
	v53 =	vmul.f32 v39, v39;
	v28 =	vadd.f32 v52, v27  }
0x153: {  	v42 =	vld.idx.msk [tilespmem:v22+s11+$0x0], $0xffff  }
0x154: {  	v27 =	vor.u32 v44, v35;
	v56 =	vmul.f32 v40, v40;
	v30 =	vadd.f32 v53, v28  }
0x155: {  	v43 =	vld.idx.msk [tilespmem:v24+s11+$0x0], $0xffff  }
0x156: {  	v28 =	vor.u32 v49, v35;
	v57 =	vmul.f32 v41, v41;
	v31 =	vadd.f32 v56, v30  }
0x157: {  	v44 =	vld.idx.msk [tilespmem:v26+s11+$0x0], $0xffff  }
0x158: {  	v30 =	vor.u32 v45, v35;
	v34 =	vmul.f32 v42, v42;
	v33 =	vadd.f32 v57, v31  }
0x159: {  	v45 =	vld.idx.msk [tilespmem:v27+s11+$0x0], $0xffff  }
0x15a: {  	v31 =	vor.u32 v46, v35;
	v36 =	vmul.f32 v43, v43;
	v34 =	vadd.f32 v34, v33  }
0x15b: {  	v46 =	vld.idx.msk [tilespmem:v28+s11+$0x0], $0xffff  }
0x15c: {  	v33 =	vor.u32 v47, v35;
	v37 =	vmul.f32 v44, v44;
	v36 =	vadd.f32 v36, v34  }
0x15d: {  	v47 =	vld.idx.msk [tilespmem:v30+s11+$0x0], $0xffff  }
0x15e: {  	v34 =	vor.u32 v48, v35;
	v60 =	vmul.f32 v45, v45;
	v36 =	vadd.f32 v37, v36  }
0x15f: {  	v49 =	vld.idx.msk [tilespmem:v31+s11+$0x0], $0xffff  }
0x160: {  	v50 =	vor.u32 v50, v35;
	v61 =	vmul.f32 v46, v46;
	v36 =	vadd.f32 v60, v36  }
0x161: {  	v48 =	vld.idx.msk [tilespmem:v33+s11+$0x0], $0xffff  }
0x162: {  	v51 =	vor.u32 v51, v35;
	v52 =	vmul.f32 v47, v47;
	v36 =	vadd.f32 v61, v36  }
0x163: {  	v53 =	vld.idx.msk [tilespmem:v34+s11+$0x0], $0xffff  }
0x164: {  	v54 =	vor.u32 v54, v35;
	[tilespmem:$0x1FE00] =	vst v63;
	v63 =	vmul.f32 v49, v49;
	v36 =	vadd.f32 v52, v36  }
0x165: {  	v52 =	vld.idx.msk [tilespmem:v50+s11+$0x0], $0xffff  }
0x166: {  	v55 =	vor.u32 v55, v35;
	v56 =	vmul.f32 v48, v48;
	v36 =	vadd.f32 v63, v36  }
0x167: {  	v57 =	vld.idx.msk [tilespmem:v51+s11+$0x0], $0xffff  }
0x168: {  	v58 =	vor.u32 v58, v35;
	v0 =	vld [tilespmem:$0x1FE10];
	v4 =	vmul.f32 v53, v53;
	v36 =	vadd.f32 v56, v36  }
0x169: {  	v56 =	vld.idx.msk [tilespmem:v54+s11+$0x0], $0xffff  }
0x16a: {  	v59 =	vor.u32 v59, v35;
	v60 =	vmul.f32 v52, v52;
	v37 =	vadd.f32 v4, v36  }
0x16b: {  	v61 =	vld.idx.msk [tilespmem:v55+s11+$0x0], $0xffff  }
0x16c: {  	v36 =	vor.u32 v62, v35;
	v62 =	vmul.f32 v57, v57;
	v60 =	vadd.f32 v60, v37  }
0x16d: {  	v63 =	vld.idx.msk [tilespmem:v58+s11+$0x0], $0xffff  }
0x16e: {  	v37 =	vor.u32 v0, v35;
	v4 =	vmul.f32 v56, v56;
	v60 =	vadd.f32 v62, v60  }
0x16f: {  	v62 =	vld.idx.msk [tilespmem:v59+s11+$0x0], $0xffff  }
0x170: {  	v35 =	vadd.f32 v4, v60;
	v4 =	vmul.f32 v61, v61  }
0x171: {  	v1 =	vld.idx.msk [tilespmem:v36+s11+$0x0], $0xffff  }
0x172: {  	v35 =	vadd.f32 v4, v35;
	v4 =	vmul.f32 v63, v63  }
0x173: {  	[tilespmem:$0x1FDF0] =	vst v2;
	v2 =	vld.idx.msk [tilespmem:v37+s11+$0x0], $0xffff  }
0x174: {  	v35 =	vadd.f32 v4, v35;
	v4 =	vmul.f32 v62, v62;
	_ =	sdelay $0x1  }
0x175: {  	v35 =	vadd.f32 v4, v35;
	v4 =	vmul.f32 v1, v1;
	_ =	sdelay $0x1  }
0x176: {  	v35 =	vadd.f32 v4, v35;
	v4 =	vmul.f32 v2, v2;
	_ =	sdelay $0x1  }
0x177: {  	v35 =	vadd.f32 v4, v35;
	_ =	sdelay $0x1  }
0x178: {  	v60 =	vshrl.u32 v35, $0x1;
	v0 =	vmul.f32 $5.000000000e-01, v35  }
0x179: {  	v60 =	vsub.s32 $0x5F3759DF, v60  }
0x17a: {  	v4 =	vmul.f32 v60, v0;
	_ =	sdelay $0x1  }
0x17b: {  	v4 =	vmul.f32 v60, v4;
	_ =	sdelay $0x1  }
0x17c: {  	v4 =	vsub.f32 $1.500000000e+00, v4;
	_ =	sdelay $0x1  }
0x17d: {  	v4 =	vmul.f32 v60, v4;
	_ =	sdelay $0x1  }
0x17e: {  	v60 =	vmul.f32 v4, v0;
	_ =	sdelay $0x1  }
0x17f: {  	v60 =	vmul.f32 v60, v4;
	_ =	sdelay $0x1  }
0x180: {  	v60 =	vsub.f32 $1.500000000e+00, v60;
	_ =	sdelay $0x1  }
0x181: {  	v4 =	vmul.f32 v60, v4;
	_ =	sdelay $0x1  }
0x182: {  	v0 =	vmul.f32 v4, v0;
	_ =	sdelay $0x1  }
0x183: {  	v0 =	vmul.f32 v0, v4;
	_ =	sdelay $0x1  }
0x184: {  	v0 =	vsub.f32 $1.500000000e+00, v0;
	_ =	sdelay $0x1  }
0x185: {  	v0 =	vmul.f32 v0, v4;
	_ =	sdelay $0x1  }
0x186: {  	v0 =	vmul.f32 v0, v35;
	_ =	sdelay $0x1  }
0x187: {  	v0 =	vadd.f32 $1.000000010e-07, v0;
	_ =	sdelay $0x1  }
0x188: {  	(erf) = vrcp.f32 v0;
	_ =	sdelay $0x4  }
0x189: {  	v60 =	vld [tilespmem:$0x1FDD0];
	_ =	sdelay $0x3  }
0x18a: {  	vm13 =	vgt.f32 v35, $1.000000000e+00;
	v0 =	vpop (erf)  }
0x18b: {  	v4 =	vnsel vm13, $0x3F800000, v0  }
0x18c: {  	v0 =	vmul.f32 v4, v3;
	_ =	sdelay $0x1  }
0x18d: {  	[tilespmem:v60+s11+$0x0] =	vst.idx.msk $0xffff, v0;
	v0 =	vmul.f32 v4, v12;
	v12 =	vld [tilespmem:$0x1FDE0];
	_ =	sdelay $0x5  }
0x18e: {  	v3 =	vmul.f32 v4, v11;
	_ =	sdelay $0x1  }
0x18f: {  	[tilespmem:v12+s11+$0x0] =	vst.idx.msk $0xffff, v3;
	v3 =	vmul.f32 v4, v13;
	v13 =	vld [tilespmem:$0x1FDF0];
	_ =	sdelay $0x7  }
0x190: {  	[tilespmem:v13+s11+$0x0] =	vst.idx.msk $0xffff, v0;
	v0 =	vmul.f32 v4, v15;
	v15 =	vld [tilespmem:$0x1FE00];
	_ =	sdelay $0x7  }
0x191: {  	[tilespmem:v15+s11+$0x0] =	vst.idx.msk $0xffff, v3;
	v3 =	vmul.f32 v4, v17  }
0x192: {  	[tilespmem:v5+s11+$0x0] =	vst.idx.msk $0xffff, v0;
	v0 =	vmul.f32 v4, v20  }
0x193: {  	[tilespmem:v6+s11+$0x0] =	vst.idx.msk $0xffff, v3;
	v3 =	vmul.f32 v4, v23  }
0x194: {  	[tilespmem:v7+s11+$0x0] =	vst.idx.msk $0xffff, v0;
	v0 =	vmul.f32 v4, v25  }
0x195: {  	[tilespmem:v8+s11+$0x0] =	vst.idx.msk $0xffff, v3;
	v3 =	vmul.f32 v4, v29  }
0x196: {  	[tilespmem:v9+s11+$0x0] =	vst.idx.msk $0xffff, v0;
	v0 =	vmul.f32 v4, v32  }
0x197: {  	[tilespmem:v10+s11+$0x0] =	vst.idx.msk $0xffff, v3;
	v3 =	vmul.f32 v4, v38  }
0x198: {  	[tilespmem:v14+s11+$0x0] =	vst.idx.msk $0xffff, v0;
	v0 =	vmul.f32 v4, v39  }
0x199: {  	[tilespmem:v16+s11+$0x0] =	vst.idx.msk $0xffff, v3;
	v3 =	vmul.f32 v4, v40  }
0x19a: {  	s29 =	simm.s32 $0x10;
	v29 =	vlaneseq.u32;
	[tilespmem:v18+s11+$0x0] =	vst.idx.msk $0xffff, v0;
	v0 =	vmul.f32 v4, v41  }
0x19b: {  	[tilespmem:v19+s11+$0x0] =	vst.idx.msk $0xffff, v3;
	v3 =	vor.u32 s29, v29  }
0x19c: {  	[tilespmem:v21+s11+$0x0] =	vst.idx.msk $0xffff, v0;
	v0 =	vmulhi.u32 $0x51EB851F, v3;
	_ =	sdelay $0x1  }
0x19d: {  	v0 =	vshrl.u32 v0, $0x4  }
0x19e: {  	v32 =	vmul.f32 v4, v42;
	v40 =	vmul.u32 $0xFFFFFFCE, v0  }
0x19f: {  	v39 =	vmul.f32 v4, v45;
	v45 =	vmov s29;
	v42 =	vsub.s32 $0x0, v3  }
0x1a0: {  	v38 =	vmul.f32 v4, v44;
	vm15 =	veq.s32 v45, v29;
	vm14 =	vne.s32 v40, v42  }
0x1a1: {  	v44 =	vmul.f32 v4, v49;
	v49 =	vimm.s32 $0x0;
	vm0 =	vmand vm15, vm14  }
0x1a2: {  	v6 =	vsel vm0, $0xFFFFFFFF, v49  }
0x1a3: {  	v35 =	vmul.f32 v4, v43;
	v0 =	vadd.s32 v6, v0  }
0x1a4: {  	[tilespmem:v22+s11+$0x0] =	vst.idx.msk $0xffff, v32;
	v6 =	vmul.u32 $0x7FFFFCE, v0  }
0x1a5: {  	[tilespmem:v24+s11+$0x0] =	vst.idx.msk $0xffff, v35  }
0x1a6: {  	v41 =	vmul.f32 v4, v46;
	[tilespmem:v26+s11+$0x0] =	vst.idx.msk $0xffff, v38;
	v0 =	vmul.u32 $0x640, v0;
	v3 =	vadd.s32 v3, v6  }
0x1a7: {  	v43 =	vmul.f32 v4, v47;
	[tilespmem:v27+s11+$0x0] =	vst.idx.msk $0xffff, v39;
	v3 =	vshll.u32 v3, $0x5  }
0x1a8: {  	[tilespmem:v28+s11+$0x0] =	vst.idx.msk $0xffff, v41;
	v38 =	vadd.s32 v0, v3;
	v0 =	vmul.f32 v4, v1;
	v1 =	vld [tilespmem:$0x1FE20]  }
0x1a9: {  	v47 =	vmul.f32 v4, v48;
	[tilespmem:v30+s11+$0x0] =	vst.idx.msk $0xffff, v43  }
0x1aa: {  	v48 =	vmul.f32 v4, v53;
	[tilespmem:v31+s11+$0x0] =	vst.idx.msk $0xffff, v44  }
0x1ab: {  	v52 =	vmul.f32 v4, v52;
	[tilespmem:v33+s11+$0x0] =	vst.idx.msk $0xffff, v47  }
0x1ac: {  	v53 =	vmul.f32 v4, v57;
	v57 =	vmul.f32 v4, v56;
	[tilespmem:v34+s11+$0x0] =	vst.idx.msk $0xffff, v48  }
0x1ad: {  	[tilespmem:v50+s11+$0x0] =	vst.idx.msk $0xffff, v52;
	v42 =	vor.u32 v1, v38;
	v1 =	vmul.f32 v4, v2;
	v2 =	vld [tilespmem:$0x1FE30]  }
0x1ae: {  	v60 =	vmul.f32 v4, v61;
	[tilespmem:v51+s11+$0x0] =	vst.idx.msk $0xffff, v53  }
0x1af: {  	v61 =	vmul.f32 v4, v63;
	[tilespmem:v54+s11+$0x0] =	vst.idx.msk $0xffff, v57  }
0x1b0: {  	v63 =	vmul.f32 v4, v62;
	[tilespmem:v55+s11+$0x0] =	vst.idx.msk $0xffff, v60  }
0x1b1: {  	v46 =	vlaneseq.u32;
	[tilespmem:v58+s11+$0x0] =	vst.idx.msk $0xffff, v61  }
0x1b2: {  	s26 =	simm.s32 $0x20;
	v34 =	vor.u32 v46, v38;
	[tilespmem:v59+s11+$0x0] =	vst.idx.msk $0xffff, v63;
	v35 =	vor.u32 v2, v38  }
.LBB2_3:
0x1b3: {  	[tilespmem:v36+s11+$0x0] =	vst.idx.msk $0xffff, v0;
	v0 =	vld [tilespmem:$0x1FE40];
	_ =	sdelay $0x4  }
0x1b4: {  	v2 =	vor.u32 v0, v38;
	v0 =	vld [tilespmem:$0x1FE50];
	_ =	sdelay $0x4  }
0x1b5: {  	[tilespmem:v37+s11+$0x0] =	vst.idx.msk $0xffff, v1;
	v1 =	vor.u32 v0, v38;
	v0 =	vld [tilespmem:$0x1FE60];
	_ =	sdelay $0x2  }
0x1b6: {  	v47 =	vld.idx.msk [tilespmem:v34+s11+$0x0], $0xffff  }
0x1b7: {  	v48 =	vld.idx.msk [tilespmem:v42+s11+$0x0], $0xffff  }
0x1b8: {  	v3 =	vor.u32 v0, v38;
	v0 =	vld [tilespmem:$0x1FEB0];
	_ =	sdelay $0x1  }
0x1b9: {  	v49 =	vld.idx.msk [tilespmem:v35+s11+$0x0], $0xffff  }
0x1ba: {  	[tilespmem:$0x1FD90] =	vst v2;
	v50 =	vld.idx.msk [tilespmem:v2+s11+$0x0], $0xffff  }
0x1bb: {  	v2 =	vld [tilespmem:$0x1FEC0];
	[tilespmem:$0x1FDA0] =	vst v1  }
0x1bc: {  	v52 =	vld.idx.msk [tilespmem:v1+s11+$0x0], $0xffff;
	v1 =	vmul.f32 v48, v48;
	v4 =	vor.u32 v0, v38;
	v0 =	vmul.f32 v47, v47;
	_ =	sdelay $0x1  }
0x1bd: {  	v0 =	vadd.f32 v1, v0;
	v1 =	vld [tilespmem:$0x1FEE0];
	_ =	sdelay $0x2  }
0x1be: {  	v43 =	vor.u32 v2, v38;
	v2 =	vmul.f32 v49, v49;
	_ =	sdelay $0x1  }
0x1bf: {  	v0 =	vadd.f32 v2, v0;
	v2 =	vld [tilespmem:$0x1FE70];
	v44 =	vor.u32 v1, v38;
	v1 =	vmul.f32 v50, v50  }
0x1c0: {  	v55 =	vld.idx.msk [tilespmem:v3+s11+$0x0], $0xffff  }
0x1c1: {  	v0 =	vadd.f32 v1, v0;
	v1 =	vld [tilespmem:$0x1FE80];
	_ =	sdelay $0x2  }
0x1c2: {  	v45 =	vor.u32 v2, v38;
	v2 =	vmul.f32 v52, v52;
	_ =	sdelay $0x1  }
0x1c3: {  	v57 =	vld.idx.msk [tilespmem:v4+s11+$0x0], $0xffff;
	v0 =	vadd.f32 v2, v0;
	v46 =	vor.u32 v1, v38;
	v1 =	vmul.f32 v55, v55  }
0x1c4: {  	v59 =	vld.idx.msk [tilespmem:v43+s11+$0x0], $0xffff  }
0x1c5: {  	v0 =	vadd.f32 v1, v0;
	v1 =	vld [tilespmem:$0x1FEA0]  }
0x1c6: {  	v2 =	vld [tilespmem:$0x1FE90];
	_ =	sdelay $0x1  }
0x1c7: {  	[tilespmem:$0x1FDB0] =	vst v3;
	v3 =	vmul.f32 v57, v57  }
0x1c8: {  	v63 =	vld.idx.msk [tilespmem:v44+s11+$0x0], $0xffff  }
0x1c9: {  	v0 =	vadd.f32 v3, v0;
	v3 =	vld [tilespmem:$0x1FED0];
	v53 =	vor.u32 v1, v38;
	v1 =	vmul.f32 v59, v59  }
0x1ca: {  	v51 =	vor.u32 v2, v38;
	v2 =	vld.idx.msk [tilespmem:v45+s11+$0x0], $0xffff  }
0x1cb: {  	v0 =	vadd.f32 v1, v0;
	v1 =	vld [tilespmem:$0x1FEF0];
	_ =	sdelay $0x2  }
0x1cc: {  	v54 =	vor.u32 v3, v38;
	v3 =	vmul.f32 v63, v63  }
0x1cd: {  	[tilespmem:$0x1FDC0] =	vst v4;
	v4 =	vld.idx.msk [tilespmem:v46+s11+$0x0], $0xffff  }
0x1ce: {  	v0 =	vadd.f32 v3, v0;
	v3 =	vld [tilespmem:$0x1FF60];
	v56 =	vor.u32 v1, v38;
	v1 =	vmul.f32 v2, v2  }
0x1cf: {  	v7 =	vld.idx.msk [tilespmem:v51+s11+$0x0], $0xffff  }
0x1d0: {  	v0 =	vadd.f32 v1, v0;
	v1 =	vld [tilespmem:$0x1FF90];
	_ =	sdelay $0x2  }
0x1d1: {  	v58 =	vor.u32 v3, v38;
	v3 =	vmul.f32 v4, v4  }
0x1d2: {  	v9 =	vld.idx.msk [tilespmem:v53+s11+$0x0], $0xffff  }
0x1d3: {  	v0 =	vadd.f32 v3, v0;
	v3 =	vld [tilespmem:$0x1FF00];
	v60 =	vor.u32 v1, v38;
	v1 =	vmul.f32 v7, v7  }
0x1d4: {  	v12 =	vld.idx.msk [tilespmem:v54+s11+$0x0], $0xffff  }
0x1d5: {  	v0 =	vadd.f32 v1, v0;
	v1 =	vld [tilespmem:$0x1FF10];
	_ =	sdelay $0x1  }
0x1d6: {  	v15 =	vld.idx.msk [tilespmem:v56+s11+$0x0], $0xffff  }
0x1d7: {  	v61 =	vor.u32 v3, v38;
	v3 =	vmul.f32 v9, v9  }
0x1d8: {  	v16 =	vld.idx.msk [tilespmem:v58+s11+$0x0], $0xffff  }
0x1d9: {  	v5 =	vmul.f32 v12, v12;
	v0 =	vadd.f32 v3, v0;
	v62 =	vor.u32 v1, v38;
	v1 =	vld [tilespmem:$0x1FF70]  }
0x1da: {  	v18 =	vld.idx.msk [tilespmem:v60+s11+$0x0], $0xffff  }
0x1db: {  	v6 =	vmul.f32 v15, v15;
	v3 =	vld [tilespmem:$0x1FF20];
	v0 =	vadd.f32 v5, v0;
	_ =	sdelay $0x1  }
0x1dc: {  	v28 =	vld [tilespmem:$0x1FF30];
	v8 =	vmul.f32 v16, v16;
	v0 =	vadd.f32 v6, v0  }
0x1dd: {  	v29 =	vld [tilespmem:$0x1FF40];
	v1 =	vor.u32 v1, v38  }
0x1de: {  	v20 =	vld.idx.msk [tilespmem:v61+s11+$0x0], $0xffff;
	v10 =	vmul.f32 v18, v18;
	v0 =	vadd.f32 v8, v0  }
0x1df: {  	v3 =	vor.u32 v3, v38;
	v21 =	vld.idx.msk [tilespmem:v62+s11+$0x0], $0xffff  }
0x1e0: {  	v10 =	vadd.f32 v10, v0;
	v0 =	vld [tilespmem:$0x1FF50]  }
0x1e1: {  	v30 =	vld [tilespmem:$0x1FF80];
	v5 =	vor.u32 v28, v38  }
0x1e2: {  	v22 =	vld.idx.msk [tilespmem:v1+s11+$0x0], $0xffff  }
0x1e3: {  	v31 =	vld [tilespmem:$0x1FFA0];
	v6 =	vor.u32 v29, v38;
	v11 =	vmul.f32 v20, v20  }
0x1e4: {  	v23 =	vld.idx.msk [tilespmem:v3+s11+$0x0], $0xffff  }
0x1e5: {  	v32 =	vld [tilespmem:$0x1FFB0];
	v11 =	vadd.f32 v11, v10;
	v8 =	vor.u32 v0, v38;
	v13 =	vmul.f32 v21, v21  }
0x1e6: {  	v0 =	vld.idx.msk [tilespmem:v5+s11+$0x0], $0xffff  }
0x1e7: {  	v33 =	vld [tilespmem:$0x1FFC0];
	v10 =	vor.u32 v30, v38;
	v13 =	vadd.f32 v13, v11;
	v14 =	vmul.f32 v22, v22  }
0x1e8: {  	v24 =	vld.idx.msk [tilespmem:v6+s11+$0x0], $0xffff  }
0x1e9: {  	v36 =	vld [tilespmem:$0x1FFD0];
	v11 =	vor.u32 v31, v38;
	v17 =	vmul.f32 v23, v23;
	v14 =	vadd.f32 v14, v13  }
0x1ea: {  	v25 =	vld.idx.msk [tilespmem:v8+s11+$0x0], $0xffff  }
0x1eb: {  	v37 =	vld [tilespmem:$0x1FFE0];
	v19 =	vmul.f32 v0, v0;
	v13 =	vor.u32 v32, v38;
	v17 =	vadd.f32 v17, v14  }
0x1ec: {  	v26 =	vld.idx.msk [tilespmem:v10+s11+$0x0], $0xffff  }
0x1ed: {  	v39 =	vld [tilespmem:$0x1FFF0];
	v29 =	vmul.f32 v24, v24;
	v14 =	vor.u32 v33, v38;
	v19 =	vadd.f32 v19, v17  }
0x1ee: {  	v27 =	vld.idx.msk [tilespmem:v11+s11+$0x0], $0xffff  }
0x1ef: {  	v40 =	vld [tilespmem:$0x1FE10];
	v30 =	vmul.f32 v25, v25;
	v17 =	vor.u32 v36, v38;
	v31 =	vadd.f32 v29, v19  }
0x1f0: {  	v28 =	vld.idx.msk [tilespmem:v13+s11+$0x0], $0xffff  }
0x1f1: {  	v32 =	vmul.f32 v26, v26;
	v19 =	vor.u32 v37, v38;
	v31 =	vadd.f32 v30, v31  }
0x1f2: {  	v29 =	vld.idx.msk [tilespmem:v14+s11+$0x0], $0xffff  }
0x1f3: {  	v36 =	vor.u32 v39, v38;
	v33 =	vmul.f32 v27, v27;
	v32 =	vadd.f32 v32, v31  }
0x1f4: {  	v30 =	vld.idx.msk [tilespmem:v17+s11+$0x0], $0xffff  }
0x1f5: {  	v37 =	vor.u32 v40, v38;
	v39 =	vmul.f32 v28, v28;
	v32 =	vadd.f32 v33, v32  }
0x1f6: {  	v31 =	vld.idx.msk [tilespmem:v19+s11+$0x0], $0xffff  }
0x1f7: {  	v33 =	vmul.f32 v29, v29;
	v39 =	vadd.f32 v39, v32  }
0x1f8: {  	v38 =	vld.idx.msk [tilespmem:v36+s11+$0x0], $0xffff  }
0x1f9: {  	v40 =	vmul.f32 v30, v30;
	v33 =	vadd.f32 v33, v39  }
0x1fa: {  	v32 =	vld.idx.msk [tilespmem:v37+s11+$0x0], $0xffff  }
0x1fb: {  	v39 =	vmul.f32 v31, v31;
	v33 =	vadd.f32 v40, v33;
	_ =	sdelay $0x1  }
0x1fc: {  	v40 =	vmul.f32 v38, v38;
	v33 =	vadd.f32 v39, v33;
	_ =	sdelay $0x1  }
0x1fd: {  	v39 =	vmul.f32 v32, v32;
	v33 =	vadd.f32 v40, v33;
	_ =	sdelay $0x1  }
0x1fe: {  	v33 =	vadd.f32 v39, v33;
	_ =	sdelay $0x1  }
0x1ff: {  	v39 =	vshrl.u32 v33, $0x1;
	v40 =	vmul.f32 $5.000000000e-01, v33  }
0x200: {  	v39 =	vsub.s32 $0x5F3759DF, v39  }
0x201: {  	v41 =	vmul.f32 v39, v40;
	_ =	sdelay $0x1  }
0x202: {  	v41 =	vmul.f32 v39, v41;
	_ =	sdelay $0x1  }
0x203: {  	v41 =	vsub.f32 $1.500000000e+00, v41;
	_ =	sdelay $0x1  }
0x204: {  	v39 =	vmul.f32 v39, v41;
	_ =	sdelay $0x1  }
0x205: {  	v41 =	vmul.f32 v39, v40;
	_ =	sdelay $0x1  }
0x206: {  	v41 =	vmul.f32 v41, v39;
	_ =	sdelay $0x1  }
0x207: {  	v41 =	vsub.f32 $1.500000000e+00, v41;
	_ =	sdelay $0x1  }
0x208: {  	v39 =	vmul.f32 v41, v39;
	_ =	sdelay $0x1  }
0x209: {  	v40 =	vmul.f32 v39, v40;
	_ =	sdelay $0x1  }
0x20a: {  	v40 =	vmul.f32 v40, v39;
	_ =	sdelay $0x1  }
0x20b: {  	v40 =	vsub.f32 $1.500000000e+00, v40;
	_ =	sdelay $0x1  }
0x20c: {  	v39 =	vmul.f32 v40, v39;
	_ =	sdelay $0x1  }
0x20d: {  	v39 =	vmul.f32 v39, v33;
	_ =	sdelay $0x1  }
0x20e: {  	v39 =	vadd.f32 $1.000000010e-07, v39;
	_ =	sdelay $0x1  }
0x20f: {  	(erf) = vrcp.f32 v39;
	_ =	sdelay $0x8  }
0x210: {  	vm0 =	vgt.f32 v33, $1.000000000e+00;
	v41 =	vpop (erf)  }
0x211: {  	v33 =	vnsel vm0, $0x3F800000, v41  }
0x212: {  	v47 =	vmul.f32 v33, v47  }
0x213: {  	v48 =	vmul.f32 v33, v48  }
0x214: {  	v49 =	vmul.f32 v33, v49;
	[tilespmem:v34+s11+$0x0] =	vst.idx.msk $0xffff, v47  }
0x215: {  	v47 =	vmul.f32 v33, v50;
	v50 =	vld [tilespmem:$0x1FD90];
	[tilespmem:v42+s11+$0x0] =	vst.idx.msk $0xffff, v48  }
0x216: {  	[tilespmem:v35+s11+$0x0] =	vst.idx.msk $0xffff, v49;
	v49 =	vmul.f32 v33, v55;
	v55 =	vld [tilespmem:$0x1FDA0];
	_ =	sdelay $0x5  }
0x217: {  	v48 =	vmul.f32 v33, v52  }
0x218: {  	v52 =	vmul.f32 v33, v57;
	v57 =	vmul.f32 v33, v59;
	v59 =	vld [tilespmem:$0x1FDB0];
	[tilespmem:v50+s11+$0x0] =	vst.idx.msk $0xffff, v47  }
0x219: {  	[tilespmem:v55+s11+$0x0] =	vst.idx.msk $0xffff, v48;
	v48 =	vld [tilespmem:$0x1FDC0];
	_ =	sdelay $0x6  }
0x21a: {  	[tilespmem:v59+s11+$0x0] =	vst.idx.msk $0xffff, v49  }
0x21b: {  	v47 =	vmul.f32 v33, v63;
	[tilespmem:v48+s11+$0x0] =	vst.idx.msk $0xffff, v52  }
0x21c: {  	v2 =	vmul.f32 v33, v2;
	[tilespmem:v43+s11+$0x0] =	vst.idx.msk $0xffff, v57  }
0x21d: {  	v4 =	vmul.f32 v33, v4;
	[tilespmem:v44+s11+$0x0] =	vst.idx.msk $0xffff, v47  }
0x21e: {  	v7 =	vmul.f32 v33, v7;
	[tilespmem:v45+s11+$0x0] =	vst.idx.msk $0xffff, v2  }
0x21f: {  	v2 =	vmul.f32 v33, v9;
	[tilespmem:v46+s11+$0x0] =	vst.idx.msk $0xffff, v4  }
0x220: {  	v49 =	vmul.f32 v33, v12;
	[tilespmem:v51+s11+$0x0] =	vst.idx.msk $0xffff, v7  }
0x221: {  	v50 =	vmul.f32 v33, v15;
	[tilespmem:v53+s11+$0x0] =	vst.idx.msk $0xffff, v2  }
0x222: {  	v2 =	vmul.f32 v33, v16;
	[tilespmem:v54+s11+$0x0] =	vst.idx.msk $0xffff, v49  }
0x223: {  	v55 =	vmul.f32 v33, v18;
	[tilespmem:v56+s11+$0x0] =	vst.idx.msk $0xffff, v50  }
0x224: {  	s28 =	smov.u32 s26;
	v51 =	vlaneseq.u32;
	v56 =	vmul.f32 v33, v20;
	[tilespmem:v58+s11+$0x0] =	vst.idx.msk $0xffff, v2  }
0x225: {  	v52 =	vor.u32 s28, v51;
	v2 =	vmul.f32 v33, v21;
	[tilespmem:v60+s11+$0x0] =	vst.idx.msk $0xffff, v55  }
0x226: {  	v53 =	vmulhi.u32 $0x51EB851F, v52;
	v58 =	vmul.f32 v33, v22;
	[tilespmem:v61+s11+$0x0] =	vst.idx.msk $0xffff, v56  }
0x227: {  	v61 =	vmul.f32 v33, v23;
	[tilespmem:v62+s11+$0x0] =	vst.idx.msk $0xffff, v2  }
0x228: {  	v0 =	vmul.f32 v33, v0;
	v12 =	vshrl.u32 v53, $0x4;
	[tilespmem:v1+s11+$0x0] =	vst.idx.msk $0xffff, v58  }
0x229: {  	v59 =	vmov s28;
	v57 =	vmul.u32 $0xFFFFFFCE, v12;
	v1 =	vmul.f32 v33, v24;
	[tilespmem:v3+s11+$0x0] =	vst.idx.msk $0xffff, v61  }
0x22a: {  	vm15 =	veq.s32 v59, v51;
	v60 =	vsub.s32 $0x0, v52;
	v3 =	vmul.f32 v33, v25;
	[tilespmem:v5+s11+$0x0] =	vst.idx.msk $0xffff, v0  }
0x22b: {  	vm1 =	vne.s32 v57, v60;
	v0 =	vmul.f32 v33, v26;
	[tilespmem:v6+s11+$0x0] =	vst.idx.msk $0xffff, v1  }
0x22c: {  	v2 =	vimm.s32 $0x0;
	vm0 =	vmand vm15, vm1;
	v1 =	vmul.f32 v33, v27;
	[tilespmem:v8+s11+$0x0] =	vst.idx.msk $0xffff, v3  }
0x22d: {  	v2 =	vsel vm0, $0xFFFFFFFF, v2;
	v3 =	vmul.f32 v33, v28;
	[tilespmem:v10+s11+$0x0] =	vst.idx.msk $0xffff, v0  }
0x22e: {  	v2 =	vadd.s32 v2, v12;
	[tilespmem:v11+s11+$0x0] =	vst.idx.msk $0xffff, v1  }
0x22f: {  	v62 =	vmul.u32 $0x7FFFFCE, v2;
	[tilespmem:v13+s11+$0x0] =	vst.idx.msk $0xffff, v3;
	v3 =	vld [tilespmem:$0x1FE20];
	_ =	sdelay $0x1  }
0x230: {  	v2 =	vmul.u32 $0x640, v2;
	v4 =	vadd.s32 v52, v62  }
0x231: {  	v4 =	vshll.u32 v4, $0x5  }
0x232: {  	v0 =	vmul.f32 v33, v38;
	v38 =	vadd.s32 v2, v4  }
0x233: {  	p0 =	sne.s32 s26, $0x630;
	v42 =	vor.u32 v3, v38;
	v3 =	vld [tilespmem:$0x1FE30]  }
.Ltmp2:
0x234: {  	v63 =	vmul.f32 v33, v29;
	(pc) =	sbr.rel @p0 .LBB2_3-.Ltmp2, $4  }
0x235: {  	v1 =	vmul.f32 v33, v30  }
0x236: {  	v2 =	vmul.f32 v33, v31;
	[tilespmem:v14+s11+$0x0] =	vst.idx.msk $0xffff, v63  }
0x237: {  	v34 =	vor.u32 v51, v38;
	[tilespmem:v17+s11+$0x0] =	vst.idx.msk $0xffff, v1  }
0x238: {  	s26 =	sadd.s32 $0x10, s26;
	v1 =	vmul.f32 v33, v32;
	[tilespmem:v19+s11+$0x0] =	vst.idx.msk $0xffff, v2;
	v35 =	vor.u32 v3, v38  }
0x239: {  	_ =	sdelay $0x3  }
0x23a: {  	[tilespmem:v36+s11+$0x0] =	vst.idx.msk $0xffff, v0;
	v0 =	vld [tilespmem:$0x1FE40];
	_ =	sdelay $0x4  }
0x23b: {  	[tilespmem:v37+s11+$0x0] =	vst.idx.msk $0xffff, v1;
	v1 =	vor.u32 v0, v38;
	v0 =	vld [tilespmem:$0x1FE50];
	_ =	sdelay $0x4  }
0x23c: {  	v2 =	vor.u32 v0, v38;
	v0 =	vld [tilespmem:$0x1FE60];
	_ =	sdelay $0x4  }
0x23d: {  	v4 =	vor.u32 v0, v38;
	v0 =	vld [tilespmem:$0x1FEB0];
	_ =	sdelay $0x3  }
0x23e: {  	v11 =	vld.idx.msk [tilespmem:v1+s11+$0x0], $0xffff  }
0x23f: {  	[tilespmem:$0x1FD10] =	vst v1;
	v1 =	vor.u32 v0, v38;
	v0 =	vld [tilespmem:$0x1FEC0];
	_ =	sdelay $0x1  }
0x240: {  	v3 =	vld.idx.msk [tilespmem:v34+s11+$0x0], $0xffff  }
0x241: {  	v9 =	vld.idx.msk [tilespmem:v42+s11+$0x0], $0xffff;
	_ =	sdelay $0x1  }
0x242: {  	v5 =	vor.u32 v0, v38;
	v0 =	vld [tilespmem:$0x1FEE0];
	_ =	sdelay $0x2  }
0x243: {  	v10 =	vld.idx.msk [tilespmem:v35+s11+$0x0], $0xffff;
	v6 =	vmul.f32 v3, v3;
	v7 =	vmul.f32 v9, v9;
	_ =	sdelay $0x1  }
0x244: {  	v7 =	vadd.f32 v7, v6;
	v6 =	vor.u32 v0, v38;
	v0 =	vld [tilespmem:$0x1FE70];
	_ =	sdelay $0x2  }
0x245: {  	v8 =	vmul.f32 v10, v10;
	_ =	sdelay $0x1  }
0x246: {  	v8 =	vadd.f32 v8, v7;
	v7 =	vor.u32 v0, v38;
	v0 =	vld [tilespmem:$0x1FE80];
	_ =	sdelay $0x2  }
0x247: {  	v13 =	vld.idx.msk [tilespmem:v2+s11+$0x0], $0xffff;
	v12 =	vmul.f32 v11, v11;
	_ =	sdelay $0x1  }
0x248: {  	v12 =	vadd.f32 v12, v8;
	v8 =	vor.u32 v0, v38;
	v0 =	vld [tilespmem:$0x1FE90];
	_ =	sdelay $0x2  }
0x249: {  	v15 =	vld.idx.msk [tilespmem:v4+s11+$0x0], $0xffff;
	v14 =	vmul.f32 v13, v13;
	_ =	sdelay $0x1  }
0x24a: {  	v14 =	vadd.f32 v14, v12;
	v12 =	vor.u32 v0, v38;
	v0 =	vld [tilespmem:$0x1FEA0];
	_ =	sdelay $0x2  }
0x24b: {  	v17 =	vld.idx.msk [tilespmem:v1+s11+$0x0], $0xffff;
	v16 =	vmul.f32 v15, v15;
	_ =	sdelay $0x1  }
0x24c: {  	v16 =	vadd.f32 v16, v14;
	v14 =	vor.u32 v0, v38;
	v0 =	vld [tilespmem:$0x1FED0];
	_ =	sdelay $0x2  }
0x24d: {  	v19 =	vld.idx.msk [tilespmem:v5+s11+$0x0], $0xffff;
	v18 =	vmul.f32 v17, v17;
	_ =	sdelay $0x1  }
0x24e: {  	v18 =	vadd.f32 v18, v16;
	v16 =	vor.u32 v0, v38;
	v0 =	vld [tilespmem:$0x1FEF0];
	_ =	sdelay $0x2  }
0x24f: {  	v21 =	vld.idx.msk [tilespmem:v6+s11+$0x0], $0xffff;
	v20 =	vmul.f32 v19, v19;
	_ =	sdelay $0x1  }
0x250: {  	v20 =	vadd.f32 v20, v18;
	v18 =	vor.u32 v0, v38;
	v0 =	vld [tilespmem:$0x1FF60];
	_ =	sdelay $0x2  }
0x251: {  	v23 =	vld.idx.msk [tilespmem:v7+s11+$0x0], $0xffff;
	v22 =	vmul.f32 v21, v21;
	_ =	sdelay $0x1  }
0x252: {  	v22 =	vadd.f32 v22, v20;
	v20 =	vor.u32 v0, v38;
	v0 =	vld [tilespmem:$0x1FF90];
	_ =	sdelay $0x2  }
0x253: {  	v25 =	vld.idx.msk [tilespmem:v8+s11+$0x0], $0xffff;
	v24 =	vmul.f32 v23, v23;
	_ =	sdelay $0x1  }
0x254: {  	v24 =	vadd.f32 v24, v22;
	v22 =	vor.u32 v0, v38;
	v0 =	vld [tilespmem:$0x1FF00];
	_ =	sdelay $0x2  }
0x255: {  	v27 =	vld.idx.msk [tilespmem:v12+s11+$0x0], $0xffff;
	v26 =	vmul.f32 v25, v25;
	_ =	sdelay $0x1  }
0x256: {  	v26 =	vadd.f32 v26, v24;
	v24 =	vor.u32 v0, v38;
	v0 =	vld [tilespmem:$0x1FF10];
	_ =	sdelay $0x2  }
0x257: {  	v30 =	vmul.f32 v27, v27;
	_ =	sdelay $0x1  }
0x258: {  	v30 =	vadd.f32 v30, v26;
	v26 =	vor.u32 v0, v38;
	v0 =	vld [tilespmem:$0x1FF70];
	_ =	sdelay $0x4  }
0x259: {  	v37 =	vor.u32 v0, v38;
	v0 =	vld [tilespmem:$0x1FF20];
	_ =	sdelay $0x4  }
0x25a: {  	v40 =	vor.u32 v0, v38;
	v0 =	vld [tilespmem:$0x1FF30];
	_ =	sdelay $0x4  }
0x25b: {  	v43 =	vor.u32 v0, v38;
	v0 =	vld [tilespmem:$0x1FF40];
	_ =	sdelay $0x4  }
0x25c: {  	v45 =	vor.u32 v0, v38;
	v0 =	vld [tilespmem:$0x1FF50];
	_ =	sdelay $0x4  }
0x25d: {  	v47 =	vor.u32 v0, v38;
	v0 =	vld [tilespmem:$0x1FF80];
	_ =	sdelay $0x4  }
0x25e: {  	v49 =	vor.u32 v0, v38;
	v0 =	vld [tilespmem:$0x1FFA0];
	_ =	sdelay $0x1  }
0x25f: {  	v28 =	vld.idx.msk [tilespmem:v14+s11+$0x0], $0xffff;
	_ =	sdelay $0x1  }
0x260: {  	v29 =	vld.idx.msk [tilespmem:v16+s11+$0x0], $0xffff  }
0x261: {  	v51 =	vor.u32 v0, v38;
	v0 =	vld [tilespmem:$0x1FFB0]  }
0x262: {  	v31 =	vld.idx.msk [tilespmem:v18+s11+$0x0], $0xffff  }
0x263: {  	v32 =	vmul.f32 v28, v28  }
0x264: {  	v33 =	vld.idx.msk [tilespmem:v20+s11+$0x0], $0xffff  }
0x265: {  	v30 =	vadd.f32 v32, v30;
	v63 =	vmul.f32 v29, v29;
	v32 =	vld.idx.msk [tilespmem:v22+s11+$0x0], $0xffff  }
0x266: {  	v53 =	vor.u32 v0, v38;
	v0 =	vld [tilespmem:$0x1FFC0]  }
0x267: {  	v30 =	vadd.f32 v63, v30;
	v39 =	vmul.f32 v31, v31  }
0x268: {  	v36 =	vld.idx.msk [tilespmem:v24+s11+$0x0], $0xffff  }
0x269: {  	v30 =	vadd.f32 v39, v30;
	v41 =	vmul.f32 v33, v33  }
0x26a: {  	v39 =	vld.idx.msk [tilespmem:v26+s11+$0x0], $0xffff  }
0x26b: {  	v30 =	vadd.f32 v41, v30;
	v44 =	vmul.f32 v32, v32;
	v55 =	vor.u32 v0, v38;
	v0 =	vld [tilespmem:$0x1FFD0]  }
0x26c: {  	v41 =	vld.idx.msk [tilespmem:v37+s11+$0x0], $0xffff  }
0x26d: {  	v30 =	vadd.f32 v44, v30;
	v46 =	vmul.f32 v36, v36  }
0x26e: {  	v44 =	vld.idx.msk [tilespmem:v40+s11+$0x0], $0xffff  }
0x26f: {  	v30 =	vadd.f32 v46, v30;
	v48 =	vmul.f32 v39, v39;
	v46 =	vld.idx.msk [tilespmem:v43+s11+$0x0], $0xffff  }
0x270: {  	v57 =	vor.u32 v0, v38;
	v0 =	vld [tilespmem:$0x1FFE0]  }
0x271: {  	v30 =	vadd.f32 v48, v30;
	v50 =	vmul.f32 v41, v41  }
0x272: {  	v48 =	vld.idx.msk [tilespmem:v45+s11+$0x0], $0xffff  }
0x273: {  	v30 =	vadd.f32 v50, v30;
	v52 =	vmul.f32 v44, v44  }
0x274: {  	v50 =	vld.idx.msk [tilespmem:v47+s11+$0x0], $0xffff  }
0x275: {  	v30 =	vadd.f32 v52, v30;
	v54 =	vmul.f32 v46, v46;
	v59 =	vor.u32 v0, v38;
	v0 =	vld [tilespmem:$0x1FFF0]  }
0x276: {  	v52 =	vld.idx.msk [tilespmem:v49+s11+$0x0], $0xffff  }
0x277: {  	v30 =	vadd.f32 v54, v30;
	v56 =	vmul.f32 v48, v48  }
0x278: {  	v54 =	vld.idx.msk [tilespmem:v51+s11+$0x0], $0xffff  }
0x279: {  	v30 =	vadd.f32 v56, v30;
	v58 =	vmul.f32 v50, v50;
	v56 =	vld.idx.msk [tilespmem:v53+s11+$0x0], $0xffff  }
0x27a: {  	v61 =	vor.u32 v0, v38;
	v0 =	vld [tilespmem:$0x1FE10]  }
0x27b: {  	v30 =	vadd.f32 v58, v30;
	v60 =	vmul.f32 v52, v52  }
0x27c: {  	v58 =	vld.idx.msk [tilespmem:v55+s11+$0x0], $0xffff  }
0x27d: {  	v30 =	vadd.f32 v60, v30;
	v62 =	vmul.f32 v54, v54  }
0x27e: {  	v60 =	vld.idx.msk [tilespmem:v57+s11+$0x0], $0xffff  }
0x27f: {  	v30 =	vadd.f32 v62, v30;
	v63 =	vmul.f32 v56, v56;
	v38 =	vor.u32 v0, v38  }
0x280: {  	v62 =	vld.idx.msk [tilespmem:v59+s11+$0x0], $0xffff  }
0x281: {  	[tilespmem:$0x1FD30] =	vst v4;
	v30 =	vadd.f32 v63, v30;
	v4 =	vmul.f32 v58, v58  }
0x282: {  	[tilespmem:$0x1FD20] =	vst v2;
	v2 =	vld.idx.msk [tilespmem:v61+s11+$0x0], $0xffff  }
0x283: {  	v30 =	vadd.f32 v4, v30;
	v4 =	vmul.f32 v60, v60  }
0x284: {  	[tilespmem:$0x1FD40] =	vst v1;
	v1 =	vld.idx.msk [tilespmem:v38+s11+$0x0], $0xffff  }
0x285: {  	v30 =	vadd.f32 v4, v30;
	v4 =	vmul.f32 v62, v62;
	_ =	sdelay $0x1  }
0x286: {  	v30 =	vadd.f32 v4, v30;
	v4 =	vmul.f32 v2, v2;
	_ =	sdelay $0x1  }
0x287: {  	v30 =	vadd.f32 v4, v30;
	v4 =	vmul.f32 v1, v1;
	_ =	sdelay $0x1  }
0x288: {  	v30 =	vadd.f32 v4, v30;
	_ =	sdelay $0x1  }
0x289: {  	v63 =	vshrl.u32 v30, $0x1;
	v0 =	vmul.f32 $5.000000000e-01, v30  }
0x28a: {  	v63 =	vsub.s32 $0x5F3759DF, v63  }
0x28b: {  	v4 =	vmul.f32 v63, v0;
	_ =	sdelay $0x1  }
0x28c: {  	v4 =	vmul.f32 v63, v4;
	_ =	sdelay $0x1  }
0x28d: {  	v4 =	vsub.f32 $1.500000000e+00, v4;
	_ =	sdelay $0x1  }
0x28e: {  	v4 =	vmul.f32 v63, v4;
	_ =	sdelay $0x1  }
0x28f: {  	v63 =	vmul.f32 v4, v0;
	_ =	sdelay $0x1  }
0x290: {  	v63 =	vmul.f32 v63, v4;
	_ =	sdelay $0x1  }
0x291: {  	v63 =	vsub.f32 $1.500000000e+00, v63;
	_ =	sdelay $0x1  }
0x292: {  	v4 =	vmul.f32 v63, v4;
	_ =	sdelay $0x1  }
0x293: {  	v0 =	vmul.f32 v4, v0;
	_ =	sdelay $0x1  }
0x294: {  	v0 =	vmul.f32 v0, v4;
	_ =	sdelay $0x1  }
0x295: {  	v0 =	vsub.f32 $1.500000000e+00, v0;
	_ =	sdelay $0x1  }
0x296: {  	v0 =	vmul.f32 v0, v4;
	_ =	sdelay $0x1  }
0x297: {  	v0 =	vmul.f32 v0, v30;
	_ =	sdelay $0x1  }
0x298: {  	v0 =	vadd.f32 $1.000000010e-07, v0;
	_ =	sdelay $0x1  }
0x299: {  	(erf) = vrcp.f32 v0;
	_ =	sdelay $0x8  }
0x29a: {  	vm0 =	vgt.f32 v30, $1.000000000e+00;
	v0 =	vpop (erf)  }
0x29b: {  	v0 =	vnsel vm0, $0x3F800000, v0  }
0x29c: {  	v3 =	vmul.f32 v0, v3  }
0x29d: {  	v63 =	vmul.f32 v0, v9  }
0x29e: {  	[tilespmem:v34+s11+$0x0] =	vst.idx.msk $0xffff, v3;
	v3 =	vmul.f32 v0, v10  }
0x29f: {  	[tilespmem:v42+s11+$0x0] =	vst.idx.msk $0xffff, v63  }
0x2a0: {  	[tilespmem:v35+s11+$0x0] =	vst.idx.msk $0xffff, v3;
	v35 =	vld [tilespmem:$0x1FD10]  }
0x2a1: {  	v63 =	vld [tilespmem:$0x1FD20]  }
0x2a2: {  	v3 =	vmul.f32 v0, v15;
	v15 =	vld [tilespmem:$0x1FD30]  }
0x2a3: {  	v42 =	vmul.f32 v0, v17;
	v17 =	vld [tilespmem:$0x1FD40];
	_ =	sdelay $0x2  }
0x2a4: {  	v30 =	vmul.f32 v0, v11  }
0x2a5: {  	v34 =	vmul.f32 v0, v13  }
0x2a6: {  	[tilespmem:v35+s11+$0x0] =	vst.idx.msk $0xffff, v30  }
0x2a7: {  	[tilespmem:v63+s11+$0x0] =	vst.idx.msk $0xffff, v34  }
0x2a8: {  	v13 =	vmul.f32 v0, v19;
	[tilespmem:v15+s11+$0x0] =	vst.idx.msk $0xffff, v3  }
0x2a9: {  	v3 =	vmul.f32 v0, v21;
	[tilespmem:v17+s11+$0x0] =	vst.idx.msk $0xffff, v42  }
0x2aa: {  	v19 =	vmul.f32 v0, v23;
	[tilespmem:v5+s11+$0x0] =	vst.idx.msk $0xffff, v13  }
0x2ab: {  	v21 =	vmul.f32 v0, v25;
	[tilespmem:v6+s11+$0x0] =	vst.idx.msk $0xffff, v3  }
0x2ac: {  	v3 =	vmul.f32 v0, v27;
	[tilespmem:v7+s11+$0x0] =	vst.idx.msk $0xffff, v19  }
0x2ad: {  	v23 =	vmul.f32 v0, v28;
	[tilespmem:v8+s11+$0x0] =	vst.idx.msk $0xffff, v21  }
0x2ae: {  	v25 =	vmul.f32 v0, v29;
	[tilespmem:v12+s11+$0x0] =	vst.idx.msk $0xffff, v3  }
0x2af: {  	v3 =	vmul.f32 v0, v31;
	[tilespmem:v14+s11+$0x0] =	vst.idx.msk $0xffff, v23  }
0x2b0: {  	v27 =	vmul.f32 v0, v33;
	[tilespmem:v16+s11+$0x0] =	vst.idx.msk $0xffff, v25  }
0x2b1: {  	v28 =	vmul.f32 v0, v32;
	[tilespmem:v18+s11+$0x0] =	vst.idx.msk $0xffff, v3  }
0x2b2: {  	v3 =	vmul.f32 v0, v36;
	[tilespmem:v20+s11+$0x0] =	vst.idx.msk $0xffff, v27  }
0x2b3: {  	v29 =	vmul.f32 v0, v39;
	[tilespmem:v22+s11+$0x0] =	vst.idx.msk $0xffff, v28  }
0x2b4: {  	v30 =	vmul.f32 v0, v41;
	[tilespmem:v24+s11+$0x0] =	vst.idx.msk $0xffff, v3  }
0x2b5: {  	v3 =	vmul.f32 v0, v44;
	[tilespmem:v26+s11+$0x0] =	vst.idx.msk $0xffff, v29  }
0x2b6: {  	v31 =	vmul.f32 v0, v46;
	[tilespmem:v37+s11+$0x0] =	vst.idx.msk $0xffff, v30  }
0x2b7: {  	v32 =	vmul.f32 v0, v48;
	[tilespmem:v40+s11+$0x0] =	vst.idx.msk $0xffff, v3  }
0x2b8: {  	v3 =	vmul.f32 v0, v50;
	[tilespmem:v43+s11+$0x0] =	vst.idx.msk $0xffff, v31  }
0x2b9: {  	v33 =	vmul.f32 v0, v52;
	[tilespmem:v45+s11+$0x0] =	vst.idx.msk $0xffff, v32  }
0x2ba: {  	v34 =	vmul.f32 v0, v54;
	[tilespmem:v47+s11+$0x0] =	vst.idx.msk $0xffff, v3  }
0x2bb: {  	v3 =	vmul.f32 v0, v56;
	[tilespmem:v49+s11+$0x0] =	vst.idx.msk $0xffff, v33  }
0x2bc: {  	v35 =	vmul.f32 v0, v58;
	[tilespmem:v51+s11+$0x0] =	vst.idx.msk $0xffff, v34  }
0x2bd: {  	v36 =	vmul.f32 v0, v60;
	[tilespmem:v53+s11+$0x0] =	vst.idx.msk $0xffff, v3  }
0x2be: {  	v3 =	vmul.f32 v0, v62;
	[tilespmem:v55+s11+$0x0] =	vst.idx.msk $0xffff, v35  }
0x2bf: {  	s26 =	sadd.s32 s4, s23;
	v2 =	vmul.f32 v0, v2;
	[tilespmem:v57+s11+$0x0] =	vst.idx.msk $0xffff, v36  }
0x2c0: {  	s26 =	smul.u32 $0xC8, s26;
	v0 =	vmul.f32 v0, v1;
	[tilespmem:v59+s11+$0x0] =	vst.idx.msk $0xffff, v3  }
0x2c1: {  	[tilespmem:v61+s11+$0x0] =	vst.idx.msk $0xffff, v2  }
0x2c2: {  	s29 =	simm.s32 $0x0;
	s28 =	sadd.s32 s2, s26;
	[tilespmem:v38+s11+$0x0] =	vst.idx.msk $0xffff, v0  }
0x2c3: {  	[hbm4b:s28+s29] =	stream.linear.scatter [tilespmem:s11], [sflag:$0x3], $0xC800, $0x38;
	[tilespmem:$0x19E00] =	vst v63  }
0x2c4: {  	_ =	swait.ge [sflag:s19], $0x640  }
0x2c5: {  	[sflag:s19] =	ssyncset.done $0x0  }
0x2c6: {  	[sflag:s19] =	ssyncadd.s32 $0xFFFFF9C0  }
0x2c7: {  	_ =	swait.ge [sflag:s19], $0x640  }
0x2c8: {  	[sflag:s19] =	ssyncset.done $0x0  }
0x2c9: {  	[sflag:s19] =	ssyncadd.s32 $0xFFFFF9C0  }
0x2ca: {  	_ =	swait.ge [sflag:s19], $0x640  }
0x2cb: {  	[sflag:s19] =	ssyncset.done $0x0  }
0x2cc: {  	[sflag:s19] =	ssyncadd.s32 $0xFFFFF9C0  }
0x2cd: {  	_ =	swait.ge [sflag:s19], $0x640  }
0x2ce: {  	[sflag:s19] =	ssyncset.done $0x0  }
0x2cf: {  	[sflag:s19] =	ssyncadd.s32 $0xFFFFF9C0  }
0x2d0: {  	_ =	swait.ge [sflag:s19], $0x640  }
0x2d1: {  	[sflag:s19] =	ssyncset.done $0x0  }
0x2d2: {  	[sflag:s19] =	ssyncadd.s32 $0xFFFFF9C0  }
0x2d3: {  	_ =	swait.ge [sflag:s19], $0x640  }
0x2d4: {  	[sflag:s19] =	ssyncset.done $0x0  }
0x2d5: {  	[sflag:s19] =	ssyncadd.s32 $0xFFFFF9C0  }
0x2d6: {  	_ =	swait.ge [sflag:s19], $0x640  }
0x2d7: {  	[sflag:s19] =	ssyncset.done $0x0  }
0x2d8: {  	[sflag:s19] =	ssyncadd.s32 $0xFFFFF9C0  }
0x2d9: {  	_ =	swait.ge [sflag:s19], $0x640  }
0x2da: {  	[sflag:s19] =	ssyncset.done $0x0  }
0x2db: {  	[sflag:s19] =	ssyncadd.s32 $0xFFFFF9C0  }
0x2dc: {  	_ =	swait.ge [sflag:s19], $0x640  }
0x2dd: {  	[sflag:s19] =	ssyncset.done $0x0  }
0x2de: {  	[sflag:s19] =	ssyncadd.s32 $0xFFFFF9C0  }
0x2df: {  	_ =	swait.ge [sflag:s19], $0x640  }
0x2e0: {  	[sflag:s19] =	ssyncset.done $0x0  }
0x2e1: {  	[sflag:s19] =	ssyncadd.s32 $0xFFFFF9C0  }
0x2e2: {  	_ =	swait.ge [sflag:s19], $0x640  }
0x2e3: {  	[sflag:s19] =	ssyncset.done $0x0  }
0x2e4: {  	[sflag:s19] =	ssyncadd.s32 $0xFFFFF9C0  }
0x2e5: {  	_ =	swait.ge [sflag:s19], $0x640  }
0x2e6: {  	[sflag:s19] =	ssyncset.done $0x0  }
0x2e7: {  	[sflag:s19] =	ssyncadd.s32 $0xFFFFF9C0  }
0x2e8: {  	_ =	swait.ge [sflag:s19], $0x640  }
0x2e9: {  	[sflag:s19] =	ssyncset.done $0x0  }
0x2ea: {  	[sflag:s19] =	ssyncadd.s32 $0xFFFFF9C0  }
0x2eb: {  	_ =	swait.ge [sflag:s19], $0x640  }
0x2ec: {  	[sflag:s19] =	ssyncset.done $0x0  }
0x2ed: {  	[sflag:s19] =	ssyncadd.s32 $0xFFFFF9C0  }
0x2ee: {  	_ =	swait.ge [sflag:s19], $0x640  }
0x2ef: {  	[sflag:s19] =	ssyncset.done $0x0  }
0x2f0: {  	[sflag:s19] =	ssyncadd.s32 $0xFFFFF9C0  }
0x2f1: {  	_ =	swait.ge [sflag:s19], $0x640  }
0x2f2: {  	[sflag:s19] =	ssyncset.done $0x0  }
0x2f3: {  	[sflag:s19] =	ssyncadd.s32 $0xFFFFF9C0  }
0x2f4: {  	_ =	swait.ge [sflag:s19], $0x640  }
0x2f5: {  	[sflag:s19] =	ssyncset.done $0x0  }
0x2f6: {  	[sflag:s19] =	ssyncadd.s32 $0xFFFFF9C0  }
0x2f7: {  	_ =	swait.ge [sflag:s19], $0x640  }
0x2f8: {  	[sflag:s19] =	ssyncset.done $0x0  }
0x2f9: {  	[sflag:s19] =	ssyncadd.s32 $0xFFFFF9C0  }
0x2fa: {  	_ =	swait.ge [sflag:s19], $0x640  }
0x2fb: {  	[sflag:s19] =	ssyncset.done $0x0  }
0x2fc: {  	[sflag:s19] =	ssyncadd.s32 $0xFFFFF9C0  }
0x2fd: {  	_ =	swait.ge [sflag:s19], $0x640  }
0x2fe: {  	[sflag:s19] =	ssyncset.done $0x0  }
0x2ff: {  	[sflag:s19] =	ssyncadd.s32 $0xFFFFF9C0  }
0x300: {  	_ =	swait.ge [sflag:s19], $0x640  }
0x301: {  	[sflag:s19] =	ssyncset.done $0x0  }
0x302: {  	[sflag:s19] =	ssyncadd.s32 $0xFFFFF9C0  }
0x303: {  	_ =	swait.ge [sflag:s19], $0x640  }
0x304: {  	[sflag:s19] =	ssyncset.done $0x0  }
0x305: {  	[sflag:s19] =	ssyncadd.s32 $0xFFFFF9C0  }
0x306: {  	_ =	swait.ge [sflag:s19], $0x640  }
0x307: {  	[sflag:s19] =	ssyncset.done $0x0  }
0x308: {  	[sflag:s19] =	ssyncadd.s32 $0xFFFFF9C0  }
0x309: {  	_ =	swait.ge [sflag:s19], $0x640  }
0x30a: {  	[sflag:s19] =	ssyncset.done $0x0  }
0x30b: {  	[sflag:s19] =	ssyncadd.s32 $0xFFFFF9C0  }
0x30c: {  	_ =	swait.ge [sflag:s19], $0x640  }
0x30d: {  	[sflag:s19] =	ssyncset.done $0x0  }
0x30e: {  	[sflag:s19] =	ssyncadd.s32 $0xFFFFF9C0  }
0x30f: {  	_ =	swait.ge [sflag:s19], $0x640  }
0x310: {  	v0 =	vlaneseq.u32;
	[sflag:s19] =	ssyncset.done $0x0  }
0x311: {  	v0 =	vor.u32 s29, v0;
	[sflag:s19] =	ssyncadd.s32 $0xFFFFF9C0  }
0x312: {  	v1 =	vmulhi.u32 $0x51EB851F, v0;
	_ =	swait.ge [sflag:s19], $0x640  }
0x313: {  	[sflag:s19] =	ssyncset.done $0x0  }
0x314: {  	v1 =	vshrl.u32 v1, $0x4;
	[sflag:s19] =	ssyncadd.s32 $0xFFFFF9C0  }
0x315: {  	v2 =	vmul.u32 $0xFFFFFFCE, v1;
	_ =	swait.ge [sflag:s19], $0x640  }
0x316: {  	v37 =	vlaneseq.u32;
	v3 =	vmov s29;
	v38 =	vsub.s32 $0x0, v0;
	[sflag:s19] =	ssyncset.done $0x0  }
0x317: {  	vm12 =	veq.s32 v3, v37;
	vm1 =	vne.s32 v2, v38;
	[sflag:s19] =	ssyncadd.s32 $0xFFFFF9C0  }
0x318: {  	v2 =	vimm.s32 $0x0;
	vm0 =	vmand vm12, vm1;
	_ =	swait.ge [sflag:s19], $0x640  }
0x319: {  	v2 =	vsel vm0, $0xFFFFFFFF, v2;
	[sflag:s19] =	ssyncset.done $0x0  }
0x31a: {  	v1 =	vadd.s32 v2, v1;
	[sflag:s19] =	ssyncadd.s32 $0xFFFFF9C0  }
0x31b: {  	v2 =	vmul.u32 $0x7FFFFCE, v1;
	_ =	swait.ge [sflag:s19], $0x640  }
0x31c: {  	[sflag:s19] =	ssyncset.done $0x0  }
0x31d: {  	v1 =	vmul.u32 $0x640, v1;
	v0 =	vadd.s32 v0, v2;
	[sflag:s19] =	ssyncadd.s32 $0xFFFFF9C0  }
0x31e: {  	v0 =	vshll.u32 v0, $0x5;
	_ =	swait.ge [sflag:s19], $0x640  }
0x31f: {  	v35 =	vadd.s32 v1, v0;
	v0 =	vld [tilespmem:$0x1FE20];
	_ =	sdelay $0x3  }
0x320: {  	v1 =	vor.u32 v37, v35  }
0x321: {  	[sflag:s19] =	ssyncset.done $0x0;
	[tilespmem:$0x1FD50] =	vst v1;
	v2 =	vor.u32 v0, v35  }
0x322: {  	[sflag:s19] =	ssyncadd.s32 $0xFFFFF9C0;
	[tilespmem:$0x1FD60] =	vst v2  }
0x323: {  	_ =	swait.ge [sflag:s19], $0x640  }
0x324: {  	v0 =	vld [tilespmem:$0x1FE30];
	_ =	sdelay $0x4  }
0x325: {  	v39 =	vor.u32 v0, v35;
	v0 =	vld [tilespmem:$0x1FE40];
	_ =	sdelay $0x4  }
0x326: {  	v40 =	vor.u32 v0, v35;
	v0 =	vld [tilespmem:$0x1FE50];
	_ =	sdelay $0x4  }
0x327: {  	v5 =	vor.u32 v0, v35;
	v0 =	vld [tilespmem:$0x1FE60];
	_ =	sdelay $0x4  }
0x328: {  	v6 =	vor.u32 v0, v35;
	v0 =	vld [tilespmem:$0x1FEB0];
	_ =	sdelay $0x4  }
0x329: {  	v7 =	vor.u32 v0, v35;
	v0 =	vld [tilespmem:$0x1FEC0];
	_ =	sdelay $0x1  }
0x32a: {  	[sflag:s19] =	ssyncset.done $0x0  }
0x32b: {  	[sflag:s19] =	ssyncadd.s32 $0xFFFFF9C0  }
0x32c: {  	v3 =	vld.idx.msk [tilespmem:v1+s12+$0x0], $0xffff  }
0x32d: {  	v8 =	vor.u32 v0, v35;
	v0 =	vld [tilespmem:$0x1FEE0]  }
0x32e: {  	v11 =	vld.idx.msk [tilespmem:v2+s12+$0x0], $0xffff;
	_ =	sdelay $0x1  }
0x32f: {  	v12 =	vld.idx.msk [tilespmem:v39+s12+$0x0], $0xffff;
	_ =	sdelay $0x1  }
0x330: {  	v9 =	vor.u32 v0, v35;
	v0 =	vld [tilespmem:$0x1FE70]  }
0x331: {  	v41 =	vmul.f32 v3, v3;
	v42 =	vmul.f32 v11, v11;
	_ =	sdelay $0x1  }
0x332: {  	v10 =	vadd.f32 v42, v41;
	v13 =	vld.idx.msk [tilespmem:v40+s12+$0x0], $0xffff;
	v43 =	vmul.f32 v12, v12;
	_ =	sdelay $0x1  }
0x333: {  	v14 =	vadd.f32 v43, v10;
	v10 =	vor.u32 v0, v35;
	v0 =	vld [tilespmem:$0x1FE80];
	_ =	sdelay $0x2  }
0x334: {  	v15 =	vld.idx.msk [tilespmem:v5+s12+$0x0], $0xffff;
	v44 =	vmul.f32 v13, v13;
	_ =	sdelay $0x1  }
0x335: {  	v16 =	vadd.f32 v44, v14;
	v14 =	vor.u32 v0, v35;
	v0 =	vld [tilespmem:$0x1FE90];
	_ =	sdelay $0x2  }
0x336: {  	v17 =	vld.idx.msk [tilespmem:v6+s12+$0x0], $0xffff;
	v45 =	vmul.f32 v15, v15;
	_ =	sdelay $0x1  }
0x337: {  	v18 =	vadd.f32 v45, v16;
	v16 =	vor.u32 v0, v35;
	v0 =	vld [tilespmem:$0x1FEA0];
	_ =	sdelay $0x2  }
0x338: {  	v20 =	vld.idx.msk [tilespmem:v7+s12+$0x0], $0xffff;
	v46 =	vmul.f32 v17, v17;
	_ =	sdelay $0x1  }
0x339: {  	v19 =	vadd.f32 v46, v18;
	v18 =	vor.u32 v0, v35;
	v0 =	vld [tilespmem:$0x1FED0];
	_ =	sdelay $0x2  }
0x33a: {  	v23 =	vld.idx.msk [tilespmem:v8+s12+$0x0], $0xffff;
	v47 =	vmul.f32 v20, v20;
	_ =	sdelay $0x1  }
0x33b: {  	v21 =	vadd.f32 v47, v19;
	v19 =	vor.u32 v0, v35;
	v0 =	vld [tilespmem:$0x1FEF0];
	_ =	sdelay $0x2  }
0x33c: {  	v25 =	vld.idx.msk [tilespmem:v9+s12+$0x0], $0xffff;
	v48 =	vmul.f32 v23, v23;
	_ =	sdelay $0x1  }
0x33d: {  	v22 =	vadd.f32 v48, v21;
	v21 =	vor.u32 v0, v35;
	v0 =	vld [tilespmem:$0x1FF60];
	_ =	sdelay $0x2  }
0x33e: {  	v29 =	vld.idx.msk [tilespmem:v10+s12+$0x0], $0xffff;
	v49 =	vmul.f32 v25, v25;
	_ =	sdelay $0x1  }
0x33f: {  	v24 =	vadd.f32 v49, v22;
	v22 =	vor.u32 v0, v35;
	v0 =	vld [tilespmem:$0x1FF90];
	_ =	sdelay $0x2  }
0x340: {  	v32 =	vld.idx.msk [tilespmem:v14+s12+$0x0], $0xffff;
	v50 =	vmul.f32 v29, v29;
	_ =	sdelay $0x1  }
0x341: {  	v26 =	vadd.f32 v50, v24;
	v24 =	vor.u32 v0, v35;
	v0 =	vld [tilespmem:$0x1FF00];
	_ =	sdelay $0x2  }
0x342: {  	v38 =	vld.idx.msk [tilespmem:v16+s12+$0x0], $0xffff;
	v51 =	vmul.f32 v32, v32;
	_ =	sdelay $0x1  }
0x343: {  	v27 =	vadd.f32 v51, v26;
	v26 =	vor.u32 v0, v35;
	v0 =	vld [tilespmem:$0x1FF10];
	_ =	sdelay $0x2  }
0x344: {  	[tilespmem:$0x1FD70] =	vst v39;
	v39 =	vld.idx.msk [tilespmem:v18+s12+$0x0], $0xffff;
	v52 =	vmul.f32 v38, v38;
	_ =	sdelay $0x1  }
0x345: {  	v28 =	vadd.f32 v52, v27;
	v27 =	vor.u32 v0, v35;
	v0 =	vld [tilespmem:$0x1FF70];
	_ =	sdelay $0x2  }
0x346: {  	[tilespmem:$0x1FD80] =	vst v40;
	v40 =	vld.idx.msk [tilespmem:v19+s12+$0x0], $0xffff;
	v53 =	vmul.f32 v39, v39;
	_ =	sdelay $0x1  }
0x347: {  	v30 =	vadd.f32 v53, v28;
	v28 =	vor.u32 v0, v35;
	v0 =	vld [tilespmem:$0x1FF20];
	_ =	sdelay $0x2  }
0x348: {  	v41 =	vld.idx.msk [tilespmem:v21+s12+$0x0], $0xffff;
	v54 =	vmul.f32 v40, v40;
	_ =	sdelay $0x1  }
0x349: {  	v31 =	vadd.f32 v54, v30;
	v30 =	vor.u32 v0, v35;
	v0 =	vld [tilespmem:$0x1FF30];
	_ =	sdelay $0x2  }
0x34a: {  	v42 =	vld.idx.msk [tilespmem:v22+s12+$0x0], $0xffff;
	v55 =	vmul.f32 v41, v41;
	_ =	sdelay $0x1  }
0x34b: {  	v33 =	vadd.f32 v55, v31;
	v31 =	vor.u32 v0, v35;
	v0 =	vld [tilespmem:$0x1FF40];
	_ =	sdelay $0x2  }
0x34c: {  	v43 =	vld.idx.msk [tilespmem:v24+s12+$0x0], $0xffff;
	v56 =	vmul.f32 v42, v42;
	_ =	sdelay $0x1  }
0x34d: {  	v34 =	vadd.f32 v56, v33;
	v33 =	vor.u32 v0, v35;
	v0 =	vld [tilespmem:$0x1FF50];
	_ =	sdelay $0x2  }
0x34e: {  	v57 =	vmul.f32 v43, v43;
	_ =	sdelay $0x1  }
0x34f: {  	v36 =	vadd.f32 v57, v34;
	v34 =	vor.u32 v0, v35;
	v0 =	vld [tilespmem:$0x1FF80];
	_ =	sdelay $0x4  }
0x350: {  	v50 =	vor.u32 v0, v35;
	v0 =	vld [tilespmem:$0x1FFA0];
	_ =	sdelay $0x4  }
0x351: {  	v51 =	vor.u32 v0, v35;
	v0 =	vld [tilespmem:$0x1FFB0];
	_ =	sdelay $0x4  }
0x352: {  	v54 =	vor.u32 v0, v35;
	v0 =	vld [tilespmem:$0x1FFC0]  }
0x353: {  	v44 =	vld.idx.msk [tilespmem:v26+s12+$0x0], $0xffff;
	_ =	sdelay $0x1  }
0x354: {  	v45 =	vld.idx.msk [tilespmem:v27+s12+$0x0], $0xffff  }
0x355: {  	v46 =	vld.idx.msk [tilespmem:v28+s12+$0x0], $0xffff  }
0x356: {  	v55 =	vor.u32 v0, v35;
	v0 =	vld [tilespmem:$0x1FFD0]  }
0x357: {  	v58 =	vmul.f32 v44, v44  }
0x358: {  	v47 =	vld.idx.msk [tilespmem:v30+s12+$0x0], $0xffff  }
0x359: {  	v36 =	vadd.f32 v58, v36;
	v59 =	vmul.f32 v45, v45  }
0x35a: {  	v49 =	vld.idx.msk [tilespmem:v31+s12+$0x0], $0xffff  }
0x35b: {  	v36 =	vadd.f32 v59, v36;
	v60 =	vmul.f32 v46, v46;
	v58 =	vor.u32 v0, v35;
	v0 =	vld [tilespmem:$0x1FFE0]  }
0x35c: {  	v48 =	vld.idx.msk [tilespmem:v33+s12+$0x0], $0xffff  }
0x35d: {  	v36 =	vadd.f32 v60, v36;
	v61 =	vmul.f32 v47, v47  }
0x35e: {  	v53 =	vld.idx.msk [tilespmem:v34+s12+$0x0], $0xffff  }
0x35f: {  	v36 =	vadd.f32 v61, v36;
	v62 =	vmul.f32 v49, v49  }
0x360: {  	v59 =	vor.u32 v0, v35;
	v0 =	vld [tilespmem:$0x1FFF0]  }
0x361: {  	v36 =	vadd.f32 v62, v36;
	v63 =	vmul.f32 v48, v48;
	v52 =	vld.idx.msk [tilespmem:v50+s12+$0x0], $0xffff;
	_ =	sdelay $0x1  }
0x362: {  	v36 =	vadd.f32 v63, v36;
	v37 =	vmul.f32 v53, v53;
	v57 =	vld.idx.msk [tilespmem:v51+s12+$0x0], $0xffff  }
0x363: {  	v56 =	vld.idx.msk [tilespmem:v54+s12+$0x0], $0xffff  }
0x364: {  	v37 =	vadd.f32 v37, v36;
	v36 =	vor.u32 v0, v35;
	v0 =	vld [tilespmem:$0x1FE10]  }
0x365: {  	v4 =	vmul.f32 v52, v52  }
0x366: {  	v61 =	vld.idx.msk [tilespmem:v55+s12+$0x0], $0xffff  }
0x367: {  	v60 =	vadd.f32 v4, v37;
	v62 =	vmul.f32 v57, v57  }
0x368: {  	v63 =	vld.idx.msk [tilespmem:v58+s12+$0x0], $0xffff  }
0x369: {  	v60 =	vadd.f32 v62, v60;
	v4 =	vmul.f32 v56, v56;
	v37 =	vor.u32 v0, v35  }
0x36a: {  	v62 =	vld.idx.msk [tilespmem:v59+s12+$0x0], $0xffff  }
0x36b: {  	v35 =	vadd.f32 v4, v60;
	v4 =	vmul.f32 v61, v61  }
0x36c: {  	v1 =	vld.idx.msk [tilespmem:v36+s12+$0x0], $0xffff  }
0x36d: {  	v35 =	vadd.f32 v4, v35;
	v4 =	vmul.f32 v63, v63  }
0x36e: {  	v2 =	vld.idx.msk [tilespmem:v37+s12+$0x0], $0xffff  }
0x36f: {  	v35 =	vadd.f32 v4, v35;
	v4 =	vmul.f32 v62, v62;
	_ =	sdelay $0x1  }
0x370: {  	v35 =	vadd.f32 v4, v35;
	v4 =	vmul.f32 v1, v1;
	_ =	sdelay $0x1  }
0x371: {  	v35 =	vadd.f32 v4, v35;
	v4 =	vmul.f32 v2, v2;
	_ =	sdelay $0x1  }
0x372: {  	v35 =	vadd.f32 v4, v35;
	_ =	sdelay $0x1  }
0x373: {  	v60 =	vshrl.u32 v35, $0x1;
	v0 =	vmul.f32 $5.000000000e-01, v35  }
0x374: {  	v60 =	vsub.s32 $0x5F3759DF, v60  }
0x375: {  	v4 =	vmul.f32 v60, v0;
	_ =	sdelay $0x1  }
0x376: {  	v4 =	vmul.f32 v60, v4;
	_ =	sdelay $0x1  }
0x377: {  	v4 =	vsub.f32 $1.500000000e+00, v4;
	_ =	sdelay $0x1  }
0x378: {  	v4 =	vmul.f32 v60, v4;
	_ =	sdelay $0x1  }
0x379: {  	v60 =	vmul.f32 v4, v0;
	_ =	sdelay $0x1  }
0x37a: {  	v60 =	vmul.f32 v60, v4;
	_ =	sdelay $0x1  }
0x37b: {  	v60 =	vsub.f32 $1.500000000e+00, v60;
	_ =	sdelay $0x1  }
0x37c: {  	v4 =	vmul.f32 v60, v4;
	_ =	sdelay $0x1  }
0x37d: {  	v0 =	vmul.f32 v4, v0;
	_ =	sdelay $0x1  }
0x37e: {  	v0 =	vmul.f32 v0, v4;
	_ =	sdelay $0x1  }
0x37f: {  	v0 =	vsub.f32 $1.500000000e+00, v0;
	_ =	sdelay $0x1  }
0x380: {  	v0 =	vmul.f32 v0, v4;
	_ =	sdelay $0x1  }
0x381: {  	v0 =	vmul.f32 v0, v35;
	_ =	sdelay $0x1  }
0x382: {  	v0 =	vadd.f32 $1.000000010e-07, v0;
	_ =	sdelay $0x1  }
0x383: {  	(erf) = vrcp.f32 v0;
	_ =	sdelay $0x4  }
0x384: {  	v60 =	vld [tilespmem:$0x1FD50];
	_ =	sdelay $0x3  }
0x385: {  	vm13 =	vgt.f32 v35, $1.000000000e+00;
	v0 =	vpop (erf)  }
0x386: {  	v4 =	vnsel vm13, $0x3F800000, v0  }
0x387: {  	v0 =	vmul.f32 v4, v3;
	_ =	sdelay $0x1  }
0x388: {  	[tilespmem:v60+s12+$0x0] =	vst.idx.msk $0xffff, v0;
	v0 =	vmul.f32 v4, v12;
	v12 =	vld [tilespmem:$0x1FD60];
	_ =	sdelay $0x5  }
0x389: {  	v3 =	vmul.f32 v4, v11;
	_ =	sdelay $0x1  }
0x38a: {  	[tilespmem:v12+s12+$0x0] =	vst.idx.msk $0xffff, v3;
	v3 =	vmul.f32 v4, v13;
	v13 =	vld [tilespmem:$0x1FD70];
	_ =	sdelay $0x7  }
0x38b: {  	[tilespmem:v13+s12+$0x0] =	vst.idx.msk $0xffff, v0;
	v0 =	vmul.f32 v4, v15;
	v15 =	vld [tilespmem:$0x1FD80];
	_ =	sdelay $0x7  }
0x38c: {  	[tilespmem:v15+s12+$0x0] =	vst.idx.msk $0xffff, v3;
	v3 =	vmul.f32 v4, v17  }
0x38d: {  	[tilespmem:v5+s12+$0x0] =	vst.idx.msk $0xffff, v0;
	v0 =	vmul.f32 v4, v20  }
0x38e: {  	[tilespmem:v6+s12+$0x0] =	vst.idx.msk $0xffff, v3;
	v3 =	vmul.f32 v4, v23  }
0x38f: {  	[tilespmem:v7+s12+$0x0] =	vst.idx.msk $0xffff, v0;
	v0 =	vmul.f32 v4, v25  }
0x390: {  	[tilespmem:v8+s12+$0x0] =	vst.idx.msk $0xffff, v3;
	v3 =	vmul.f32 v4, v29  }
0x391: {  	[tilespmem:v9+s12+$0x0] =	vst.idx.msk $0xffff, v0;
	v0 =	vmul.f32 v4, v32  }
0x392: {  	[tilespmem:v10+s12+$0x0] =	vst.idx.msk $0xffff, v3;
	v3 =	vmul.f32 v4, v38  }
0x393: {  	[tilespmem:v14+s12+$0x0] =	vst.idx.msk $0xffff, v0;
	v0 =	vmul.f32 v4, v39  }
0x394: {  	[tilespmem:v16+s12+$0x0] =	vst.idx.msk $0xffff, v3;
	v3 =	vmul.f32 v4, v40  }
0x395: {  	s29 =	simm.s32 $0x10;
	v29 =	vlaneseq.u32;
	[tilespmem:v18+s12+$0x0] =	vst.idx.msk $0xffff, v0;
	v0 =	vmul.f32 v4, v41  }
0x396: {  	[tilespmem:v19+s12+$0x0] =	vst.idx.msk $0xffff, v3;
	v3 =	vor.u32 s29, v29  }
0x397: {  	[tilespmem:v21+s12+$0x0] =	vst.idx.msk $0xffff, v0;
	v0 =	vmulhi.u32 $0x51EB851F, v3;
	_ =	sdelay $0x1  }
0x398: {  	v0 =	vshrl.u32 v0, $0x4  }
0x399: {  	v32 =	vmul.f32 v4, v42;
	v40 =	vmul.u32 $0xFFFFFFCE, v0  }
0x39a: {  	v39 =	vmul.f32 v4, v45;
	v45 =	vmov s29;
	v42 =	vsub.s32 $0x0, v3  }
0x39b: {  	v38 =	vmul.f32 v4, v44;
	vm15 =	veq.s32 v45, v29;
	vm14 =	vne.s32 v40, v42  }
0x39c: {  	v44 =	vmul.f32 v4, v49;
	v49 =	vimm.s32 $0x0;
	vm0 =	vmand vm15, vm14  }
0x39d: {  	v6 =	vsel vm0, $0xFFFFFFFF, v49  }
0x39e: {  	v35 =	vmul.f32 v4, v43;
	v0 =	vadd.s32 v6, v0  }
0x39f: {  	[tilespmem:v22+s12+$0x0] =	vst.idx.msk $0xffff, v32;
	v6 =	vmul.u32 $0x7FFFFCE, v0  }
0x3a0: {  	[tilespmem:v24+s12+$0x0] =	vst.idx.msk $0xffff, v35  }
0x3a1: {  	v41 =	vmul.f32 v4, v46;
	[tilespmem:v26+s12+$0x0] =	vst.idx.msk $0xffff, v38;
	v0 =	vmul.u32 $0x640, v0;
	v3 =	vadd.s32 v3, v6  }
0x3a2: {  	v43 =	vmul.f32 v4, v47;
	[tilespmem:v27+s12+$0x0] =	vst.idx.msk $0xffff, v39;
	v3 =	vshll.u32 v3, $0x5  }
0x3a3: {  	[tilespmem:v28+s12+$0x0] =	vst.idx.msk $0xffff, v41;
	v38 =	vadd.s32 v0, v3;
	v0 =	vmul.f32 v4, v1;
	v1 =	vld [tilespmem:$0x1FE20]  }
0x3a4: {  	v47 =	vmul.f32 v4, v48;
	[tilespmem:v30+s12+$0x0] =	vst.idx.msk $0xffff, v43  }
0x3a5: {  	v48 =	vmul.f32 v4, v53;
	[tilespmem:v31+s12+$0x0] =	vst.idx.msk $0xffff, v44  }
0x3a6: {  	v52 =	vmul.f32 v4, v52;
	[tilespmem:v33+s12+$0x0] =	vst.idx.msk $0xffff, v47  }
0x3a7: {  	v53 =	vmul.f32 v4, v57;
	v57 =	vmul.f32 v4, v56;
	[tilespmem:v34+s12+$0x0] =	vst.idx.msk $0xffff, v48  }
0x3a8: {  	[tilespmem:v50+s12+$0x0] =	vst.idx.msk $0xffff, v52;
	v42 =	vor.u32 v1, v38;
	v1 =	vmul.f32 v4, v2;
	v2 =	vld [tilespmem:$0x1FE30]  }
0x3a9: {  	v60 =	vmul.f32 v4, v61;
	[tilespmem:v51+s12+$0x0] =	vst.idx.msk $0xffff, v53  }
0x3aa: {  	v61 =	vmul.f32 v4, v63;
	[tilespmem:v54+s12+$0x0] =	vst.idx.msk $0xffff, v57  }
0x3ab: {  	v63 =	vmul.f32 v4, v62;
	[tilespmem:v55+s12+$0x0] =	vst.idx.msk $0xffff, v60  }
0x3ac: {  	v46 =	vlaneseq.u32;
	[tilespmem:v58+s12+$0x0] =	vst.idx.msk $0xffff, v61  }
0x3ad: {  	s26 =	simm.s32 $0x20;
	v34 =	vor.u32 v46, v38;
	[tilespmem:v59+s12+$0x0] =	vst.idx.msk $0xffff, v63;
	v35 =	vor.u32 v2, v38  }
.LBB2_5:
0x3ae: {  	[tilespmem:v36+s12+$0x0] =	vst.idx.msk $0xffff, v0;
	v0 =	vld [tilespmem:$0x1FE40];
	_ =	sdelay $0x4  }
0x3af: {  	v2 =	vor.u32 v0, v38;
	v0 =	vld [tilespmem:$0x1FE50];
	_ =	sdelay $0x4  }
0x3b0: {  	[tilespmem:v37+s12+$0x0] =	vst.idx.msk $0xffff, v1;
	v1 =	vor.u32 v0, v38;
	v0 =	vld [tilespmem:$0x1FE60];
	_ =	sdelay $0x2  }
0x3b1: {  	v47 =	vld.idx.msk [tilespmem:v34+s12+$0x0], $0xffff  }
0x3b2: {  	v48 =	vld.idx.msk [tilespmem:v42+s12+$0x0], $0xffff  }
0x3b3: {  	v3 =	vor.u32 v0, v38;
	v0 =	vld [tilespmem:$0x1FEB0];
	_ =	sdelay $0x1  }
0x3b4: {  	v49 =	vld.idx.msk [tilespmem:v35+s12+$0x0], $0xffff  }
0x3b5: {  	[tilespmem:$0x1FCD0] =	vst v2;
	v50 =	vld.idx.msk [tilespmem:v2+s12+$0x0], $0xffff  }
0x3b6: {  	v2 =	vld [tilespmem:$0x1FEC0];
	[tilespmem:$0x1FCE0] =	vst v1  }
0x3b7: {  	v52 =	vld.idx.msk [tilespmem:v1+s12+$0x0], $0xffff;
	v1 =	vmul.f32 v48, v48;
	v4 =	vor.u32 v0, v38;
	v0 =	vmul.f32 v47, v47;
	_ =	sdelay $0x1  }
0x3b8: {  	v0 =	vadd.f32 v1, v0;
	v1 =	vld [tilespmem:$0x1FEE0];
	_ =	sdelay $0x2  }
0x3b9: {  	v43 =	vor.u32 v2, v38;
	v2 =	vmul.f32 v49, v49;
	_ =	sdelay $0x1  }
0x3ba: {  	v0 =	vadd.f32 v2, v0;
	v2 =	vld [tilespmem:$0x1FE70];
	v44 =	vor.u32 v1, v38;
	v1 =	vmul.f32 v50, v50  }
0x3bb: {  	v55 =	vld.idx.msk [tilespmem:v3+s12+$0x0], $0xffff  }
0x3bc: {  	v0 =	vadd.f32 v1, v0;
	v1 =	vld [tilespmem:$0x1FE80];
	_ =	sdelay $0x2  }
0x3bd: {  	v45 =	vor.u32 v2, v38;
	v2 =	vmul.f32 v52, v52;
	_ =	sdelay $0x1  }
0x3be: {  	v57 =	vld.idx.msk [tilespmem:v4+s12+$0x0], $0xffff;
	v0 =	vadd.f32 v2, v0;
	v46 =	vor.u32 v1, v38;
	v1 =	vmul.f32 v55, v55  }
0x3bf: {  	v59 =	vld.idx.msk [tilespmem:v43+s12+$0x0], $0xffff  }
0x3c0: {  	v0 =	vadd.f32 v1, v0;
	v1 =	vld [tilespmem:$0x1FEA0]  }
0x3c1: {  	v2 =	vld [tilespmem:$0x1FE90];
	_ =	sdelay $0x1  }
0x3c2: {  	[tilespmem:$0x1FCF0] =	vst v3;
	v3 =	vmul.f32 v57, v57  }
0x3c3: {  	v63 =	vld.idx.msk [tilespmem:v44+s12+$0x0], $0xffff  }
0x3c4: {  	v0 =	vadd.f32 v3, v0;
	v3 =	vld [tilespmem:$0x1FED0];
	v53 =	vor.u32 v1, v38;
	v1 =	vmul.f32 v59, v59  }
0x3c5: {  	v51 =	vor.u32 v2, v38;
	v2 =	vld.idx.msk [tilespmem:v45+s12+$0x0], $0xffff  }
0x3c6: {  	v0 =	vadd.f32 v1, v0;
	v1 =	vld [tilespmem:$0x1FEF0];
	_ =	sdelay $0x2  }
0x3c7: {  	v54 =	vor.u32 v3, v38;
	v3 =	vmul.f32 v63, v63  }
0x3c8: {  	[tilespmem:$0x1FD00] =	vst v4;
	v4 =	vld.idx.msk [tilespmem:v46+s12+$0x0], $0xffff  }
0x3c9: {  	v0 =	vadd.f32 v3, v0;
	v3 =	vld [tilespmem:$0x1FF60];
	v56 =	vor.u32 v1, v38;
	v1 =	vmul.f32 v2, v2  }
0x3ca: {  	v7 =	vld.idx.msk [tilespmem:v51+s12+$0x0], $0xffff  }
0x3cb: {  	v0 =	vadd.f32 v1, v0;
	v1 =	vld [tilespmem:$0x1FF90];
	_ =	sdelay $0x2  }
0x3cc: {  	v58 =	vor.u32 v3, v38;
	v3 =	vmul.f32 v4, v4  }
0x3cd: {  	v9 =	vld.idx.msk [tilespmem:v53+s12+$0x0], $0xffff  }
0x3ce: {  	v0 =	vadd.f32 v3, v0;
	v3 =	vld [tilespmem:$0x1FF00];
	v60 =	vor.u32 v1, v38;
	v1 =	vmul.f32 v7, v7  }
0x3cf: {  	v12 =	vld.idx.msk [tilespmem:v54+s12+$0x0], $0xffff  }
0x3d0: {  	v0 =	vadd.f32 v1, v0;
	v1 =	vld [tilespmem:$0x1FF10];
	_ =	sdelay $0x1  }
0x3d1: {  	v15 =	vld.idx.msk [tilespmem:v56+s12+$0x0], $0xffff  }
0x3d2: {  	v61 =	vor.u32 v3, v38;
	v3 =	vmul.f32 v9, v9  }
0x3d3: {  	v16 =	vld.idx.msk [tilespmem:v58+s12+$0x0], $0xffff  }
0x3d4: {  	v5 =	vmul.f32 v12, v12;
	v0 =	vadd.f32 v3, v0;
	v62 =	vor.u32 v1, v38;
	v1 =	vld [tilespmem:$0x1FF70]  }
0x3d5: {  	v18 =	vld.idx.msk [tilespmem:v60+s12+$0x0], $0xffff  }
0x3d6: {  	v6 =	vmul.f32 v15, v15;
	v3 =	vld [tilespmem:$0x1FF20];
	v0 =	vadd.f32 v5, v0;
	_ =	sdelay $0x1  }
0x3d7: {  	v28 =	vld [tilespmem:$0x1FF30];
	v8 =	vmul.f32 v16, v16;
	v0 =	vadd.f32 v6, v0  }
0x3d8: {  	v29 =	vld [tilespmem:$0x1FF40];
	v1 =	vor.u32 v1, v38  }
0x3d9: {  	v20 =	vld.idx.msk [tilespmem:v61+s12+$0x0], $0xffff;
	v10 =	vmul.f32 v18, v18;
	v0 =	vadd.f32 v8, v0  }
0x3da: {  	v3 =	vor.u32 v3, v38;
	v21 =	vld.idx.msk [tilespmem:v62+s12+$0x0], $0xffff  }
0x3db: {  	v10 =	vadd.f32 v10, v0;
	v0 =	vld [tilespmem:$0x1FF50]  }
0x3dc: {  	v30 =	vld [tilespmem:$0x1FF80];
	v5 =	vor.u32 v28, v38  }
0x3dd: {  	v22 =	vld.idx.msk [tilespmem:v1+s12+$0x0], $0xffff  }
0x3de: {  	v31 =	vld [tilespmem:$0x1FFA0];
	v6 =	vor.u32 v29, v38;
	v11 =	vmul.f32 v20, v20  }
0x3df: {  	v23 =	vld.idx.msk [tilespmem:v3+s12+$0x0], $0xffff  }
0x3e0: {  	v32 =	vld [tilespmem:$0x1FFB0];
	v11 =	vadd.f32 v11, v10;
	v8 =	vor.u32 v0, v38;
	v13 =	vmul.f32 v21, v21  }
0x3e1: {  	v0 =	vld.idx.msk [tilespmem:v5+s12+$0x0], $0xffff  }
0x3e2: {  	v33 =	vld [tilespmem:$0x1FFC0];
	v10 =	vor.u32 v30, v38;
	v13 =	vadd.f32 v13, v11;
	v14 =	vmul.f32 v22, v22  }
0x3e3: {  	v24 =	vld.idx.msk [tilespmem:v6+s12+$0x0], $0xffff  }
0x3e4: {  	v36 =	vld [tilespmem:$0x1FFD0];
	v11 =	vor.u32 v31, v38;
	v17 =	vmul.f32 v23, v23;
	v14 =	vadd.f32 v14, v13  }
0x3e5: {  	v25 =	vld.idx.msk [tilespmem:v8+s12+$0x0], $0xffff  }
0x3e6: {  	v37 =	vld [tilespmem:$0x1FFE0];
	v19 =	vmul.f32 v0, v0;
	v13 =	vor.u32 v32, v38;
	v17 =	vadd.f32 v17, v14  }
0x3e7: {  	v26 =	vld.idx.msk [tilespmem:v10+s12+$0x0], $0xffff  }
0x3e8: {  	v39 =	vld [tilespmem:$0x1FFF0];
	v29 =	vmul.f32 v24, v24;
	v14 =	vor.u32 v33, v38;
	v19 =	vadd.f32 v19, v17  }
0x3e9: {  	v27 =	vld.idx.msk [tilespmem:v11+s12+$0x0], $0xffff  }
0x3ea: {  	v40 =	vld [tilespmem:$0x1FE10];
	v30 =	vmul.f32 v25, v25;
	v17 =	vor.u32 v36, v38;
	v31 =	vadd.f32 v29, v19  }
0x3eb: {  	v28 =	vld.idx.msk [tilespmem:v13+s12+$0x0], $0xffff  }
0x3ec: {  	v32 =	vmul.f32 v26, v26;
	v19 =	vor.u32 v37, v38;
	v31 =	vadd.f32 v30, v31  }
0x3ed: {  	v29 =	vld.idx.msk [tilespmem:v14+s12+$0x0], $0xffff  }
0x3ee: {  	v36 =	vor.u32 v39, v38;
	v33 =	vmul.f32 v27, v27;
	v32 =	vadd.f32 v32, v31  }
0x3ef: {  	v30 =	vld.idx.msk [tilespmem:v17+s12+$0x0], $0xffff  }
0x3f0: {  	v37 =	vor.u32 v40, v38;
	v39 =	vmul.f32 v28, v28;
	v32 =	vadd.f32 v33, v32  }
0x3f1: {  	v31 =	vld.idx.msk [tilespmem:v19+s12+$0x0], $0xffff  }
0x3f2: {  	v33 =	vmul.f32 v29, v29;
	v39 =	vadd.f32 v39, v32  }
0x3f3: {  	v38 =	vld.idx.msk [tilespmem:v36+s12+$0x0], $0xffff  }
0x3f4: {  	v40 =	vmul.f32 v30, v30;
	v33 =	vadd.f32 v33, v39  }
0x3f5: {  	v32 =	vld.idx.msk [tilespmem:v37+s12+$0x0], $0xffff  }
0x3f6: {  	v39 =	vmul.f32 v31, v31;
	v33 =	vadd.f32 v40, v33;
	_ =	sdelay $0x1  }
0x3f7: {  	v40 =	vmul.f32 v38, v38;
	v33 =	vadd.f32 v39, v33;
	_ =	sdelay $0x1  }
0x3f8: {  	v39 =	vmul.f32 v32, v32;
	v33 =	vadd.f32 v40, v33;
	_ =	sdelay $0x1  }
0x3f9: {  	v33 =	vadd.f32 v39, v33;
	_ =	sdelay $0x1  }
0x3fa: {  	v39 =	vshrl.u32 v33, $0x1;
	v40 =	vmul.f32 $5.000000000e-01, v33  }
0x3fb: {  	v39 =	vsub.s32 $0x5F3759DF, v39  }
0x3fc: {  	v41 =	vmul.f32 v39, v40;
	_ =	sdelay $0x1  }
0x3fd: {  	v41 =	vmul.f32 v39, v41;
	_ =	sdelay $0x1  }
0x3fe: {  	v41 =	vsub.f32 $1.500000000e+00, v41;
	_ =	sdelay $0x1  }
0x3ff: {  	v39 =	vmul.f32 v39, v41;
	_ =	sdelay $0x1  }
0x400: {  	v41 =	vmul.f32 v39, v40;
	_ =	sdelay $0x1  }
0x401: {  	v41 =	vmul.f32 v41, v39;
	_ =	sdelay $0x1  }
0x402: {  	v41 =	vsub.f32 $1.500000000e+00, v41;
	_ =	sdelay $0x1  }
0x403: {  	v39 =	vmul.f32 v41, v39;
	_ =	sdelay $0x1  }
0x404: {  	v40 =	vmul.f32 v39, v40;
	_ =	sdelay $0x1  }
0x405: {  	v40 =	vmul.f32 v40, v39;
	_ =	sdelay $0x1  }
0x406: {  	v40 =	vsub.f32 $1.500000000e+00, v40;
	_ =	sdelay $0x1  }
0x407: {  	v39 =	vmul.f32 v40, v39;
	_ =	sdelay $0x1  }
0x408: {  	v39 =	vmul.f32 v39, v33;
	_ =	sdelay $0x1  }
0x409: {  	v39 =	vadd.f32 $1.000000010e-07, v39;
	_ =	sdelay $0x1  }
0x40a: {  	(erf) = vrcp.f32 v39;
	_ =	sdelay $0x8  }
0x40b: {  	vm0 =	vgt.f32 v33, $1.000000000e+00;
	v41 =	vpop (erf)  }
0x40c: {  	v33 =	vnsel vm0, $0x3F800000, v41  }
0x40d: {  	v47 =	vmul.f32 v33, v47  }
0x40e: {  	v48 =	vmul.f32 v33, v48  }
0x40f: {  	v49 =	vmul.f32 v33, v49;
	[tilespmem:v34+s12+$0x0] =	vst.idx.msk $0xffff, v47  }
0x410: {  	v47 =	vmul.f32 v33, v50;
	v50 =	vld [tilespmem:$0x1FCD0];
	[tilespmem:v42+s12+$0x0] =	vst.idx.msk $0xffff, v48  }
0x411: {  	[tilespmem:v35+s12+$0x0] =	vst.idx.msk $0xffff, v49;
	v49 =	vmul.f32 v33, v55;
	v55 =	vld [tilespmem:$0x1FCE0];
	_ =	sdelay $0x5  }
0x412: {  	v48 =	vmul.f32 v33, v52  }
0x413: {  	v52 =	vmul.f32 v33, v57;
	v57 =	vmul.f32 v33, v59;
	v59 =	vld [tilespmem:$0x1FCF0];
	[tilespmem:v50+s12+$0x0] =	vst.idx.msk $0xffff, v47  }
0x414: {  	[tilespmem:v55+s12+$0x0] =	vst.idx.msk $0xffff, v48;
	v48 =	vld [tilespmem:$0x1FD00];
	_ =	sdelay $0x6  }
0x415: {  	[tilespmem:v59+s12+$0x0] =	vst.idx.msk $0xffff, v49  }
0x416: {  	v47 =	vmul.f32 v33, v63;
	[tilespmem:v48+s12+$0x0] =	vst.idx.msk $0xffff, v52  }
0x417: {  	v2 =	vmul.f32 v33, v2;
	[tilespmem:v43+s12+$0x0] =	vst.idx.msk $0xffff, v57  }
0x418: {  	v4 =	vmul.f32 v33, v4;
	[tilespmem:v44+s12+$0x0] =	vst.idx.msk $0xffff, v47  }
0x419: {  	v7 =	vmul.f32 v33, v7;
	[tilespmem:v45+s12+$0x0] =	vst.idx.msk $0xffff, v2  }
0x41a: {  	v2 =	vmul.f32 v33, v9;
	[tilespmem:v46+s12+$0x0] =	vst.idx.msk $0xffff, v4  }
0x41b: {  	v49 =	vmul.f32 v33, v12;
	[tilespmem:v51+s12+$0x0] =	vst.idx.msk $0xffff, v7  }
0x41c: {  	v50 =	vmul.f32 v33, v15;
	[tilespmem:v53+s12+$0x0] =	vst.idx.msk $0xffff, v2  }
0x41d: {  	v2 =	vmul.f32 v33, v16;
	[tilespmem:v54+s12+$0x0] =	vst.idx.msk $0xffff, v49  }
0x41e: {  	v55 =	vmul.f32 v33, v18;
	[tilespmem:v56+s12+$0x0] =	vst.idx.msk $0xffff, v50  }
0x41f: {  	s28 =	smov.u32 s26;
	v51 =	vlaneseq.u32;
	v56 =	vmul.f32 v33, v20;
	[tilespmem:v58+s12+$0x0] =	vst.idx.msk $0xffff, v2  }
0x420: {  	v52 =	vor.u32 s28, v51;
	v2 =	vmul.f32 v33, v21;
	[tilespmem:v60+s12+$0x0] =	vst.idx.msk $0xffff, v55  }
0x421: {  	v53 =	vmulhi.u32 $0x51EB851F, v52;
	v58 =	vmul.f32 v33, v22;
	[tilespmem:v61+s12+$0x0] =	vst.idx.msk $0xffff, v56  }
0x422: {  	v61 =	vmul.f32 v33, v23;
	[tilespmem:v62+s12+$0x0] =	vst.idx.msk $0xffff, v2  }
0x423: {  	v0 =	vmul.f32 v33, v0;
	v12 =	vshrl.u32 v53, $0x4;
	[tilespmem:v1+s12+$0x0] =	vst.idx.msk $0xffff, v58  }
0x424: {  	v59 =	vmov s28;
	v57 =	vmul.u32 $0xFFFFFFCE, v12;
	v1 =	vmul.f32 v33, v24;
	[tilespmem:v3+s12+$0x0] =	vst.idx.msk $0xffff, v61  }
0x425: {  	vm15 =	veq.s32 v59, v51;
	v60 =	vsub.s32 $0x0, v52;
	v3 =	vmul.f32 v33, v25;
	[tilespmem:v5+s12+$0x0] =	vst.idx.msk $0xffff, v0  }
0x426: {  	vm1 =	vne.s32 v57, v60;
	v0 =	vmul.f32 v33, v26;
	[tilespmem:v6+s12+$0x0] =	vst.idx.msk $0xffff, v1  }
0x427: {  	v2 =	vimm.s32 $0x0;
	vm0 =	vmand vm15, vm1;
	v1 =	vmul.f32 v33, v27;
	[tilespmem:v8+s12+$0x0] =	vst.idx.msk $0xffff, v3  }
0x428: {  	v2 =	vsel vm0, $0xFFFFFFFF, v2;
	v3 =	vmul.f32 v33, v28;
	[tilespmem:v10+s12+$0x0] =	vst.idx.msk $0xffff, v0  }
0x429: {  	v2 =	vadd.s32 v2, v12;
	[tilespmem:v11+s12+$0x0] =	vst.idx.msk $0xffff, v1  }
0x42a: {  	v62 =	vmul.u32 $0x7FFFFCE, v2;
	[tilespmem:v13+s12+$0x0] =	vst.idx.msk $0xffff, v3;
	v3 =	vld [tilespmem:$0x1FE20];
	_ =	sdelay $0x1  }
0x42b: {  	v2 =	vmul.u32 $0x640, v2;
	v4 =	vadd.s32 v52, v62  }
0x42c: {  	v4 =	vshll.u32 v4, $0x5  }
0x42d: {  	v0 =	vmul.f32 v33, v38;
	v38 =	vadd.s32 v2, v4  }
0x42e: {  	p0 =	sne.s32 s26, $0x630;
	v42 =	vor.u32 v3, v38;
	v3 =	vld [tilespmem:$0x1FE30]  }
.Ltmp3:
0x42f: {  	v63 =	vmul.f32 v33, v29;
	(pc) =	sbr.rel @p0 .LBB2_5-.Ltmp3, $4  }
0x430: {  	v1 =	vmul.f32 v33, v30  }
0x431: {  	v2 =	vmul.f32 v33, v31;
	[tilespmem:v14+s12+$0x0] =	vst.idx.msk $0xffff, v63  }
0x432: {  	v34 =	vor.u32 v51, v38;
	[tilespmem:v17+s12+$0x0] =	vst.idx.msk $0xffff, v1  }
0x433: {  	s26 =	sadd.s32 $0x10, s26;
	v1 =	vmul.f32 v33, v32;
	[tilespmem:v19+s12+$0x0] =	vst.idx.msk $0xffff, v2;
	v35 =	vor.u32 v3, v38  }
0x434: {  	_ = 	snop  }
0x435: {  	v26 =	vld [tilespmem:$0x1FE40];
	_ =	sdelay $0x1  }
0x436: {  	v28 =	vld [tilespmem:$0x1FE50]  }
0x437: {  	[tilespmem:v36+s12+$0x0] =	vst.idx.msk $0xffff, v0;
	v29 =	vld [tilespmem:$0x1FE60]  }
0x438: {  	v30 =	vld [tilespmem:$0x1FEB0];
	[tilespmem:v37+s12+$0x0] =	vst.idx.msk $0xffff, v1  }
0x439: {  	v3 =	vld.idx.msk [tilespmem:v34+s12+$0x0], $0xffff;
	v27 =	vor.u32 v26, v38  }
0x43a: {  	v5 =	vld.idx.msk [tilespmem:v42+s12+$0x0], $0xffff  }
0x43b: {  	v32 =	vld [tilespmem:$0x1FEC0];
	v2 =	vor.u32 v28, v38  }
0x43c: {  	v8 =	vld.idx.msk [tilespmem:v35+s12+$0x0], $0xffff  }
0x43d: {  	v36 =	vld [tilespmem:$0x1FEE0];
	v4 =	vor.u32 v29, v38  }
0x43e: {  	v9 =	vld.idx.msk [tilespmem:v27+s12+$0x0], $0xffff  }
0x43f: {  	v37 =	vld [tilespmem:$0x1FE70];
	v31 =	vor.u32 v30, v38;
	v6 =	vmul.f32 v3, v3;
	v7 =	vmul.f32 v5, v5  }
0x440: {  	v12 =	vld.idx.msk [tilespmem:v2+s12+$0x0], $0xffff  }
0x441: {  	v40 =	vld [tilespmem:$0x1FE80];
	v33 =	vor.u32 v32, v38;
	v11 =	vmul.f32 v8, v8;
	v7 =	vadd.f32 v7, v6  }
0x442: {  	v14 =	vld.idx.msk [tilespmem:v4+s12+$0x0], $0xffff  }
0x443: {  	v41 =	vld [tilespmem:$0x1FE90];
	[tilespmem:$0x1FC80] =	vst v4;
	v4 =	vor.u32 v36, v38;
	v11 =	vadd.f32 v11, v7;
	v13 =	vmul.f32 v9, v9  }
0x444: {  	v16 =	vld.idx.msk [tilespmem:v31+s12+$0x0], $0xffff  }
0x445: {  	v43 =	vld [tilespmem:$0x1FEA0];
	v39 =	vor.u32 v37, v38;
	v15 =	vmul.f32 v12, v12;
	v13 =	vadd.f32 v13, v11  }
0x446: {  	v18 =	vld.idx.msk [tilespmem:v33+s12+$0x0], $0xffff  }
0x447: {  	v44 =	vld [tilespmem:$0x1FED0];
	v17 =	vmul.f32 v14, v14;
	v11 =	vor.u32 v40, v38;
	v15 =	vadd.f32 v15, v13  }
0x448: {  	v20 =	vld.idx.msk [tilespmem:v4+s12+$0x0], $0xffff  }
0x449: {  	v45 =	vld [tilespmem:$0x1FEF0];
	v19 =	vmul.f32 v16, v16;
	v13 =	vor.u32 v41, v38;
	v17 =	vadd.f32 v17, v15  }
0x44a: {  	v22 =	vld.idx.msk [tilespmem:v39+s12+$0x0], $0xffff  }
0x44b: {  	v46 =	vld [tilespmem:$0x1FF60];
	v21 =	vmul.f32 v18, v18;
	v15 =	vor.u32 v43, v38;
	v19 =	vadd.f32 v19, v17  }
0x44c: {  	v24 =	vld.idx.msk [tilespmem:v11+s12+$0x0], $0xffff  }
0x44d: {  	v47 =	vld [tilespmem:$0x1FF90];
	v23 =	vmul.f32 v20, v20;
	v17 =	vor.u32 v44, v38;
	v21 =	vadd.f32 v21, v19  }
0x44e: {  	v26 =	vld.idx.msk [tilespmem:v13+s12+$0x0], $0xffff  }
0x44f: {  	v48 =	vld [tilespmem:$0x1FF00];
	v25 =	vmul.f32 v22, v22;
	v19 =	vor.u32 v45, v38;
	v23 =	vadd.f32 v23, v21  }
0x450: {  	[tilespmem:$0x1FC60] =	vst v27;
	v27 =	vld.idx.msk [tilespmem:v15+s12+$0x0], $0xffff  }
0x451: {  	v49 =	vld [tilespmem:$0x1FF10];
	v21 =	vor.u32 v46, v38;
	v28 =	vmul.f32 v24, v24;
	v25 =	vadd.f32 v25, v23  }
0x452: {  	v29 =	vld.idx.msk [tilespmem:v17+s12+$0x0], $0xffff  }
0x453: {  	v51 =	vld [tilespmem:$0x1FF70];
	v23 =	vor.u32 v47, v38;
	v30 =	vmul.f32 v26, v26;
	v28 =	vadd.f32 v28, v25  }
0x454: {  	[tilespmem:$0x1FC90] =	vst v31;
	v31 =	vld.idx.msk [tilespmem:v19+s12+$0x0], $0xffff  }
0x455: {  	v52 =	vld [tilespmem:$0x1FF20];
	v25 =	vor.u32 v48, v38;
	v32 =	vmul.f32 v27, v27;
	v28 =	vadd.f32 v30, v28  }
0x456: {  	v30 =	vld.idx.msk [tilespmem:v21+s12+$0x0], $0xffff  }
0x457: {  	v53 =	vld [tilespmem:$0x1FF30];
	[tilespmem:$0x1FCA0] =	vst v33;
	v33 =	vor.u32 v49, v38;
	v50 =	vmul.f32 v29, v29;
	v28 =	vadd.f32 v32, v28  }
0x458: {  	v32 =	vld.idx.msk [tilespmem:v23+s12+$0x0], $0xffff  }
0x459: {  	v54 =	vld [tilespmem:$0x1FF40];
	v37 =	vor.u32 v51, v38;
	[tilespmem:$0x1FCC0] =	vst v39;
	v39 =	vmul.f32 v31, v31;
	v28 =	vadd.f32 v50, v28  }
0x45a: {  	v36 =	vld.idx.msk [tilespmem:v25+s12+$0x0], $0xffff  }
0x45b: {  	v55 =	vld [tilespmem:$0x1FF50];
	v40 =	vor.u32 v52, v38;
	v41 =	vmul.f32 v30, v30;
	v28 =	vadd.f32 v39, v28  }
0x45c: {  	v39 =	vld.idx.msk [tilespmem:v33+s12+$0x0], $0xffff  }
0x45d: {  	v56 =	vld [tilespmem:$0x1FF80];
	v43 =	vor.u32 v53, v38;
	v44 =	vmul.f32 v32, v32;
	v28 =	vadd.f32 v41, v28  }
0x45e: {  	v41 =	vld.idx.msk [tilespmem:v37+s12+$0x0], $0xffff  }
0x45f: {  	v57 =	vld [tilespmem:$0x1FFA0];
	v45 =	vor.u32 v54, v38;
	v46 =	vmul.f32 v36, v36;
	v28 =	vadd.f32 v44, v28  }
0x460: {  	v44 =	vld.idx.msk [tilespmem:v40+s12+$0x0], $0xffff  }
0x461: {  	v58 =	vld [tilespmem:$0x1FFB0];
	v47 =	vor.u32 v55, v38;
	v48 =	vmul.f32 v39, v39;
	v28 =	vadd.f32 v46, v28  }
0x462: {  	v46 =	vld.idx.msk [tilespmem:v43+s12+$0x0], $0xffff  }
0x463: {  	v59 =	vld [tilespmem:$0x1FFC0];
	v49 =	vor.u32 v56, v38;
	v50 =	vmul.f32 v41, v41;
	v28 =	vadd.f32 v48, v28  }
0x464: {  	v48 =	vld.idx.msk [tilespmem:v45+s12+$0x0], $0xffff  }
0x465: {  	v60 =	vld [tilespmem:$0x1FFD0];
	v51 =	vor.u32 v57, v38;
	v52 =	vmul.f32 v44, v44;
	v28 =	vadd.f32 v50, v28  }
0x466: {  	v50 =	vld.idx.msk [tilespmem:v47+s12+$0x0], $0xffff  }
0x467: {  	v61 =	vld [tilespmem:$0x1FFE0];
	v53 =	vor.u32 v58, v38;
	v54 =	vmul.f32 v46, v46;
	v28 =	vadd.f32 v52, v28  }
0x468: {  	v52 =	vld.idx.msk [tilespmem:v49+s12+$0x0], $0xffff  }
0x469: {  	v62 =	vld [tilespmem:$0x1FFF0];
	v55 =	vor.u32 v59, v38;
	v56 =	vmul.f32 v48, v48;
	v28 =	vadd.f32 v54, v28  }
0x46a: {  	[tilespmem:$0x1FC30] =	vst v5;
	v5 =	vmov v57;
	v54 =	vld.idx.msk [tilespmem:v51+s12+$0x0], $0xffff  }
0x46b: {  	v63 =	vld [tilespmem:$0x1FE10];
	v57 =	vor.u32 v60, v38;
	v7 =	vmovc v58;
	v58 =	vmul.f32 v50, v50;
	v28 =	vadd.f32 v56, v28  }
0x46c: {  	[tilespmem:$0x1FC40] =	vst v8;
	v8 =	vmov v60;
	v56 =	vld.idx.msk [tilespmem:v53+s12+$0x0], $0xffff  }
0x46d: {  	v6 =	vmovc v59;
	v59 =	vor.u32 v61, v38;
	v60 =	vmul.f32 v52, v52;
	v28 =	vadd.f32 v58, v28  }
0x46e: {  	v10 =	vmov v62;
	[tilespmem:$0x1FC50] =	vst v9;
	v58 =	vld.idx.msk [tilespmem:v55+s12+$0x0], $0xffff  }
0x46f: {  	v9 =	vmovc v61;
	v61 =	vor.u32 v62, v38;
	v62 =	vmul.f32 v54, v54;
	v28 =	vadd.f32 v60, v28  }
0x470: {  	v60 =	vld.idx.msk [tilespmem:v57+s12+$0x0], $0xffff  }
0x471: {  	v38 =	vor.u32 v63, v38;
	v63 =	vmul.f32 v56, v56;
	v28 =	vadd.f32 v62, v28  }
0x472: {  	v62 =	vld.idx.msk [tilespmem:v59+s12+$0x0], $0xffff  }
0x473: {  	v28 =	vadd.f32 v63, v28;
	v63 =	vmul.f32 v58, v58  }
0x474: {  	[tilespmem:$0x1FC70] =	vst v2;
	v2 =	vld.idx.msk [tilespmem:v61+s12+$0x0], $0xffff  }
0x475: {  	v28 =	vadd.f32 v63, v28;
	v63 =	vmul.f32 v60, v60  }
0x476: {  	v1 =	vld.idx.msk [tilespmem:v38+s12+$0x0], $0xffff  }
0x477: {  	v0 =	vmul.f32 v62, v62;
	v28 =	vadd.f32 v63, v28;
	_ =	sdelay $0x1  }
0x478: {  	v28 =	vadd.f32 v0, v28;
	v0 =	vmul.f32 v2, v2;
	_ =	sdelay $0x1  }
0x479: {  	v28 =	vadd.f32 v0, v28;
	v0 =	vmul.f32 v1, v1;
	_ =	sdelay $0x1  }
0x47a: {  	v28 =	vadd.f32 v0, v28;
	_ =	sdelay $0x1  }
0x47b: {  	v63 =	vshrl.u32 v28, $0x1;
	v0 =	vmul.f32 $5.000000000e-01, v28  }
0x47c: {  	v63 =	vsub.s32 $0x5F3759DF, v63  }
0x47d: {  	[tilespmem:$0x1FCB0] =	vst v4;
	v4 =	vmul.f32 v63, v0;
	_ =	sdelay $0x1  }
0x47e: {  	v4 =	vmul.f32 v63, v4;
	_ =	sdelay $0x1  }
0x47f: {  	v4 =	vsub.f32 $1.500000000e+00, v4;
	_ =	sdelay $0x1  }
0x480: {  	v4 =	vmul.f32 v63, v4;
	_ =	sdelay $0x1  }
0x481: {  	v63 =	vmul.f32 v4, v0;
	_ =	sdelay $0x1  }
0x482: {  	v63 =	vmul.f32 v63, v4;
	_ =	sdelay $0x1  }
0x483: {  	v63 =	vsub.f32 $1.500000000e+00, v63;
	_ =	sdelay $0x1  }
0x484: {  	v4 =	vmul.f32 v63, v4;
	_ =	sdelay $0x1  }
0x485: {  	v0 =	vmul.f32 v4, v0;
	_ =	sdelay $0x1  }
0x486: {  	v0 =	vmul.f32 v0, v4;
	_ =	sdelay $0x1  }
0x487: {  	v0 =	vsub.f32 $1.500000000e+00, v0;
	_ =	sdelay $0x1  }
0x488: {  	v0 =	vmul.f32 v0, v4;
	_ =	sdelay $0x1  }
0x489: {  	v0 =	vmul.f32 v0, v28;
	_ =	sdelay $0x1  }
0x48a: {  	v0 =	vadd.f32 $1.000000010e-07, v0;
	_ =	sdelay $0x1  }
0x48b: {  	(erf) = vrcp.f32 v0;
	_ =	sdelay $0x6  }
0x48c: {  	v4 =	vld [tilespmem:$0x1FC30];
	_ =	sdelay $0x1  }
0x48d: {  	vm0 =	vgt.f32 v28, $1.000000000e+00;
	v0 =	vpop (erf)  }
0x48e: {  	v0 =	vnsel vm0, $0x3F800000, v0  }
0x48f: {  	v3 =	vmul.f32 v0, v3  }
0x490: {  	v63 =	vld [tilespmem:$0x1FC70];
	v4 =	vmul.f32 v0, v4  }
0x491: {  	[tilespmem:v34+s12+$0x0] =	vst.idx.msk $0xffff, v3;
	v3 =	vld [tilespmem:$0x1FC40]  }
0x492: {  	[tilespmem:v42+s12+$0x0] =	vst.idx.msk $0xffff, v4;
	v42 =	vld [tilespmem:$0x1FC60]  }
0x493: {  	v4 =	vld [tilespmem:$0x1FC50];
	_ =	sdelay $0x3  }
0x494: {  	v28 =	vld [tilespmem:$0x1FC80];
	v3 =	vmul.f32 v0, v3  }
0x495: {  	v34 =	vld [tilespmem:$0x1FC90];
	v4 =	vmul.f32 v0, v4  }
0x496: {  	[tilespmem:v35+s12+$0x0] =	vst.idx.msk $0xffff, v3;
	v3 =	vmul.f32 v0, v12;
	v35 =	vld [tilespmem:$0x1FCA0]  }
0x497: {  	[tilespmem:v42+s12+$0x0] =	vst.idx.msk $0xffff, v4;
	v42 =	vld [tilespmem:$0x1FCB0]  }
0x498: {  	[tilespmem:v63+s12+$0x0] =	vst.idx.msk $0xffff, v3;
	v63 =	vld [tilespmem:$0x1FCC0];
	_ =	sdelay $0x1  }
0x499: {  	v4 =	vmul.f32 v0, v14  }
0x49a: {  	v3 =	vmul.f32 v0, v16  }
0x49b: {  	[tilespmem:v28+s12+$0x0] =	vst.idx.msk $0xffff, v4;
	v4 =	vmul.f32 v0, v18  }
0x49c: {  	[tilespmem:v34+s12+$0x0] =	vst.idx.msk $0xffff, v3;
	v3 =	vmul.f32 v0, v20  }
0x49d: {  	[tilespmem:v35+s12+$0x0] =	vst.idx.msk $0xffff, v4;
	v4 =	vmul.f32 v0, v22  }
0x49e: {  	[tilespmem:v42+s12+$0x0] =	vst.idx.msk $0xffff, v3;
	v3 =	vmul.f32 v0, v24  }
0x49f: {  	[tilespmem:v63+s12+$0x0] =	vst.idx.msk $0xffff, v4;
	v4 =	vmul.f32 v0, v26  }
0x4a0: {  	[tilespmem:v11+s12+$0x0] =	vst.idx.msk $0xffff, v3;
	v3 =	vmul.f32 v0, v27  }
0x4a1: {  	[tilespmem:v13+s12+$0x0] =	vst.idx.msk $0xffff, v4;
	v4 =	vmul.f32 v0, v29  }
0x4a2: {  	[tilespmem:v15+s12+$0x0] =	vst.idx.msk $0xffff, v3;
	v3 =	vmul.f32 v0, v31  }
0x4a3: {  	[tilespmem:v17+s12+$0x0] =	vst.idx.msk $0xffff, v4;
	v4 =	vmul.f32 v0, v30  }
0x4a4: {  	[tilespmem:v19+s12+$0x0] =	vst.idx.msk $0xffff, v3;
	v3 =	vmul.f32 v0, v32  }
0x4a5: {  	[tilespmem:v21+s12+$0x0] =	vst.idx.msk $0xffff, v4;
	v4 =	vmul.f32 v0, v36  }
0x4a6: {  	[tilespmem:v23+s12+$0x0] =	vst.idx.msk $0xffff, v3;
	v3 =	vmul.f32 v0, v39  }
0x4a7: {  	[tilespmem:v25+s12+$0x0] =	vst.idx.msk $0xffff, v4;
	v4 =	vmul.f32 v0, v41  }
0x4a8: {  	[tilespmem:v33+s12+$0x0] =	vst.idx.msk $0xffff, v3;
	v3 =	vmul.f32 v0, v44  }
0x4a9: {  	[tilespmem:v37+s12+$0x0] =	vst.idx.msk $0xffff, v4;
	v4 =	vmul.f32 v0, v46  }
0x4aa: {  	[tilespmem:v40+s12+$0x0] =	vst.idx.msk $0xffff, v3;
	v3 =	vmul.f32 v0, v48  }
0x4ab: {  	[tilespmem:v43+s12+$0x0] =	vst.idx.msk $0xffff, v4;
	v4 =	vmul.f32 v0, v50  }
0x4ac: {  	[tilespmem:v45+s12+$0x0] =	vst.idx.msk $0xffff, v3;
	v3 =	vmul.f32 v0, v52  }
0x4ad: {  	[tilespmem:v47+s12+$0x0] =	vst.idx.msk $0xffff, v4;
	v4 =	vmul.f32 v0, v54  }
0x4ae: {  	[tilespmem:v49+s12+$0x0] =	vst.idx.msk $0xffff, v3;
	v3 =	vmul.f32 v0, v56  }
0x4af: {  	[tilespmem:v51+s12+$0x0] =	vst.idx.msk $0xffff, v4;
	v4 =	vmul.f32 v0, v58  }
0x4b0: {  	[tilespmem:v53+s12+$0x0] =	vst.idx.msk $0xffff, v3;
	v3 =	vmul.f32 v0, v60  }
0x4b1: {  	[tilespmem:v55+s12+$0x0] =	vst.idx.msk $0xffff, v4;
	v4 =	vmul.f32 v0, v62  }
0x4b2: {  	v2 =	vmul.f32 v0, v2;
	[tilespmem:v57+s12+$0x0] =	vst.idx.msk $0xffff, v3  }
0x4b3: {  	s24 =	smul.u32 $0xC8, s24;
	v0 =	vmul.f32 v0, v1;
	[tilespmem:v59+s12+$0x0] =	vst.idx.msk $0xffff, v4  }
0x4b4: {  	p0 =	seq.s32 s21, $0x7;
	[tilespmem:v61+s12+$0x0] =	vst.idx.msk $0xffff, v2  }
.Ltmp4:
0x4b5: {  	s24 =	sadd.s32 s2, s24;
	[tilespmem:v38+s12+$0x0] =	vst.idx.msk $0xffff, v0;
	(pc) =	sbr.rel @p0 .LBB2_8-.Ltmp4, $4  }
0x4b6: {  	[hbm4b:s24+s3] =	stream.linear.scatter [tilespmem:s12], [sflag:$0x4], $0xC800, $0x38;
	[tilespmem:$0x19E00] =	vst v63  }
0x4b7: {  	_ =	swait.ge [sflag:s20], $0xC800  }
0x4b8: {  	[sflag:s20] =	ssyncset.done $0x0  }
0x4b9: {  	[sflag:s20] =	ssyncadd.s32 $0xFFFF3800  }
0x4ba: {  	s23 =	sadd.s32 s23, s8  }
0x4bb: {  	s23 =	smul.u32 $0x7, s23;
	_ =	sdelay $0x1  }
0x4bc: {  	s23 =	sadd.s32 s5, s23  }
0x4bd: {  	[tilespmem:s3], [sflag:$0x5] =	stream.linear.gather [hbm4b:s23+s3], $0x700, $0x38;
	[tilespmem:$0x19E00] =	vst v63  }
0x4be: {  	_ =	swait.ge [sflag:s25], $0x700  }
0x4bf: {  	[sflag:s25] =	ssyncset.done $0x0  }
0x4c0: {  	[sflag:s25] =	ssyncadd.s32 $0xFFFFF900  }
0x4c1: {  	[tilespmem:s11], [sflag:$0x1] =	stream.indirect.gather [hbm4b:s6+s10], $0x20, s3, s10, $0xb8;
	[tilespmem:$0x19E00] =	vst v63  }
0x4c2: {  	s29 =	simm.s32 $0x38;
	s24 =	simm.s32 $0x1440  }
0x4c3: {  	[tilespmem:s24], [sflag:$0x1] =	stream.indirect.gather [hbm4b:s6+s10], $0x20, s29, s10, $0xb8;
	[tilespmem:$0x19E00] =	vst v63  }
0x4c4: {  	s26 =	simm.s32 $0x1A80;
	s24 =	simm.s32 $0x70  }
0x4c5: {  	[tilespmem:s26], [sflag:$0x1] =	stream.indirect.gather [hbm4b:s6+s10], $0x20, s24, s10, $0xb8;
	[tilespmem:$0x19E00] =	vst v63  }
0x4c6: {  	s28 =	simm.s32 $0xA8;
	s29 =	simm.s32 $0x20C0  }
0x4c7: {  	[tilespmem:s29], [sflag:$0x1] =	stream.indirect.gather [hbm4b:s6+s10], $0x20, s28, s10, $0xb8;
	[tilespmem:$0x19E00] =	vst v63  }
0x4c8: {  	s24 =	simm.s32 $0xE0;
	s26 =	simm.s32 $0x2700  }
0x4c9: {  	[tilespmem:s26], [sflag:$0x1] =	stream.indirect.gather [hbm4b:s6+s10], $0x20, s24, s10, $0xb8;
	[tilespmem:$0x19E00] =	vst v63  }
0x4ca: {  	s28 =	simm.s32 $0x118;
	s29 =	simm.s32 $0x2D40  }
0x4cb: {  	[tilespmem:s29], [sflag:$0x1] =	stream.indirect.gather [hbm4b:s6+s10], $0x20, s28, s10, $0xb8;
	[tilespmem:$0x19E00] =	vst v63  }
0x4cc: {  	s24 =	simm.s32 $0x150;
	s26 =	simm.s32 $0x3380  }
0x4cd: {  	[tilespmem:s26], [sflag:$0x1] =	stream.indirect.gather [hbm4b:s6+s10], $0x20, s24, s10, $0xb8;
	[tilespmem:$0x19E00] =	vst v63  }
0x4ce: {  	s28 =	simm.s32 $0x188;
	s29 =	simm.s32 $0x39C0  }
0x4cf: {  	[tilespmem:s29], [sflag:$0x1] =	stream.indirect.gather [hbm4b:s6+s10], $0x20, s28, s10, $0xb8;
	[tilespmem:$0x19E00] =	vst v63  }
0x4d0: {  	s24 =	simm.s32 $0x1C0;
	s26 =	simm.s32 $0x4000  }
0x4d1: {  	[tilespmem:s26], [sflag:$0x1] =	stream.indirect.gather [hbm4b:s6+s10], $0x20, s24, s10, $0xb8;
	[tilespmem:$0x19E00] =	vst v63  }
0x4d2: {  	s28 =	simm.s32 $0x1F8;
	s29 =	simm.s32 $0x4640  }
0x4d3: {  	[tilespmem:s29], [sflag:$0x1] =	stream.indirect.gather [hbm4b:s6+s10], $0x20, s28, s10, $0xb8;
	[tilespmem:$0x19E00] =	vst v63  }
0x4d4: {  	s24 =	simm.s32 $0x230;
	s26 =	simm.s32 $0x4C80  }
0x4d5: {  	[tilespmem:s26], [sflag:$0x1] =	stream.indirect.gather [hbm4b:s6+s10], $0x20, s24, s10, $0xb8;
	[tilespmem:$0x19E00] =	vst v63  }
0x4d6: {  	s28 =	simm.s32 $0x268;
	s29 =	simm.s32 $0x52C0  }
0x4d7: {  	[tilespmem:s29], [sflag:$0x1] =	stream.indirect.gather [hbm4b:s6+s10], $0x20, s28, s10, $0xb8;
	[tilespmem:$0x19E00] =	vst v63  }
0x4d8: {  	s24 =	simm.s32 $0x2A0;
	s26 =	simm.s32 $0x5900  }
0x4d9: {  	[tilespmem:s26], [sflag:$0x1] =	stream.indirect.gather [hbm4b:s6+s10], $0x20, s24, s10, $0xb8;
	[tilespmem:$0x19E00] =	vst v63  }
0x4da: {  	s28 =	simm.s32 $0x2D8;
	s29 =	simm.s32 $0x5F40  }
0x4db: {  	[tilespmem:s29], [sflag:$0x1] =	stream.indirect.gather [hbm4b:s6+s10], $0x20, s28, s10, $0xb8;
	[tilespmem:$0x19E00] =	vst v63  }
0x4dc: {  	s24 =	simm.s32 $0x310;
	s26 =	simm.s32 $0x6580  }
0x4dd: {  	[tilespmem:s26], [sflag:$0x1] =	stream.indirect.gather [hbm4b:s6+s10], $0x20, s24, s10, $0xb8;
	[tilespmem:$0x19E00] =	vst v63  }
0x4de: {  	s28 =	simm.s32 $0x348;
	s29 =	simm.s32 $0x6BC0  }
0x4df: {  	[tilespmem:s29], [sflag:$0x1] =	stream.indirect.gather [hbm4b:s6+s10], $0x20, s28, s10, $0xb8;
	[tilespmem:$0x19E00] =	vst v63  }
0x4e0: {  	s24 =	simm.s32 $0x380;
	s26 =	simm.s32 $0x7200  }
0x4e1: {  	[tilespmem:s26], [sflag:$0x1] =	stream.indirect.gather [hbm4b:s6+s10], $0x20, s24, s10, $0xb8;
	[tilespmem:$0x19E00] =	vst v63  }
0x4e2: {  	s28 =	simm.s32 $0x3B8;
	s29 =	simm.s32 $0x7840  }
0x4e3: {  	[tilespmem:s29], [sflag:$0x1] =	stream.indirect.gather [hbm4b:s6+s10], $0x20, s28, s10, $0xb8;
	[tilespmem:$0x19E00] =	vst v63  }
0x4e4: {  	s24 =	simm.s32 $0x3F0;
	s26 =	simm.s32 $0x7E80  }
0x4e5: {  	[tilespmem:s26], [sflag:$0x1] =	stream.indirect.gather [hbm4b:s6+s10], $0x20, s24, s10, $0xb8;
	[tilespmem:$0x19E00] =	vst v63  }
0x4e6: {  	s28 =	simm.s32 $0x428;
	s29 =	simm.s32 $0x84C0  }
0x4e7: {  	[tilespmem:s29], [sflag:$0x1] =	stream.indirect.gather [hbm4b:s6+s10], $0x20, s28, s10, $0xb8;
	[tilespmem:$0x19E00] =	vst v63  }
0x4e8: {  	s24 =	simm.s32 $0x460;
	s26 =	simm.s32 $0x8B00  }
0x4e9: {  	v32 =	vld [tilespmem:$0x1FE20];
	[tilespmem:s26], [sflag:$0x1] =	stream.indirect.gather [hbm4b:s6+s10], $0x20, s24, s10, $0xb8  }
0x4ea: {  	v33 =	vld [tilespmem:$0x1FE30];
	s28 =	simm.s32 $0x498;
	s29 =	simm.s32 $0x9140  }
0x4eb: {  	v31 =	vld [tilespmem:$0x1FE40];
	[tilespmem:s29], [sflag:$0x1] =	stream.indirect.gather [hbm4b:s6+s10], $0x20, s28, s10, $0xb8  }
0x4ec: {  	v26 =	vld [tilespmem:$0x1FE50];
	s24 =	simm.s32 $0x4D0;
	s26 =	simm.s32 $0x9780  }
0x4ed: {  	v27 =	vld [tilespmem:$0x1FE60];
	[tilespmem:s26], [sflag:$0x1] =	stream.indirect.gather [hbm4b:s6+s10], $0x20, s24, s10, $0xb8  }
0x4ee: {  	v23 =	vld [tilespmem:$0x1FE70];
	s28 =	simm.s32 $0x508;
	s29 =	simm.s32 $0x9DC0  }
0x4ef: {  	v25 =	vld [tilespmem:$0x1FE80];
	[tilespmem:s29], [sflag:$0x1] =	stream.indirect.gather [hbm4b:s6+s10], $0x20, s28, s10, $0xb8  }
0x4f0: {  	v21 =	vld [tilespmem:$0x1FE90];
	s24 =	simm.s32 $0x540;
	s26 =	simm.s32 $0xA400  }
0x4f1: {  	v24 =	vld [tilespmem:$0x1FEA0];
	[tilespmem:s26], [sflag:$0x1] =	stream.indirect.gather [hbm4b:s6+s10], $0x20, s24, s10, $0xb8  }
0x4f2: {  	v29 =	vld [tilespmem:$0x1FEB0];
	s28 =	simm.s32 $0x578;
	s29 =	simm.s32 $0xAA40  }
0x4f3: {  	v28 =	vld [tilespmem:$0x1FEC0];
	[tilespmem:s29], [sflag:$0x1] =	stream.indirect.gather [hbm4b:s6+s10], $0x20, s28, s10, $0xb8  }
0x4f4: {  	v30 =	vld [tilespmem:$0x1FED0];
	s24 =	simm.s32 $0x5B0;
	s26 =	simm.s32 $0xB080  }
0x4f5: {  	v22 =	vld [tilespmem:$0x1FEE0];
	[tilespmem:s26], [sflag:$0x1] =	stream.indirect.gather [hbm4b:s6+s10], $0x20, s24, s10, $0xb8  }
0x4f6: {  	v39 =	vld [tilespmem:$0x1FEF0];
	s28 =	simm.s32 $0x5E8;
	s29 =	simm.s32 $0xB6C0  }
0x4f7: {  	v43 =	vld [tilespmem:$0x1FF00];
	[tilespmem:s29], [sflag:$0x1] =	stream.indirect.gather [hbm4b:s6+s10], $0x20, s28, s10, $0xb8  }
0x4f8: {  	v44 =	vld [tilespmem:$0x1FF10];
	s24 =	simm.s32 $0x620;
	s26 =	simm.s32 $0xBD00  }
0x4f9: {  	v45 =	vld [tilespmem:$0x1FF20];
	[tilespmem:s26], [sflag:$0x1] =	stream.indirect.gather [hbm4b:s6+s10], $0x20, s24, s10, $0xb8  }
0x4fa: {  	v46 =	vld [tilespmem:$0x1FF30];
	s28 =	simm.s32 $0x658;
	s29 =	simm.s32 $0xC340  }
0x4fb: {  	v47 =	vld [tilespmem:$0x1FF40];
	[tilespmem:s29], [sflag:$0x1] =	stream.indirect.gather [hbm4b:s6+s10], $0x20, s28, s10, $0xb8  }
.Ltmp5:
0x4fc: {  	v48 =	vld [tilespmem:$0x1FF50];
	(pc) =	sbr.rel .LBB2_2-.Ltmp5, $4  }
0x4fd: {  	v50 =	vld [tilespmem:$0x1FF80];
	s24 =	simm.s32 $0x690;
	s26 =	simm.s32 $0xC980  }
0x4fe: {  	v40 =	vld [tilespmem:$0x1FF60];
	[tilespmem:s26], [sflag:$0x1] =	stream.indirect.gather [hbm4b:s6+s10], $0x20, s24, s10, $0xb8  }
0x4ff: {  	s21 =	sadd.s32 $0x1, s21;
	v19 =	vlaneseq.u32;
	v20 =	vimm.s32 $0x0;
	v51 =	vmov v5;
	v49 =	vld [tilespmem:$0x1FF70];
	s28 =	simm.s32 $0x6C8;
	s29 =	simm.s32 $0xCFC0  }
0x500: {  	v54 =	vmovc v7;
	v55 =	vmovc v6;
	v58 =	vmov v8;
	v59 =	vmov v9;
	v62 =	vmov v10;
	v41 =	vld [tilespmem:$0x1FF90];
	[tilespmem:s29], [sflag:$0x1] =	stream.indirect.gather [hbm4b:s6+s10], $0x20, s28, s10, $0xb8  }
.LBB2_9:
0x501: {  	_ =	sfence.sel $0x180000  }
0x502: {  	[bflag:$0x0] =	sbarrier.arrive $0xFFFF  }
0x503: {  	_ =	strace $0x90000047  }
0x504: {  	s0 =	stileid.u32;
	[bflag:$0x2] =	sbarrier.arrive $0xFFFF  }
0x505: {  	p0 =	sne.s32 s0, $0x0;
	s0 =	rddreg [dreg:$0x2]  }
0x506: {  	s0 =	sadd.s32 @!p0 $0x100000, s0  }
0x507: {  	[sflag:s0] =	ssyncadd.tile.s32 @!p0 $0x1;
	_ =	shalt  }
.Lfunc_end2:
_tile_overlayer_lowered:
.L_overlay_start_2:
0x508: {  	(tag) =	ssettag $0x2  }
0x509: {  	s0 =	rddreg [dreg:$0x0];
	s2 =	stileid.u32  }
0x50a: {  	s1 =	rddreg [dreg:$0x1];
	p0 =	sne.s32 s2, $0x0  }
0x50b: {  	s3 =	rddreg [dreg:$0x2];
	[bflag:$0x3] =	sbarrier.arrive $0xFFFF;
	s2 =	simm.s32 @!p0 $0x1C05  }
0x50c: {  	[timem:s3], [sflag:s2] =	dma.local @!p0 [hbm:s0], s1  }
0x50d: {  	s0 =	simm.s32 @!p0 $0x5  }
0x50e: {  	_ =	swait.ge @!p0 [sflag:s0], s1  }
0x50f: {  	s1 =	ssub.s32 @!p0 $0x0, s1;
	[sflag:s0] =	ssyncset.done @!p0 $0x0  }
0x510: {  	[sflag:s0] =	ssyncadd.s32 @!p0 s1  }
0x511: {  	[bflag:$0x3] =	sbarrier.arrive $0xFFFF  }
0x512: {  	_ =	shalt  }

// kernel: sparse-core-data-format-call.cloned.1.call-start
scs
called_computation_lowered:
.L_overlay_start_0:
0x0: {  	s2 =	sld [smem:$0x3FD9]  }
0x1: {  	s3 =	sld [smem:$0x3FFE];
	_ =	sdelay $0x1  }
0x2: {  	s1 =	srdreg.scid  }
0x3: {  	s0 =	sand.u32 $0x1, s1  }
0x4: {  	s18 =	sshll.u32 s0, $0xA;
	s2 =	sadd.s32 s3, s2  }
0x5: {  	s2 =	sadd.s32 s2, s18  }
0x6: {  	[smem:$0x3FC6] =	sst s2  }
0x7: {  	_ = 	snop  }
0x8: {  	s2 =	sld [smem:$0x3FD0];
	(tm) =	ssettm $0x1  }
0x9: {  	s19 =	sld [smem:$0x3FFB];
	_ =	sdelay $0x3  }
0xa: {  	_ =	strace s19  }
0xb: {  	s3 =	sld [smem:$0x3FFC];
	_ =	sdelay $0x3  }
0xc: {  	_ =	strace s3  }
0xd: {  	s3 =	sld [smem:$0x3FFD];
	_ =	sdelay $0x3  }
0xe: {  	_ =	strace s3  }
0xf: {  	_ =	strace $0x8FFFFFFF  }
0x10: {  	s20 =	sld [smem:$0x3FDB];
	_ =	sdelay $0x1  }
0x11: {  	s4 =	simm.s32 $_scs_section_size  }
0x12: {  	s5 =	simm.s32 $_size__tile_overlayer_lowered;
	s6 =	simm.s32 $_tile_overlayer_lowered  }
0x13: {  	s23 =	simm.s32 $0x1BFF;
	s22 =	sshll.u32 s6, $0x1;
	s3 =	sadd.s32 s4, s20  }
0x14: {  	s7 =	simm.s32 $0x0;
	s21 =	sshll.u32 s5, $0x1;
	s5 =	sadd.s32 s22, s3  }
0x15: {  	[timem:s7], [sflag:s23] =	dma.local [hbm:s5], s21  }
0x16: {  	_ =	swait.ge [sflag:s23], s21  }
0x17: {  	s4 =	ssub.s32 $0x0, s21;
	[sflag:s23] =	ssyncset.done $0x0  }
0x18: {  	[sflag:s23] =	ssyncadd.s32 s4;
	_ =	sdelay $0x1  }
0x19: {  	s24 =	simm.s32 $0x1B8B  }
0x1a: {  	_ =	swait.ge [sflag:s24], $0x1  }
0x1b: {  	[sflag:s24] =	ssyncset.done $0x0  }
0x1c: {  	s26 =	simm.s32 $0x1B8E;
	s25 =	sld [smem:$0x3FFE];
	[sflag:s24] =	ssyncadd.s32 $0xFFFFFFFF  }
0x1d: {  	s27 =	simm.s32 $execute0_lowered;
	[smem:$0x3FD2] =	sst s26  }
0x1e: {  	s5 =	sshll.u32 s27, $0x1;
	_ =	strace $0x80000049;
	[dreg:$0x1] =	wrdreg $0xFFFFFFFF  }
0x1f: {  	s28 =	simm.s32 $_size_execute0_lowered;
	s3 =	sadd.s32 s3, s5;
	[dreg:$0x0] =	wrdreg $0x0  }
0x20: {  	s5 =	sshll.u32 s28, $0x1;
	[dreg:$0x2] =	wrdreg s3  }
0x21: {  	[dreg:$0x3] =	wrdreg s5  }
0x22: {  	[dreg:$0x4] =	wrdreg $0xC0  }
0x23: {  	_ =	task [dreg:s7], $0x5FFFF  }
0x24: {  	[dreg:$0x1] =	wrdreg $0xFFFFFFFF  }
0x25: {  	[dreg:$0x0] =	wrdreg $0x60  }
0x26: {  	[dreg:$0x2] =	wrdreg s25  }
0x27: {  	[dreg:$0x3] =	wrdreg s2  }
0x28: {  	[dreg:$0x4] =	wrdreg $0x9  }
0x29: {  	_ =	task.clear_ibuf [dreg:s7], $0x5FFFF;
	_ =	strace $0x90000049  }
0x2a: {  	s29 =	simm.s32 $0x9;
	_ =	strace $0x8000004B  }
0x2b: {  	_ =	swait.ge [sflag:s29], $0x1  }
0x2c: {  	[sflag:s29] =	ssyncadd.s32 $0xFFFFFFFF  }
0x2d: {  	_ =	strace $0x9000004B  }
0x2e: {  	_ =	sfence  }
0x2f: {  	s30 =	sld [smem:$0x0];
	_ =	sdelay $0x2  }
0x30: {  	s31 =	sshll.u32 s1, $0xD;
	s1 =	sshrl.u32 s1, $0x2  }
0x31: {  	s3 =	sand.u32 $0x4000, s31;
	s1 =	sadd.s32 s1, s30  }
0x32: {  	s0 =	sor.u32 s3, s0;
	s1 =	sshll.u32 s1, $0x11  }
0x33: {  	s0 =	sor.u32 s1, s0  }
0x34: {  	s0 =	sadd.s32 $0x8F2B, s0  }
0x35: {  	[sflag:s0] =	ssyncadd.remote.s32 $0x1  }
0x36: {  	_ =	sfence.sel $0xFFFF  }
0x37: {  	[dreg:$0x0] =	wrdreg $0xFFFFFFFF;
	(pc) =	sbr.abs _section_cstart, $3  }
0x38: {  	[dreg:$0x1] =	wrdreg $0xFFFFFFFF  }
0x39: {  	_ =	task.clear_ibuf [dreg:s7], $0x2FFFF;
	_ =	strace $0x9FFFFFFF  }
0x3a: {  	(tm) =	ssettm $0x7FFFFFFF  }
0x3b: {  	_ =	shalt  }
tec
execute0_lowered:
.L_overlay_start_1:
0x0: {  	(tag) =	ssettag $0x1  }
0x1: {  	s0 =	srdreg.scid  }
0x2: {  	s1 =	sshll.u32 s0, $0x4  }
0x3: {  	s0 =	stileid.u32;
	s1 =	sand.u32 $0x10, s1  }
0x4: {  	s1 =	sor.u32 s0, s1  }
0x5: {  	s6 =	rddreg [dreg:$0x0];
	s4 =	simm.s32 $0x1;
	s2 =	sshll.u32 s1, $0x7  }
0x6: {  	s7 =	simm.s32 $0x2;
	s12 =	simm.s32 $0x0;
	s1 =	ssub.s32 $0x4000, s2  }
0x7: {  	s8 =	simm.s32 $0x20000;
	s13 =	simm.s32 $0x0;
	s3 =	sand.u32 $0xF80, s1  }
0x8: {  	s9 =	simm.s32 $0x0;
	s5 =	sshrl.u32 s1, $0xC;
	p0 =	sne.s32 s3, $0x0  }
.Ltmp0:
0x9: {  	s1 =	rddreg [dreg:$0x2];
	s4 =	simm.s32 @!p0 $0x0;
	(pc) =	sbr.rel .LBB1_1-.Ltmp0, $4  }
0xa: {  	s11 =	simm.s32 $0x0;
	s3 =	rddreg [dreg:$0x1];
	s5 =	sadd.s32 s4, s5  }
0xb: {  	_ =	strace $0x8000004A;
	s4 =	simm.s32 $0x1;
	s5 =	smul.u32 $0x32, s5  }
0xc: {  	s6 =	sadd.s32 $0xA00, s6;
	s10 =	smov.u32 s2;
	[sflag:s4] =	ssyncpa.u1 $0x0  }
0xd: {  	p0 =	por $0x0, $0x0;
	[sflag:s7] =	ssyncpa.u1 $0x0;
	s7 =	sor.u32 $0x1, s5  }
.LBB1_4:
0xe: {  	s16 =	sshll.u32 s13, $0x3;
	s17 =	sand.u32 $0x78, s13  }
0xf: {  	s30 =	sand.u32 $0xF800, s13;
	s12 =	sshll.u32 s12, $0x10;
	s16 =	sand.u32 $0x3C00, s16  }
0x10: {  	s31 =	sand.u32 $0x7, s13;
	s16 =	sor.u32 s17, s16;
	s17 =	sadd.s32 s3, s30  }
0x11: {  	s13 =	sshll.u32 s31, $0x12;
	s16 =	sshrl.u32 s16, $0x3;
	s12 =	sadd.s32 s12, s17  }
0x12: {  	[tilespmem:s15+$0x0 ss:$0x81] =	vst.msk $0xffff, v0;
	s13 =	sor.u32 $0x400, s13;
	s12 =	sadd.s32 s16, s12  }
0x13: {  	[hbm4b:s12+s13] =	stream.strided.scatter [tilespmem:s14], [sflag:$0x2], $0x1000, s8, s13, $0x20;
	[tilespmem:$0x4040] =	vst v63  }
.LBB1_5:
0x14: {  	s14 =	sadd.s32 $0x1, s9  }
0x15: {  	s12 =	sadd.s32 $0x1000, s10;
	s16 =	smov.u32 s10;
	p2 =	sgt.s32 s14, $0x31  }
0x16: {  	s16 =	smov.u32 @p2 s12  }
0x17: {  	s14 =	simm.s32 @p2 $0x0;
	p2 =	sgt.s32 s16, $0x3FFF  }
0x18: {  	s16 =	smov.u32 @p2 s2;
	p2 =	sne.s32 s11, s7  }
.Ltmp1:
0x19: {  	p1 =	slt.u32 s11, $0x2;
	(pc) =	sbr.rel @!p2 .LBB1_6-.Ltmp1, $4  }
0x1a: {  	s15 =	simm.s32 @!p1 $0x2  }
0x1b: {  	s13 =	smov.u32 s10;
	p0 =	por !p0, !p0;
	_ =	swait.ge @!p1 [sflag:s15], $0x1000  }
0x1c: {  	s12 =	smov.u32 s9;
	[sflag:s15] =	ssyncset.done @!p1 $0x0;
	s9 =	smov.u32 s14  }
0x1d: {  	s11 =	sadd.s32 $0x1, s11;
	[sflag:s15] =	ssyncadd.s32 @!p1 $0xFFFFF000;
	s10 =	smov.u32 s16  }
.LBB1_1:
0x1e: {  	p1 =	sge.u32 s11, s5  }
0x1f: {  	s14 =	sand.u32 @!p1 $0x1FFFFFF, s9  }
0x20: {  	s15 =	smulhi.u32 @!p1 $0x4924925, s14;
	_ =	sdelay $0x1  }
0x21: {  	s15 =	smul.u32 @!p1 $0x38, s15  }
0x22: {  	s16 =	sxor.u32 @!p1 $0xFFFFFFFF, s11;
	s17 =	smul.u32 @!p1 $0x380, s10  }
0x23: {  	s31 =	sadd.s32 $0xFFFFFFFF, s11;
	s16 =	sshll.u32 @!p1 s16, $0xC;
	s14 =	ssub.s32 @!p1 s14, s15  }
0x24: {  	s15 =	sand.u32 @!p1 $0x1000, s16;
	s16 =	sadd.s32 @!p1 s6, s17;
	s14 =	sshll.u32 @!p1 s14, $0x4  }
0x25: {  	s17 =	simm.s32 @!p1 $0x1C00;
	s14 =	sadd.s32 @!p1 s14, s16;
	s16 =	simm.s32 @!p1 $0x20  }
0x26: {  	[tilespmem:s15], [sflag:$0x1] =	stream.strided.gather @!p1 [hbm4b:s14+s16], $0x1000, s17, s16, $0x38;
	[tilespmem:$0x4040] =	vst v63  }
0x27: {  	p1 =	sge.u32 s31, s5  }
.Ltmp2:
0x28: {  	_ = 	snop;
	(pc) =	sbr.rel @p1 .LBB1_5-.Ltmp2, $1  }
0x29: {  	_ =	sdelay $0x3  }
0x2a: {  	s14 =	simm.s32 $0x1  }
0x2b: {  	_ =	swait.ge [sflag:s4], $0x1000;
	s14 =	simm.s32 @!p0 $0x0  }
0x2c: {  	[sflag:s4] =	ssyncset.done $0x0;
	s15 =	sshll.u32 s14, $0xC  }
0x2d: {  	[sflag:s4] =	ssyncadd.s32 $0xFFFFF000;
	s18 =	sor.u32 $0x10, s15  }
0x2e: {  	s14 =	smul.u32 $0x4080, s14;
	v1 =	vld [tilespmem:s18+$0x0]  }
0x2f: {  	s30 =	sand.u32 $0x1, s11;
	v0 =	vld [tilespmem:s18+$0xFFFFFFF0]  }
0x30: {  	s15 =	smul.u32 $0x4080, s30;
	s14 =	sshrl.u32 s14, $0x2  }
0x31: {  	s16 =	sor.u32 $0x2000, s14  }
0x32: {  	s31 =	sshrl.u32 s15, $0x2;
	s15 =	sadd.s32 $0x0, s16  }
0x33: {  	s17 =	simm.s32 $0x4;
	s18 =	sadd.s32 $0x20, s18;
	s14 =	sor.u32 $0x2000, s31;
	[tilespmem:s15+$0x810 ss:$0x81] =	vst.msk $0xffff, v1  }
.LBB1_3:
0x34: {  	v1 =	vld [tilespmem:s18+$0x0];
	p1 =	sne.s32 s17, $0x1FC;
	[tilespmem:s15+$0x0 ss:$0x81] =	vst.msk $0xffff, v0;
	s15 =	smov.u32 s17;
	s17 =	sadd.s32 $0x4, s17  }
.Ltmp3:
0x35: {  	v0 =	vld [tilespmem:s18+$0xFFFFFFF0];
	(pc) =	sbr.rel @p1 .LBB1_3-.Ltmp3, $4  }
0x36: {  	_ = 	snop  }
0x37: {  	s15 =	sshra.s32 s15, $0x2  }
0x38: {  	s15 =	sadd.s32 s15, s16  }
0x39: {  	s18 =	sadd.s32 $0x20, s18;
	[tilespmem:s15+$0x810 ss:$0x81] =	vst.msk $0xffff, v1  }
.Ltmp4:
0x3a: {  	_ = 	snop;
	(pc) =	sbr.rel .LBB1_4-.Ltmp4, $1  }
0x3b: {  	_ =	sdelay $0x3  }
.LBB1_6:
0x3c: {  	_ =	sfence.sel $0x180000  }
0x3d: {  	s2 =	simm.s32 $0x1;
	[bflag:$0x0] =	sbarrier.arrive $0xFFFF  }
0x3e: {  	s31 =	simm.s32 $0x2;
	[sflag:s2] =	ssyncpa.u1 $0x1  }
0x3f: {  	[sflag:s31] =	ssyncpa.u1 $0x1  }
0x40: {  	p0 =	sne.s32 s0, $0x0;
	_ =	strace $0x9000004A  }
0x41: {  	s0 =	sadd.s32 @!p0 $0x100000, s1;
	[bflag:$0x2] =	sbarrier.arrive $0xFFFF  }
0x42: {  	[sflag:s0] =	ssyncadd.tile.s32 @!p0 $0x1;
	_ =	shalt  }
.Lfunc_end1:
_tile_overlayer_lowered:
.L_overlay_start_2:
0x43: {  	(tag) =	ssettag $0x2  }
0x44: {  	s0 =	rddreg [dreg:$0x0];
	s2 =	stileid.u32  }
0x45: {  	s1 =	rddreg [dreg:$0x1];
	p0 =	sne.s32 s2, $0x0  }
0x46: {  	s3 =	rddreg [dreg:$0x2];
	[bflag:$0x3] =	sbarrier.arrive $0xFFFF;
	s2 =	simm.s32 @!p0 $0x1C01  }
0x47: {  	[timem:s3], [sflag:s2] =	dma.local @!p0 [hbm:s0], s1  }
0x48: {  	s0 =	simm.s32 @!p0 $0x1  }
0x49: {  	_ =	swait.ge @!p0 [sflag:s0], s1  }
0x4a: {  	s1 =	ssub.s32 @!p0 $0x0, s1;
	[sflag:s0] =	ssyncset.done @!p0 $0x0  }
0x4b: {  	[sflag:s0] =	ssyncadd.s32 @!p0 s1  }
0x4c: {  	[bflag:$0x3] =	sbarrier.arrive $0xFFFF  }
0x4d: {  	_ =	shalt  }

</sc_bundles>
